<compile_context>
chip_gen: v7x
topology: tpu7x:2x2x1
jax: 0.10.2.dev20260603
libtpu: 0.0.44.dev20260713+nightly
codegen_flags: <defaults>
</compile_context>

<pallas_src>
import functools
import math

import jax
import jax.numpy as jnp
from jax import lax
from jax.experimental import pallas as pl
from jax.experimental.pallas import tpu as pltpu
from jax.experimental.pallas import tpu_sc as plsc

_NBUF = 4
_CR = 8


@functools.lru_cache(maxsize=None)
def _make_gather(M, R, D, scale):
  info = plsc.get_sparse_core_info()
  NC, NS, L = info.num_cores, info.num_subcores, info.num_lanes
  NW = NC * NS
  assert M % NW == 0 and D % L == 0
  m_per = M // NW
  assert m_per % _CR == 0
  nch = m_per // _CR
  assert nch % _NBUF == 0
  ngrp = nch // _NBUF
  assert ngrp >= 2
  crows = _CR * R
  mesh = plsc.VectorSubcoreMesh(core_axis_name="c", subcore_axis_name="s")

  @functools.partial(
      pl.kernel,
      mesh=mesh,
      compiler_params=pltpu.CompilerParams(use_tc_tiling_on_sc=False),
      out_type=jax.ShapeDtypeStruct((R, M, D), jnp.float32),
      scratch_types=[
          pltpu.VMEM((R, m_per), jnp.int32),
          pltpu.VMEM((_NBUF, crows, D), jnp.float32),
      ]
      + [pltpu.SemaphoreType.DMA] * (2 * _NBUF),
  )
  def k(table_hbm, xt_hbm, out_hbm, idx_v, rows_v, *sems):
    gsem = sems[:_NBUF]
    wsem = sems[_NBUF:]
    wid = lax.axis_index("s") * NC + lax.axis_index("c")
    col0 = pl.multiple_of(wid * m_per, _CR)
    pltpu.sync_copy(xt_hbm.at[:, pl.ds(col0, m_per)], idx_v)

    def start_gather(c, b):
      def gath(j, carry):
        pltpu.async_copy(
            table_hbm.at[idx_v.at[j, pl.ds(c * _CR, _CR)]],
            rows_v.at[b, pl.ds(j * _CR, _CR)],
            gsem[b],
        )
        return carry

      lax.fori_loop(0, R, gath, 0)

    def wait_gather(b):
      pltpu.make_async_copy(
          table_hbm.at[pl.ds(0, crows)], rows_v.at[b], gsem[b]
      ).wait()

    def start_write(c, b):
      def wr(j, carry):
        pltpu.async_copy(
            rows_v.at[b, pl.ds(j * _CR, _CR)],
            out_hbm.at[j, pl.ds(col0 + c * _CR, _CR)],
            wsem[b],
        )
        return carry

      lax.fori_loop(0, R, wr, 0)

    def wait_write(b):
      pltpu.make_async_copy(
          rows_v.at[b], out_hbm.at[0, pl.ds(0, crows)], wsem[b]
      ).wait()

    def scale_buf(b):
      def row_body(i, carry):
        for t in range(D // L):
          sl = pl.ds(t * L, L)
          rows_v[b, i, sl] = rows_v[b, i, sl] * scale
        return carry

      lax.fori_loop(0, crows, row_body, 0, unroll=2)

    for b in range(_NBUF - 1):
      start_gather(b, b)
    for b in range(_NBUF):
      c = b
      if c + _NBUF - 1 < nch:
        if c >= 1:
          wait_write((b + _NBUF - 1) % _NBUF)
        start_gather(c + _NBUF - 1, (b + _NBUF - 1) % _NBUF)
      wait_gather(b)
      scale_buf(b)
      start_write(c, b)

    def group_body(g, carry):
      c0 = g * _NBUF
      for b in range(_NBUF):
        c = c0 + b
        wait_write((b + _NBUF - 1) % _NBUF)
        start_gather(c + _NBUF - 1, (b + _NBUF - 1) % _NBUF)
        wait_gather(b)
        scale_buf(b)
        start_write(c, b)
      return carry

    lax.fori_loop(1, ngrp - 1, group_body, 0)

    c0 = (ngrp - 1) * _NBUF
    for b in range(_NBUF):
      c = c0 + b
      if c + _NBUF - 1 < nch:
        wait_write((b + _NBUF - 1) % _NBUF)
        start_gather(c + _NBUF - 1, (b + _NBUF - 1) % _NBUF)
      wait_gather(b)
      scale_buf(b)
      start_write(c, b)
    for b in range(_NBUF):
      wait_write(b)

  return k


def kernel(x, table):
  M, R = x.shape
  D = table.shape[1]
  xt = x.astype(jnp.int32).T
  o = _make_gather(M, R, D, float(math.sqrt(D)))(table, xt)
  return o.transpose((1, 0, 2))

# --- scband reference (transcript-rebuilt; emitter-appended) ---
"""Pipeline reference for scband-embedding-int-14843406975666 (READ-ONLY COPY).

The authoritative reference and input builder live on the scoring server;
editing this copy changes nothing except your own understanding.
"""

import jax, jax.numpy as jnp
import numpy as np
import math

N_INT = 1000000
D_EMBED = 64

def setup_inputs(seed: int = 0) -> dict:
    key = jax.random.key(seed)
    k1, k2 = jax.random.split(key)
    x = jax.random.randint(k1, (16384, 50), 0, N_INT, dtype=jnp.int64 if jax.config.jax_enable_x64 else jnp.int32)
    table = jax.random.normal(k2, (N_INT, D_EMBED), dtype=jnp.float32)
    return {"x": x, "table": table}

def reference(x, table):
    # nn.Embedding lookup followed by scaling with sqrt(d_embed)
    embeded = jnp.take(table, x, axis=0) * math.sqrt(D_EMBED)
    return embeded

if __name__ == "__main__":
    import jax
    _d = setup_inputs()
    print(jax.jit(kernel)(*tuple(_d.values())))

</pallas_src>

<mosaic_0001>
#map = affine_map<(d0, d1) -> (0, 0)>
#map1 = affine_map<(d0, d1) -> (0, 0, 0)>
module attributes {stable_mosaic.version = 14 : i64} {
  func.func @k(%arg0: i32, %arg1: i32, %arg2: memref<1000000x64xf32, #tpu.memory_space<hbm>>, %arg3: memref<50x16384xi32, #tpu.memory_space<hbm>>, %arg4: memref<50x16384x64xf32, #tpu.memory_space<hbm>>, %arg5: memref<50x512xi32, #tpu.memory_space<vmem>>, %arg6: memref<4x400x64xf32, #tpu.memory_space<vmem>>, %arg7: memref<!tpu.dma_semaphore, #tpu.memory_space<semaphore_mem>>, %arg8: memref<!tpu.dma_semaphore, #tpu.memory_space<semaphore_mem>>, %arg9: memref<!tpu.dma_semaphore, #tpu.memory_space<semaphore_mem>>, %arg10: memref<!tpu.dma_semaphore, #tpu.memory_space<semaphore_mem>>, %arg11: memref<!tpu.dma_semaphore, #tpu.memory_space<semaphore_mem>>, %arg12: memref<!tpu.dma_semaphore, #tpu.memory_space<semaphore_mem>>, %arg13: memref<!tpu.dma_semaphore, #tpu.memory_space<semaphore_mem>>, %arg14: memref<!tpu.dma_semaphore, #tpu.memory_space<semaphore_mem>>) attributes {dimension_semantics = [#tpu.dimension_semantics<core_parallel>, #tpu.dimension_semantics<subcore_parallel>], iteration_bounds = array<i64: 2, 16>, scalar_prefetch = 0 : i64, scratch_operands = 10 : i64, tpu.core_type = #tpu.core_type<sc_vector_subcore>, window_params = [{transform_indices = #map}, {transform_indices = #map}, {transform_indices = #map1}]} {
    %mul3A = arith.constant 2 : i32
    %mul3A_0 = arith.muli %arg1, %mul3A : i32
    %add3A = arith.addi %mul3A_0, %arg0 : i32
    %mul3A_1 = arith.constant 512 : i32
    %mul3A_2 = arith.muli %add3A, %mul3A_1 : i32
    %multiple_of3A = tpu.assume_multiple %mul3A_2, 8 : i32
    "tpu.region"() ({
      %run_scoped3A = tpu.sem_alloc : memref<!tpu.dma_semaphore, #tpu.memory_space<semaphore_mem>>
      %dma_start3A = arith.constant 0 : i32
      %dma_start3A_415 = tpu.memref_slice %arg3[%dma_start3A, %multiple_of3A] : memref<50x16384xi32, #tpu.memory_space<hbm>> -> memref<50x512xi32, #tpu.memory_space<hbm>>
      %dma_start3A_416 = arith.constant 0 : i32
      %dma_start3A_417 = tpu.memref_slice %arg3[%dma_start3A_416, %multiple_of3A] : memref<50x16384xi32, #tpu.memory_space<hbm>> -> memref<50x512xi32, #tpu.memory_space<hbm>>
      tpu.enqueue_dma source(%dma_start3A_417 : memref<50x512xi32, #tpu.memory_space<hbm>>) target(%arg5 : memref<50x512xi32, #tpu.memory_space<vmem>>) target_semaphore(%run_scoped3A : memref<!tpu.dma_semaphore, #tpu.memory_space<semaphore_mem>>)
      %dma_wait3A_418 = arith.constant 0 : i32
      %dma_wait3A_419 = tpu.memref_slice %arg3[%dma_wait3A_418, %multiple_of3A] : memref<50x16384xi32, #tpu.memory_space<hbm>> -> memref<50x512xi32, #tpu.memory_space<hbm>>
      %dma_wait3A_420 = arith.constant 0 : i32
      %dma_wait3A_421 = tpu.memref_slice %arg3[%dma_wait3A_420, %multiple_of3A] : memref<50x16384xi32, #tpu.memory_space<hbm>> -> memref<50x512xi32, #tpu.memory_space<hbm>>
      tpu.wait_dma2 semaphore(%run_scoped3A : memref<!tpu.dma_semaphore, #tpu.memory_space<semaphore_mem>>) src(%dma_wait3A_421 : memref<50x512xi32, #tpu.memory_space<hbm>>) dst(%arg5 : memref<50x512xi32, #tpu.memory_space<vmem>>)
      tpu.yield
    }) : () -> ()
    %scan3A = arith.constant 0 : i32
    %scan3A_3 = arith.constant 0 : i32
    %scan3A_4 = arith.constant 50 : i32
    %scan3A_5 = arith.addi %scan3A_3, %scan3A_4 : i32
    %scan3A_6 = arith.constant 1 : i32
    scf.for %scan3A_415 = %scan3A_3 to %scan3A_5 step %scan3A_6  : i32 {
      %mul3A_416 = arith.constant 8 : i32
      %mul3A_417 = arith.muli %scan3A_415, %mul3A_416 : i32
      %dma_start3A = arith.constant 0 : i32
      %dma_start3A_418 = arith.constant 0 : i32
      %dma_start3A_419 = tpu.memref_slice %arg6[%dma_start3A, %mul3A_417, %dma_start3A_418] : memref<4x400x64xf32, #tpu.memory_space<vmem>> -> memref<1x8x64xf32, #tpu.memory_space<vmem>>
      %dma_start3A_420 = tpu.memref_squeeze %dma_start3A_419 : memref<1x8x64xf32, #tpu.memory_space<vmem>> -> memref<8x64xf32, #tpu.memory_space<vmem>>
      %dma_start3A_421 = arith.constant 0 : i32
      %dma_start3A_422 = tpu.memref_slice %arg5[%scan3A_415, %dma_start3A_421] : memref<50x512xi32, #tpu.memory_space<vmem>> -> memref<1x8xi32, #tpu.memory_space<vmem>>
      %dma_start3A_423 = tpu.memref_squeeze %dma_start3A_422 : memref<1x8xi32, #tpu.memory_space<vmem>> -> memref<8xi32, #tpu.memory_space<vmem>>
      %dma_start3A_424 = arith.constant 0 : i32
      %dma_start3A_425 = arith.constant 0 : i32
      %dma_start3A_426 = tpu.memref_slice %arg2[%dma_start3A_424, %dma_start3A_425] : memref<1000000x64xf32, #tpu.memory_space<hbm>> -> memref<1000000x64xf32, #tpu.memory_space<hbm>>
      tpu.enqueue_indirect_dma source(%dma_start3A_426 : memref<1000000x64xf32, #tpu.memory_space<hbm>>) target(%dma_start3A_420 : memref<8x64xf32, #tpu.memory_space<vmem>>) offsets(%dma_start3A_423 : memref<8xi32, #tpu.memory_space<vmem>>) semaphore(%arg7 : memref<!tpu.dma_semaphore, #tpu.memory_space<semaphore_mem>>)
    }
    %scan3A_7 = arith.constant 50 : i32
    %scan3A_8 = arith.constant 0 : i32
    %scan3A_9 = arith.constant 0 : i32
    %scan3A_10 = arith.constant 50 : i32
    %scan3A_11 = arith.addi %scan3A_9, %scan3A_10 : i32
    %scan3A_12 = arith.constant 1 : i32
    scf.for %scan3A_415 = %scan3A_9 to %scan3A_11 step %scan3A_12  : i32 {
      %mul3A_416 = arith.constant 8 : i32
      %mul3A_417 = arith.muli %scan3A_415, %mul3A_416 : i32
      %dma_start3A = arith.constant 1 : i32
      %dma_start3A_418 = arith.constant 0 : i32
      %dma_start3A_419 = tpu.memref_slice %arg6[%dma_start3A, %mul3A_417, %dma_start3A_418] : memref<4x400x64xf32, #tpu.memory_space<vmem>> -> memref<1x8x64xf32, #tpu.memory_space<vmem>>
      %dma_start3A_420 = tpu.memref_squeeze %dma_start3A_419 : memref<1x8x64xf32, #tpu.memory_space<vmem>> -> memref<8x64xf32, #tpu.memory_space<vmem>>
      %dma_start3A_421 = arith.constant 8 : i32
      %dma_start3A_422 = tpu.memref_slice %arg5[%scan3A_415, %dma_start3A_421] : memref<50x512xi32, #tpu.memory_space<vmem>> -> memref<1x8xi32, #tpu.memory_space<vmem>>
      %dma_start3A_423 = tpu.memref_squeeze %dma_start3A_422 : memref<1x8xi32, #tpu.memory_space<vmem>> -> memref<8xi32, #tpu.memory_space<vmem>>
      %dma_start3A_424 = arith.constant 0 : i32
      %dma_start3A_425 = arith.constant 0 : i32
      %dma_start3A_426 = tpu.memref_slice %arg2[%dma_start3A_424, %dma_start3A_425] : memref<1000000x64xf32, #tpu.memory_space<hbm>> -> memref<1000000x64xf32, #tpu.memory_space<hbm>>
      tpu.enqueue_indirect_dma source(%dma_start3A_426 : memref<1000000x64xf32, #tpu.memory_space<hbm>>) target(%dma_start3A_420 : memref<8x64xf32, #tpu.memory_space<vmem>>) offsets(%dma_start3A_423 : memref<8xi32, #tpu.memory_space<vmem>>) semaphore(%arg8 : memref<!tpu.dma_semaphore, #tpu.memory_space<semaphore_mem>>)
    }
    %scan3A_13 = arith.constant 50 : i32
    %scan3A_14 = arith.constant 0 : i32
    %scan3A_15 = arith.constant 0 : i32
    %scan3A_16 = arith.constant 50 : i32
    %scan3A_17 = arith.addi %scan3A_15, %scan3A_16 : i32
    %scan3A_18 = arith.constant 1 : i32
    scf.for %scan3A_415 = %scan3A_15 to %scan3A_17 step %scan3A_18  : i32 {
      %mul3A_416 = arith.constant 8 : i32
      %mul3A_417 = arith.muli %scan3A_415, %mul3A_416 : i32
      %dma_start3A = arith.constant 2 : i32
      %dma_start3A_418 = arith.constant 0 : i32
      %dma_start3A_419 = tpu.memref_slice %arg6[%dma_start3A, %mul3A_417, %dma_start3A_418] : memref<4x400x64xf32, #tpu.memory_space<vmem>> -> memref<1x8x64xf32, #tpu.memory_space<vmem>>
      %dma_start3A_420 = tpu.memref_squeeze %dma_start3A_419 : memref<1x8x64xf32, #tpu.memory_space<vmem>> -> memref<8x64xf32, #tpu.memory_space<vmem>>
      %dma_start3A_421 = arith.constant 16 : i32
      %dma_start3A_422 = tpu.memref_slice %arg5[%scan3A_415, %dma_start3A_421] : memref<50x512xi32, #tpu.memory_space<vmem>> -> memref<1x8xi32, #tpu.memory_space<vmem>>
      %dma_start3A_423 = tpu.memref_squeeze %dma_start3A_422 : memref<1x8xi32, #tpu.memory_space<vmem>> -> memref<8xi32, #tpu.memory_space<vmem>>
      %dma_start3A_424 = arith.constant 0 : i32
      %dma_start3A_425 = arith.constant 0 : i32
      %dma_start3A_426 = tpu.memref_slice %arg2[%dma_start3A_424, %dma_start3A_425] : memref<1000000x64xf32, #tpu.memory_space<hbm>> -> memref<1000000x64xf32, #tpu.memory_space<hbm>>
      tpu.enqueue_indirect_dma source(%dma_start3A_426 : memref<1000000x64xf32, #tpu.memory_space<hbm>>) target(%dma_start3A_420 : memref<8x64xf32, #tpu.memory_space<vmem>>) offsets(%dma_start3A_423 : memref<8xi32, #tpu.memory_space<vmem>>) semaphore(%arg9 : memref<!tpu.dma_semaphore, #tpu.memory_space<semaphore_mem>>)
    }
    %scan3A_19 = arith.constant 50 : i32
    %scan3A_20 = arith.constant 0 : i32
    %scan3A_21 = arith.constant 0 : i32
    %scan3A_22 = arith.constant 50 : i32
    %scan3A_23 = arith.addi %scan3A_21, %scan3A_22 : i32
    %scan3A_24 = arith.constant 1 : i32
    scf.for %scan3A_415 = %scan3A_21 to %scan3A_23 step %scan3A_24  : i32 {
      %mul3A_416 = arith.constant 8 : i32
      %mul3A_417 = arith.muli %scan3A_415, %mul3A_416 : i32
      %dma_start3A = arith.constant 3 : i32
      %dma_start3A_418 = arith.constant 0 : i32
      %dma_start3A_419 = tpu.memref_slice %arg6[%dma_start3A, %mul3A_417, %dma_start3A_418] : memref<4x400x64xf32, #tpu.memory_space<vmem>> -> memref<1x8x64xf32, #tpu.memory_space<vmem>>
      %dma_start3A_420 = tpu.memref_squeeze %dma_start3A_419 : memref<1x8x64xf32, #tpu.memory_space<vmem>> -> memref<8x64xf32, #tpu.memory_space<vmem>>
      %dma_start3A_421 = arith.constant 24 : i32
      %dma_start3A_422 = tpu.memref_slice %arg5[%scan3A_415, %dma_start3A_421] : memref<50x512xi32, #tpu.memory_space<vmem>> -> memref<1x8xi32, #tpu.memory_space<vmem>>
      %dma_start3A_423 = tpu.memref_squeeze %dma_start3A_422 : memref<1x8xi32, #tpu.memory_space<vmem>> -> memref<8xi32, #tpu.memory_space<vmem>>
      %dma_start3A_424 = arith.constant 0 : i32
      %dma_start3A_425 = arith.constant 0 : i32
      %dma_start3A_426 = tpu.memref_slice %arg2[%dma_start3A_424, %dma_start3A_425] : memref<1000000x64xf32, #tpu.memory_space<hbm>> -> memref<1000000x64xf32, #tpu.memory_space<hbm>>
      tpu.enqueue_indirect_dma source(%dma_start3A_426 : memref<1000000x64xf32, #tpu.memory_space<hbm>>) target(%dma_start3A_420 : memref<8x64xf32, #tpu.memory_space<vmem>>) offsets(%dma_start3A_423 : memref<8xi32, #tpu.memory_space<vmem>>) semaphore(%arg10 : memref<!tpu.dma_semaphore, #tpu.memory_space<semaphore_mem>>)
    }
    %scan3A_25 = arith.constant 50 : i32
    %dma_wait3A = arith.constant 0 : i32
    %dma_wait3A_26 = arith.constant 0 : i32
    %dma_wait3A_27 = arith.constant 0 : i32
    %dma_wait3A_28 = tpu.memref_slice %arg6[%dma_wait3A, %dma_wait3A_26, %dma_wait3A_27] : memref<4x400x64xf32, #tpu.memory_space<vmem>> -> memref<1x400x64xf32, #tpu.memory_space<vmem>>
    %dma_wait3A_29 = tpu.memref_squeeze %dma_wait3A_28 : memref<1x400x64xf32, #tpu.memory_space<vmem>> -> memref<400x64xf32, #tpu.memory_space<vmem>>
    %dma_wait3A_30 = arith.constant 0 : i32
    %dma_wait3A_31 = arith.constant 0 : i32
    %dma_wait3A_32 = tpu.memref_slice %arg2[%dma_wait3A_30, %dma_wait3A_31] : memref<1000000x64xf32, #tpu.memory_space<hbm>> -> memref<400x64xf32, #tpu.memory_space<hbm>>
    %dma_wait3A_33 = arith.constant 0 : i32
    %dma_wait3A_34 = arith.constant 0 : i32
    %dma_wait3A_35 = tpu.memref_slice %arg6[%dma_wait3A, %dma_wait3A_33, %dma_wait3A_34] : memref<4x400x64xf32, #tpu.memory_space<vmem>> -> memref<1x400x64xf32, #tpu.memory_space<vmem>>
    %dma_wait3A_36 = tpu.memref_squeeze %dma_wait3A_35 : memref<1x400x64xf32, #tpu.memory_space<vmem>> -> memref<400x64xf32, #tpu.memory_space<vmem>>
    %dma_wait3A_37 = arith.constant 0 : i32
    %dma_wait3A_38 = arith.constant 0 : i32
    %dma_wait3A_39 = tpu.memref_slice %arg2[%dma_wait3A_37, %dma_wait3A_38] : memref<1000000x64xf32, #tpu.memory_space<hbm>> -> memref<400x64xf32, #tpu.memory_space<hbm>>
    tpu.wait_dma2 semaphore(%arg7 : memref<!tpu.dma_semaphore, #tpu.memory_space<semaphore_mem>>) src(%dma_wait3A_39 : memref<400x64xf32, #tpu.memory_space<hbm>>) dst(%dma_wait3A_36 : memref<400x64xf32, #tpu.memory_space<vmem>>)
    %scan3A_40 = arith.constant 0 : i32
    %scan3A_41 = arith.constant 0 : i32
    %scan3A_42 = arith.constant 400 : i32
    %scan3A_43 = arith.addi %scan3A_41, %scan3A_42 : i32
    %scan3A_44 = arith.constant 2 : i32
    scf.for %scan3A_415 = %scan3A_41 to %scan3A_43 step %scan3A_44  : i32 {
      %get3A = arith.constant 0 : i32
      %get3A_416 = arith.index_cast %get3A : i32 to index
      %get3A_417 = arith.index_cast %scan3A_415 : i32 to index
      %get3A_418 = arith.constant 0 : index
      %get3A_419 = tpu.vector_load %arg6[%get3A_416, %get3A_417, %get3A_418] {strides = array<i32>} : memref<4x400x64xf32, #tpu.memory_space<vmem>>, vector<1x1x16xf32>,
      %get3A_420 = vector.shape_cast %get3A_419 : vector<1x1x16xf32> to vector<16xf32>
      %mul3A_421 = arith.constant 8.000000e+00 : f32
      %mul3A_422 = vector.broadcast %mul3A_421 : f32 to vector<16xf32>
      %mul3A_423 = arith.mulf %get3A_420, %mul3A_422 : vector<16xf32>
      %swap3A = arith.constant 0 : i32
      %swap3A_424 = arith.index_cast %swap3A : i32 to index
      %swap3A_425 = arith.index_cast %scan3A_415 : i32 to index
      %swap3A_426 = arith.constant 0 : index
      %swap3A_427 = tpu.vector_load %arg6[%swap3A_424, %swap3A_425, %swap3A_426] {strides = array<i32>} : memref<4x400x64xf32, #tpu.memory_space<vmem>>, vector<1x1x16xf32>,
      %swap3A_428 = vector.shape_cast %swap3A_427 : vector<1x1x16xf32> to vector<16xf32>
      %swap3A_429 = vector.shape_cast %mul3A_423 : vector<16xf32> to vector<1x1x16xf32>
      tpu.vector_store %arg6[%swap3A_424, %swap3A_425, %swap3A_426], %swap3A_429 {strides = array<i32>} : memref<4x400x64xf32, #tpu.memory_space<vmem>>, vector<1x1x16xf32>,
      %get3A_430 = arith.constant 0 : i32
      %get3A_431 = arith.index_cast %get3A_430 : i32 to index
      %get3A_432 = arith.index_cast %scan3A_415 : i32 to index
      %get3A_433 = arith.constant 16 : index
      %get3A_434 = tpu.vector_load %arg6[%get3A_431, %get3A_432, %get3A_433] {strides = array<i32>} : memref<4x400x64xf32, #tpu.memory_space<vmem>>, vector<1x1x16xf32>,
      %get3A_435 = vector.shape_cast %get3A_434 : vector<1x1x16xf32> to vector<16xf32>
      %mul3A_436 = arith.constant 8.000000e+00 : f32
      %mul3A_437 = vector.broadcast %mul3A_436 : f32 to vector<16xf32>
      %mul3A_438 = arith.mulf %get3A_435, %mul3A_437 : vector<16xf32>
      %swap3A_439 = arith.constant 0 : i32
      %swap3A_440 = arith.index_cast %swap3A_439 : i32 to index
      %swap3A_441 = arith.index_cast %scan3A_415 : i32 to index
      %swap3A_442 = arith.constant 16 : index
      %swap3A_443 = tpu.vector_load %arg6[%swap3A_440, %swap3A_441, %swap3A_442] {strides = array<i32>} : memref<4x400x64xf32, #tpu.memory_space<vmem>>, vector<1x1x16xf32>,
      %swap3A_444 = vector.shape_cast %swap3A_443 : vector<1x1x16xf32> to vector<16xf32>
      %swap3A_445 = vector.shape_cast %mul3A_438 : vector<16xf32> to vector<1x1x16xf32>
      tpu.vector_store %arg6[%swap3A_440, %swap3A_441, %swap3A_442], %swap3A_445 {strides = array<i32>} : memref<4x400x64xf32, #tpu.memory_space<vmem>>, vector<1x1x16xf32>,
      %get3A_446 = arith.constant 0 : i32
      %get3A_447 = arith.index_cast %get3A_446 : i32 to index
      %get3A_448 = arith.index_cast %scan3A_415 : i32 to index
      %get3A_449 = arith.constant 32 : index
      %get3A_450 = tpu.vector_load %arg6[%get3A_447, %get3A_448, %get3A_449] {strides = array<i32>} : memref<4x400x64xf32, #tpu.memory_space<vmem>>, vector<1x1x16xf32>,
      %get3A_451 = vector.shape_cast %get3A_450 : vector<1x1x16xf32> to vector<16xf32>
      %mul3A_452 = arith.constant 8.000000e+00 : f32
      %mul3A_453 = vector.broadcast %mul3A_452 : f32 to vector<16xf32>
      %mul3A_454 = arith.mulf %get3A_451, %mul3A_453 : vector<16xf32>
      %swap3A_455 = arith.constant 0 : i32
      %swap3A_456 = arith.index_cast %swap3A_455 : i32 to index
      %swap3A_457 = arith.index_cast %scan3A_415 : i32 to index
      %swap3A_458 = arith.constant 32 : index
      %swap3A_459 = tpu.vector_load %arg6[%swap3A_456, %swap3A_457, %swap3A_458] {strides = array<i32>} : memref<4x400x64xf32, #tpu.memory_space<vmem>>, vector<1x1x16xf32>,
      %swap3A_460 = vector.shape_cast %swap3A_459 : vector<1x1x16xf32> to vector<16xf32>
      %swap3A_461 = vector.shape_cast %mul3A_454 : vector<16xf32> to vector<1x1x16xf32>
      tpu.vector_store %arg6[%swap3A_456, %swap3A_457, %swap3A_458], %swap3A_461 {strides = array<i32>} : memref<4x400x64xf32, #tpu.memory_space<vmem>>, vector<1x1x16xf32>,
      %get3A_462 = arith.constant 0 : i32
      %get3A_463 = arith.index_cast %get3A_462 : i32 to index
      %get3A_464 = arith.index_cast %scan3A_415 : i32 to index
      %get3A_465 = arith.constant 48 : index
      %get3A_466 = tpu.vector_load %arg6[%get3A_463, %get3A_464, %get3A_465] {strides = array<i32>} : memref<4x400x64xf32, #tpu.memory_space<vmem>>, vector<1x1x16xf32>,
      %get3A_467 = vector.shape_cast %get3A_466 : vector<1x1x16xf32> to vector<16xf32>
      %mul3A_468 = arith.constant 8.000000e+00 : f32
      %mul3A_469 = vector.broadcast %mul3A_468 : f32 to vector<16xf32>
      %mul3A_470 = arith.mulf %get3A_467, %mul3A_469 : vector<16xf32>
      %swap3A_471 = arith.constant 0 : i32
      %swap3A_472 = arith.index_cast %swap3A_471 : i32 to index
      %swap3A_473 = arith.index_cast %scan3A_415 : i32 to index
      %swap3A_474 = arith.constant 48 : index
      %swap3A_475 = tpu.vector_load %arg6[%swap3A_472, %swap3A_473, %swap3A_474] {strides = array<i32>} : memref<4x400x64xf32, #tpu.memory_space<vmem>>, vector<1x1x16xf32>,
      %swap3A_476 = vector.shape_cast %swap3A_475 : vector<1x1x16xf32> to vector<16xf32>
      %swap3A_477 = vector.shape_cast %mul3A_470 : vector<16xf32> to vector<1x1x16xf32>
      tpu.vector_store %arg6[%swap3A_472, %swap3A_473, %swap3A_474], %swap3A_477 {strides = array<i32>} : memref<4x400x64xf32, #tpu.memory_space<vmem>>, vector<1x1x16xf32>,
      %scan3A_478 = arith.constant 1 : i32
      %scan3A_479 = arith.addi %scan3A_415, %scan3A_478 : i32
      %get3A_480 = arith.constant 0 : i32
      %get3A_481 = arith.index_cast %get3A_480 : i32 to index
      %get3A_482 = arith.index_cast %scan3A_479 : i32 to index
      %get3A_483 = arith.constant 0 : index
      %get3A_484 = tpu.vector_load %arg6[%get3A_481, %get3A_482, %get3A_483] {strides = array<i32>} : memref<4x400x64xf32, #tpu.memory_space<vmem>>, vector<1x1x16xf32>,
      %get3A_485 = vector.shape_cast %get3A_484 : vector<1x1x16xf32> to vector<16xf32>
      %mul3A_486 = arith.constant 8.000000e+00 : f32
      %mul3A_487 = vector.broadcast %mul3A_486 : f32 to vector<16xf32>
      %mul3A_488 = arith.mulf %get3A_485, %mul3A_487 : vector<16xf32>
      %swap3A_489 = arith.constant 0 : i32
      %swap3A_490 = arith.index_cast %swap3A_489 : i32 to index
      %swap3A_491 = arith.index_cast %scan3A_479 : i32 to index
      %swap3A_492 = arith.constant 0 : index
      %swap3A_493 = tpu.vector_load %arg6[%swap3A_490, %swap3A_491, %swap3A_492] {strides = array<i32>} : memref<4x400x64xf32, #tpu.memory_space<vmem>>, vector<1x1x16xf32>,
      %swap3A_494 = vector.shape_cast %swap3A_493 : vector<1x1x16xf32> to vector<16xf32>
      %swap3A_495 = vector.shape_cast %mul3A_488 : vector<16xf32> to vector<1x1x16xf32>
      tpu.vector_store %arg6[%swap3A_490, %swap3A_491, %swap3A_492], %swap3A_495 {strides = array<i32>} : memref<4x400x64xf32, #tpu.memory_space<vmem>>, vector<1x1x16xf32>,
      %get3A_496 = arith.constant 0 : i32
      %get3A_497 = arith.index_cast %get3A_496 : i32 to index
      %get3A_498 = arith.index_cast %scan3A_479 : i32 to index
      %get3A_499 = arith.constant 16 : index
      %get3A_500 = tpu.vector_load %arg6[%get3A_497, %get3A_498, %get3A_499] {strides = array<i32>} : memref<4x400x64xf32, #tpu.memory_space<vmem>>, vector<1x1x16xf32>,
      %get3A_501 = vector.shape_cast %get3A_500 : vector<1x1x16xf32> to vector<16xf32>
      %mul3A_502 = arith.constant 8.000000e+00 : f32
      %mul3A_503 = vector.broadcast %mul3A_502 : f32 to vector<16xf32>
      %mul3A_504 = arith.mulf %get3A_501, %mul3A_503 : vector<16xf32>
      %swap3A_505 = arith.constant 0 : i32
      %swap3A_506 = arith.index_cast %swap3A_505 : i32 to index
      %swap3A_507 = arith.index_cast %scan3A_479 : i32 to index
      %swap3A_508 = arith.constant 16 : index
      %swap3A_509 = tpu.vector_load %arg6[%swap3A_506, %swap3A_507, %swap3A_508] {strides = array<i32>} : memref<4x400x64xf32, #tpu.memory_space<vmem>>, vector<1x1x16xf32>,
      %swap3A_510 = vector.shape_cast %swap3A_509 : vector<1x1x16xf32> to vector<16xf32>
      %swap3A_511 = vector.shape_cast %mul3A_504 : vector<16xf32> to vector<1x1x16xf32>
      tpu.vector_store %arg6[%swap3A_506, %swap3A_507, %swap3A_508], %swap3A_511 {strides = array<i32>} : memref<4x400x64xf32, #tpu.memory_space<vmem>>, vector<1x1x16xf32>,
      %get3A_512 = arith.constant 0 : i32
      %get3A_513 = arith.index_cast %get3A_512 : i32 to index
      %get3A_514 = arith.index_cast %scan3A_479 : i32 to index
      %get3A_515 = arith.constant 32 : index
      %get3A_516 = tpu.vector_load %arg6[%get3A_513, %get3A_514, %get3A_515] {strides = array<i32>} : memref<4x400x64xf32, #tpu.memory_space<vmem>>, vector<1x1x16xf32>,
      %get3A_517 = vector.shape_cast %get3A_516 : vector<1x1x16xf32> to vector<16xf32>
      %mul3A_518 = arith.constant 8.000000e+00 : f32
      %mul3A_519 = vector.broadcast %mul3A_518 : f32 to vector<16xf32>
      %mul3A_520 = arith.mulf %get3A_517, %mul3A_519 : vector<16xf32>
      %swap3A_521 = arith.constant 0 : i32
      %swap3A_522 = arith.index_cast %swap3A_521 : i32 to index
      %swap3A_523 = arith.index_cast %scan3A_479 : i32 to index
      %swap3A_524 = arith.constant 32 : index
      %swap3A_525 = tpu.vector_load %arg6[%swap3A_522, %swap3A_523, %swap3A_524] {strides = array<i32>} : memref<4x400x64xf32, #tpu.memory_space<vmem>>, vector<1x1x16xf32>,
      %swap3A_526 = vector.shape_cast %swap3A_525 : vector<1x1x16xf32> to vector<16xf32>
      %swap3A_527 = vector.shape_cast %mul3A_520 : vector<16xf32> to vector<1x1x16xf32>
      tpu.vector_store %arg6[%swap3A_522, %swap3A_523, %swap3A_524], %swap3A_527 {strides = array<i32>} : memref<4x400x64xf32, #tpu.memory_space<vmem>>, vector<1x1x16xf32>,
      %get3A_528 = arith.constant 0 : i32
      %get3A_529 = arith.index_cast %get3A_528 : i32 to index
      %get3A_530 = arith.index_cast %scan3A_479 : i32 to index
      %get3A_531 = arith.constant 48 : index
      %get3A_532 = tpu.vector_load %arg6[%get3A_529, %get3A_530, %get3A_531] {strides = array<i32>} : memref<4x400x64xf32, #tpu.memory_space<vmem>>, vector<1x1x16xf32>,
      %get3A_533 = vector.shape_cast %get3A_532 : vector<1x1x16xf32> to vector<16xf32>
      %mul3A_534 = arith.constant 8.000000e+00 : f32
      %mul3A_535 = vector.broadcast %mul3A_534 : f32 to vector<16xf32>
      %mul3A_536 = arith.mulf %get3A_533, %mul3A_535 : vector<16xf32>
      %swap3A_537 = arith.constant 0 : i32
      %swap3A_538 = arith.index_cast %swap3A_537 : i32 to index
      %swap3A_539 = arith.index_cast %scan3A_479 : i32 to index
      %swap3A_540 = arith.constant 48 : index
      %swap3A_541 = tpu.vector_load %arg6[%swap3A_538, %swap3A_539, %swap3A_540] {strides = array<i32>} : memref<4x400x64xf32, #tpu.memory_space<vmem>>, vector<1x1x16xf32>,
      %swap3A_542 = vector.shape_cast %swap3A_541 : vector<1x1x16xf32> to vector<16xf32>
      %swap3A_543 = vector.shape_cast %mul3A_536 : vector<16xf32> to vector<1x1x16xf32>
      tpu.vector_store %arg6[%swap3A_538, %swap3A_539, %swap3A_540], %swap3A_543 {strides = array<i32>} : memref<4x400x64xf32, #tpu.memory_space<vmem>>, vector<1x1x16xf32>,
    }
    %scan3A_45 = arith.constant 400 : i32
    %scan3A_46 = arith.constant 0 : i32
    %scan3A_47 = arith.constant 0 : i32
    %scan3A_48 = arith.constant 50 : i32
    %scan3A_49 = arith.addi %scan3A_47, %scan3A_48 : i32
    %scan3A_50 = arith.constant 1 : i32
    scf.for %scan3A_415 = %scan3A_47 to %scan3A_49 step %scan3A_50  : i32 {
      %mul3A_416 = arith.constant 8 : i32
      %mul3A_417 = arith.muli %scan3A_415, %mul3A_416 : i32
      %add3A_418 = arith.constant 0 : i32
      %add3A_419 = arith.addi %multiple_of3A, %add3A_418 : i32
      %dma_start3A = arith.constant 0 : i32
      %dma_start3A_420 = arith.constant 0 : i32
      %dma_start3A_421 = tpu.memref_slice %arg6[%dma_start3A, %mul3A_417, %dma_start3A_420] : memref<4x400x64xf32, #tpu.memory_space<vmem>> -> memref<1x8x64xf32, #tpu.memory_space<vmem>>
      %dma_start3A_422 = tpu.memref_squeeze %dma_start3A_421 : memref<1x8x64xf32, #tpu.memory_space<vmem>> -> memref<8x64xf32, #tpu.memory_space<vmem>>
      %dma_start3A_423 = arith.constant 0 : i32
      %dma_start3A_424 = tpu.memref_slice %arg4[%scan3A_415, %add3A_419, %dma_start3A_423] : memref<50x16384x64xf32, #tpu.memory_space<hbm>> -> memref<1x8x64xf32, #tpu.memory_space<hbm>>
      %dma_start3A_425 = tpu.memref_squeeze %dma_start3A_424 : memref<1x8x64xf32, #tpu.memory_space<hbm>> -> memref<8x64xf32, #tpu.memory_space<hbm>>
      %dma_start3A_426 = arith.constant 0 : i32
      %dma_start3A_427 = tpu.memref_slice %arg4[%scan3A_415, %add3A_419, %dma_start3A_426] : memref<50x16384x64xf32, #tpu.memory_space<hbm>> -> memref<1x8x64xf32, #tpu.memory_space<hbm>>
      %dma_start3A_428 = tpu.memref_squeeze %dma_start3A_427 : memref<1x8x64xf32, #tpu.memory_space<hbm>> -> memref<8x64xf32, #tpu.memory_space<hbm>>
      %dma_start3A_429 = arith.constant 0 : i32
      %dma_start3A_430 = tpu.memref_slice %arg6[%dma_start3A, %mul3A_417, %dma_start3A_429] : memref<4x400x64xf32, #tpu.memory_space<vmem>> -> memref<1x8x64xf32, #tpu.memory_space<vmem>>
      %dma_start3A_431 = tpu.memref_squeeze %dma_start3A_430 : memref<1x8x64xf32, #tpu.memory_space<vmem>> -> memref<8x64xf32, #tpu.memory_space<vmem>>
      tpu.enqueue_dma source(%dma_start3A_431 : memref<8x64xf32, #tpu.memory_space<vmem>>) target(%dma_start3A_428 : memref<8x64xf32, #tpu.memory_space<hbm>>) target_semaphore(%arg11 : memref<!tpu.dma_semaphore, #tpu.memory_space<semaphore_mem>>)
    }
    %scan3A_51 = arith.constant 50 : i32
    %dma_wait3A_52 = arith.constant 0 : i32
    %dma_wait3A_53 = arith.constant 0 : i32
    %dma_wait3A_54 = arith.constant 0 : i32
    %dma_wait3A_55 = arith.constant 0 : i32
    %dma_wait3A_56 = tpu.memref_slice %arg6[%dma_wait3A_52, %dma_wait3A_54, %dma_wait3A_55] : memref<4x400x64xf32, #tpu.memory_space<vmem>> -> memref<1x400x64xf32, #tpu.memory_space<vmem>>
    %dma_wait3A_57 = tpu.memref_squeeze %dma_wait3A_56 : memref<1x400x64xf32, #tpu.memory_space<vmem>> -> memref<400x64xf32, #tpu.memory_space<vmem>>
    %dma_wait3A_58 = arith.constant 0 : i32
    %dma_wait3A_59 = arith.constant 0 : i32
    %dma_wait3A_60 = tpu.memref_slice %arg4[%dma_wait3A_53, %dma_wait3A_58, %dma_wait3A_59] : memref<50x16384x64xf32, #tpu.memory_space<hbm>> -> memref<1x400x64xf32, #tpu.memory_space<hbm>>
    %dma_wait3A_61 = tpu.memref_squeeze %dma_wait3A_60 : memref<1x400x64xf32, #tpu.memory_space<hbm>> -> memref<400x64xf32, #tpu.memory_space<hbm>>
    %dma_wait3A_62 = arith.constant 0 : i32
    %dma_wait3A_63 = arith.constant 0 : i32
    %dma_wait3A_64 = tpu.memref_slice %arg4[%dma_wait3A_53, %dma_wait3A_62, %dma_wait3A_63] : memref<50x16384x64xf32, #tpu.memory_space<hbm>> -> memref<1x400x64xf32, #tpu.memory_space<hbm>>
    %dma_wait3A_65 = tpu.memref_squeeze %dma_wait3A_64 : memref<1x400x64xf32, #tpu.memory_space<hbm>> -> memref<400x64xf32, #tpu.memory_space<hbm>>
    %dma_wait3A_66 = arith.constant 0 : i32
    %dma_wait3A_67 = arith.constant 0 : i32
    %dma_wait3A_68 = tpu.memref_slice %arg6[%dma_wait3A_52, %dma_wait3A_66, %dma_wait3A_67] : memref<4x400x64xf32, #tpu.memory_space<vmem>> -> memref<1x400x64xf32, #tpu.memory_space<vmem>>
    %dma_wait3A_69 = tpu.memref_squeeze %dma_wait3A_68 : memref<1x400x64xf32, #tpu.memory_space<vmem>> -> memref<400x64xf32, #tpu.memory_space<vmem>>
    tpu.wait_dma2 semaphore(%arg11 : memref<!tpu.dma_semaphore, #tpu.memory_space<semaphore_mem>>) src(%dma_wait3A_69 : memref<400x64xf32, #tpu.memory_space<vmem>>) dst(%dma_wait3A_65 : memref<400x64xf32, #tpu.memory_space<hbm>>)
    %scan3A_70 = arith.constant 0 : i32
    %scan3A_71 = arith.constant 0 : i32
    %scan3A_72 = arith.constant 50 : i32
    %scan3A_73 = arith.addi %scan3A_71, %scan3A_72 : i32
    %scan3A_74 = arith.constant 1 : i32
    scf.for %scan3A_415 = %scan3A_71 to %scan3A_73 step %scan3A_74  : i32 {
      %mul3A_416 = arith.constant 8 : i32
      %mul3A_417 = arith.muli %scan3A_415, %mul3A_416 : i32
      %dma_start3A = arith.constant 0 : i32
      %dma_start3A_418 = arith.constant 0 : i32
      %dma_start3A_419 = tpu.memref_slice %arg6[%dma_start3A, %mul3A_417, %dma_start3A_418] : memref<4x400x64xf32, #tpu.memory_space<vmem>> -> memref<1x8x64xf32, #tpu.memory_space<vmem>>
      %dma_start3A_420 = tpu.memref_squeeze %dma_start3A_419 : memref<1x8x64xf32, #tpu.memory_space<vmem>> -> memref<8x64xf32, #tpu.memory_space<vmem>>
      %dma_start3A_421 = arith.constant 32 : i32
      %dma_start3A_422 = tpu.memref_slice %arg5[%scan3A_415, %dma_start3A_421] : memref<50x512xi32, #tpu.memory_space<vmem>> -> memref<1x8xi32, #tpu.memory_space<vmem>>
      %dma_start3A_423 = tpu.memref_squeeze %dma_start3A_422 : memref<1x8xi32, #tpu.memory_space<vmem>> -> memref<8xi32, #tpu.memory_space<vmem>>
      %dma_start3A_424 = arith.constant 0 : i32
      %dma_start3A_425 = arith.constant 0 : i32
      %dma_start3A_426 = tpu.memref_slice %arg2[%dma_start3A_424, %dma_start3A_425] : memref<1000000x64xf32, #tpu.memory_space<hbm>> -> memref<1000000x64xf32, #tpu.memory_space<hbm>>
      tpu.enqueue_indirect_dma source(%dma_start3A_426 : memref<1000000x64xf32, #tpu.memory_space<hbm>>) target(%dma_start3A_420 : memref<8x64xf32, #tpu.memory_space<vmem>>) offsets(%dma_start3A_423 : memref<8xi32, #tpu.memory_space<vmem>>) semaphore(%arg7 : memref<!tpu.dma_semaphore, #tpu.memory_space<semaphore_mem>>)
    }
    %scan3A_75 = arith.constant 50 : i32
    %dma_wait3A_76 = arith.constant 1 : i32
    %dma_wait3A_77 = arith.constant 0 : i32
    %dma_wait3A_78 = arith.constant 0 : i32
    %dma_wait3A_79 = tpu.memref_slice %arg6[%dma_wait3A_76, %dma_wait3A_77, %dma_wait3A_78] : memref<4x400x64xf32, #tpu.memory_space<vmem>> -> memref<1x400x64xf32, #tpu.memory_space<vmem>>
    %dma_wait3A_80 = tpu.memref_squeeze %dma_wait3A_79 : memref<1x400x64xf32, #tpu.memory_space<vmem>> -> memref<400x64xf32, #tpu.memory_space<vmem>>
    %dma_wait3A_81 = arith.constant 0 : i32
    %dma_wait3A_82 = arith.constant 0 : i32
    %dma_wait3A_83 = tpu.memref_slice %arg2[%dma_wait3A_81, %dma_wait3A_82] : memref<1000000x64xf32, #tpu.memory_space<hbm>> -> memref<400x64xf32, #tpu.memory_space<hbm>>
    %dma_wait3A_84 = arith.constant 0 : i32
    %dma_wait3A_85 = arith.constant 0 : i32
    %dma_wait3A_86 = tpu.memref_slice %arg6[%dma_wait3A_76, %dma_wait3A_84, %dma_wait3A_85] : memref<4x400x64xf32, #tpu.memory_space<vmem>> -> memref<1x400x64xf32, #tpu.memory_space<vmem>>
    %dma_wait3A_87 = tpu.memref_squeeze %dma_wait3A_86 : memref<1x400x64xf32, #tpu.memory_space<vmem>> -> memref<400x64xf32, #tpu.memory_space<vmem>>
    %dma_wait3A_88 = arith.constant 0 : i32
    %dma_wait3A_89 = arith.constant 0 : i32
    %dma_wait3A_90 = tpu.memref_slice %arg2[%dma_wait3A_88, %dma_wait3A_89] : memref<1000000x64xf32, #tpu.memory_space<hbm>> -> memref<400x64xf32, #tpu.memory_space<hbm>>
    tpu.wait_dma2 semaphore(%arg8 : memref<!tpu.dma_semaphore, #tpu.memory_space<semaphore_mem>>) src(%dma_wait3A_90 : memref<400x64xf32, #tpu.memory_space<hbm>>) dst(%dma_wait3A_87 : memref<400x64xf32, #tpu.memory_space<vmem>>)
    %scan3A_91 = arith.constant 0 : i32
    %scan3A_92 = arith.constant 0 : i32
    %scan3A_93 = arith.constant 400 : i32
    %scan3A_94 = arith.addi %scan3A_92, %scan3A_93 : i32
    %scan3A_95 = arith.constant 2 : i32
    scf.for %scan3A_415 = %scan3A_92 to %scan3A_94 step %scan3A_95  : i32 {
      %get3A = arith.constant 1 : i32
      %get3A_416 = arith.index_cast %get3A : i32 to index
      %get3A_417 = arith.index_cast %scan3A_415 : i32 to index
      %get3A_418 = arith.constant 0 : index
      %get3A_419 = tpu.vector_load %arg6[%get3A_416, %get3A_417, %get3A_418] {strides = array<i32>} : memref<4x400x64xf32, #tpu.memory_space<vmem>>, vector<1x1x16xf32>,
      %get3A_420 = vector.shape_cast %get3A_419 : vector<1x1x16xf32> to vector<16xf32>
      %mul3A_421 = arith.constant 8.000000e+00 : f32
      %mul3A_422 = vector.broadcast %mul3A_421 : f32 to vector<16xf32>
      %mul3A_423 = arith.mulf %get3A_420, %mul3A_422 : vector<16xf32>
      %swap3A = arith.constant 1 : i32
      %swap3A_424 = arith.index_cast %swap3A : i32 to index
      %swap3A_425 = arith.index_cast %scan3A_415 : i32 to index
      %swap3A_426 = arith.constant 0 : index
      %swap3A_427 = tpu.vector_load %arg6[%swap3A_424, %swap3A_425, %swap3A_426] {strides = array<i32>} : memref<4x400x64xf32, #tpu.memory_space<vmem>>, vector<1x1x16xf32>,
      %swap3A_428 = vector.shape_cast %swap3A_427 : vector<1x1x16xf32> to vector<16xf32>
      %swap3A_429 = vector.shape_cast %mul3A_423 : vector<16xf32> to vector<1x1x16xf32>
      tpu.vector_store %arg6[%swap3A_424, %swap3A_425, %swap3A_426], %swap3A_429 {strides = array<i32>} : memref<4x400x64xf32, #tpu.memory_space<vmem>>, vector<1x1x16xf32>,
      %get3A_430 = arith.constant 1 : i32
      %get3A_431 = arith.index_cast %get3A_430 : i32 to index
      %get3A_432 = arith.index_cast %scan3A_415 : i32 to index
      %get3A_433 = arith.constant 16 : index
      %get3A_434 = tpu.vector_load %arg6[%get3A_431, %get3A_432, %get3A_433] {strides = array<i32>} : memref<4x400x64xf32, #tpu.memory_space<vmem>>, vector<1x1x16xf32>,
      %get3A_435 = vector.shape_cast %get3A_434 : vector<1x1x16xf32> to vector<16xf32>
      %mul3A_436 = arith.constant 8.000000e+00 : f32
      %mul3A_437 = vector.broadcast %mul3A_436 : f32 to vector<16xf32>
      %mul3A_438 = arith.mulf %get3A_435, %mul3A_437 : vector<16xf32>
      %swap3A_439 = arith.constant 1 : i32
      %swap3A_440 = arith.index_cast %swap3A_439 : i32 to index
      %swap3A_441 = arith.index_cast %scan3A_415 : i32 to index
      %swap3A_442 = arith.constant 16 : index
      %swap3A_443 = tpu.vector_load %arg6[%swap3A_440, %swap3A_441, %swap3A_442] {strides = array<i32>} : memref<4x400x64xf32, #tpu.memory_space<vmem>>, vector<1x1x16xf32>,
      %swap3A_444 = vector.shape_cast %swap3A_443 : vector<1x1x16xf32> to vector<16xf32>
      %swap3A_445 = vector.shape_cast %mul3A_438 : vector<16xf32> to vector<1x1x16xf32>
      tpu.vector_store %arg6[%swap3A_440, %swap3A_441, %swap3A_442], %swap3A_445 {strides = array<i32>} : memref<4x400x64xf32, #tpu.memory_space<vmem>>, vector<1x1x16xf32>,
      %get3A_446 = arith.constant 1 : i32
      %get3A_447 = arith.index_cast %get3A_446 : i32 to index
      %get3A_448 = arith.index_cast %scan3A_415 : i32 to index
      %get3A_449 = arith.constant 32 : index
      %get3A_450 = tpu.vector_load %arg6[%get3A_447, %get3A_448, %get3A_449] {strides = array<i32>} : memref<4x400x64xf32, #tpu.memory_space<vmem>>, vector<1x1x16xf32>,
      %get3A_451 = vector.shape_cast %get3A_450 : vector<1x1x16xf32> to vector<16xf32>
      %mul3A_452 = arith.constant 8.000000e+00 : f32
      %mul3A_453 = vector.broadcast %mul3A_452 : f32 to vector<16xf32>
      %mul3A_454 = arith.mulf %get3A_451, %mul3A_453 : vector<16xf32>
      %swap3A_455 = arith.constant 1 : i32
      %swap3A_456 = arith.index_cast %swap3A_455 : i32 to index
      %swap3A_457 = arith.index_cast %scan3A_415 : i32 to index
      %swap3A_458 = arith.constant 32 : index
      %swap3A_459 = tpu.vector_load %arg6[%swap3A_456, %swap3A_457, %swap3A_458] {strides = array<i32>} : memref<4x400x64xf32, #tpu.memory_space<vmem>>, vector<1x1x16xf32>,
      %swap3A_460 = vector.shape_cast %swap3A_459 : vector<1x1x16xf32> to vector<16xf32>
      %swap3A_461 = vector.shape_cast %mul3A_454 : vector<16xf32> to vector<1x1x16xf32>
      tpu.vector_store %arg6[%swap3A_456, %swap3A_457, %swap3A_458], %swap3A_461 {strides = array<i32>} : memref<4x400x64xf32, #tpu.memory_space<vmem>>, vector<1x1x16xf32>,
      %get3A_462 = arith.constant 1 : i32
      %get3A_463 = arith.index_cast %get3A_462 : i32 to index
      %get3A_464 = arith.index_cast %scan3A_415 : i32 to index
      %get3A_465 = arith.constant 48 : index
      %get3A_466 = tpu.vector_load %arg6[%get3A_463, %get3A_464, %get3A_465] {strides = array<i32>} : memref<4x400x64xf32, #tpu.memory_space<vmem>>, vector<1x1x16xf32>,
      %get3A_467 = vector.shape_cast %get3A_466 : vector<1x1x16xf32> to vector<16xf32>
      %mul3A_468 = arith.constant 8.000000e+00 : f32
      %mul3A_469 = vector.broadcast %mul3A_468 : f32 to vector<16xf32>
      %mul3A_470 = arith.mulf %get3A_467, %mul3A_469 : vector<16xf32>
      %swap3A_471 = arith.constant 1 : i32
      %swap3A_472 = arith.index_cast %swap3A_471 : i32 to index
      %swap3A_473 = arith.index_cast %scan3A_415 : i32 to index
      %swap3A_474 = arith.constant 48 : index
      %swap3A_475 = tpu.vector_load %arg6[%swap3A_472, %swap3A_473, %swap3A_474] {strides = array<i32>} : memref<4x400x64xf32, #tpu.memory_space<vmem>>, vector<1x1x16xf32>,
      %swap3A_476 = vector.shape_cast %swap3A_475 : vector<1x1x16xf32> to vector<16xf32>
      %swap3A_477 = vector.shape_cast %mul3A_470 : vector<16xf32> to vector<1x1x16xf32>
      tpu.vector_store %arg6[%swap3A_472, %swap3A_473, %swap3A_474], %swap3A_477 {strides = array<i32>} : memref<4x400x64xf32, #tpu.memory_space<vmem>>, vector<1x1x16xf32>,
      %scan3A_478 = arith.constant 1 : i32
      %scan3A_479 = arith.addi %scan3A_415, %scan3A_478 : i32
      %get3A_480 = arith.constant 1 : i32
      %get3A_481 = arith.index_cast %get3A_480 : i32 to index
      %get3A_482 = arith.index_cast %scan3A_479 : i32 to index
      %get3A_483 = arith.constant 0 : index
      %get3A_484 = tpu.vector_load %arg6[%get3A_481, %get3A_482, %get3A_483] {strides = array<i32>} : memref<4x400x64xf32, #tpu.memory_space<vmem>>, vector<1x1x16xf32>,
      %get3A_485 = vector.shape_cast %get3A_484 : vector<1x1x16xf32> to vector<16xf32>
      %mul3A_486 = arith.constant 8.000000e+00 : f32
      %mul3A_487 = vector.broadcast %mul3A_486 : f32 to vector<16xf32>
      %mul3A_488 = arith.mulf %get3A_485, %mul3A_487 : vector<16xf32>
      %swap3A_489 = arith.constant 1 : i32
      %swap3A_490 = arith.index_cast %swap3A_489 : i32 to index
      %swap3A_491 = arith.index_cast %scan3A_479 : i32 to index
      %swap3A_492 = arith.constant 0 : index
      %swap3A_493 = tpu.vector_load %arg6[%swap3A_490, %swap3A_491, %swap3A_492] {strides = array<i32>} : memref<4x400x64xf32, #tpu.memory_space<vmem>>, vector<1x1x16xf32>,
      %swap3A_494 = vector.shape_cast %swap3A_493 : vector<1x1x16xf32> to vector<16xf32>
      %swap3A_495 = vector.shape_cast %mul3A_488 : vector<16xf32> to vector<1x1x16xf32>
      tpu.vector_store %arg6[%swap3A_490, %swap3A_491, %swap3A_492], %swap3A_495 {strides = array<i32>} : memref<4x400x64xf32, #tpu.memory_space<vmem>>, vector<1x1x16xf32>,
      %get3A_496 = arith.constant 1 : i32
      %get3A_497 = arith.index_cast %get3A_496 : i32 to index
      %get3A_498 = arith.index_cast %scan3A_479 : i32 to index
      %get3A_499 = arith.constant 16 : index
      %get3A_500 = tpu.vector_load %arg6[%get3A_497, %get3A_498, %get3A_499] {strides = array<i32>} : memref<4x400x64xf32, #tpu.memory_space<vmem>>, vector<1x1x16xf32>,
      %get3A_501 = vector.shape_cast %get3A_500 : vector<1x1x16xf32> to vector<16xf32>
      %mul3A_502 = arith.constant 8.000000e+00 : f32
      %mul3A_503 = vector.broadcast %mul3A_502 : f32 to vector<16xf32>
      %mul3A_504 = arith.mulf %get3A_501, %mul3A_503 : vector<16xf32>
      %swap3A_505 = arith.constant 1 : i32
      %swap3A_506 = arith.index_cast %swap3A_505 : i32 to index
      %swap3A_507 = arith.index_cast %scan3A_479 : i32 to index
      %swap3A_508 = arith.constant 16 : index
      %swap3A_509 = tpu.vector_load %arg6[%swap3A_506, %swap3A_507, %swap3A_508] {strides = array<i32>} : memref<4x400x64xf32, #tpu.memory_space<vmem>>, vector<1x1x16xf32>,
      %swap3A_510 = vector.shape_cast %swap3A_509 : vector<1x1x16xf32> to vector<16xf32>
      %swap3A_511 = vector.shape_cast %mul3A_504 : vector<16xf32> to vector<1x1x16xf32>
      tpu.vector_store %arg6[%swap3A_506, %swap3A_507, %swap3A_508], %swap3A_511 {strides = array<i32>} : memref<4x400x64xf32, #tpu.memory_space<vmem>>, vector<1x1x16xf32>,
      %get3A_512 = arith.constant 1 : i32
      %get3A_513 = arith.index_cast %get3A_512 : i32 to index
      %get3A_514 = arith.index_cast %scan3A_479 : i32 to index
      %get3A_515 = arith.constant 32 : index
      %get3A_516 = tpu.vector_load %arg6[%get3A_513, %get3A_514, %get3A_515] {strides = array<i32>} : memref<4x400x64xf32, #tpu.memory_space<vmem>>, vector<1x1x16xf32>,
      %get3A_517 = vector.shape_cast %get3A_516 : vector<1x1x16xf32> to vector<16xf32>
      %mul3A_518 = arith.constant 8.000000e+00 : f32
      %mul3A_519 = vector.broadcast %mul3A_518 : f32 to vector<16xf32>
      %mul3A_520 = arith.mulf %get3A_517, %mul3A_519 : vector<16xf32>
      %swap3A_521 = arith.constant 1 : i32
      %swap3A_522 = arith.index_cast %swap3A_521 : i32 to index
      %swap3A_523 = arith.index_cast %scan3A_479 : i32 to index
      %swap3A_524 = arith.constant 32 : index
      %swap3A_525 = tpu.vector_load %arg6[%swap3A_522, %swap3A_523, %swap3A_524] {strides = array<i32>} : memref<4x400x64xf32, #tpu.memory_space<vmem>>, vector<1x1x16xf32>,
      %swap3A_526 = vector.shape_cast %swap3A_525 : vector<1x1x16xf32> to vector<16xf32>
      %swap3A_527 = vector.shape_cast %mul3A_520 : vector<16xf32> to vector<1x1x16xf32>
      tpu.vector_store %arg6[%swap3A_522, %swap3A_523, %swap3A_524], %swap3A_527 {strides = array<i32>} : memref<4x400x64xf32, #tpu.memory_space<vmem>>, vector<1x1x16xf32>,
      %get3A_528 = arith.constant 1 : i32
      %get3A_529 = arith.index_cast %get3A_528 : i32 to index
      %get3A_530 = arith.index_cast %scan3A_479 : i32 to index
      %get3A_531 = arith.constant 48 : index
      %get3A_532 = tpu.vector_load %arg6[%get3A_529, %get3A_530, %get3A_531] {strides = array<i32>} : memref<4x400x64xf32, #tpu.memory_space<vmem>>, vector<1x1x16xf32>,
      %get3A_533 = vector.shape_cast %get3A_532 : vector<1x1x16xf32> to vector<16xf32>
      %mul3A_534 = arith.constant 8.000000e+00 : f32
      %mul3A_535 = vector.broadcast %mul3A_534 : f32 to vector<16xf32>
      %mul3A_536 = arith.mulf %get3A_533, %mul3A_535 : vector<16xf32>
      %swap3A_537 = arith.constant 1 : i32
      %swap3A_538 = arith.index_cast %swap3A_537 : i32 to index
      %swap3A_539 = arith.index_cast %scan3A_479 : i32 to index
      %swap3A_540 = arith.constant 48 : index
      %swap3A_541 = tpu.vector_load %arg6[%swap3A_538, %swap3A_539, %swap3A_540] {strides = array<i32>} : memref<4x400x64xf32, #tpu.memory_space<vmem>>, vector<1x1x16xf32>,
      %swap3A_542 = vector.shape_cast %swap3A_541 : vector<1x1x16xf32> to vector<16xf32>
      %swap3A_543 = vector.shape_cast %mul3A_536 : vector<16xf32> to vector<1x1x16xf32>
      tpu.vector_store %arg6[%swap3A_538, %swap3A_539, %swap3A_540], %swap3A_543 {strides = array<i32>} : memref<4x400x64xf32, #tpu.memory_space<vmem>>, vector<1x1x16xf32>,
    }
    %scan3A_96 = arith.constant 400 : i32
    %scan3A_97 = arith.constant 0 : i32
    %scan3A_98 = arith.constant 0 : i32
    %scan3A_99 = arith.constant 50 : i32
    %scan3A_100 = arith.addi %scan3A_98, %scan3A_99 : i32
    %scan3A_101 = arith.constant 1 : i32
    scf.for %scan3A_415 = %scan3A_98 to %scan3A_100 step %scan3A_101  : i32 {
      %mul3A_416 = arith.constant 8 : i32
      %mul3A_417 = arith.muli %scan3A_415, %mul3A_416 : i32
      %add3A_418 = arith.constant 8 : i32
      %add3A_419 = arith.addi %multiple_of3A, %add3A_418 : i32
      %dma_start3A = arith.constant 1 : i32
      %dma_start3A_420 = arith.constant 0 : i32
      %dma_start3A_421 = tpu.memref_slice %arg6[%dma_start3A, %mul3A_417, %dma_start3A_420] : memref<4x400x64xf32, #tpu.memory_space<vmem>> -> memref<1x8x64xf32, #tpu.memory_space<vmem>>
      %dma_start3A_422 = tpu.memref_squeeze %dma_start3A_421 : memref<1x8x64xf32, #tpu.memory_space<vmem>> -> memref<8x64xf32, #tpu.memory_space<vmem>>
      %dma_start3A_423 = arith.constant 0 : i32
      %dma_start3A_424 = tpu.memref_slice %arg4[%scan3A_415, %add3A_419, %dma_start3A_423] : memref<50x16384x64xf32, #tpu.memory_space<hbm>> -> memref<1x8x64xf32, #tpu.memory_space<hbm>>
      %dma_start3A_425 = tpu.memref_squeeze %dma_start3A_424 : memref<1x8x64xf32, #tpu.memory_space<hbm>> -> memref<8x64xf32, #tpu.memory_space<hbm>>
      %dma_start3A_426 = arith.constant 0 : i32
      %dma_start3A_427 = tpu.memref_slice %arg4[%scan3A_415, %add3A_419, %dma_start3A_426] : memref<50x16384x64xf32, #tpu.memory_space<hbm>> -> memref<1x8x64xf32, #tpu.memory_space<hbm>>
      %dma_start3A_428 = tpu.memref_squeeze %dma_start3A_427 : memref<1x8x64xf32, #tpu.memory_space<hbm>> -> memref<8x64xf32, #tpu.memory_space<hbm>>
      %dma_start3A_429 = arith.constant 0 : i32
      %dma_start3A_430 = tpu.memref_slice %arg6[%dma_start3A, %mul3A_417, %dma_start3A_429] : memref<4x400x64xf32, #tpu.memory_space<vmem>> -> memref<1x8x64xf32, #tpu.memory_space<vmem>>
      %dma_start3A_431 = tpu.memref_squeeze %dma_start3A_430 : memref<1x8x64xf32, #tpu.memory_space<vmem>> -> memref<8x64xf32, #tpu.memory_space<vmem>>
      tpu.enqueue_dma source(%dma_start3A_431 : memref<8x64xf32, #tpu.memory_space<vmem>>) target(%dma_start3A_428 : memref<8x64xf32, #tpu.memory_space<hbm>>) target_semaphore(%arg12 : memref<!tpu.dma_semaphore, #tpu.memory_space<semaphore_mem>>)
    }
    %scan3A_102 = arith.constant 50 : i32
    %dma_wait3A_103 = arith.constant 1 : i32
    %dma_wait3A_104 = arith.constant 0 : i32
    %dma_wait3A_105 = arith.constant 0 : i32
    %dma_wait3A_106 = arith.constant 0 : i32
    %dma_wait3A_107 = tpu.memref_slice %arg6[%dma_wait3A_103, %dma_wait3A_105, %dma_wait3A_106] : memref<4x400x64xf32, #tpu.memory_space<vmem>> -> memref<1x400x64xf32, #tpu.memory_space<vmem>>
    %dma_wait3A_108 = tpu.memref_squeeze %dma_wait3A_107 : memref<1x400x64xf32, #tpu.memory_space<vmem>> -> memref<400x64xf32, #tpu.memory_space<vmem>>
    %dma_wait3A_109 = arith.constant 0 : i32
    %dma_wait3A_110 = arith.constant 0 : i32
    %dma_wait3A_111 = tpu.memref_slice %arg4[%dma_wait3A_104, %dma_wait3A_109, %dma_wait3A_110] : memref<50x16384x64xf32, #tpu.memory_space<hbm>> -> memref<1x400x64xf32, #tpu.memory_space<hbm>>
    %dma_wait3A_112 = tpu.memref_squeeze %dma_wait3A_111 : memref<1x400x64xf32, #tpu.memory_space<hbm>> -> memref<400x64xf32, #tpu.memory_space<hbm>>
    %dma_wait3A_113 = arith.constant 0 : i32
    %dma_wait3A_114 = arith.constant 0 : i32
    %dma_wait3A_115 = tpu.memref_slice %arg4[%dma_wait3A_104, %dma_wait3A_113, %dma_wait3A_114] : memref<50x16384x64xf32, #tpu.memory_space<hbm>> -> memref<1x400x64xf32, #tpu.memory_space<hbm>>
    %dma_wait3A_116 = tpu.memref_squeeze %dma_wait3A_115 : memref<1x400x64xf32, #tpu.memory_space<hbm>> -> memref<400x64xf32, #tpu.memory_space<hbm>>
    %dma_wait3A_117 = arith.constant 0 : i32
    %dma_wait3A_118 = arith.constant 0 : i32
    %dma_wait3A_119 = tpu.memref_slice %arg6[%dma_wait3A_103, %dma_wait3A_117, %dma_wait3A_118] : memref<4x400x64xf32, #tpu.memory_space<vmem>> -> memref<1x400x64xf32, #tpu.memory_space<vmem>>
    %dma_wait3A_120 = tpu.memref_squeeze %dma_wait3A_119 : memref<1x400x64xf32, #tpu.memory_space<vmem>> -> memref<400x64xf32, #tpu.memory_space<vmem>>
    tpu.wait_dma2 semaphore(%arg12 : memref<!tpu.dma_semaphore, #tpu.memory_space<semaphore_mem>>) src(%dma_wait3A_120 : memref<400x64xf32, #tpu.memory_space<vmem>>) dst(%dma_wait3A_116 : memref<400x64xf32, #tpu.memory_space<hbm>>)
    %scan3A_121 = arith.constant 0 : i32
    %scan3A_122 = arith.constant 0 : i32
    %scan3A_123 = arith.constant 50 : i32
    %scan3A_124 = arith.addi %scan3A_122, %scan3A_123 : i32
    %scan3A_125 = arith.constant 1 : i32
    scf.for %scan3A_415 = %scan3A_122 to %scan3A_124 step %scan3A_125  : i32 {
      %mul3A_416 = arith.constant 8 : i32
      %mul3A_417 = arith.muli %scan3A_415, %mul3A_416 : i32
      %dma_start3A = arith.constant 1 : i32
      %dma_start3A_418 = arith.constant 0 : i32
      %dma_start3A_419 = tpu.memref_slice %arg6[%dma_start3A, %mul3A_417, %dma_start3A_418] : memref<4x400x64xf32, #tpu.memory_space<vmem>> -> memref<1x8x64xf32, #tpu.memory_space<vmem>>
      %dma_start3A_420 = tpu.memref_squeeze %dma_start3A_419 : memref<1x8x64xf32, #tpu.memory_space<vmem>> -> memref<8x64xf32, #tpu.memory_space<vmem>>
      %dma_start3A_421 = arith.constant 40 : i32
      %dma_start3A_422 = tpu.memref_slice %arg5[%scan3A_415, %dma_start3A_421] : memref<50x512xi32, #tpu.memory_space<vmem>> -> memref<1x8xi32, #tpu.memory_space<vmem>>
      %dma_start3A_423 = tpu.memref_squeeze %dma_start3A_422 : memref<1x8xi32, #tpu.memory_space<vmem>> -> memref<8xi32, #tpu.memory_space<vmem>>
      %dma_start3A_424 = arith.constant 0 : i32
      %dma_start3A_425 = arith.constant 0 : i32
      %dma_start3A_426 = tpu.memref_slice %arg2[%dma_start3A_424, %dma_start3A_425] : memref<1000000x64xf32, #tpu.memory_space<hbm>> -> memref<1000000x64xf32, #tpu.memory_space<hbm>>
      tpu.enqueue_indirect_dma source(%dma_start3A_426 : memref<1000000x64xf32, #tpu.memory_space<hbm>>) target(%dma_start3A_420 : memref<8x64xf32, #tpu.memory_space<vmem>>) offsets(%dma_start3A_423 : memref<8xi32, #tpu.memory_space<vmem>>) semaphore(%arg8 : memref<!tpu.dma_semaphore, #tpu.memory_space<semaphore_mem>>)
    }
    %scan3A_126 = arith.constant 50 : i32
    %dma_wait3A_127 = arith.constant 2 : i32
    %dma_wait3A_128 = arith.constant 0 : i32
    %dma_wait3A_129 = arith.constant 0 : i32
    %dma_wait3A_130 = tpu.memref_slice %arg6[%dma_wait3A_127, %dma_wait3A_128, %dma_wait3A_129] : memref<4x400x64xf32, #tpu.memory_space<vmem>> -> memref<1x400x64xf32, #tpu.memory_space<vmem>>
    %dma_wait3A_131 = tpu.memref_squeeze %dma_wait3A_130 : memref<1x400x64xf32, #tpu.memory_space<vmem>> -> memref<400x64xf32, #tpu.memory_space<vmem>>
    %dma_wait3A_132 = arith.constant 0 : i32
    %dma_wait3A_133 = arith.constant 0 : i32
    %dma_wait3A_134 = tpu.memref_slice %arg2[%dma_wait3A_132, %dma_wait3A_133] : memref<1000000x64xf32, #tpu.memory_space<hbm>> -> memref<400x64xf32, #tpu.memory_space<hbm>>
    %dma_wait3A_135 = arith.constant 0 : i32
    %dma_wait3A_136 = arith.constant 0 : i32
    %dma_wait3A_137 = tpu.memref_slice %arg6[%dma_wait3A_127, %dma_wait3A_135, %dma_wait3A_136] : memref<4x400x64xf32, #tpu.memory_space<vmem>> -> memref<1x400x64xf32, #tpu.memory_space<vmem>>
    %dma_wait3A_138 = tpu.memref_squeeze %dma_wait3A_137 : memref<1x400x64xf32, #tpu.memory_space<vmem>> -> memref<400x64xf32, #tpu.memory_space<vmem>>
    %dma_wait3A_139 = arith.constant 0 : i32
    %dma_wait3A_140 = arith.constant 0 : i32
    %dma_wait3A_141 = tpu.memref_slice %arg2[%dma_wait3A_139, %dma_wait3A_140] : memref<1000000x64xf32, #tpu.memory_space<hbm>> -> memref<400x64xf32, #tpu.memory_space<hbm>>
    tpu.wait_dma2 semaphore(%arg9 : memref<!tpu.dma_semaphore, #tpu.memory_space<semaphore_mem>>) src(%dma_wait3A_141 : memref<400x64xf32, #tpu.memory_space<hbm>>) dst(%dma_wait3A_138 : memref<400x64xf32, #tpu.memory_space<vmem>>)
    %scan3A_142 = arith.constant 0 : i32
    %scan3A_143 = arith.constant 0 : i32
    %scan3A_144 = arith.constant 400 : i32
    %scan3A_145 = arith.addi %scan3A_143, %scan3A_144 : i32
    %scan3A_146 = arith.constant 2 : i32
    scf.for %scan3A_415 = %scan3A_143 to %scan3A_145 step %scan3A_146  : i32 {
      %get3A = arith.constant 2 : i32
      %get3A_416 = arith.index_cast %get3A : i32 to index
      %get3A_417 = arith.index_cast %scan3A_415 : i32 to index
      %get3A_418 = arith.constant 0 : index
      %get3A_419 = tpu.vector_load %arg6[%get3A_416, %get3A_417, %get3A_418] {strides = array<i32>} : memref<4x400x64xf32, #tpu.memory_space<vmem>>, vector<1x1x16xf32>,
      %get3A_420 = vector.shape_cast %get3A_419 : vector<1x1x16xf32> to vector<16xf32>
      %mul3A_421 = arith.constant 8.000000e+00 : f32
      %mul3A_422 = vector.broadcast %mul3A_421 : f32 to vector<16xf32>
      %mul3A_423 = arith.mulf %get3A_420, %mul3A_422 : vector<16xf32>
      %swap3A = arith.constant 2 : i32
      %swap3A_424 = arith.index_cast %swap3A : i32 to index
      %swap3A_425 = arith.index_cast %scan3A_415 : i32 to index
      %swap3A_426 = arith.constant 0 : index
      %swap3A_427 = tpu.vector_load %arg6[%swap3A_424, %swap3A_425, %swap3A_426] {strides = array<i32>} : memref<4x400x64xf32, #tpu.memory_space<vmem>>, vector<1x1x16xf32>,
      %swap3A_428 = vector.shape_cast %swap3A_427 : vector<1x1x16xf32> to vector<16xf32>
      %swap3A_429 = vector.shape_cast %mul3A_423 : vector<16xf32> to vector<1x1x16xf32>
      tpu.vector_store %arg6[%swap3A_424, %swap3A_425, %swap3A_426], %swap3A_429 {strides = array<i32>} : memref<4x400x64xf32, #tpu.memory_space<vmem>>, vector<1x1x16xf32>,
      %get3A_430 = arith.constant 2 : i32
      %get3A_431 = arith.index_cast %get3A_430 : i32 to index
      %get3A_432 = arith.index_cast %scan3A_415 : i32 to index
      %get3A_433 = arith.constant 16 : index
      %get3A_434 = tpu.vector_load %arg6[%get3A_431, %get3A_432, %get3A_433] {strides = array<i32>} : memref<4x400x64xf32, #tpu.memory_space<vmem>>, vector<1x1x16xf32>,
      %get3A_435 = vector.shape_cast %get3A_434 : vector<1x1x16xf32> to vector<16xf32>
      %mul3A_436 = arith.constant 8.000000e+00 : f32
      %mul3A_437 = vector.broadcast %mul3A_436 : f32 to vector<16xf32>
      %mul3A_438 = arith.mulf %get3A_435, %mul3A_437 : vector<16xf32>
      %swap3A_439 = arith.constant 2 : i32
      %swap3A_440 = arith.index_cast %swap3A_439 : i32 to index
      %swap3A_441 = arith.index_cast %scan3A_415 : i32 to index
      %swap3A_442 = arith.constant 16 : index
      %swap3A_443 = tpu.vector_load %arg6[%swap3A_440, %swap3A_441, %swap3A_442] {strides = array<i32>} : memref<4x400x64xf32, #tpu.memory_space<vmem>>, vector<1x1x16xf32>,
      %swap3A_444 = vector.shape_cast %swap3A_443 : vector<1x1x16xf32> to vector<16xf32>
      %swap3A_445 = vector.shape_cast %mul3A_438 : vector<16xf32> to vector<1x1x16xf32>
      tpu.vector_store %arg6[%swap3A_440, %swap3A_441, %swap3A_442], %swap3A_445 {strides = array<i32>} : memref<4x400x64xf32, #tpu.memory_space<vmem>>, vector<1x1x16xf32>,
      %get3A_446 = arith.constant 2 : i32
      %get3A_447 = arith.index_cast %get3A_446 : i32 to index
      %get3A_448 = arith.index_cast %scan3A_415 : i32 to index
      %get3A_449 = arith.constant 32 : index
      %get3A_450 = tpu.vector_load %arg6[%get3A_447, %get3A_448, %get3A_449] {strides = array<i32>} : memref<4x400x64xf32, #tpu.memory_space<vmem>>, vector<1x1x16xf32>,
      %get3A_451 = vector.shape_cast %get3A_450 : vector<1x1x16xf32> to vector<16xf32>
      %mul3A_452 = arith.constant 8.000000e+00 : f32
      %mul3A_453 = vector.broadcast %mul3A_452 : f32 to vector<16xf32>
      %mul3A_454 = arith.mulf %get3A_451, %mul3A_453 : vector<16xf32>
      %swap3A_455 = arith.constant 2 : i32
      %swap3A_456 = arith.index_cast %swap3A_455 : i32 to index
      %swap3A_457 = arith.index_cast %scan3A_415 : i32 to index
      %swap3A_458 = arith.constant 32 : index
      %swap3A_459 = tpu.vector_load %arg6[%swap3A_456, %swap3A_457, %swap3A_458] {strides = array<i32>} : memref<4x400x64xf32, #tpu.memory_space<vmem>>, vector<1x1x16xf32>,
      %swap3A_460 = vector.shape_cast %swap3A_459 : vector<1x1x16xf32> to vector<16xf32>
      %swap3A_461 = vector.shape_cast %mul3A_454 : vector<16xf32> to vector<1x1x16xf32>
      tpu.vector_store %arg6[%swap3A_456, %swap3A_457, %swap3A_458], %swap3A_461 {strides = array<i32>} : memref<4x400x64xf32, #tpu.memory_space<vmem>>, vector<1x1x16xf32>,
      %get3A_462 = arith.constant 2 : i32
      %get3A_463 = arith.index_cast %get3A_462 : i32 to index
      %get3A_464 = arith.index_cast %scan3A_415 : i32 to index
      %get3A_465 = arith.constant 48 : index
      %get3A_466 = tpu.vector_load %arg6[%get3A_463, %get3A_464, %get3A_465] {strides = array<i32>} : memref<4x400x64xf32, #tpu.memory_space<vmem>>, vector<1x1x16xf32>,
      %get3A_467 = vector.shape_cast %get3A_466 : vector<1x1x16xf32> to vector<16xf32>
      %mul3A_468 = arith.constant 8.000000e+00 : f32
      %mul3A_469 = vector.broadcast %mul3A_468 : f32 to vector<16xf32>
      %mul3A_470 = arith.mulf %get3A_467, %mul3A_469 : vector<16xf32>
      %swap3A_471 = arith.constant 2 : i32
      %swap3A_472 = arith.index_cast %swap3A_471 : i32 to index
      %swap3A_473 = arith.index_cast %scan3A_415 : i32 to index
      %swap3A_474 = arith.constant 48 : index
      %swap3A_475 = tpu.vector_load %arg6[%swap3A_472, %swap3A_473, %swap3A_474] {strides = array<i32>} : memref<4x400x64xf32, #tpu.memory_space<vmem>>, vector<1x1x16xf32>,
      %swap3A_476 = vector.shape_cast %swap3A_475 : vector<1x1x16xf32> to vector<16xf32>
      %swap3A_477 = vector.shape_cast %mul3A_470 : vector<16xf32> to vector<1x1x16xf32>
      tpu.vector_store %arg6[%swap3A_472, %swap3A_473, %swap3A_474], %swap3A_477 {strides = array<i32>} : memref<4x400x64xf32, #tpu.memory_space<vmem>>, vector<1x1x16xf32>,
      %scan3A_478 = arith.constant 1 : i32
      %scan3A_479 = arith.addi %scan3A_415, %scan3A_478 : i32
      %get3A_480 = arith.constant 2 : i32
      %get3A_481 = arith.index_cast %get3A_480 : i32 to index
      %get3A_482 = arith.index_cast %scan3A_479 : i32 to index
      %get3A_483 = arith.constant 0 : index
      %get3A_484 = tpu.vector_load %arg6[%get3A_481, %get3A_482, %get3A_483] {strides = array<i32>} : memref<4x400x64xf32, #tpu.memory_space<vmem>>, vector<1x1x16xf32>,
      %get3A_485 = vector.shape_cast %get3A_484 : vector<1x1x16xf32> to vector<16xf32>
      %mul3A_486 = arith.constant 8.000000e+00 : f32
      %mul3A_487 = vector.broadcast %mul3A_486 : f32 to vector<16xf32>
      %mul3A_488 = arith.mulf %get3A_485, %mul3A_487 : vector<16xf32>
      %swap3A_489 = arith.constant 2 : i32
      %swap3A_490 = arith.index_cast %swap3A_489 : i32 to index
      %swap3A_491 = arith.index_cast %scan3A_479 : i32 to index
      %swap3A_492 = arith.constant 0 : index
      %swap3A_493 = tpu.vector_load %arg6[%swap3A_490, %swap3A_491, %swap3A_492] {strides = array<i32>} : memref<4x400x64xf32, #tpu.memory_space<vmem>>, vector<1x1x16xf32>,
      %swap3A_494 = vector.shape_cast %swap3A_493 : vector<1x1x16xf32> to vector<16xf32>
      %swap3A_495 = vector.shape_cast %mul3A_488 : vector<16xf32> to vector<1x1x16xf32>
      tpu.vector_store %arg6[%swap3A_490, %swap3A_491, %swap3A_492], %swap3A_495 {strides = array<i32>} : memref<4x400x64xf32, #tpu.memory_space<vmem>>, vector<1x1x16xf32>,
      %get3A_496 = arith.constant 2 : i32
      %get3A_497 = arith.index_cast %get3A_496 : i32 to index
      %get3A_498 = arith.index_cast %scan3A_479 : i32 to index
      %get3A_499 = arith.constant 16 : index
      %get3A_500 = tpu.vector_load %arg6[%get3A_497, %get3A_498, %get3A_499] {strides = array<i32>} : memref<4x400x64xf32, #tpu.memory_space<vmem>>, vector<1x1x16xf32>,
      %get3A_501 = vector.shape_cast %get3A_500 : vector<1x1x16xf32> to vector<16xf32>
      %mul3A_502 = arith.constant 8.000000e+00 : f32
      %mul3A_503 = vector.broadcast %mul3A_502 : f32 to vector<16xf32>
      %mul3A_504 = arith.mulf %get3A_501, %mul3A_503 : vector<16xf32>
      %swap3A_505 = arith.constant 2 : i32
      %swap3A_506 = arith.index_cast %swap3A_505 : i32 to index
      %swap3A_507 = arith.index_cast %scan3A_479 : i32 to index
      %swap3A_508 = arith.constant 16 : index
      %swap3A_509 = tpu.vector_load %arg6[%swap3A_506, %swap3A_507, %swap3A_508] {strides = array<i32>} : memref<4x400x64xf32, #tpu.memory_space<vmem>>, vector<1x1x16xf32>,
      %swap3A_510 = vector.shape_cast %swap3A_509 : vector<1x1x16xf32> to vector<16xf32>
      %swap3A_511 = vector.shape_cast %mul3A_504 : vector<16xf32> to vector<1x1x16xf32>
      tpu.vector_store %arg6[%swap3A_506, %swap3A_507, %swap3A_508], %swap3A_511 {strides = array<i32>} : memref<4x400x64xf32, #tpu.memory_space<vmem>>, vector<1x1x16xf32>,
      %get3A_512 = arith.constant 2 : i32
      %get3A_513 = arith.index_cast %get3A_512 : i32 to index
      %get3A_514 = arith.index_cast %scan3A_479 : i32 to index
      %get3A_515 = arith.constant 32 : index
      %get3A_516 = tpu.vector_load %arg6[%get3A_513, %get3A_514, %get3A_515] {strides = array<i32>} : memref<4x400x64xf32, #tpu.memory_space<vmem>>, vector<1x1x16xf32>,
      %get3A_517 = vector.shape_cast %get3A_516 : vector<1x1x16xf32> to vector<16xf32>
      %mul3A_518 = arith.constant 8.000000e+00 : f32
      %mul3A_519 = vector.broadcast %mul3A_518 : f32 to vector<16xf32>
      %mul3A_520 = arith.mulf %get3A_517, %mul3A_519 : vector<16xf32>
      %swap3A_521 = arith.constant 2 : i32
      %swap3A_522 = arith.index_cast %swap3A_521 : i32 to index
      %swap3A_523 = arith.index_cast %scan3A_479 : i32 to index
      %swap3A_524 = arith.constant 32 : index
      %swap3A_525 = tpu.vector_load %arg6[%swap3A_522, %swap3A_523, %swap3A_524] {strides = array<i32>} : memref<4x400x64xf32, #tpu.memory_space<vmem>>, vector<1x1x16xf32>,
      %swap3A_526 = vector.shape_cast %swap3A_525 : vector<1x1x16xf32> to vector<16xf32>
      %swap3A_527 = vector.shape_cast %mul3A_520 : vector<16xf32> to vector<1x1x16xf32>
      tpu.vector_store %arg6[%swap3A_522, %swap3A_523, %swap3A_524], %swap3A_527 {strides = array<i32>} : memref<4x400x64xf32, #tpu.memory_space<vmem>>, vector<1x1x16xf32>,
      %get3A_528 = arith.constant 2 : i32
      %get3A_529 = arith.index_cast %get3A_528 : i32 to index
      %get3A_530 = arith.index_cast %scan3A_479 : i32 to index
      %get3A_531 = arith.constant 48 : index
      %get3A_532 = tpu.vector_load %arg6[%get3A_529, %get3A_530, %get3A_531] {strides = array<i32>} : memref<4x400x64xf32, #tpu.memory_space<vmem>>, vector<1x1x16xf32>,
      %get3A_533 = vector.shape_cast %get3A_532 : vector<1x1x16xf32> to vector<16xf32>
      %mul3A_534 = arith.constant 8.000000e+00 : f32
      %mul3A_535 = vector.broadcast %mul3A_534 : f32 to vector<16xf32>
      %mul3A_536 = arith.mulf %get3A_533, %mul3A_535 : vector<16xf32>
      %swap3A_537 = arith.constant 2 : i32
      %swap3A_538 = arith.index_cast %swap3A_537 : i32 to index
      %swap3A_539 = arith.index_cast %scan3A_479 : i32 to index
      %swap3A_540 = arith.constant 48 : index
      %swap3A_541 = tpu.vector_load %arg6[%swap3A_538, %swap3A_539, %swap3A_540] {strides = array<i32>} : memref<4x400x64xf32, #tpu.memory_space<vmem>>, vector<1x1x16xf32>,
      %swap3A_542 = vector.shape_cast %swap3A_541 : vector<1x1x16xf32> to vector<16xf32>
      %swap3A_543 = vector.shape_cast %mul3A_536 : vector<16xf32> to vector<1x1x16xf32>
      tpu.vector_store %arg6[%swap3A_538, %swap3A_539, %swap3A_540], %swap3A_543 {strides = array<i32>} : memref<4x400x64xf32, #tpu.memory_space<vmem>>, vector<1x1x16xf32>,
    }
    %scan3A_147 = arith.constant 400 : i32
    %scan3A_148 = arith.constant 0 : i32
    %scan3A_149 = arith.constant 0 : i32
    %scan3A_150 = arith.constant 50 : i32
    %scan3A_151 = arith.addi %scan3A_149, %scan3A_150 : i32
    %scan3A_152 = arith.constant 1 : i32
    scf.for %scan3A_415 = %scan3A_149 to %scan3A_151 step %scan3A_152  : i32 {
      %mul3A_416 = arith.constant 8 : i32
      %mul3A_417 = arith.muli %scan3A_415, %mul3A_416 : i32
      %add3A_418 = arith.constant 16 : i32
      %add3A_419 = arith.addi %multiple_of3A, %add3A_418 : i32
      %dma_start3A = arith.constant 2 : i32
      %dma_start3A_420 = arith.constant 0 : i32
      %dma_start3A_421 = tpu.memref_slice %arg6[%dma_start3A, %mul3A_417, %dma_start3A_420] : memref<4x400x64xf32, #tpu.memory_space<vmem>> -> memref<1x8x64xf32, #tpu.memory_space<vmem>>
      %dma_start3A_422 = tpu.memref_squeeze %dma_start3A_421 : memref<1x8x64xf32, #tpu.memory_space<vmem>> -> memref<8x64xf32, #tpu.memory_space<vmem>>
      %dma_start3A_423 = arith.constant 0 : i32
      %dma_start3A_424 = tpu.memref_slice %arg4[%scan3A_415, %add3A_419, %dma_start3A_423] : memref<50x16384x64xf32, #tpu.memory_space<hbm>> -> memref<1x8x64xf32, #tpu.memory_space<hbm>>
      %dma_start3A_425 = tpu.memref_squeeze %dma_start3A_424 : memref<1x8x64xf32, #tpu.memory_space<hbm>> -> memref<8x64xf32, #tpu.memory_space<hbm>>
      %dma_start3A_426 = arith.constant 0 : i32
      %dma_start3A_427 = tpu.memref_slice %arg4[%scan3A_415, %add3A_419, %dma_start3A_426] : memref<50x16384x64xf32, #tpu.memory_space<hbm>> -> memref<1x8x64xf32, #tpu.memory_space<hbm>>
      %dma_start3A_428 = tpu.memref_squeeze %dma_start3A_427 : memref<1x8x64xf32, #tpu.memory_space<hbm>> -> memref<8x64xf32, #tpu.memory_space<hbm>>
      %dma_start3A_429 = arith.constant 0 : i32
      %dma_start3A_430 = tpu.memref_slice %arg6[%dma_start3A, %mul3A_417, %dma_start3A_429] : memref<4x400x64xf32, #tpu.memory_space<vmem>> -> memref<1x8x64xf32, #tpu.memory_space<vmem>>
      %dma_start3A_431 = tpu.memref_squeeze %dma_start3A_430 : memref<1x8x64xf32, #tpu.memory_space<vmem>> -> memref<8x64xf32, #tpu.memory_space<vmem>>
      tpu.enqueue_dma source(%dma_start3A_431 : memref<8x64xf32, #tpu.memory_space<vmem>>) target(%dma_start3A_428 : memref<8x64xf32, #tpu.memory_space<hbm>>) target_semaphore(%arg13 : memref<!tpu.dma_semaphore, #tpu.memory_space<semaphore_mem>>)
    }
    %scan3A_153 = arith.constant 50 : i32
    %dma_wait3A_154 = arith.constant 2 : i32
    %dma_wait3A_155 = arith.constant 0 : i32
    %dma_wait3A_156 = arith.constant 0 : i32
    %dma_wait3A_157 = arith.constant 0 : i32
    %dma_wait3A_158 = tpu.memref_slice %arg6[%dma_wait3A_154, %dma_wait3A_156, %dma_wait3A_157] : memref<4x400x64xf32, #tpu.memory_space<vmem>> -> memref<1x400x64xf32, #tpu.memory_space<vmem>>
    %dma_wait3A_159 = tpu.memref_squeeze %dma_wait3A_158 : memref<1x400x64xf32, #tpu.memory_space<vmem>> -> memref<400x64xf32, #tpu.memory_space<vmem>>
    %dma_wait3A_160 = arith.constant 0 : i32
    %dma_wait3A_161 = arith.constant 0 : i32
    %dma_wait3A_162 = tpu.memref_slice %arg4[%dma_wait3A_155, %dma_wait3A_160, %dma_wait3A_161] : memref<50x16384x64xf32, #tpu.memory_space<hbm>> -> memref<1x400x64xf32, #tpu.memory_space<hbm>>
    %dma_wait3A_163 = tpu.memref_squeeze %dma_wait3A_162 : memref<1x400x64xf32, #tpu.memory_space<hbm>> -> memref<400x64xf32, #tpu.memory_space<hbm>>
    %dma_wait3A_164 = arith.constant 0 : i32
    %dma_wait3A_165 = arith.constant 0 : i32
    %dma_wait3A_166 = tpu.memref_slice %arg4[%dma_wait3A_155, %dma_wait3A_164, %dma_wait3A_165] : memref<50x16384x64xf32, #tpu.memory_space<hbm>> -> memref<1x400x64xf32, #tpu.memory_space<hbm>>
    %dma_wait3A_167 = tpu.memref_squeeze %dma_wait3A_166 : memref<1x400x64xf32, #tpu.memory_space<hbm>> -> memref<400x64xf32, #tpu.memory_space<hbm>>
    %dma_wait3A_168 = arith.constant 0 : i32
    %dma_wait3A_169 = arith.constant 0 : i32
    %dma_wait3A_170 = tpu.memref_slice %arg6[%dma_wait3A_154, %dma_wait3A_168, %dma_wait3A_169] : memref<4x400x64xf32, #tpu.memory_space<vmem>> -> memref<1x400x64xf32, #tpu.memory_space<vmem>>
    %dma_wait3A_171 = tpu.memref_squeeze %dma_wait3A_170 : memref<1x400x64xf32, #tpu.memory_space<vmem>> -> memref<400x64xf32, #tpu.memory_space<vmem>>
    tpu.wait_dma2 semaphore(%arg13 : memref<!tpu.dma_semaphore, #tpu.memory_space<semaphore_mem>>) src(%dma_wait3A_171 : memref<400x64xf32, #tpu.memory_space<vmem>>) dst(%dma_wait3A_167 : memref<400x64xf32, #tpu.memory_space<hbm>>)
    %scan3A_172 = arith.constant 0 : i32
    %scan3A_173 = arith.constant 0 : i32
    %scan3A_174 = arith.constant 50 : i32
    %scan3A_175 = arith.addi %scan3A_173, %scan3A_174 : i32
    %scan3A_176 = arith.constant 1 : i32
    scf.for %scan3A_415 = %scan3A_173 to %scan3A_175 step %scan3A_176  : i32 {
      %mul3A_416 = arith.constant 8 : i32
      %mul3A_417 = arith.muli %scan3A_415, %mul3A_416 : i32
      %dma_start3A = arith.constant 2 : i32
      %dma_start3A_418 = arith.constant 0 : i32
      %dma_start3A_419 = tpu.memref_slice %arg6[%dma_start3A, %mul3A_417, %dma_start3A_418] : memref<4x400x64xf32, #tpu.memory_space<vmem>> -> memref<1x8x64xf32, #tpu.memory_space<vmem>>
      %dma_start3A_420 = tpu.memref_squeeze %dma_start3A_419 : memref<1x8x64xf32, #tpu.memory_space<vmem>> -> memref<8x64xf32, #tpu.memory_space<vmem>>
      %dma_start3A_421 = arith.constant 48 : i32
      %dma_start3A_422 = tpu.memref_slice %arg5[%scan3A_415, %dma_start3A_421] : memref<50x512xi32, #tpu.memory_space<vmem>> -> memref<1x8xi32, #tpu.memory_space<vmem>>
      %dma_start3A_423 = tpu.memref_squeeze %dma_start3A_422 : memref<1x8xi32, #tpu.memory_space<vmem>> -> memref<8xi32, #tpu.memory_space<vmem>>
      %dma_start3A_424 = arith.constant 0 : i32
      %dma_start3A_425 = arith.constant 0 : i32
      %dma_start3A_426 = tpu.memref_slice %arg2[%dma_start3A_424, %dma_start3A_425] : memref<1000000x64xf32, #tpu.memory_space<hbm>> -> memref<1000000x64xf32, #tpu.memory_space<hbm>>
      tpu.enqueue_indirect_dma source(%dma_start3A_426 : memref<1000000x64xf32, #tpu.memory_space<hbm>>) target(%dma_start3A_420 : memref<8x64xf32, #tpu.memory_space<vmem>>) offsets(%dma_start3A_423 : memref<8xi32, #tpu.memory_space<vmem>>) semaphore(%arg9 : memref<!tpu.dma_semaphore, #tpu.memory_space<semaphore_mem>>)
    }
    %scan3A_177 = arith.constant 50 : i32
    %dma_wait3A_178 = arith.constant 3 : i32
    %dma_wait3A_179 = arith.constant 0 : i32
    %dma_wait3A_180 = arith.constant 0 : i32
    %dma_wait3A_181 = tpu.memref_slice %arg6[%dma_wait3A_178, %dma_wait3A_179, %dma_wait3A_180] : memref<4x400x64xf32, #tpu.memory_space<vmem>> -> memref<1x400x64xf32, #tpu.memory_space<vmem>>
    %dma_wait3A_182 = tpu.memref_squeeze %dma_wait3A_181 : memref<1x400x64xf32, #tpu.memory_space<vmem>> -> memref<400x64xf32, #tpu.memory_space<vmem>>
    %dma_wait3A_183 = arith.constant 0 : i32
    %dma_wait3A_184 = arith.constant 0 : i32
    %dma_wait3A_185 = tpu.memref_slice %arg2[%dma_wait3A_183, %dma_wait3A_184] : memref<1000000x64xf32, #tpu.memory_space<hbm>> -> memref<400x64xf32, #tpu.memory_space<hbm>>
    %dma_wait3A_186 = arith.constant 0 : i32
    %dma_wait3A_187 = arith.constant 0 : i32
    %dma_wait3A_188 = tpu.memref_slice %arg6[%dma_wait3A_178, %dma_wait3A_186, %dma_wait3A_187] : memref<4x400x64xf32, #tpu.memory_space<vmem>> -> memref<1x400x64xf32, #tpu.memory_space<vmem>>
    %dma_wait3A_189 = tpu.memref_squeeze %dma_wait3A_188 : memref<1x400x64xf32, #tpu.memory_space<vmem>> -> memref<400x64xf32, #tpu.memory_space<vmem>>
    %dma_wait3A_190 = arith.constant 0 : i32
    %dma_wait3A_191 = arith.constant 0 : i32
    %dma_wait3A_192 = tpu.memref_slice %arg2[%dma_wait3A_190, %dma_wait3A_191] : memref<1000000x64xf32, #tpu.memory_space<hbm>> -> memref<400x64xf32, #tpu.memory_space<hbm>>
    tpu.wait_dma2 semaphore(%arg10 : memref<!tpu.dma_semaphore, #tpu.memory_space<semaphore_mem>>) src(%dma_wait3A_192 : memref<400x64xf32, #tpu.memory_space<hbm>>) dst(%dma_wait3A_189 : memref<400x64xf32, #tpu.memory_space<vmem>>)
    %scan3A_193 = arith.constant 0 : i32
    %scan3A_194 = arith.constant 0 : i32
    %scan3A_195 = arith.constant 400 : i32
    %scan3A_196 = arith.addi %scan3A_194, %scan3A_195 : i32
    %scan3A_197 = arith.constant 2 : i32
    scf.for %scan3A_415 = %scan3A_194 to %scan3A_196 step %scan3A_197  : i32 {
      %get3A = arith.constant 3 : i32
      %get3A_416 = arith.index_cast %get3A : i32 to index
      %get3A_417 = arith.index_cast %scan3A_415 : i32 to index
      %get3A_418 = arith.constant 0 : index
      %get3A_419 = tpu.vector_load %arg6[%get3A_416, %get3A_417, %get3A_418] {strides = array<i32>} : memref<4x400x64xf32, #tpu.memory_space<vmem>>, vector<1x1x16xf32>,
      %get3A_420 = vector.shape_cast %get3A_419 : vector<1x1x16xf32> to vector<16xf32>
      %mul3A_421 = arith.constant 8.000000e+00 : f32
      %mul3A_422 = vector.broadcast %mul3A_421 : f32 to vector<16xf32>
      %mul3A_423 = arith.mulf %get3A_420, %mul3A_422 : vector<16xf32>
      %swap3A = arith.constant 3 : i32
      %swap3A_424 = arith.index_cast %swap3A : i32 to index
      %swap3A_425 = arith.index_cast %scan3A_415 : i32 to index
      %swap3A_426 = arith.constant 0 : index
      %swap3A_427 = tpu.vector_load %arg6[%swap3A_424, %swap3A_425, %swap3A_426] {strides = array<i32>} : memref<4x400x64xf32, #tpu.memory_space<vmem>>, vector<1x1x16xf32>,
      %swap3A_428 = vector.shape_cast %swap3A_427 : vector<1x1x16xf32> to vector<16xf32>
      %swap3A_429 = vector.shape_cast %mul3A_423 : vector<16xf32> to vector<1x1x16xf32>
      tpu.vector_store %arg6[%swap3A_424, %swap3A_425, %swap3A_426], %swap3A_429 {strides = array<i32>} : memref<4x400x64xf32, #tpu.memory_space<vmem>>, vector<1x1x16xf32>,
      %get3A_430 = arith.constant 3 : i32
      %get3A_431 = arith.index_cast %get3A_430 : i32 to index
      %get3A_432 = arith.index_cast %scan3A_415 : i32 to index
      %get3A_433 = arith.constant 16 : index
      %get3A_434 = tpu.vector_load %arg6[%get3A_431, %get3A_432, %get3A_433] {strides = array<i32>} : memref<4x400x64xf32, #tpu.memory_space<vmem>>, vector<1x1x16xf32>,
      %get3A_435 = vector.shape_cast %get3A_434 : vector<1x1x16xf32> to vector<16xf32>
      %mul3A_436 = arith.constant 8.000000e+00 : f32
      %mul3A_437 = vector.broadcast %mul3A_436 : f32 to vector<16xf32>
      %mul3A_438 = arith.mulf %get3A_435, %mul3A_437 : vector<16xf32>
      %swap3A_439 = arith.constant 3 : i32
      %swap3A_440 = arith.index_cast %swap3A_439 : i32 to index
      %swap3A_441 = arith.index_cast %scan3A_415 : i32 to index
      %swap3A_442 = arith.constant 16 : index
      %swap3A_443 = tpu.vector_load %arg6[%swap3A_440, %swap3A_441, %swap3A_442] {strides = array<i32>} : memref<4x400x64xf32, #tpu.memory_space<vmem>>, vector<1x1x16xf32>,
      %swap3A_444 = vector.shape_cast %swap3A_443 : vector<1x1x16xf32> to vector<16xf32>
      %swap3A_445 = vector.shape_cast %mul3A_438 : vector<16xf32> to vector<1x1x16xf32>
      tpu.vector_store %arg6[%swap3A_440, %swap3A_441, %swap3A_442], %swap3A_445 {strides = array<i32>} : memref<4x400x64xf32, #tpu.memory_space<vmem>>, vector<1x1x16xf32>,
      %get3A_446 = arith.constant 3 : i32
      %get3A_447 = arith.index_cast %get3A_446 : i32 to index
      %get3A_448 = arith.index_cast %scan3A_415 : i32 to index
      %get3A_449 = arith.constant 32 : index
      %get3A_450 = tpu.vector_load %arg6[%get3A_447, %get3A_448, %get3A_449] {strides = array<i32>} : memref<4x400x64xf32, #tpu.memory_space<vmem>>, vector<1x1x16xf32>,
      %get3A_451 = vector.shape_cast %get3A_450 : vector<1x1x16xf32> to vector<16xf32>
      %mul3A_452 = arith.constant 8.000000e+00 : f32
      %mul3A_453 = vector.broadcast %mul3A_452 : f32 to vector<16xf32>
      %mul3A_454 = arith.mulf %get3A_451, %mul3A_453 : vector<16xf32>
      %swap3A_455 = arith.constant 3 : i32
      %swap3A_456 = arith.index_cast %swap3A_455 : i32 to index
      %swap3A_457 = arith.index_cast %scan3A_415 : i32 to index
      %swap3A_458 = arith.constant 32 : index
      %swap3A_459 = tpu.vector_load %arg6[%swap3A_456, %swap3A_457, %swap3A_458] {strides = array<i32>} : memref<4x400x64xf32, #tpu.memory_space<vmem>>, vector<1x1x16xf32>,
      %swap3A_460 = vector.shape_cast %swap3A_459 : vector<1x1x16xf32> to vector<16xf32>
      %swap3A_461 = vector.shape_cast %mul3A_454 : vector<16xf32> to vector<1x1x16xf32>
      tpu.vector_store %arg6[%swap3A_456, %swap3A_457, %swap3A_458], %swap3A_461 {strides = array<i32>} : memref<4x400x64xf32, #tpu.memory_space<vmem>>, vector<1x1x16xf32>,
      %get3A_462 = arith.constant 3 : i32
      %get3A_463 = arith.index_cast %get3A_462 : i32 to index
      %get3A_464 = arith.index_cast %scan3A_415 : i32 to index
      %get3A_465 = arith.constant 48 : index
      %get3A_466 = tpu.vector_load %arg6[%get3A_463, %get3A_464, %get3A_465] {strides = array<i32>} : memref<4x400x64xf32, #tpu.memory_space<vmem>>, vector<1x1x16xf32>,
      %get3A_467 = vector.shape_cast %get3A_466 : vector<1x1x16xf32> to vector<16xf32>
      %mul3A_468 = arith.constant 8.000000e+00 : f32
      %mul3A_469 = vector.broadcast %mul3A_468 : f32 to vector<16xf32>
      %mul3A_470 = arith.mulf %get3A_467, %mul3A_469 : vector<16xf32>
      %swap3A_471 = arith.constant 3 : i32
      %swap3A_472 = arith.index_cast %swap3A_471 : i32 to index
      %swap3A_473 = arith.index_cast %scan3A_415 : i32 to index
      %swap3A_474 = arith.constant 48 : index
      %swap3A_475 = tpu.vector_load %arg6[%swap3A_472, %swap3A_473, %swap3A_474] {strides = array<i32>} : memref<4x400x64xf32, #tpu.memory_space<vmem>>, vector<1x1x16xf32>,
      %swap3A_476 = vector.shape_cast %swap3A_475 : vector<1x1x16xf32> to vector<16xf32>
      %swap3A_477 = vector.shape_cast %mul3A_470 : vector<16xf32> to vector<1x1x16xf32>
      tpu.vector_store %arg6[%swap3A_472, %swap3A_473, %swap3A_474], %swap3A_477 {strides = array<i32>} : memref<4x400x64xf32, #tpu.memory_space<vmem>>, vector<1x1x16xf32>,
      %scan3A_478 = arith.constant 1 : i32
      %scan3A_479 = arith.addi %scan3A_415, %scan3A_478 : i32
      %get3A_480 = arith.constant 3 : i32
      %get3A_481 = arith.index_cast %get3A_480 : i32 to index
      %get3A_482 = arith.index_cast %scan3A_479 : i32 to index
      %get3A_483 = arith.constant 0 : index
      %get3A_484 = tpu.vector_load %arg6[%get3A_481, %get3A_482, %get3A_483] {strides = array<i32>} : memref<4x400x64xf32, #tpu.memory_space<vmem>>, vector<1x1x16xf32>,
      %get3A_485 = vector.shape_cast %get3A_484 : vector<1x1x16xf32> to vector<16xf32>
      %mul3A_486 = arith.constant 8.000000e+00 : f32
      %mul3A_487 = vector.broadcast %mul3A_486 : f32 to vector<16xf32>
      %mul3A_488 = arith.mulf %get3A_485, %mul3A_487 : vector<16xf32>
      %swap3A_489 = arith.constant 3 : i32
      %swap3A_490 = arith.index_cast %swap3A_489 : i32 to index
      %swap3A_491 = arith.index_cast %scan3A_479 : i32 to index
      %swap3A_492 = arith.constant 0 : index
      %swap3A_493 = tpu.vector_load %arg6[%swap3A_490, %swap3A_491, %swap3A_492] {strides = array<i32>} : memref<4x400x64xf32, #tpu.memory_space<vmem>>, vector<1x1x16xf32>,
      %swap3A_494 = vector.shape_cast %swap3A_493 : vector<1x1x16xf32> to vector<16xf32>
      %swap3A_495 = vector.shape_cast %mul3A_488 : vector<16xf32> to vector<1x1x16xf32>
      tpu.vector_store %arg6[%swap3A_490, %swap3A_491, %swap3A_492], %swap3A_495 {strides = array<i32>} : memref<4x400x64xf32, #tpu.memory_space<vmem>>, vector<1x1x16xf32>,
      %get3A_496 = arith.constant 3 : i32
      %get3A_497 = arith.index_cast %get3A_496 : i32 to index
      %get3A_498 = arith.index_cast %scan3A_479 : i32 to index
      %get3A_499 = arith.constant 16 : index
      %get3A_500 = tpu.vector_load %arg6[%get3A_497, %get3A_498, %get3A_499] {strides = array<i32>} : memref<4x400x64xf32, #tpu.memory_space<vmem>>, vector<1x1x16xf32>,
      %get3A_501 = vector.shape_cast %get3A_500 : vector<1x1x16xf32> to vector<16xf32>
      %mul3A_502 = arith.constant 8.000000e+00 : f32
      %mul3A_503 = vector.broadcast %mul3A_502 : f32 to vector<16xf32>
      %mul3A_504 = arith.mulf %get3A_501, %mul3A_503 : vector<16xf32>
      %swap3A_505 = arith.constant 3 : i32
      %swap3A_506 = arith.index_cast %swap3A_505 : i32 to index
      %swap3A_507 = arith.index_cast %scan3A_479 : i32 to index
      %swap3A_508 = arith.constant 16 : index
      %swap3A_509 = tpu.vector_load %arg6[%swap3A_506, %swap3A_507, %swap3A_508] {strides = array<i32>} : memref<4x400x64xf32, #tpu.memory_space<vmem>>, vector<1x1x16xf32>,
      %swap3A_510 = vector.shape_cast %swap3A_509 : vector<1x1x16xf32> to vector<16xf32>
      %swap3A_511 = vector.shape_cast %mul3A_504 : vector<16xf32> to vector<1x1x16xf32>
      tpu.vector_store %arg6[%swap3A_506, %swap3A_507, %swap3A_508], %swap3A_511 {strides = array<i32>} : memref<4x400x64xf32, #tpu.memory_space<vmem>>, vector<1x1x16xf32>,
      %get3A_512 = arith.constant 3 : i32
      %get3A_513 = arith.index_cast %get3A_512 : i32 to index
      %get3A_514 = arith.index_cast %scan3A_479 : i32 to index
      %get3A_515 = arith.constant 32 : index
      %get3A_516 = tpu.vector_load %arg6[%get3A_513, %get3A_514, %get3A_515] {strides = array<i32>} : memref<4x400x64xf32, #tpu.memory_space<vmem>>, vector<1x1x16xf32>,
      %get3A_517 = vector.shape_cast %get3A_516 : vector<1x1x16xf32> to vector<16xf32>
      %mul3A_518 = arith.constant 8.000000e+00 : f32
      %mul3A_519 = vector.broadcast %mul3A_518 : f32 to vector<16xf32>
      %mul3A_520 = arith.mulf %get3A_517, %mul3A_519 : vector<16xf32>
      %swap3A_521 = arith.constant 3 : i32
      %swap3A_522 = arith.index_cast %swap3A_521 : i32 to index
      %swap3A_523 = arith.index_cast %scan3A_479 : i32 to index
      %swap3A_524 = arith.constant 32 : index
      %swap3A_525 = tpu.vector_load %arg6[%swap3A_522, %swap3A_523, %swap3A_524] {strides = array<i32>} : memref<4x400x64xf32, #tpu.memory_space<vmem>>, vector<1x1x16xf32>,
      %swap3A_526 = vector.shape_cast %swap3A_525 : vector<1x1x16xf32> to vector<16xf32>
      %swap3A_527 = vector.shape_cast %mul3A_520 : vector<16xf32> to vector<1x1x16xf32>
      tpu.vector_store %arg6[%swap3A_522, %swap3A_523, %swap3A_524], %swap3A_527 {strides = array<i32>} : memref<4x400x64xf32, #tpu.memory_space<vmem>>, vector<1x1x16xf32>,
      %get3A_528 = arith.constant 3 : i32
      %get3A_529 = arith.index_cast %get3A_528 : i32 to index
      %get3A_530 = arith.index_cast %scan3A_479 : i32 to index
      %get3A_531 = arith.constant 48 : index
      %get3A_532 = tpu.vector_load %arg6[%get3A_529, %get3A_530, %get3A_531] {strides = array<i32>} : memref<4x400x64xf32, #tpu.memory_space<vmem>>, vector<1x1x16xf32>,
      %get3A_533 = vector.shape_cast %get3A_532 : vector<1x1x16xf32> to vector<16xf32>
      %mul3A_534 = arith.constant 8.000000e+00 : f32
      %mul3A_535 = vector.broadcast %mul3A_534 : f32 to vector<16xf32>
      %mul3A_536 = arith.mulf %get3A_533, %mul3A_535 : vector<16xf32>
      %swap3A_537 = arith.constant 3 : i32
      %swap3A_538 = arith.index_cast %swap3A_537 : i32 to index
      %swap3A_539 = arith.index_cast %scan3A_479 : i32 to index
      %swap3A_540 = arith.constant 48 : index
      %swap3A_541 = tpu.vector_load %arg6[%swap3A_538, %swap3A_539, %swap3A_540] {strides = array<i32>} : memref<4x400x64xf32, #tpu.memory_space<vmem>>, vector<1x1x16xf32>,
      %swap3A_542 = vector.shape_cast %swap3A_541 : vector<1x1x16xf32> to vector<16xf32>
      %swap3A_543 = vector.shape_cast %mul3A_536 : vector<16xf32> to vector<1x1x16xf32>
      tpu.vector_store %arg6[%swap3A_538, %swap3A_539, %swap3A_540], %swap3A_543 {strides = array<i32>} : memref<4x400x64xf32, #tpu.memory_space<vmem>>, vector<1x1x16xf32>,
    }
    %scan3A_198 = arith.constant 400 : i32
    %scan3A_199 = arith.constant 0 : i32
    %scan3A_200 = arith.constant 0 : i32
    %scan3A_201 = arith.constant 50 : i32
    %scan3A_202 = arith.addi %scan3A_200, %scan3A_201 : i32
    %scan3A_203 = arith.constant 1 : i32
    scf.for %scan3A_415 = %scan3A_200 to %scan3A_202 step %scan3A_203  : i32 {
      %mul3A_416 = arith.constant 8 : i32
      %mul3A_417 = arith.muli %scan3A_415, %mul3A_416 : i32
      %add3A_418 = arith.constant 24 : i32
      %add3A_419 = arith.addi %multiple_of3A, %add3A_418 : i32
      %dma_start3A = arith.constant 3 : i32
      %dma_start3A_420 = arith.constant 0 : i32
      %dma_start3A_421 = tpu.memref_slice %arg6[%dma_start3A, %mul3A_417, %dma_start3A_420] : memref<4x400x64xf32, #tpu.memory_space<vmem>> -> memref<1x8x64xf32, #tpu.memory_space<vmem>>
      %dma_start3A_422 = tpu.memref_squeeze %dma_start3A_421 : memref<1x8x64xf32, #tpu.memory_space<vmem>> -> memref<8x64xf32, #tpu.memory_space<vmem>>
      %dma_start3A_423 = arith.constant 0 : i32
      %dma_start3A_424 = tpu.memref_slice %arg4[%scan3A_415, %add3A_419, %dma_start3A_423] : memref<50x16384x64xf32, #tpu.memory_space<hbm>> -> memref<1x8x64xf32, #tpu.memory_space<hbm>>
      %dma_start3A_425 = tpu.memref_squeeze %dma_start3A_424 : memref<1x8x64xf32, #tpu.memory_space<hbm>> -> memref<8x64xf32, #tpu.memory_space<hbm>>
      %dma_start3A_426 = arith.constant 0 : i32
      %dma_start3A_427 = tpu.memref_slice %arg4[%scan3A_415, %add3A_419, %dma_start3A_426] : memref<50x16384x64xf32, #tpu.memory_space<hbm>> -> memref<1x8x64xf32, #tpu.memory_space<hbm>>
      %dma_start3A_428 = tpu.memref_squeeze %dma_start3A_427 : memref<1x8x64xf32, #tpu.memory_space<hbm>> -> memref<8x64xf32, #tpu.memory_space<hbm>>
      %dma_start3A_429 = arith.constant 0 : i32
      %dma_start3A_430 = tpu.memref_slice %arg6[%dma_start3A, %mul3A_417, %dma_start3A_429] : memref<4x400x64xf32, #tpu.memory_space<vmem>> -> memref<1x8x64xf32, #tpu.memory_space<vmem>>
      %dma_start3A_431 = tpu.memref_squeeze %dma_start3A_430 : memref<1x8x64xf32, #tpu.memory_space<vmem>> -> memref<8x64xf32, #tpu.memory_space<vmem>>
      tpu.enqueue_dma source(%dma_start3A_431 : memref<8x64xf32, #tpu.memory_space<vmem>>) target(%dma_start3A_428 : memref<8x64xf32, #tpu.memory_space<hbm>>) target_semaphore(%arg14 : memref<!tpu.dma_semaphore, #tpu.memory_space<semaphore_mem>>)
    }
    %scan3A_204 = arith.constant 50 : i32
    %scan3A_205 = arith.constant 0 : i32
    %scan3A_206 = arith.constant 1 : i32
    %scan3A_207 = arith.constant 14 : i32
    %scan3A_208 = arith.addi %scan3A_206, %scan3A_207 : i32
    %scan3A_209 = arith.constant 1 : i32
    scf.for %scan3A_415 = %scan3A_206 to %scan3A_208 step %scan3A_209  : i32 {
      %mul3A_416 = arith.constant 4 : i32
      %mul3A_417 = arith.muli %scan3A_415, %mul3A_416 : i32
      %add3A_418 = arith.constant 0 : i32
      %add3A_419 = arith.addi %mul3A_417, %add3A_418 : i32
      %dma_wait3A_420 = arith.constant 3 : i32
      %dma_wait3A_421 = arith.constant 0 : i32
      %dma_wait3A_422 = arith.constant 0 : i32
      %dma_wait3A_423 = arith.constant 0 : i32
      %dma_wait3A_424 = tpu.memref_slice %arg6[%dma_wait3A_420, %dma_wait3A_422, %dma_wait3A_423] : memref<4x400x64xf32, #tpu.memory_space<vmem>> -> memref<1x400x64xf32, #tpu.memory_space<vmem>>
      %dma_wait3A_425 = tpu.memref_squeeze %dma_wait3A_424 : memref<1x400x64xf32, #tpu.memory_space<vmem>> -> memref<400x64xf32, #tpu.memory_space<vmem>>
      %dma_wait3A_426 = arith.constant 0 : i32
      %dma_wait3A_427 = arith.constant 0 : i32
      %dma_wait3A_428 = tpu.memref_slice %arg4[%dma_wait3A_421, %dma_wait3A_426, %dma_wait3A_427] : memref<50x16384x64xf32, #tpu.memory_space<hbm>> -> memref<1x400x64xf32, #tpu.memory_space<hbm>>
      %dma_wait3A_429 = tpu.memref_squeeze %dma_wait3A_428 : memref<1x400x64xf32, #tpu.memory_space<hbm>> -> memref<400x64xf32, #tpu.memory_space<hbm>>
      %dma_wait3A_430 = arith.constant 0 : i32
      %dma_wait3A_431 = arith.constant 0 : i32
      %dma_wait3A_432 = tpu.memref_slice %arg4[%dma_wait3A_421, %dma_wait3A_430, %dma_wait3A_431] : memref<50x16384x64xf32, #tpu.memory_space<hbm>> -> memref<1x400x64xf32, #tpu.memory_space<hbm>>
      %dma_wait3A_433 = tpu.memref_squeeze %dma_wait3A_432 : memref<1x400x64xf32, #tpu.memory_space<hbm>> -> memref<400x64xf32, #tpu.memory_space<hbm>>
      %dma_wait3A_434 = arith.constant 0 : i32
      %dma_wait3A_435 = arith.constant 0 : i32
      %dma_wait3A_436 = tpu.memref_slice %arg6[%dma_wait3A_420, %dma_wait3A_434, %dma_wait3A_435] : memref<4x400x64xf32, #tpu.memory_space<vmem>> -> memref<1x400x64xf32, #tpu.memory_space<vmem>>
      %dma_wait3A_437 = tpu.memref_squeeze %dma_wait3A_436 : memref<1x400x64xf32, #tpu.memory_space<vmem>> -> memref<400x64xf32, #tpu.memory_space<vmem>>
      tpu.wait_dma2 semaphore(%arg14 : memref<!tpu.dma_semaphore, #tpu.memory_space<semaphore_mem>>) src(%dma_wait3A_437 : memref<400x64xf32, #tpu.memory_space<vmem>>) dst(%dma_wait3A_433 : memref<400x64xf32, #tpu.memory_space<hbm>>)
      %add3A_438 = arith.constant 4 : i32
      %add3A_439 = arith.addi %add3A_419, %add3A_438 : i32
      %sub3A = arith.constant 1 : i32
      %sub3A_440 = arith.subi %add3A_439, %sub3A : i32
      %scan3A_441 = arith.constant 0 : i32
      %scan3A_442 = arith.constant 0 : i32
      %scan3A_443 = arith.constant 50 : i32
      %scan3A_444 = arith.addi %scan3A_442, %scan3A_443 : i32
      %scan3A_445 = arith.constant 1 : i32
      scf.for %scan3A_645 = %scan3A_442 to %scan3A_444 step %scan3A_445  : i32 {
        %mul3A_646 = arith.constant 8 : i32
        %mul3A_647 = arith.muli %sub3A_440, %mul3A_646 : i32
        %mul3A_648 = arith.constant 8 : i32
        %mul3A_649 = arith.muli %scan3A_645, %mul3A_648 : i32
        %dma_start3A = arith.constant 3 : i32
        %dma_start3A_650 = arith.constant 0 : i32
        %dma_start3A_651 = tpu.memref_slice %arg6[%dma_start3A, %mul3A_649, %dma_start3A_650] : memref<4x400x64xf32, #tpu.memory_space<vmem>> -> memref<1x8x64xf32, #tpu.memory_space<vmem>>
        %dma_start3A_652 = tpu.memref_squeeze %dma_start3A_651 : memref<1x8x64xf32, #tpu.memory_space<vmem>> -> memref<8x64xf32, #tpu.memory_space<vmem>>
        %dma_start3A_653 = tpu.memref_slice %arg5[%scan3A_645, %mul3A_647] : memref<50x512xi32, #tpu.memory_space<vmem>> -> memref<1x8xi32, #tpu.memory_space<vmem>>
        %dma_start3A_654 = tpu.memref_squeeze %dma_start3A_653 : memref<1x8xi32, #tpu.memory_space<vmem>> -> memref<8xi32, #tpu.memory_space<vmem>>
        %dma_start3A_655 = arith.constant 0 : i32
        %dma_start3A_656 = arith.constant 0 : i32
        %dma_start3A_657 = tpu.memref_slice %arg2[%dma_start3A_655, %dma_start3A_656] : memref<1000000x64xf32, #tpu.memory_space<hbm>> -> memref<1000000x64xf32, #tpu.memory_space<hbm>>
        tpu.enqueue_indirect_dma source(%dma_start3A_657 : memref<1000000x64xf32, #tpu.memory_space<hbm>>) target(%dma_start3A_652 : memref<8x64xf32, #tpu.memory_space<vmem>>) offsets(%dma_start3A_654 : memref<8xi32, #tpu.memory_space<vmem>>) semaphore(%arg10 : memref<!tpu.dma_semaphore, #tpu.memory_space<semaphore_mem>>)
      }
      %scan3A_446 = arith.constant 50 : i32
      %dma_wait3A_447 = arith.constant 0 : i32
      %dma_wait3A_448 = arith.constant 0 : i32
      %dma_wait3A_449 = arith.constant 0 : i32
      %dma_wait3A_450 = tpu.memref_slice %arg6[%dma_wait3A_447, %dma_wait3A_448, %dma_wait3A_449] : memref<4x400x64xf32, #tpu.memory_space<vmem>> -> memref<1x400x64xf32, #tpu.memory_space<vmem>>
      %dma_wait3A_451 = tpu.memref_squeeze %dma_wait3A_450 : memref<1x400x64xf32, #tpu.memory_space<vmem>> -> memref<400x64xf32, #tpu.memory_space<vmem>>
      %dma_wait3A_452 = arith.constant 0 : i32
      %dma_wait3A_453 = arith.constant 0 : i32
      %dma_wait3A_454 = tpu.memref_slice %arg2[%dma_wait3A_452, %dma_wait3A_453] : memref<1000000x64xf32, #tpu.memory_space<hbm>> -> memref<400x64xf32, #tpu.memory_space<hbm>>
      %dma_wait3A_455 = arith.constant 0 : i32
      %dma_wait3A_456 = arith.constant 0 : i32
      %dma_wait3A_457 = tpu.memref_slice %arg6[%dma_wait3A_447, %dma_wait3A_455, %dma_wait3A_456] : memref<4x400x64xf32, #tpu.memory_space<vmem>> -> memref<1x400x64xf32, #tpu.memory_space<vmem>>
      %dma_wait3A_458 = tpu.memref_squeeze %dma_wait3A_457 : memref<1x400x64xf32, #tpu.memory_space<vmem>> -> memref<400x64xf32, #tpu.memory_space<vmem>>
      %dma_wait3A_459 = arith.constant 0 : i32
      %dma_wait3A_460 = arith.constant 0 : i32
      %dma_wait3A_461 = tpu.memref_slice %arg2[%dma_wait3A_459, %dma_wait3A_460] : memref<1000000x64xf32, #tpu.memory_space<hbm>> -> memref<400x64xf32, #tpu.memory_space<hbm>>
      tpu.wait_dma2 semaphore(%arg7 : memref<!tpu.dma_semaphore, #tpu.memory_space<semaphore_mem>>) src(%dma_wait3A_461 : memref<400x64xf32, #tpu.memory_space<hbm>>) dst(%dma_wait3A_458 : memref<400x64xf32, #tpu.memory_space<vmem>>)
      %scan3A_462 = arith.constant 0 : i32
      %scan3A_463 = arith.constant 0 : i32
      %scan3A_464 = arith.constant 400 : i32
      %scan3A_465 = arith.addi %scan3A_463, %scan3A_464 : i32
      %scan3A_466 = arith.constant 2 : i32
      scf.for %scan3A_645 = %scan3A_463 to %scan3A_465 step %scan3A_466  : i32 {
        %get3A = arith.constant 0 : i32
        %get3A_646 = arith.index_cast %get3A : i32 to index
        %get3A_647 = arith.index_cast %scan3A_645 : i32 to index
        %get3A_648 = arith.constant 0 : index
        %get3A_649 = tpu.vector_load %arg6[%get3A_646, %get3A_647, %get3A_648] {strides = array<i32>} : memref<4x400x64xf32, #tpu.memory_space<vmem>>, vector<1x1x16xf32>,
        %get3A_650 = vector.shape_cast %get3A_649 : vector<1x1x16xf32> to vector<16xf32>
        %mul3A_651 = arith.constant 8.000000e+00 : f32
        %mul3A_652 = vector.broadcast %mul3A_651 : f32 to vector<16xf32>
        %mul3A_653 = arith.mulf %get3A_650, %mul3A_652 : vector<16xf32>
        %swap3A = arith.constant 0 : i32
        %swap3A_654 = arith.index_cast %swap3A : i32 to index
        %swap3A_655 = arith.index_cast %scan3A_645 : i32 to index
        %swap3A_656 = arith.constant 0 : index
        %swap3A_657 = tpu.vector_load %arg6[%swap3A_654, %swap3A_655, %swap3A_656] {strides = array<i32>} : memref<4x400x64xf32, #tpu.memory_space<vmem>>, vector<1x1x16xf32>,
        %swap3A_658 = vector.shape_cast %swap3A_657 : vector<1x1x16xf32> to vector<16xf32>
        %swap3A_659 = vector.shape_cast %mul3A_653 : vector<16xf32> to vector<1x1x16xf32>
        tpu.vector_store %arg6[%swap3A_654, %swap3A_655, %swap3A_656], %swap3A_659 {strides = array<i32>} : memref<4x400x64xf32, #tpu.memory_space<vmem>>, vector<1x1x16xf32>,
        %get3A_660 = arith.constant 0 : i32
        %get3A_661 = arith.index_cast %get3A_660 : i32 to index
        %get3A_662 = arith.index_cast %scan3A_645 : i32 to index
        %get3A_663 = arith.constant 16 : index
        %get3A_664 = tpu.vector_load %arg6[%get3A_661, %get3A_662, %get3A_663] {strides = array<i32>} : memref<4x400x64xf32, #tpu.memory_space<vmem>>, vector<1x1x16xf32>,
        %get3A_665 = vector.shape_cast %get3A_664 : vector<1x1x16xf32> to vector<16xf32>
        %mul3A_666 = arith.constant 8.000000e+00 : f32
        %mul3A_667 = vector.broadcast %mul3A_666 : f32 to vector<16xf32>
        %mul3A_668 = arith.mulf %get3A_665, %mul3A_667 : vector<16xf32>
        %swap3A_669 = arith.constant 0 : i32
        %swap3A_670 = arith.index_cast %swap3A_669 : i32 to index
        %swap3A_671 = arith.index_cast %scan3A_645 : i32 to index
        %swap3A_672 = arith.constant 16 : index
        %swap3A_673 = tpu.vector_load %arg6[%swap3A_670, %swap3A_671, %swap3A_672] {strides = array<i32>} : memref<4x400x64xf32, #tpu.memory_space<vmem>>, vector<1x1x16xf32>,
        %swap3A_674 = vector.shape_cast %swap3A_673 : vector<1x1x16xf32> to vector<16xf32>
        %swap3A_675 = vector.shape_cast %mul3A_668 : vector<16xf32> to vector<1x1x16xf32>
        tpu.vector_store %arg6[%swap3A_670, %swap3A_671, %swap3A_672], %swap3A_675 {strides = array<i32>} : memref<4x400x64xf32, #tpu.memory_space<vmem>>, vector<1x1x16xf32>,
        %get3A_676 = arith.constant 0 : i32
        %get3A_677 = arith.index_cast %get3A_676 : i32 to index
        %get3A_678 = arith.index_cast %scan3A_645 : i32 to index
        %get3A_679 = arith.constant 32 : index
        %get3A_680 = tpu.vector_load %arg6[%get3A_677, %get3A_678, %get3A_679] {strides = array<i32>} : memref<4x400x64xf32, #tpu.memory_space<vmem>>, vector<1x1x16xf32>,
        %get3A_681 = vector.shape_cast %get3A_680 : vector<1x1x16xf32> to vector<16xf32>
        %mul3A_682 = arith.constant 8.000000e+00 : f32
        %mul3A_683 = vector.broadcast %mul3A_682 : f32 to vector<16xf32>
        %mul3A_684 = arith.mulf %get3A_681, %mul3A_683 : vector<16xf32>
        %swap3A_685 = arith.constant 0 : i32
        %swap3A_686 = arith.index_cast %swap3A_685 : i32 to index
        %swap3A_687 = arith.index_cast %scan3A_645 : i32 to index
        %swap3A_688 = arith.constant 32 : index
        %swap3A_689 = tpu.vector_load %arg6[%swap3A_686, %swap3A_687, %swap3A_688] {strides = array<i32>} : memref<4x400x64xf32, #tpu.memory_space<vmem>>, vector<1x1x16xf32>,
        %swap3A_690 = vector.shape_cast %swap3A_689 : vector<1x1x16xf32> to vector<16xf32>
        %swap3A_691 = vector.shape_cast %mul3A_684 : vector<16xf32> to vector<1x1x16xf32>
        tpu.vector_store %arg6[%swap3A_686, %swap3A_687, %swap3A_688], %swap3A_691 {strides = array<i32>} : memref<4x400x64xf32, #tpu.memory_space<vmem>>, vector<1x1x16xf32>,
        %get3A_692 = arith.constant 0 : i32
        %get3A_693 = arith.index_cast %get3A_692 : i32 to index
        %get3A_694 = arith.index_cast %scan3A_645 : i32 to index
        %get3A_695 = arith.constant 48 : index
        %get3A_696 = tpu.vector_load %arg6[%get3A_693, %get3A_694, %get3A_695] {strides = array<i32>} : memref<4x400x64xf32, #tpu.memory_space<vmem>>, vector<1x1x16xf32>,
        %get3A_697 = vector.shape_cast %get3A_696 : vector<1x1x16xf32> to vector<16xf32>
        %mul3A_698 = arith.constant 8.000000e+00 : f32
        %mul3A_699 = vector.broadcast %mul3A_698 : f32 to vector<16xf32>
        %mul3A_700 = arith.mulf %get3A_697, %mul3A_699 : vector<16xf32>
        %swap3A_701 = arith.constant 0 : i32
        %swap3A_702 = arith.index_cast %swap3A_701 : i32 to index
        %swap3A_703 = arith.index_cast %scan3A_645 : i32 to index
        %swap3A_704 = arith.constant 48 : index
        %swap3A_705 = tpu.vector_load %arg6[%swap3A_702, %swap3A_703, %swap3A_704] {strides = array<i32>} : memref<4x400x64xf32, #tpu.memory_space<vmem>>, vector<1x1x16xf32>,
        %swap3A_706 = vector.shape_cast %swap3A_705 : vector<1x1x16xf32> to vector<16xf32>
        %swap3A_707 = vector.shape_cast %mul3A_700 : vector<16xf32> to vector<1x1x16xf32>
        tpu.vector_store %arg6[%swap3A_702, %swap3A_703, %swap3A_704], %swap3A_707 {strides = array<i32>} : memref<4x400x64xf32, #tpu.memory_space<vmem>>, vector<1x1x16xf32>,
        %scan3A_708 = arith.constant 1 : i32
        %scan3A_709 = arith.addi %scan3A_645, %scan3A_708 : i32
        %get3A_710 = arith.constant 0 : i32
        %get3A_711 = arith.index_cast %get3A_710 : i32 to index
        %get3A_712 = arith.index_cast %scan3A_709 : i32 to index
        %get3A_713 = arith.constant 0 : index
        %get3A_714 = tpu.vector_load %arg6[%get3A_711, %get3A_712, %get3A_713] {strides = array<i32>} : memref<4x400x64xf32, #tpu.memory_space<vmem>>, vector<1x1x16xf32>,
        %get3A_715 = vector.shape_cast %get3A_714 : vector<1x1x16xf32> to vector<16xf32>
        %mul3A_716 = arith.constant 8.000000e+00 : f32
        %mul3A_717 = vector.broadcast %mul3A_716 : f32 to vector<16xf32>
        %mul3A_718 = arith.mulf %get3A_715, %mul3A_717 : vector<16xf32>
        %swap3A_719 = arith.constant 0 : i32
        %swap3A_720 = arith.index_cast %swap3A_719 : i32 to index
        %swap3A_721 = arith.index_cast %scan3A_709 : i32 to index
        %swap3A_722 = arith.constant 0 : index
        %swap3A_723 = tpu.vector_load %arg6[%swap3A_720, %swap3A_721, %swap3A_722] {strides = array<i32>} : memref<4x400x64xf32, #tpu.memory_space<vmem>>, vector<1x1x16xf32>,
        %swap3A_724 = vector.shape_cast %swap3A_723 : vector<1x1x16xf32> to vector<16xf32>
        %swap3A_725 = vector.shape_cast %mul3A_718 : vector<16xf32> to vector<1x1x16xf32>
        tpu.vector_store %arg6[%swap3A_720, %swap3A_721, %swap3A_722], %swap3A_725 {strides = array<i32>} : memref<4x400x64xf32, #tpu.memory_space<vmem>>, vector<1x1x16xf32>,
        %get3A_726 = arith.constant 0 : i32
        %get3A_727 = arith.index_cast %get3A_726 : i32 to index
        %get3A_728 = arith.index_cast %scan3A_709 : i32 to index
        %get3A_729 = arith.constant 16 : index
        %get3A_730 = tpu.vector_load %arg6[%get3A_727, %get3A_728, %get3A_729] {strides = array<i32>} : memref<4x400x64xf32, #tpu.memory_space<vmem>>, vector<1x1x16xf32>,
        %get3A_731 = vector.shape_cast %get3A_730 : vector<1x1x16xf32> to vector<16xf32>
        %mul3A_732 = arith.constant 8.000000e+00 : f32
        %mul3A_733 = vector.broadcast %mul3A_732 : f32 to vector<16xf32>
        %mul3A_734 = arith.mulf %get3A_731, %mul3A_733 : vector<16xf32>
        %swap3A_735 = arith.constant 0 : i32
        %swap3A_736 = arith.index_cast %swap3A_735 : i32 to index
        %swap3A_737 = arith.index_cast %scan3A_709 : i32 to index
        %swap3A_738 = arith.constant 16 : index
        %swap3A_739 = tpu.vector_load %arg6[%swap3A_736, %swap3A_737, %swap3A_738] {strides = array<i32>} : memref<4x400x64xf32, #tpu.memory_space<vmem>>, vector<1x1x16xf32>,
        %swap3A_740 = vector.shape_cast %swap3A_739 : vector<1x1x16xf32> to vector<16xf32>
        %swap3A_741 = vector.shape_cast %mul3A_734 : vector<16xf32> to vector<1x1x16xf32>
        tpu.vector_store %arg6[%swap3A_736, %swap3A_737, %swap3A_738], %swap3A_741 {strides = array<i32>} : memref<4x400x64xf32, #tpu.memory_space<vmem>>, vector<1x1x16xf32>,
        %get3A_742 = arith.constant 0 : i32
        %get3A_743 = arith.index_cast %get3A_742 : i32 to index
        %get3A_744 = arith.index_cast %scan3A_709 : i32 to index
        %get3A_745 = arith.constant 32 : index
        %get3A_746 = tpu.vector_load %arg6[%get3A_743, %get3A_744, %get3A_745] {strides = array<i32>} : memref<4x400x64xf32, #tpu.memory_space<vmem>>, vector<1x1x16xf32>,
        %get3A_747 = vector.shape_cast %get3A_746 : vector<1x1x16xf32> to vector<16xf32>
        %mul3A_748 = arith.constant 8.000000e+00 : f32
        %mul3A_749 = vector.broadcast %mul3A_748 : f32 to vector<16xf32>
        %mul3A_750 = arith.mulf %get3A_747, %mul3A_749 : vector<16xf32>
        %swap3A_751 = arith.constant 0 : i32
        %swap3A_752 = arith.index_cast %swap3A_751 : i32 to index
        %swap3A_753 = arith.index_cast %scan3A_709 : i32 to index
        %swap3A_754 = arith.constant 32 : index
        %swap3A_755 = tpu.vector_load %arg6[%swap3A_752, %swap3A_753, %swap3A_754] {strides = array<i32>} : memref<4x400x64xf32, #tpu.memory_space<vmem>>, vector<1x1x16xf32>,
        %swap3A_756 = vector.shape_cast %swap3A_755 : vector<1x1x16xf32> to vector<16xf32>
        %swap3A_757 = vector.shape_cast %mul3A_750 : vector<16xf32> to vector<1x1x16xf32>
        tpu.vector_store %arg6[%swap3A_752, %swap3A_753, %swap3A_754], %swap3A_757 {strides = array<i32>} : memref<4x400x64xf32, #tpu.memory_space<vmem>>, vector<1x1x16xf32>,
        %get3A_758 = arith.constant 0 : i32
        %get3A_759 = arith.index_cast %get3A_758 : i32 to index
        %get3A_760 = arith.index_cast %scan3A_709 : i32 to index
        %get3A_761 = arith.constant 48 : index
        %get3A_762 = tpu.vector_load %arg6[%get3A_759, %get3A_760, %get3A_761] {strides = array<i32>} : memref<4x400x64xf32, #tpu.memory_space<vmem>>, vector<1x1x16xf32>,
        %get3A_763 = vector.shape_cast %get3A_762 : vector<1x1x16xf32> to vector<16xf32>
        %mul3A_764 = arith.constant 8.000000e+00 : f32
        %mul3A_765 = vector.broadcast %mul3A_764 : f32 to vector<16xf32>
        %mul3A_766 = arith.mulf %get3A_763, %mul3A_765 : vector<16xf32>
        %swap3A_767 = arith.constant 0 : i32
        %swap3A_768 = arith.index_cast %swap3A_767 : i32 to index
        %swap3A_769 = arith.index_cast %scan3A_709 : i32 to index
        %swap3A_770 = arith.constant 48 : index
        %swap3A_771 = tpu.vector_load %arg6[%swap3A_768, %swap3A_769, %swap3A_770] {strides = array<i32>} : memref<4x400x64xf32, #tpu.memory_space<vmem>>, vector<1x1x16xf32>,
        %swap3A_772 = vector.shape_cast %swap3A_771 : vector<1x1x16xf32> to vector<16xf32>
        %swap3A_773 = vector.shape_cast %mul3A_766 : vector<16xf32> to vector<1x1x16xf32>
        tpu.vector_store %arg6[%swap3A_768, %swap3A_769, %swap3A_770], %swap3A_773 {strides = array<i32>} : memref<4x400x64xf32, #tpu.memory_space<vmem>>, vector<1x1x16xf32>,
      }
      %scan3A_467 = arith.constant 400 : i32
      %scan3A_468 = arith.constant 0 : i32
      %scan3A_469 = arith.constant 0 : i32
      %scan3A_470 = arith.constant 50 : i32
      %scan3A_471 = arith.addi %scan3A_469, %scan3A_470 : i32
      %scan3A_472 = arith.constant 1 : i32
      scf.for %scan3A_645 = %scan3A_469 to %scan3A_471 step %scan3A_472  : i32 {
        %mul3A_646 = arith.constant 8 : i32
        %mul3A_647 = arith.muli %scan3A_645, %mul3A_646 : i32
        %mul3A_648 = arith.constant 8 : i32
        %mul3A_649 = arith.muli %add3A_419, %mul3A_648 : i32
        %add3A_650 = arith.addi %multiple_of3A, %mul3A_649 : i32
        %dma_start3A = arith.constant 0 : i32
        %dma_start3A_651 = arith.constant 0 : i32
        %dma_start3A_652 = tpu.memref_slice %arg6[%dma_start3A, %mul3A_647, %dma_start3A_651] : memref<4x400x64xf32, #tpu.memory_space<vmem>> -> memref<1x8x64xf32, #tpu.memory_space<vmem>>
        %dma_start3A_653 = tpu.memref_squeeze %dma_start3A_652 : memref<1x8x64xf32, #tpu.memory_space<vmem>> -> memref<8x64xf32, #tpu.memory_space<vmem>>
        %dma_start3A_654 = arith.constant 0 : i32
        %dma_start3A_655 = tpu.memref_slice %arg4[%scan3A_645, %add3A_650, %dma_start3A_654] : memref<50x16384x64xf32, #tpu.memory_space<hbm>> -> memref<1x8x64xf32, #tpu.memory_space<hbm>>
        %dma_start3A_656 = tpu.memref_squeeze %dma_start3A_655 : memref<1x8x64xf32, #tpu.memory_space<hbm>> -> memref<8x64xf32, #tpu.memory_space<hbm>>
        %dma_start3A_657 = arith.constant 0 : i32
        %dma_start3A_658 = tpu.memref_slice %arg4[%scan3A_645, %add3A_650, %dma_start3A_657] : memref<50x16384x64xf32, #tpu.memory_space<hbm>> -> memref<1x8x64xf32, #tpu.memory_space<hbm>>
        %dma_start3A_659 = tpu.memref_squeeze %dma_start3A_658 : memref<1x8x64xf32, #tpu.memory_space<hbm>> -> memref<8x64xf32, #tpu.memory_space<hbm>>
        %dma_start3A_660 = arith.constant 0 : i32
        %dma_start3A_661 = tpu.memref_slice %arg6[%dma_start3A, %mul3A_647, %dma_start3A_660] : memref<4x400x64xf32, #tpu.memory_space<vmem>> -> memref<1x8x64xf32, #tpu.memory_space<vmem>>
        %dma_start3A_662 = tpu.memref_squeeze %dma_start3A_661 : memref<1x8x64xf32, #tpu.memory_space<vmem>> -> memref<8x64xf32, #tpu.memory_space<vmem>>
        tpu.enqueue_dma source(%dma_start3A_662 : memref<8x64xf32, #tpu.memory_space<vmem>>) target(%dma_start3A_659 : memref<8x64xf32, #tpu.memory_space<hbm>>) target_semaphore(%arg11 : memref<!tpu.dma_semaphore, #tpu.memory_space<semaphore_mem>>)
      }
      %scan3A_473 = arith.constant 50 : i32
      %add3A_474 = arith.constant 1 : i32
      %add3A_475 = arith.addi %mul3A_417, %add3A_474 : i32
      %dma_wait3A_476 = arith.constant 0 : i32
      %dma_wait3A_477 = arith.constant 0 : i32
      %dma_wait3A_478 = arith.constant 0 : i32
      %dma_wait3A_479 = arith.constant 0 : i32
      %dma_wait3A_480 = tpu.memref_slice %arg6[%dma_wait3A_476, %dma_wait3A_478, %dma_wait3A_479] : memref<4x400x64xf32, #tpu.memory_space<vmem>> -> memref<1x400x64xf32, #tpu.memory_space<vmem>>
      %dma_wait3A_481 = tpu.memref_squeeze %dma_wait3A_480 : memref<1x400x64xf32, #tpu.memory_space<vmem>> -> memref<400x64xf32, #tpu.memory_space<vmem>>
      %dma_wait3A_482 = arith.constant 0 : i32
      %dma_wait3A_483 = arith.constant 0 : i32
      %dma_wait3A_484 = tpu.memref_slice %arg4[%dma_wait3A_477, %dma_wait3A_482, %dma_wait3A_483] : memref<50x16384x64xf32, #tpu.memory_space<hbm>> -> memref<1x400x64xf32, #tpu.memory_space<hbm>>
      %dma_wait3A_485 = tpu.memref_squeeze %dma_wait3A_484 : memref<1x400x64xf32, #tpu.memory_space<hbm>> -> memref<400x64xf32, #tpu.memory_space<hbm>>
      %dma_wait3A_486 = arith.constant 0 : i32
      %dma_wait3A_487 = arith.constant 0 : i32
      %dma_wait3A_488 = tpu.memref_slice %arg4[%dma_wait3A_477, %dma_wait3A_486, %dma_wait3A_487] : memref<50x16384x64xf32, #tpu.memory_space<hbm>> -> memref<1x400x64xf32, #tpu.memory_space<hbm>>
      %dma_wait3A_489 = tpu.memref_squeeze %dma_wait3A_488 : memref<1x400x64xf32, #tpu.memory_space<hbm>> -> memref<400x64xf32, #tpu.memory_space<hbm>>
      %dma_wait3A_490 = arith.constant 0 : i32
      %dma_wait3A_491 = arith.constant 0 : i32
      %dma_wait3A_492 = tpu.memref_slice %arg6[%dma_wait3A_476, %dma_wait3A_490, %dma_wait3A_491] : memref<4x400x64xf32, #tpu.memory_space<vmem>> -> memref<1x400x64xf32, #tpu.memory_space<vmem>>
      %dma_wait3A_493 = tpu.memref_squeeze %dma_wait3A_492 : memref<1x400x64xf32, #tpu.memory_space<vmem>> -> memref<400x64xf32, #tpu.memory_space<vmem>>
      tpu.wait_dma2 semaphore(%arg11 : memref<!tpu.dma_semaphore, #tpu.memory_space<semaphore_mem>>) src(%dma_wait3A_493 : memref<400x64xf32, #tpu.memory_space<vmem>>) dst(%dma_wait3A_489 : memref<400x64xf32, #tpu.memory_space<hbm>>)
      %add3A_494 = arith.constant 4 : i32
      %add3A_495 = arith.addi %add3A_475, %add3A_494 : i32
      %sub3A_496 = arith.constant 1 : i32
      %sub3A_497 = arith.subi %add3A_495, %sub3A_496 : i32
      %scan3A_498 = arith.constant 0 : i32
      %scan3A_499 = arith.constant 0 : i32
      %scan3A_500 = arith.constant 50 : i32
      %scan3A_501 = arith.addi %scan3A_499, %scan3A_500 : i32
      %scan3A_502 = arith.constant 1 : i32
      scf.for %scan3A_645 = %scan3A_499 to %scan3A_501 step %scan3A_502  : i32 {
        %mul3A_646 = arith.constant 8 : i32
        %mul3A_647 = arith.muli %sub3A_497, %mul3A_646 : i32
        %mul3A_648 = arith.constant 8 : i32
        %mul3A_649 = arith.muli %scan3A_645, %mul3A_648 : i32
        %dma_start3A = arith.constant 0 : i32
        %dma_start3A_650 = arith.constant 0 : i32
        %dma_start3A_651 = tpu.memref_slice %arg6[%dma_start3A, %mul3A_649, %dma_start3A_650] : memref<4x400x64xf32, #tpu.memory_space<vmem>> -> memref<1x8x64xf32, #tpu.memory_space<vmem>>
        %dma_start3A_652 = tpu.memref_squeeze %dma_start3A_651 : memref<1x8x64xf32, #tpu.memory_space<vmem>> -> memref<8x64xf32, #tpu.memory_space<vmem>>
        %dma_start3A_653 = tpu.memref_slice %arg5[%scan3A_645, %mul3A_647] : memref<50x512xi32, #tpu.memory_space<vmem>> -> memref<1x8xi32, #tpu.memory_space<vmem>>
        %dma_start3A_654 = tpu.memref_squeeze %dma_start3A_653 : memref<1x8xi32, #tpu.memory_space<vmem>> -> memref<8xi32, #tpu.memory_space<vmem>>
        %dma_start3A_655 = arith.constant 0 : i32
        %dma_start3A_656 = arith.constant 0 : i32
        %dma_start3A_657 = tpu.memref_slice %arg2[%dma_start3A_655, %dma_start3A_656] : memref<1000000x64xf32, #tpu.memory_space<hbm>> -> memref<1000000x64xf32, #tpu.memory_space<hbm>>
        tpu.enqueue_indirect_dma source(%dma_start3A_657 : memref<1000000x64xf32, #tpu.memory_space<hbm>>) target(%dma_start3A_652 : memref<8x64xf32, #tpu.memory_space<vmem>>) offsets(%dma_start3A_654 : memref<8xi32, #tpu.memory_space<vmem>>) semaphore(%arg7 : memref<!tpu.dma_semaphore, #tpu.memory_space<semaphore_mem>>)
      }
      %scan3A_503 = arith.constant 50 : i32
      %dma_wait3A_504 = arith.constant 1 : i32
      %dma_wait3A_505 = arith.constant 0 : i32
      %dma_wait3A_506 = arith.constant 0 : i32
      %dma_wait3A_507 = tpu.memref_slice %arg6[%dma_wait3A_504, %dma_wait3A_505, %dma_wait3A_506] : memref<4x400x64xf32, #tpu.memory_space<vmem>> -> memref<1x400x64xf32, #tpu.memory_space<vmem>>
      %dma_wait3A_508 = tpu.memref_squeeze %dma_wait3A_507 : memref<1x400x64xf32, #tpu.memory_space<vmem>> -> memref<400x64xf32, #tpu.memory_space<vmem>>
      %dma_wait3A_509 = arith.constant 0 : i32
      %dma_wait3A_510 = arith.constant 0 : i32
      %dma_wait3A_511 = tpu.memref_slice %arg2[%dma_wait3A_509, %dma_wait3A_510] : memref<1000000x64xf32, #tpu.memory_space<hbm>> -> memref<400x64xf32, #tpu.memory_space<hbm>>
      %dma_wait3A_512 = arith.constant 0 : i32
      %dma_wait3A_513 = arith.constant 0 : i32
      %dma_wait3A_514 = tpu.memref_slice %arg6[%dma_wait3A_504, %dma_wait3A_512, %dma_wait3A_513] : memref<4x400x64xf32, #tpu.memory_space<vmem>> -> memref<1x400x64xf32, #tpu.memory_space<vmem>>
      %dma_wait3A_515 = tpu.memref_squeeze %dma_wait3A_514 : memref<1x400x64xf32, #tpu.memory_space<vmem>> -> memref<400x64xf32, #tpu.memory_space<vmem>>
      %dma_wait3A_516 = arith.constant 0 : i32
      %dma_wait3A_517 = arith.constant 0 : i32
      %dma_wait3A_518 = tpu.memref_slice %arg2[%dma_wait3A_516, %dma_wait3A_517] : memref<1000000x64xf32, #tpu.memory_space<hbm>> -> memref<400x64xf32, #tpu.memory_space<hbm>>
      tpu.wait_dma2 semaphore(%arg8 : memref<!tpu.dma_semaphore, #tpu.memory_space<semaphore_mem>>) src(%dma_wait3A_518 : memref<400x64xf32, #tpu.memory_space<hbm>>) dst(%dma_wait3A_515 : memref<400x64xf32, #tpu.memory_space<vmem>>)
      %scan3A_519 = arith.constant 0 : i32
      %scan3A_520 = arith.constant 0 : i32
      %scan3A_521 = arith.constant 400 : i32
      %scan3A_522 = arith.addi %scan3A_520, %scan3A_521 : i32
      %scan3A_523 = arith.constant 2 : i32
      scf.for %scan3A_645 = %scan3A_520 to %scan3A_522 step %scan3A_523  : i32 {
        %get3A = arith.constant 1 : i32
        %get3A_646 = arith.index_cast %get3A : i32 to index
        %get3A_647 = arith.index_cast %scan3A_645 : i32 to index
        %get3A_648 = arith.constant 0 : index
        %get3A_649 = tpu.vector_load %arg6[%get3A_646, %get3A_647, %get3A_648] {strides = array<i32>} : memref<4x400x64xf32, #tpu.memory_space<vmem>>, vector<1x1x16xf32>,
        %get3A_650 = vector.shape_cast %get3A_649 : vector<1x1x16xf32> to vector<16xf32>
        %mul3A_651 = arith.constant 8.000000e+00 : f32
        %mul3A_652 = vector.broadcast %mul3A_651 : f32 to vector<16xf32>
        %mul3A_653 = arith.mulf %get3A_650, %mul3A_652 : vector<16xf32>
        %swap3A = arith.constant 1 : i32
        %swap3A_654 = arith.index_cast %swap3A : i32 to index
        %swap3A_655 = arith.index_cast %scan3A_645 : i32 to index
        %swap3A_656 = arith.constant 0 : index
        %swap3A_657 = tpu.vector_load %arg6[%swap3A_654, %swap3A_655, %swap3A_656] {strides = array<i32>} : memref<4x400x64xf32, #tpu.memory_space<vmem>>, vector<1x1x16xf32>,
        %swap3A_658 = vector.shape_cast %swap3A_657 : vector<1x1x16xf32> to vector<16xf32>
        %swap3A_659 = vector.shape_cast %mul3A_653 : vector<16xf32> to vector<1x1x16xf32>
        tpu.vector_store %arg6[%swap3A_654, %swap3A_655, %swap3A_656], %swap3A_659 {strides = array<i32>} : memref<4x400x64xf32, #tpu.memory_space<vmem>>, vector<1x1x16xf32>,
        %get3A_660 = arith.constant 1 : i32
        %get3A_661 = arith.index_cast %get3A_660 : i32 to index
        %get3A_662 = arith.index_cast %scan3A_645 : i32 to index
        %get3A_663 = arith.constant 16 : index
        %get3A_664 = tpu.vector_load %arg6[%get3A_661, %get3A_662, %get3A_663] {strides = array<i32>} : memref<4x400x64xf32, #tpu.memory_space<vmem>>, vector<1x1x16xf32>,
        %get3A_665 = vector.shape_cast %get3A_664 : vector<1x1x16xf32> to vector<16xf32>
        %mul3A_666 = arith.constant 8.000000e+00 : f32
        %mul3A_667 = vector.broadcast %mul3A_666 : f32 to vector<16xf32>
        %mul3A_668 = arith.mulf %get3A_665, %mul3A_667 : vector<16xf32>
        %swap3A_669 = arith.constant 1 : i32
        %swap3A_670 = arith.index_cast %swap3A_669 : i32 to index
        %swap3A_671 = arith.index_cast %scan3A_645 : i32 to index
        %swap3A_672 = arith.constant 16 : index
        %swap3A_673 = tpu.vector_load %arg6[%swap3A_670, %swap3A_671, %swap3A_672] {strides = array<i32>} : memref<4x400x64xf32, #tpu.memory_space<vmem>>, vector<1x1x16xf32>,
        %swap3A_674 = vector.shape_cast %swap3A_673 : vector<1x1x16xf32> to vector<16xf32>
        %swap3A_675 = vector.shape_cast %mul3A_668 : vector<16xf32> to vector<1x1x16xf32>
        tpu.vector_store %arg6[%swap3A_670, %swap3A_671, %swap3A_672], %swap3A_675 {strides = array<i32>} : memref<4x400x64xf32, #tpu.memory_space<vmem>>, vector<1x1x16xf32>,
        %get3A_676 = arith.constant 1 : i32
        %get3A_677 = arith.index_cast %get3A_676 : i32 to index
        %get3A_678 = arith.index_cast %scan3A_645 : i32 to index
        %get3A_679 = arith.constant 32 : index
        %get3A_680 = tpu.vector_load %arg6[%get3A_677, %get3A_678, %get3A_679] {strides = array<i32>} : memref<4x400x64xf32, #tpu.memory_space<vmem>>, vector<1x1x16xf32>,
        %get3A_681 = vector.shape_cast %get3A_680 : vector<1x1x16xf32> to vector<16xf32>
        %mul3A_682 = arith.constant 8.000000e+00 : f32
        %mul3A_683 = vector.broadcast %mul3A_682 : f32 to vector<16xf32>
        %mul3A_684 = arith.mulf %get3A_681, %mul3A_683 : vector<16xf32>
        %swap3A_685 = arith.constant 1 : i32
        %swap3A_686 = arith.index_cast %swap3A_685 : i32 to index
        %swap3A_687 = arith.index_cast %scan3A_645 : i32 to index
        %swap3A_688 = arith.constant 32 : index
        %swap3A_689 = tpu.vector_load %arg6[%swap3A_686, %swap3A_687, %swap3A_688] {strides = array<i32>} : memref<4x400x64xf32, #tpu.memory_space<vmem>>, vector<1x1x16xf32>,
        %swap3A_690 = vector.shape_cast %swap3A_689 : vector<1x1x16xf32> to vector<16xf32>
        %swap3A_691 = vector.shape_cast %mul3A_684 : vector<16xf32> to vector<1x1x16xf32>
        tpu.vector_store %arg6[%swap3A_686, %swap3A_687, %swap3A_688], %swap3A_691 {strides = array<i32>} : memref<4x400x64xf32, #tpu.memory_space<vmem>>, vector<1x1x16xf32>,
        %get3A_692 = arith.constant 1 : i32
        %get3A_693 = arith.index_cast %get3A_692 : i32 to index
        %get3A_694 = arith.index_cast %scan3A_645 : i32 to index
        %get3A_695 = arith.constant 48 : index
        %get3A_696 = tpu.vector_load %arg6[%get3A_693, %get3A_694, %get3A_695] {strides = array<i32>} : memref<4x400x64xf32, #tpu.memory_space<vmem>>, vector<1x1x16xf32>,
        %get3A_697 = vector.shape_cast %get3A_696 : vector<1x1x16xf32> to vector<16xf32>
        %mul3A_698 = arith.constant 8.000000e+00 : f32
        %mul3A_699 = vector.broadcast %mul3A_698 : f32 to vector<16xf32>
        %mul3A_700 = arith.mulf %get3A_697, %mul3A_699 : vector<16xf32>
        %swap3A_701 = arith.constant 1 : i32
        %swap3A_702 = arith.index_cast %swap3A_701 : i32 to index
        %swap3A_703 = arith.index_cast %scan3A_645 : i32 to index
        %swap3A_704 = arith.constant 48 : index
        %swap3A_705 = tpu.vector_load %arg6[%swap3A_702, %swap3A_703, %swap3A_704] {strides = array<i32>} : memref<4x400x64xf32, #tpu.memory_space<vmem>>, vector<1x1x16xf32>,
        %swap3A_706 = vector.shape_cast %swap3A_705 : vector<1x1x16xf32> to vector<16xf32>
        %swap3A_707 = vector.shape_cast %mul3A_700 : vector<16xf32> to vector<1x1x16xf32>
        tpu.vector_store %arg6[%swap3A_702, %swap3A_703, %swap3A_704], %swap3A_707 {strides = array<i32>} : memref<4x400x64xf32, #tpu.memory_space<vmem>>, vector<1x1x16xf32>,
        %scan3A_708 = arith.constant 1 : i32
        %scan3A_709 = arith.addi %scan3A_645, %scan3A_708 : i32
        %get3A_710 = arith.constant 1 : i32
        %get3A_711 = arith.index_cast %get3A_710 : i32 to index
        %get3A_712 = arith.index_cast %scan3A_709 : i32 to index
        %get3A_713 = arith.constant 0 : index
        %get3A_714 = tpu.vector_load %arg6[%get3A_711, %get3A_712, %get3A_713] {strides = array<i32>} : memref<4x400x64xf32, #tpu.memory_space<vmem>>, vector<1x1x16xf32>,
        %get3A_715 = vector.shape_cast %get3A_714 : vector<1x1x16xf32> to vector<16xf32>
        %mul3A_716 = arith.constant 8.000000e+00 : f32
        %mul3A_717 = vector.broadcast %mul3A_716 : f32 to vector<16xf32>
        %mul3A_718 = arith.mulf %get3A_715, %mul3A_717 : vector<16xf32>
        %swap3A_719 = arith.constant 1 : i32
        %swap3A_720 = arith.index_cast %swap3A_719 : i32 to index
        %swap3A_721 = arith.index_cast %scan3A_709 : i32 to index
        %swap3A_722 = arith.constant 0 : index
        %swap3A_723 = tpu.vector_load %arg6[%swap3A_720, %swap3A_721, %swap3A_722] {strides = array<i32>} : memref<4x400x64xf32, #tpu.memory_space<vmem>>, vector<1x1x16xf32>,
        %swap3A_724 = vector.shape_cast %swap3A_723 : vector<1x1x16xf32> to vector<16xf32>
        %swap3A_725 = vector.shape_cast %mul3A_718 : vector<16xf32> to vector<1x1x16xf32>
        tpu.vector_store %arg6[%swap3A_720, %swap3A_721, %swap3A_722], %swap3A_725 {strides = array<i32>} : memref<4x400x64xf32, #tpu.memory_space<vmem>>, vector<1x1x16xf32>,
        %get3A_726 = arith.constant 1 : i32
        %get3A_727 = arith.index_cast %get3A_726 : i32 to index
        %get3A_728 = arith.index_cast %scan3A_709 : i32 to index
        %get3A_729 = arith.constant 16 : index
        %get3A_730 = tpu.vector_load %arg6[%get3A_727, %get3A_728, %get3A_729] {strides = array<i32>} : memref<4x400x64xf32, #tpu.memory_space<vmem>>, vector<1x1x16xf32>,
        %get3A_731 = vector.shape_cast %get3A_730 : vector<1x1x16xf32> to vector<16xf32>
        %mul3A_732 = arith.constant 8.000000e+00 : f32
        %mul3A_733 = vector.broadcast %mul3A_732 : f32 to vector<16xf32>
        %mul3A_734 = arith.mulf %get3A_731, %mul3A_733 : vector<16xf32>
        %swap3A_735 = arith.constant 1 : i32
        %swap3A_736 = arith.index_cast %swap3A_735 : i32 to index
        %swap3A_737 = arith.index_cast %scan3A_709 : i32 to index
        %swap3A_738 = arith.constant 16 : index
        %swap3A_739 = tpu.vector_load %arg6[%swap3A_736, %swap3A_737, %swap3A_738] {strides = array<i32>} : memref<4x400x64xf32, #tpu.memory_space<vmem>>, vector<1x1x16xf32>,
        %swap3A_740 = vector.shape_cast %swap3A_739 : vector<1x1x16xf32> to vector<16xf32>
        %swap3A_741 = vector.shape_cast %mul3A_734 : vector<16xf32> to vector<1x1x16xf32>
        tpu.vector_store %arg6[%swap3A_736, %swap3A_737, %swap3A_738], %swap3A_741 {strides = array<i32>} : memref<4x400x64xf32, #tpu.memory_space<vmem>>, vector<1x1x16xf32>,
        %get3A_742 = arith.constant 1 : i32
        %get3A_743 = arith.index_cast %get3A_742 : i32 to index
        %get3A_744 = arith.index_cast %scan3A_709 : i32 to index
        %get3A_745 = arith.constant 32 : index
        %get3A_746 = tpu.vector_load %arg6[%get3A_743, %get3A_744, %get3A_745] {strides = array<i32>} : memref<4x400x64xf32, #tpu.memory_space<vmem>>, vector<1x1x16xf32>,
        %get3A_747 = vector.shape_cast %get3A_746 : vector<1x1x16xf32> to vector<16xf32>
        %mul3A_748 = arith.constant 8.000000e+00 : f32
        %mul3A_749 = vector.broadcast %mul3A_748 : f32 to vector<16xf32>
        %mul3A_750 = arith.mulf %get3A_747, %mul3A_749 : vector<16xf32>
        %swap3A_751 = arith.constant 1 : i32
        %swap3A_752 = arith.index_cast %swap3A_751 : i32 to index
        %swap3A_753 = arith.index_cast %scan3A_709 : i32 to index
        %swap3A_754 = arith.constant 32 : index
        %swap3A_755 = tpu.vector_load %arg6[%swap3A_752, %swap3A_753, %swap3A_754] {strides = array<i32>} : memref<4x400x64xf32, #tpu.memory_space<vmem>>, vector<1x1x16xf32>,
        %swap3A_756 = vector.shape_cast %swap3A_755 : vector<1x1x16xf32> to vector<16xf32>
        %swap3A_757 = vector.shape_cast %mul3A_750 : vector<16xf32> to vector<1x1x16xf32>
        tpu.vector_store %arg6[%swap3A_752, %swap3A_753, %swap3A_754], %swap3A_757 {strides = array<i32>} : memref<4x400x64xf32, #tpu.memory_space<vmem>>, vector<1x1x16xf32>,
        %get3A_758 = arith.constant 1 : i32
        %get3A_759 = arith.index_cast %get3A_758 : i32 to index
        %get3A_760 = arith.index_cast %scan3A_709 : i32 to index
        %get3A_761 = arith.constant 48 : index
        %get3A_762 = tpu.vector_load %arg6[%get3A_759, %get3A_760, %get3A_761] {strides = array<i32>} : memref<4x400x64xf32, #tpu.memory_space<vmem>>, vector<1x1x16xf32>,
        %get3A_763 = vector.shape_cast %get3A_762 : vector<1x1x16xf32> to vector<16xf32>
        %mul3A_764 = arith.constant 8.000000e+00 : f32
        %mul3A_765 = vector.broadcast %mul3A_764 : f32 to vector<16xf32>
        %mul3A_766 = arith.mulf %get3A_763, %mul3A_765 : vector<16xf32>
        %swap3A_767 = arith.constant 1 : i32
        %swap3A_768 = arith.index_cast %swap3A_767 : i32 to index
        %swap3A_769 = arith.index_cast %scan3A_709 : i32 to index
        %swap3A_770 = arith.constant 48 : index
        %swap3A_771 = tpu.vector_load %arg6[%swap3A_768, %swap3A_769, %swap3A_770] {strides = array<i32>} : memref<4x400x64xf32, #tpu.memory_space<vmem>>, vector<1x1x16xf32>,
        %swap3A_772 = vector.shape_cast %swap3A_771 : vector<1x1x16xf32> to vector<16xf32>
        %swap3A_773 = vector.shape_cast %mul3A_766 : vector<16xf32> to vector<1x1x16xf32>
        tpu.vector_store %arg6[%swap3A_768, %swap3A_769, %swap3A_770], %swap3A_773 {strides = array<i32>} : memref<4x400x64xf32, #tpu.memory_space<vmem>>, vector<1x1x16xf32>,
      }
      %scan3A_524 = arith.constant 400 : i32
      %scan3A_525 = arith.constant 0 : i32
      %scan3A_526 = arith.constant 0 : i32
      %scan3A_527 = arith.constant 50 : i32
      %scan3A_528 = arith.addi %scan3A_526, %scan3A_527 : i32
      %scan3A_529 = arith.constant 1 : i32
      scf.for %scan3A_645 = %scan3A_526 to %scan3A_528 step %scan3A_529  : i32 {
        %mul3A_646 = arith.constant 8 : i32
        %mul3A_647 = arith.muli %scan3A_645, %mul3A_646 : i32
        %mul3A_648 = arith.constant 8 : i32
        %mul3A_649 = arith.muli %add3A_475, %mul3A_648 : i32
        %add3A_650 = arith.addi %multiple_of3A, %mul3A_649 : i32
        %dma_start3A = arith.constant 1 : i32
        %dma_start3A_651 = arith.constant 0 : i32
        %dma_start3A_652 = tpu.memref_slice %arg6[%dma_start3A, %mul3A_647, %dma_start3A_651] : memref<4x400x64xf32, #tpu.memory_space<vmem>> -> memref<1x8x64xf32, #tpu.memory_space<vmem>>
        %dma_start3A_653 = tpu.memref_squeeze %dma_start3A_652 : memref<1x8x64xf32, #tpu.memory_space<vmem>> -> memref<8x64xf32, #tpu.memory_space<vmem>>
        %dma_start3A_654 = arith.constant 0 : i32
        %dma_start3A_655 = tpu.memref_slice %arg4[%scan3A_645, %add3A_650, %dma_start3A_654] : memref<50x16384x64xf32, #tpu.memory_space<hbm>> -> memref<1x8x64xf32, #tpu.memory_space<hbm>>
        %dma_start3A_656 = tpu.memref_squeeze %dma_start3A_655 : memref<1x8x64xf32, #tpu.memory_space<hbm>> -> memref<8x64xf32, #tpu.memory_space<hbm>>
        %dma_start3A_657 = arith.constant 0 : i32
        %dma_start3A_658 = tpu.memref_slice %arg4[%scan3A_645, %add3A_650, %dma_start3A_657] : memref<50x16384x64xf32, #tpu.memory_space<hbm>> -> memref<1x8x64xf32, #tpu.memory_space<hbm>>
        %dma_start3A_659 = tpu.memref_squeeze %dma_start3A_658 : memref<1x8x64xf32, #tpu.memory_space<hbm>> -> memref<8x64xf32, #tpu.memory_space<hbm>>
        %dma_start3A_660 = arith.constant 0 : i32
        %dma_start3A_661 = tpu.memref_slice %arg6[%dma_start3A, %mul3A_647, %dma_start3A_660] : memref<4x400x64xf32, #tpu.memory_space<vmem>> -> memref<1x8x64xf32, #tpu.memory_space<vmem>>
        %dma_start3A_662 = tpu.memref_squeeze %dma_start3A_661 : memref<1x8x64xf32, #tpu.memory_space<vmem>> -> memref<8x64xf32, #tpu.memory_space<vmem>>
        tpu.enqueue_dma source(%dma_start3A_662 : memref<8x64xf32, #tpu.memory_space<vmem>>) target(%dma_start3A_659 : memref<8x64xf32, #tpu.memory_space<hbm>>) target_semaphore(%arg12 : memref<!tpu.dma_semaphore, #tpu.memory_space<semaphore_mem>>)
      }
      %scan3A_530 = arith.constant 50 : i32
      %add3A_531 = arith.constant 2 : i32
      %add3A_532 = arith.addi %mul3A_417, %add3A_531 : i32
      %dma_wait3A_533 = arith.constant 1 : i32
      %dma_wait3A_534 = arith.constant 0 : i32
      %dma_wait3A_535 = arith.constant 0 : i32
      %dma_wait3A_536 = arith.constant 0 : i32
      %dma_wait3A_537 = tpu.memref_slice %arg6[%dma_wait3A_533, %dma_wait3A_535, %dma_wait3A_536] : memref<4x400x64xf32, #tpu.memory_space<vmem>> -> memref<1x400x64xf32, #tpu.memory_space<vmem>>
      %dma_wait3A_538 = tpu.memref_squeeze %dma_wait3A_537 : memref<1x400x64xf32, #tpu.memory_space<vmem>> -> memref<400x64xf32, #tpu.memory_space<vmem>>
      %dma_wait3A_539 = arith.constant 0 : i32
      %dma_wait3A_540 = arith.constant 0 : i32
      %dma_wait3A_541 = tpu.memref_slice %arg4[%dma_wait3A_534, %dma_wait3A_539, %dma_wait3A_540] : memref<50x16384x64xf32, #tpu.memory_space<hbm>> -> memref<1x400x64xf32, #tpu.memory_space<hbm>>
      %dma_wait3A_542 = tpu.memref_squeeze %dma_wait3A_541 : memref<1x400x64xf32, #tpu.memory_space<hbm>> -> memref<400x64xf32, #tpu.memory_space<hbm>>
      %dma_wait3A_543 = arith.constant 0 : i32
      %dma_wait3A_544 = arith.constant 0 : i32
      %dma_wait3A_545 = tpu.memref_slice %arg4[%dma_wait3A_534, %dma_wait3A_543, %dma_wait3A_544] : memref<50x16384x64xf32, #tpu.memory_space<hbm>> -> memref<1x400x64xf32, #tpu.memory_space<hbm>>
      %dma_wait3A_546 = tpu.memref_squeeze %dma_wait3A_545 : memref<1x400x64xf32, #tpu.memory_space<hbm>> -> memref<400x64xf32, #tpu.memory_space<hbm>>
      %dma_wait3A_547 = arith.constant 0 : i32
      %dma_wait3A_548 = arith.constant 0 : i32
      %dma_wait3A_549 = tpu.memref_slice %arg6[%dma_wait3A_533, %dma_wait3A_547, %dma_wait3A_548] : memref<4x400x64xf32, #tpu.memory_space<vmem>> -> memref<1x400x64xf32, #tpu.memory_space<vmem>>
      %dma_wait3A_550 = tpu.memref_squeeze %dma_wait3A_549 : memref<1x400x64xf32, #tpu.memory_space<vmem>> -> memref<400x64xf32, #tpu.memory_space<vmem>>
      tpu.wait_dma2 semaphore(%arg12 : memref<!tpu.dma_semaphore, #tpu.memory_space<semaphore_mem>>) src(%dma_wait3A_550 : memref<400x64xf32, #tpu.memory_space<vmem>>) dst(%dma_wait3A_546 : memref<400x64xf32, #tpu.memory_space<hbm>>)
      %add3A_551 = arith.constant 4 : i32
      %add3A_552 = arith.addi %add3A_532, %add3A_551 : i32
      %sub3A_553 = arith.constant 1 : i32
      %sub3A_554 = arith.subi %add3A_552, %sub3A_553 : i32
      %scan3A_555 = arith.constant 0 : i32
      %scan3A_556 = arith.constant 0 : i32
      %scan3A_557 = arith.constant 50 : i32
      %scan3A_558 = arith.addi %scan3A_556, %scan3A_557 : i32
      %scan3A_559 = arith.constant 1 : i32
      scf.for %scan3A_645 = %scan3A_556 to %scan3A_558 step %scan3A_559  : i32 {
        %mul3A_646 = arith.constant 8 : i32
        %mul3A_647 = arith.muli %sub3A_554, %mul3A_646 : i32
        %mul3A_648 = arith.constant 8 : i32
        %mul3A_649 = arith.muli %scan3A_645, %mul3A_648 : i32
        %dma_start3A = arith.constant 1 : i32
        %dma_start3A_650 = arith.constant 0 : i32
        %dma_start3A_651 = tpu.memref_slice %arg6[%dma_start3A, %mul3A_649, %dma_start3A_650] : memref<4x400x64xf32, #tpu.memory_space<vmem>> -> memref<1x8x64xf32, #tpu.memory_space<vmem>>
        %dma_start3A_652 = tpu.memref_squeeze %dma_start3A_651 : memref<1x8x64xf32, #tpu.memory_space<vmem>> -> memref<8x64xf32, #tpu.memory_space<vmem>>
        %dma_start3A_653 = tpu.memref_slice %arg5[%scan3A_645, %mul3A_647] : memref<50x512xi32, #tpu.memory_space<vmem>> -> memref<1x8xi32, #tpu.memory_space<vmem>>
        %dma_start3A_654 = tpu.memref_squeeze %dma_start3A_653 : memref<1x8xi32, #tpu.memory_space<vmem>> -> memref<8xi32, #tpu.memory_space<vmem>>
        %dma_start3A_655 = arith.constant 0 : i32
        %dma_start3A_656 = arith.constant 0 : i32
        %dma_start3A_657 = tpu.memref_slice %arg2[%dma_start3A_655, %dma_start3A_656] : memref<1000000x64xf32, #tpu.memory_space<hbm>> -> memref<1000000x64xf32, #tpu.memory_space<hbm>>
        tpu.enqueue_indirect_dma source(%dma_start3A_657 : memref<1000000x64xf32, #tpu.memory_space<hbm>>) target(%dma_start3A_652 : memref<8x64xf32, #tpu.memory_space<vmem>>) offsets(%dma_start3A_654 : memref<8xi32, #tpu.memory_space<vmem>>) semaphore(%arg8 : memref<!tpu.dma_semaphore, #tpu.memory_space<semaphore_mem>>)
      }
      %scan3A_560 = arith.constant 50 : i32
      %dma_wait3A_561 = arith.constant 2 : i32
      %dma_wait3A_562 = arith.constant 0 : i32
      %dma_wait3A_563 = arith.constant 0 : i32
      %dma_wait3A_564 = tpu.memref_slice %arg6[%dma_wait3A_561, %dma_wait3A_562, %dma_wait3A_563] : memref<4x400x64xf32, #tpu.memory_space<vmem>> -> memref<1x400x64xf32, #tpu.memory_space<vmem>>
      %dma_wait3A_565 = tpu.memref_squeeze %dma_wait3A_564 : memref<1x400x64xf32, #tpu.memory_space<vmem>> -> memref<400x64xf32, #tpu.memory_space<vmem>>
      %dma_wait3A_566 = arith.constant 0 : i32
      %dma_wait3A_567 = arith.constant 0 : i32
      %dma_wait3A_568 = tpu.memref_slice %arg2[%dma_wait3A_566, %dma_wait3A_567] : memref<1000000x64xf32, #tpu.memory_space<hbm>> -> memref<400x64xf32, #tpu.memory_space<hbm>>
      %dma_wait3A_569 = arith.constant 0 : i32
      %dma_wait3A_570 = arith.constant 0 : i32
      %dma_wait3A_571 = tpu.memref_slice %arg6[%dma_wait3A_561, %dma_wait3A_569, %dma_wait3A_570] : memref<4x400x64xf32, #tpu.memory_space<vmem>> -> memref<1x400x64xf32, #tpu.memory_space<vmem>>
      %dma_wait3A_572 = tpu.memref_squeeze %dma_wait3A_571 : memref<1x400x64xf32, #tpu.memory_space<vmem>> -> memref<400x64xf32, #tpu.memory_space<vmem>>
      %dma_wait3A_573 = arith.constant 0 : i32
      %dma_wait3A_574 = arith.constant 0 : i32
      %dma_wait3A_575 = tpu.memref_slice %arg2[%dma_wait3A_573, %dma_wait3A_574] : memref<1000000x64xf32, #tpu.memory_space<hbm>> -> memref<400x64xf32, #tpu.memory_space<hbm>>
      tpu.wait_dma2 semaphore(%arg9 : memref<!tpu.dma_semaphore, #tpu.memory_space<semaphore_mem>>) src(%dma_wait3A_575 : memref<400x64xf32, #tpu.memory_space<hbm>>) dst(%dma_wait3A_572 : memref<400x64xf32, #tpu.memory_space<vmem>>)
      %scan3A_576 = arith.constant 0 : i32
      %scan3A_577 = arith.constant 0 : i32
      %scan3A_578 = arith.constant 400 : i32
      %scan3A_579 = arith.addi %scan3A_577, %scan3A_578 : i32
      %scan3A_580 = arith.constant 2 : i32
      scf.for %scan3A_645 = %scan3A_577 to %scan3A_579 step %scan3A_580  : i32 {
        %get3A = arith.constant 2 : i32
        %get3A_646 = arith.index_cast %get3A : i32 to index
        %get3A_647 = arith.index_cast %scan3A_645 : i32 to index
        %get3A_648 = arith.constant 0 : index
        %get3A_649 = tpu.vector_load %arg6[%get3A_646, %get3A_647, %get3A_648] {strides = array<i32>} : memref<4x400x64xf32, #tpu.memory_space<vmem>>, vector<1x1x16xf32>,
        %get3A_650 = vector.shape_cast %get3A_649 : vector<1x1x16xf32> to vector<16xf32>
        %mul3A_651 = arith.constant 8.000000e+00 : f32
        %mul3A_652 = vector.broadcast %mul3A_651 : f32 to vector<16xf32>
        %mul3A_653 = arith.mulf %get3A_650, %mul3A_652 : vector<16xf32>
        %swap3A = arith.constant 2 : i32
        %swap3A_654 = arith.index_cast %swap3A : i32 to index
        %swap3A_655 = arith.index_cast %scan3A_645 : i32 to index
        %swap3A_656 = arith.constant 0 : index
        %swap3A_657 = tpu.vector_load %arg6[%swap3A_654, %swap3A_655, %swap3A_656] {strides = array<i32>} : memref<4x400x64xf32, #tpu.memory_space<vmem>>, vector<1x1x16xf32>,
        %swap3A_658 = vector.shape_cast %swap3A_657 : vector<1x1x16xf32> to vector<16xf32>
        %swap3A_659 = vector.shape_cast %mul3A_653 : vector<16xf32> to vector<1x1x16xf32>
        tpu.vector_store %arg6[%swap3A_654, %swap3A_655, %swap3A_656], %swap3A_659 {strides = array<i32>} : memref<4x400x64xf32, #tpu.memory_space<vmem>>, vector<1x1x16xf32>,
        %get3A_660 = arith.constant 2 : i32
        %get3A_661 = arith.index_cast %get3A_660 : i32 to index
        %get3A_662 = arith.index_cast %scan3A_645 : i32 to index
        %get3A_663 = arith.constant 16 : index
        %get3A_664 = tpu.vector_load %arg6[%get3A_661, %get3A_662, %get3A_663] {strides = array<i32>} : memref<4x400x64xf32, #tpu.memory_space<vmem>>, vector<1x1x16xf32>,
        %get3A_665 = vector.shape_cast %get3A_664 : vector<1x1x16xf32> to vector<16xf32>
        %mul3A_666 = arith.constant 8.000000e+00 : f32
        %mul3A_667 = vector.broadcast %mul3A_666 : f32 to vector<16xf32>
        %mul3A_668 = arith.mulf %get3A_665, %mul3A_667 : vector<16xf32>
        %swap3A_669 = arith.constant 2 : i32
        %swap3A_670 = arith.index_cast %swap3A_669 : i32 to index
        %swap3A_671 = arith.index_cast %scan3A_645 : i32 to index
        %swap3A_672 = arith.constant 16 : index
        %swap3A_673 = tpu.vector_load %arg6[%swap3A_670, %swap3A_671, %swap3A_672] {strides = array<i32>} : memref<4x400x64xf32, #tpu.memory_space<vmem>>, vector<1x1x16xf32>,
        %swap3A_674 = vector.shape_cast %swap3A_673 : vector<1x1x16xf32> to vector<16xf32>
        %swap3A_675 = vector.shape_cast %mul3A_668 : vector<16xf32> to vector<1x1x16xf32>
        tpu.vector_store %arg6[%swap3A_670, %swap3A_671, %swap3A_672], %swap3A_675 {strides = array<i32>} : memref<4x400x64xf32, #tpu.memory_space<vmem>>, vector<1x1x16xf32>,
        %get3A_676 = arith.constant 2 : i32
        %get3A_677 = arith.index_cast %get3A_676 : i32 to index
        %get3A_678 = arith.index_cast %scan3A_645 : i32 to index
        %get3A_679 = arith.constant 32 : index
        %get3A_680 = tpu.vector_load %arg6[%get3A_677, %get3A_678, %get3A_679] {strides = array<i32>} : memref<4x400x64xf32, #tpu.memory_space<vmem>>, vector<1x1x16xf32>,
        %get3A_681 = vector.shape_cast %get3A_680 : vector<1x1x16xf32> to vector<16xf32>
        %mul3A_682 = arith.constant 8.000000e+00 : f32
        %mul3A_683 = vector.broadcast %mul3A_682 : f32 to vector<16xf32>
        %mul3A_684 = arith.mulf %get3A_681, %mul3A_683 : vector<16xf32>
        %swap3A_685 = arith.constant 2 : i32
        %swap3A_686 = arith.index_cast %swap3A_685 : i32 to index
        %swap3A_687 = arith.index_cast %scan3A_645 : i32 to index
        %swap3A_688 = arith.constant 32 : index
        %swap3A_689 = tpu.vector_load %arg6[%swap3A_686, %swap3A_687, %swap3A_688] {strides = array<i32>} : memref<4x400x64xf32, #tpu.memory_space<vmem>>, vector<1x1x16xf32>,
        %swap3A_690 = vector.shape_cast %swap3A_689 : vector<1x1x16xf32> to vector<16xf32>
        %swap3A_691 = vector.shape_cast %mul3A_684 : vector<16xf32> to vector<1x1x16xf32>
        tpu.vector_store %arg6[%swap3A_686, %swap3A_687, %swap3A_688], %swap3A_691 {strides = array<i32>} : memref<4x400x64xf32, #tpu.memory_space<vmem>>, vector<1x1x16xf32>,
        %get3A_692 = arith.constant 2 : i32
        %get3A_693 = arith.index_cast %get3A_692 : i32 to index
        %get3A_694 = arith.index_cast %scan3A_645 : i32 to index
        %get3A_695 = arith.constant 48 : index
        %get3A_696 = tpu.vector_load %arg6[%get3A_693, %get3A_694, %get3A_695] {strides = array<i32>} : memref<4x400x64xf32, #tpu.memory_space<vmem>>, vector<1x1x16xf32>,
        %get3A_697 = vector.shape_cast %get3A_696 : vector<1x1x16xf32> to vector<16xf32>
        %mul3A_698 = arith.constant 8.000000e+00 : f32
        %mul3A_699 = vector.broadcast %mul3A_698 : f32 to vector<16xf32>
        %mul3A_700 = arith.mulf %get3A_697, %mul3A_699 : vector<16xf32>
        %swap3A_701 = arith.constant 2 : i32
        %swap3A_702 = arith.index_cast %swap3A_701 : i32 to index
        %swap3A_703 = arith.index_cast %scan3A_645 : i32 to index
        %swap3A_704 = arith.constant 48 : index
        %swap3A_705 = tpu.vector_load %arg6[%swap3A_702, %swap3A_703, %swap3A_704] {strides = array<i32>} : memref<4x400x64xf32, #tpu.memory_space<vmem>>, vector<1x1x16xf32>,
        %swap3A_706 = vector.shape_cast %swap3A_705 : vector<1x1x16xf32> to vector<16xf32>
        %swap3A_707 = vector.shape_cast %mul3A_700 : vector<16xf32> to vector<1x1x16xf32>
        tpu.vector_store %arg6[%swap3A_702, %swap3A_703, %swap3A_704], %swap3A_707 {strides = array<i32>} : memref<4x400x64xf32, #tpu.memory_space<vmem>>, vector<1x1x16xf32>,
        %scan3A_708 = arith.constant 1 : i32
        %scan3A_709 = arith.addi %scan3A_645, %scan3A_708 : i32
        %get3A_710 = arith.constant 2 : i32
        %get3A_711 = arith.index_cast %get3A_710 : i32 to index
        %get3A_712 = arith.index_cast %scan3A_709 : i32 to index
        %get3A_713 = arith.constant 0 : index
        %get3A_714 = tpu.vector_load %arg6[%get3A_711, %get3A_712, %get3A_713] {strides = array<i32>} : memref<4x400x64xf32, #tpu.memory_space<vmem>>, vector<1x1x16xf32>,
        %get3A_715 = vector.shape_cast %get3A_714 : vector<1x1x16xf32> to vector<16xf32>
        %mul3A_716 = arith.constant 8.000000e+00 : f32
        %mul3A_717 = vector.broadcast %mul3A_716 : f32 to vector<16xf32>
        %mul3A_718 = arith.mulf %get3A_715, %mul3A_717 : vector<16xf32>
        %swap3A_719 = arith.constant 2 : i32
        %swap3A_720 = arith.index_cast %swap3A_719 : i32 to index
        %swap3A_721 = arith.index_cast %scan3A_709 : i32 to index
        %swap3A_722 = arith.constant 0 : index
        %swap3A_723 = tpu.vector_load %arg6[%swap3A_720, %swap3A_721, %swap3A_722] {strides = array<i32>} : memref<4x400x64xf32, #tpu.memory_space<vmem>>, vector<1x1x16xf32>,
        %swap3A_724 = vector.shape_cast %swap3A_723 : vector<1x1x16xf32> to vector<16xf32>
        %swap3A_725 = vector.shape_cast %mul3A_718 : vector<16xf32> to vector<1x1x16xf32>
        tpu.vector_store %arg6[%swap3A_720, %swap3A_721, %swap3A_722], %swap3A_725 {strides = array<i32>} : memref<4x400x64xf32, #tpu.memory_space<vmem>>, vector<1x1x16xf32>,
        %get3A_726 = arith.constant 2 : i32
        %get3A_727 = arith.index_cast %get3A_726 : i32 to index
        %get3A_728 = arith.index_cast %scan3A_709 : i32 to index
        %get3A_729 = arith.constant 16 : index
        %get3A_730 = tpu.vector_load %arg6[%get3A_727, %get3A_728, %get3A_729] {strides = array<i32>} : memref<4x400x64xf32, #tpu.memory_space<vmem>>, vector<1x1x16xf32>,
        %get3A_731 = vector.shape_cast %get3A_730 : vector<1x1x16xf32> to vector<16xf32>
        %mul3A_732 = arith.constant 8.000000e+00 : f32
        %mul3A_733 = vector.broadcast %mul3A_732 : f32 to vector<16xf32>
        %mul3A_734 = arith.mulf %get3A_731, %mul3A_733 : vector<16xf32>
        %swap3A_735 = arith.constant 2 : i32
        %swap3A_736 = arith.index_cast %swap3A_735 : i32 to index
        %swap3A_737 = arith.index_cast %scan3A_709 : i32 to index
        %swap3A_738 = arith.constant 16 : index
        %swap3A_739 = tpu.vector_load %arg6[%swap3A_736, %swap3A_737, %swap3A_738] {strides = array<i32>} : memref<4x400x64xf32, #tpu.memory_space<vmem>>, vector<1x1x16xf32>,
        %swap3A_740 = vector.shape_cast %swap3A_739 : vector<1x1x16xf32> to vector<16xf32>
        %swap3A_741 = vector.shape_cast %mul3A_734 : vector<16xf32> to vector<1x1x16xf32>
        tpu.vector_store %arg6[%swap3A_736, %swap3A_737, %swap3A_738], %swap3A_741 {strides = array<i32>} : memref<4x400x64xf32, #tpu.memory_space<vmem>>, vector<1x1x16xf32>,
        %get3A_742 = arith.constant 2 : i32
        %get3A_743 = arith.index_cast %get3A_742 : i32 to index
        %get3A_744 = arith.index_cast %scan3A_709 : i32 to index
        %get3A_745 = arith.constant 32 : index
        %get3A_746 = tpu.vector_load %arg6[%get3A_743, %get3A_744, %get3A_745] {strides = array<i32>} : memref<4x400x64xf32, #tpu.memory_space<vmem>>, vector<1x1x16xf32>,
        %get3A_747 = vector.shape_cast %get3A_746 : vector<1x1x16xf32> to vector<16xf32>
        %mul3A_748 = arith.constant 8.000000e+00 : f32
        %mul3A_749 = vector.broadcast %mul3A_748 : f32 to vector<16xf32>
        %mul3A_750 = arith.mulf %get3A_747, %mul3A_749 : vector<16xf32>
        %swap3A_751 = arith.constant 2 : i32
        %swap3A_752 = arith.index_cast %swap3A_751 : i32 to index
        %swap3A_753 = arith.index_cast %scan3A_709 : i32 to index
        %swap3A_754 = arith.constant 32 : index
        %swap3A_755 = tpu.vector_load %arg6[%swap3A_752, %swap3A_753, %swap3A_754] {strides = array<i32>} : memref<4x400x64xf32, #tpu.memory_space<vmem>>, vector<1x1x16xf32>,
        %swap3A_756 = vector.shape_cast %swap3A_755 : vector<1x1x16xf32> to vector<16xf32>
        %swap3A_757 = vector.shape_cast %mul3A_750 : vector<16xf32> to vector<1x1x16xf32>
        tpu.vector_store %arg6[%swap3A_752, %swap3A_753, %swap3A_754], %swap3A_757 {strides = array<i32>} : memref<4x400x64xf32, #tpu.memory_space<vmem>>, vector<1x1x16xf32>,
        %get3A_758 = arith.constant 2 : i32
        %get3A_759 = arith.index_cast %get3A_758 : i32 to index
        %get3A_760 = arith.index_cast %scan3A_709 : i32 to index
        %get3A_761 = arith.constant 48 : index
        %get3A_762 = tpu.vector_load %arg6[%get3A_759, %get3A_760, %get3A_761] {strides = array<i32>} : memref<4x400x64xf32, #tpu.memory_space<vmem>>, vector<1x1x16xf32>,
        %get3A_763 = vector.shape_cast %get3A_762 : vector<1x1x16xf32> to vector<16xf32>
        %mul3A_764 = arith.constant 8.000000e+00 : f32
        %mul3A_765 = vector.broadcast %mul3A_764 : f32 to vector<16xf32>
        %mul3A_766 = arith.mulf %get3A_763, %mul3A_765 : vector<16xf32>
        %swap3A_767 = arith.constant 2 : i32
        %swap3A_768 = arith.index_cast %swap3A_767 : i32 to index
        %swap3A_769 = arith.index_cast %scan3A_709 : i32 to index
        %swap3A_770 = arith.constant 48 : index
        %swap3A_771 = tpu.vector_load %arg6[%swap3A_768, %swap3A_769, %swap3A_770] {strides = array<i32>} : memref<4x400x64xf32, #tpu.memory_space<vmem>>, vector<1x1x16xf32>,
        %swap3A_772 = vector.shape_cast %swap3A_771 : vector<1x1x16xf32> to vector<16xf32>
        %swap3A_773 = vector.shape_cast %mul3A_766 : vector<16xf32> to vector<1x1x16xf32>
        tpu.vector_store %arg6[%swap3A_768, %swap3A_769, %swap3A_770], %swap3A_773 {strides = array<i32>} : memref<4x400x64xf32, #tpu.memory_space<vmem>>, vector<1x1x16xf32>,
      }
      %scan3A_581 = arith.constant 400 : i32
      %scan3A_582 = arith.constant 0 : i32
      %scan3A_583 = arith.constant 0 : i32
      %scan3A_584 = arith.constant 50 : i32
      %scan3A_585 = arith.addi %scan3A_583, %scan3A_584 : i32
      %scan3A_586 = arith.constant 1 : i32
      scf.for %scan3A_645 = %scan3A_583 to %scan3A_585 step %scan3A_586  : i32 {
        %mul3A_646 = arith.constant 8 : i32
        %mul3A_647 = arith.muli %scan3A_645, %mul3A_646 : i32
        %mul3A_648 = arith.constant 8 : i32
        %mul3A_649 = arith.muli %add3A_532, %mul3A_648 : i32
        %add3A_650 = arith.addi %multiple_of3A, %mul3A_649 : i32
        %dma_start3A = arith.constant 2 : i32
        %dma_start3A_651 = arith.constant 0 : i32
        %dma_start3A_652 = tpu.memref_slice %arg6[%dma_start3A, %mul3A_647, %dma_start3A_651] : memref<4x400x64xf32, #tpu.memory_space<vmem>> -> memref<1x8x64xf32, #tpu.memory_space<vmem>>
        %dma_start3A_653 = tpu.memref_squeeze %dma_start3A_652 : memref<1x8x64xf32, #tpu.memory_space<vmem>> -> memref<8x64xf32, #tpu.memory_space<vmem>>
        %dma_start3A_654 = arith.constant 0 : i32
        %dma_start3A_655 = tpu.memref_slice %arg4[%scan3A_645, %add3A_650, %dma_start3A_654] : memref<50x16384x64xf32, #tpu.memory_space<hbm>> -> memref<1x8x64xf32, #tpu.memory_space<hbm>>
        %dma_start3A_656 = tpu.memref_squeeze %dma_start3A_655 : memref<1x8x64xf32, #tpu.memory_space<hbm>> -> memref<8x64xf32, #tpu.memory_space<hbm>>
        %dma_start3A_657 = arith.constant 0 : i32
        %dma_start3A_658 = tpu.memref_slice %arg4[%scan3A_645, %add3A_650, %dma_start3A_657] : memref<50x16384x64xf32, #tpu.memory_space<hbm>> -> memref<1x8x64xf32, #tpu.memory_space<hbm>>
        %dma_start3A_659 = tpu.memref_squeeze %dma_start3A_658 : memref<1x8x64xf32, #tpu.memory_space<hbm>> -> memref<8x64xf32, #tpu.memory_space<hbm>>
        %dma_start3A_660 = arith.constant 0 : i32
        %dma_start3A_661 = tpu.memref_slice %arg6[%dma_start3A, %mul3A_647, %dma_start3A_660] : memref<4x400x64xf32, #tpu.memory_space<vmem>> -> memref<1x8x64xf32, #tpu.memory_space<vmem>>
        %dma_start3A_662 = tpu.memref_squeeze %dma_start3A_661 : memref<1x8x64xf32, #tpu.memory_space<vmem>> -> memref<8x64xf32, #tpu.memory_space<vmem>>
        tpu.enqueue_dma source(%dma_start3A_662 : memref<8x64xf32, #tpu.memory_space<vmem>>) target(%dma_start3A_659 : memref<8x64xf32, #tpu.memory_space<hbm>>) target_semaphore(%arg13 : memref<!tpu.dma_semaphore, #tpu.memory_space<semaphore_mem>>)
      }
      %scan3A_587 = arith.constant 50 : i32
      %add3A_588 = arith.constant 3 : i32
      %add3A_589 = arith.addi %mul3A_417, %add3A_588 : i32
      %dma_wait3A_590 = arith.constant 2 : i32
      %dma_wait3A_591 = arith.constant 0 : i32
      %dma_wait3A_592 = arith.constant 0 : i32
      %dma_wait3A_593 = arith.constant 0 : i32
      %dma_wait3A_594 = tpu.memref_slice %arg6[%dma_wait3A_590, %dma_wait3A_592, %dma_wait3A_593] : memref<4x400x64xf32, #tpu.memory_space<vmem>> -> memref<1x400x64xf32, #tpu.memory_space<vmem>>
      %dma_wait3A_595 = tpu.memref_squeeze %dma_wait3A_594 : memref<1x400x64xf32, #tpu.memory_space<vmem>> -> memref<400x64xf32, #tpu.memory_space<vmem>>
      %dma_wait3A_596 = arith.constant 0 : i32
      %dma_wait3A_597 = arith.constant 0 : i32
      %dma_wait3A_598 = tpu.memref_slice %arg4[%dma_wait3A_591, %dma_wait3A_596, %dma_wait3A_597] : memref<50x16384x64xf32, #tpu.memory_space<hbm>> -> memref<1x400x64xf32, #tpu.memory_space<hbm>>
      %dma_wait3A_599 = tpu.memref_squeeze %dma_wait3A_598 : memref<1x400x64xf32, #tpu.memory_space<hbm>> -> memref<400x64xf32, #tpu.memory_space<hbm>>
      %dma_wait3A_600 = arith.constant 0 : i32
      %dma_wait3A_601 = arith.constant 0 : i32
      %dma_wait3A_602 = tpu.memref_slice %arg4[%dma_wait3A_591, %dma_wait3A_600, %dma_wait3A_601] : memref<50x16384x64xf32, #tpu.memory_space<hbm>> -> memref<1x400x64xf32, #tpu.memory_space<hbm>>
      %dma_wait3A_603 = tpu.memref_squeeze %dma_wait3A_602 : memref<1x400x64xf32, #tpu.memory_space<hbm>> -> memref<400x64xf32, #tpu.memory_space<hbm>>
      %dma_wait3A_604 = arith.constant 0 : i32
      %dma_wait3A_605 = arith.constant 0 : i32
      %dma_wait3A_606 = tpu.memref_slice %arg6[%dma_wait3A_590, %dma_wait3A_604, %dma_wait3A_605] : memref<4x400x64xf32, #tpu.memory_space<vmem>> -> memref<1x400x64xf32, #tpu.memory_space<vmem>>
      %dma_wait3A_607 = tpu.memref_squeeze %dma_wait3A_606 : memref<1x400x64xf32, #tpu.memory_space<vmem>> -> memref<400x64xf32, #tpu.memory_space<vmem>>
      tpu.wait_dma2 semaphore(%arg13 : memref<!tpu.dma_semaphore, #tpu.memory_space<semaphore_mem>>) src(%dma_wait3A_607 : memref<400x64xf32, #tpu.memory_space<vmem>>) dst(%dma_wait3A_603 : memref<400x64xf32, #tpu.memory_space<hbm>>)
      %add3A_608 = arith.constant 4 : i32
      %add3A_609 = arith.addi %add3A_589, %add3A_608 : i32
      %sub3A_610 = arith.constant 1 : i32
      %sub3A_611 = arith.subi %add3A_609, %sub3A_610 : i32
      %scan3A_612 = arith.constant 0 : i32
      %scan3A_613 = arith.constant 0 : i32
      %scan3A_614 = arith.constant 50 : i32
      %scan3A_615 = arith.addi %scan3A_613, %scan3A_614 : i32
      %scan3A_616 = arith.constant 1 : i32
      scf.for %scan3A_645 = %scan3A_613 to %scan3A_615 step %scan3A_616  : i32 {
        %mul3A_646 = arith.constant 8 : i32
        %mul3A_647 = arith.muli %sub3A_611, %mul3A_646 : i32
        %mul3A_648 = arith.constant 8 : i32
        %mul3A_649 = arith.muli %scan3A_645, %mul3A_648 : i32
        %dma_start3A = arith.constant 2 : i32
        %dma_start3A_650 = arith.constant 0 : i32
        %dma_start3A_651 = tpu.memref_slice %arg6[%dma_start3A, %mul3A_649, %dma_start3A_650] : memref<4x400x64xf32, #tpu.memory_space<vmem>> -> memref<1x8x64xf32, #tpu.memory_space<vmem>>
        %dma_start3A_652 = tpu.memref_squeeze %dma_start3A_651 : memref<1x8x64xf32, #tpu.memory_space<vmem>> -> memref<8x64xf32, #tpu.memory_space<vmem>>
        %dma_start3A_653 = tpu.memref_slice %arg5[%scan3A_645, %mul3A_647] : memref<50x512xi32, #tpu.memory_space<vmem>> -> memref<1x8xi32, #tpu.memory_space<vmem>>
        %dma_start3A_654 = tpu.memref_squeeze %dma_start3A_653 : memref<1x8xi32, #tpu.memory_space<vmem>> -> memref<8xi32, #tpu.memory_space<vmem>>
        %dma_start3A_655 = arith.constant 0 : i32
        %dma_start3A_656 = arith.constant 0 : i32
        %dma_start3A_657 = tpu.memref_slice %arg2[%dma_start3A_655, %dma_start3A_656] : memref<1000000x64xf32, #tpu.memory_space<hbm>> -> memref<1000000x64xf32, #tpu.memory_space<hbm>>
        tpu.enqueue_indirect_dma source(%dma_start3A_657 : memref<1000000x64xf32, #tpu.memory_space<hbm>>) target(%dma_start3A_652 : memref<8x64xf32, #tpu.memory_space<vmem>>) offsets(%dma_start3A_654 : memref<8xi32, #tpu.memory_space<vmem>>) semaphore(%arg9 : memref<!tpu.dma_semaphore, #tpu.memory_space<semaphore_mem>>)
      }
      %scan3A_617 = arith.constant 50 : i32
      %dma_wait3A_618 = arith.constant 3 : i32
      %dma_wait3A_619 = arith.constant 0 : i32
      %dma_wait3A_620 = arith.constant 0 : i32
      %dma_wait3A_621 = tpu.memref_slice %arg6[%dma_wait3A_618, %dma_wait3A_619, %dma_wait3A_620] : memref<4x400x64xf32, #tpu.memory_space<vmem>> -> memref<1x400x64xf32, #tpu.memory_space<vmem>>
      %dma_wait3A_622 = tpu.memref_squeeze %dma_wait3A_621 : memref<1x400x64xf32, #tpu.memory_space<vmem>> -> memref<400x64xf32, #tpu.memory_space<vmem>>
      %dma_wait3A_623 = arith.constant 0 : i32
      %dma_wait3A_624 = arith.constant 0 : i32
      %dma_wait3A_625 = tpu.memref_slice %arg2[%dma_wait3A_623, %dma_wait3A_624] : memref<1000000x64xf32, #tpu.memory_space<hbm>> -> memref<400x64xf32, #tpu.memory_space<hbm>>
      %dma_wait3A_626 = arith.constant 0 : i32
      %dma_wait3A_627 = arith.constant 0 : i32
      %dma_wait3A_628 = tpu.memref_slice %arg6[%dma_wait3A_618, %dma_wait3A_626, %dma_wait3A_627] : memref<4x400x64xf32, #tpu.memory_space<vmem>> -> memref<1x400x64xf32, #tpu.memory_space<vmem>>
      %dma_wait3A_629 = tpu.memref_squeeze %dma_wait3A_628 : memref<1x400x64xf32, #tpu.memory_space<vmem>> -> memref<400x64xf32, #tpu.memory_space<vmem>>
      %dma_wait3A_630 = arith.constant 0 : i32
      %dma_wait3A_631 = arith.constant 0 : i32
      %dma_wait3A_632 = tpu.memref_slice %arg2[%dma_wait3A_630, %dma_wait3A_631] : memref<1000000x64xf32, #tpu.memory_space<hbm>> -> memref<400x64xf32, #tpu.memory_space<hbm>>
      tpu.wait_dma2 semaphore(%arg10 : memref<!tpu.dma_semaphore, #tpu.memory_space<semaphore_mem>>) src(%dma_wait3A_632 : memref<400x64xf32, #tpu.memory_space<hbm>>) dst(%dma_wait3A_629 : memref<400x64xf32, #tpu.memory_space<vmem>>)
      %scan3A_633 = arith.constant 0 : i32
      %scan3A_634 = arith.constant 0 : i32
      %scan3A_635 = arith.constant 400 : i32
      %scan3A_636 = arith.addi %scan3A_634, %scan3A_635 : i32
      %scan3A_637 = arith.constant 2 : i32
      scf.for %scan3A_645 = %scan3A_634 to %scan3A_636 step %scan3A_637  : i32 {
        %get3A = arith.constant 3 : i32
        %get3A_646 = arith.index_cast %get3A : i32 to index
        %get3A_647 = arith.index_cast %scan3A_645 : i32 to index
        %get3A_648 = arith.constant 0 : index
        %get3A_649 = tpu.vector_load %arg6[%get3A_646, %get3A_647, %get3A_648] {strides = array<i32>} : memref<4x400x64xf32, #tpu.memory_space<vmem>>, vector<1x1x16xf32>,
        %get3A_650 = vector.shape_cast %get3A_649 : vector<1x1x16xf32> to vector<16xf32>
        %mul3A_651 = arith.constant 8.000000e+00 : f32
        %mul3A_652 = vector.broadcast %mul3A_651 : f32 to vector<16xf32>
        %mul3A_653 = arith.mulf %get3A_650, %mul3A_652 : vector<16xf32>
        %swap3A = arith.constant 3 : i32
        %swap3A_654 = arith.index_cast %swap3A : i32 to index
        %swap3A_655 = arith.index_cast %scan3A_645 : i32 to index
        %swap3A_656 = arith.constant 0 : index
        %swap3A_657 = tpu.vector_load %arg6[%swap3A_654, %swap3A_655, %swap3A_656] {strides = array<i32>} : memref<4x400x64xf32, #tpu.memory_space<vmem>>, vector<1x1x16xf32>,
        %swap3A_658 = vector.shape_cast %swap3A_657 : vector<1x1x16xf32> to vector<16xf32>
        %swap3A_659 = vector.shape_cast %mul3A_653 : vector<16xf32> to vector<1x1x16xf32>
        tpu.vector_store %arg6[%swap3A_654, %swap3A_655, %swap3A_656], %swap3A_659 {strides = array<i32>} : memref<4x400x64xf32, #tpu.memory_space<vmem>>, vector<1x1x16xf32>,
        %get3A_660 = arith.constant 3 : i32
        %get3A_661 = arith.index_cast %get3A_660 : i32 to index
        %get3A_662 = arith.index_cast %scan3A_645 : i32 to index
        %get3A_663 = arith.constant 16 : index
        %get3A_664 = tpu.vector_load %arg6[%get3A_661, %get3A_662, %get3A_663] {strides = array<i32>} : memref<4x400x64xf32, #tpu.memory_space<vmem>>, vector<1x1x16xf32>,
        %get3A_665 = vector.shape_cast %get3A_664 : vector<1x1x16xf32> to vector<16xf32>
        %mul3A_666 = arith.constant 8.000000e+00 : f32
        %mul3A_667 = vector.broadcast %mul3A_666 : f32 to vector<16xf32>
        %mul3A_668 = arith.mulf %get3A_665, %mul3A_667 : vector<16xf32>
        %swap3A_669 = arith.constant 3 : i32
        %swap3A_670 = arith.index_cast %swap3A_669 : i32 to index
        %swap3A_671 = arith.index_cast %scan3A_645 : i32 to index
        %swap3A_672 = arith.constant 16 : index
        %swap3A_673 = tpu.vector_load %arg6[%swap3A_670, %swap3A_671, %swap3A_672] {strides = array<i32>} : memref<4x400x64xf32, #tpu.memory_space<vmem>>, vector<1x1x16xf32>,
        %swap3A_674 = vector.shape_cast %swap3A_673 : vector<1x1x16xf32> to vector<16xf32>
        %swap3A_675 = vector.shape_cast %mul3A_668 : vector<16xf32> to vector<1x1x16xf32>
        tpu.vector_store %arg6[%swap3A_670, %swap3A_671, %swap3A_672], %swap3A_675 {strides = array<i32>} : memref<4x400x64xf32, #tpu.memory_space<vmem>>, vector<1x1x16xf32>,
        %get3A_676 = arith.constant 3 : i32
        %get3A_677 = arith.index_cast %get3A_676 : i32 to index
        %get3A_678 = arith.index_cast %scan3A_645 : i32 to index
        %get3A_679 = arith.constant 32 : index
        %get3A_680 = tpu.vector_load %arg6[%get3A_677, %get3A_678, %get3A_679] {strides = array<i32>} : memref<4x400x64xf32, #tpu.memory_space<vmem>>, vector<1x1x16xf32>,
        %get3A_681 = vector.shape_cast %get3A_680 : vector<1x1x16xf32> to vector<16xf32>
        %mul3A_682 = arith.constant 8.000000e+00 : f32
        %mul3A_683 = vector.broadcast %mul3A_682 : f32 to vector<16xf32>
        %mul3A_684 = arith.mulf %get3A_681, %mul3A_683 : vector<16xf32>
        %swap3A_685 = arith.constant 3 : i32
        %swap3A_686 = arith.index_cast %swap3A_685 : i32 to index
        %swap3A_687 = arith.index_cast %scan3A_645 : i32 to index
        %swap3A_688 = arith.constant 32 : index
        %swap3A_689 = tpu.vector_load %arg6[%swap3A_686, %swap3A_687, %swap3A_688] {strides = array<i32>} : memref<4x400x64xf32, #tpu.memory_space<vmem>>, vector<1x1x16xf32>,
        %swap3A_690 = vector.shape_cast %swap3A_689 : vector<1x1x16xf32> to vector<16xf32>
        %swap3A_691 = vector.shape_cast %mul3A_684 : vector<16xf32> to vector<1x1x16xf32>
        tpu.vector_store %arg6[%swap3A_686, %swap3A_687, %swap3A_688], %swap3A_691 {strides = array<i32>} : memref<4x400x64xf32, #tpu.memory_space<vmem>>, vector<1x1x16xf32>,
        %get3A_692 = arith.constant 3 : i32
        %get3A_693 = arith.index_cast %get3A_692 : i32 to index
        %get3A_694 = arith.index_cast %scan3A_645 : i32 to index
        %get3A_695 = arith.constant 48 : index
        %get3A_696 = tpu.vector_load %arg6[%get3A_693, %get3A_694, %get3A_695] {strides = array<i32>} : memref<4x400x64xf32, #tpu.memory_space<vmem>>, vector<1x1x16xf32>,
        %get3A_697 = vector.shape_cast %get3A_696 : vector<1x1x16xf32> to vector<16xf32>
        %mul3A_698 = arith.constant 8.000000e+00 : f32
        %mul3A_699 = vector.broadcast %mul3A_698 : f32 to vector<16xf32>
        %mul3A_700 = arith.mulf %get3A_697, %mul3A_699 : vector<16xf32>
        %swap3A_701 = arith.constant 3 : i32
        %swap3A_702 = arith.index_cast %swap3A_701 : i32 to index
        %swap3A_703 = arith.index_cast %scan3A_645 : i32 to index
        %swap3A_704 = arith.constant 48 : index
        %swap3A_705 = tpu.vector_load %arg6[%swap3A_702, %swap3A_703, %swap3A_704] {strides = array<i32>} : memref<4x400x64xf32, #tpu.memory_space<vmem>>, vector<1x1x16xf32>,
        %swap3A_706 = vector.shape_cast %swap3A_705 : vector<1x1x16xf32> to vector<16xf32>
        %swap3A_707 = vector.shape_cast %mul3A_700 : vector<16xf32> to vector<1x1x16xf32>
        tpu.vector_store %arg6[%swap3A_702, %swap3A_703, %swap3A_704], %swap3A_707 {strides = array<i32>} : memref<4x400x64xf32, #tpu.memory_space<vmem>>, vector<1x1x16xf32>,
        %scan3A_708 = arith.constant 1 : i32
        %scan3A_709 = arith.addi %scan3A_645, %scan3A_708 : i32
        %get3A_710 = arith.constant 3 : i32
        %get3A_711 = arith.index_cast %get3A_710 : i32 to index
        %get3A_712 = arith.index_cast %scan3A_709 : i32 to index
        %get3A_713 = arith.constant 0 : index
        %get3A_714 = tpu.vector_load %arg6[%get3A_711, %get3A_712, %get3A_713] {strides = array<i32>} : memref<4x400x64xf32, #tpu.memory_space<vmem>>, vector<1x1x16xf32>,
        %get3A_715 = vector.shape_cast %get3A_714 : vector<1x1x16xf32> to vector<16xf32>
        %mul3A_716 = arith.constant 8.000000e+00 : f32
        %mul3A_717 = vector.broadcast %mul3A_716 : f32 to vector<16xf32>
        %mul3A_718 = arith.mulf %get3A_715, %mul3A_717 : vector<16xf32>
        %swap3A_719 = arith.constant 3 : i32
        %swap3A_720 = arith.index_cast %swap3A_719 : i32 to index
        %swap3A_721 = arith.index_cast %scan3A_709 : i32 to index
        %swap3A_722 = arith.constant 0 : index
        %swap3A_723 = tpu.vector_load %arg6[%swap3A_720, %swap3A_721, %swap3A_722] {strides = array<i32>} : memref<4x400x64xf32, #tpu.memory_space<vmem>>, vector<1x1x16xf32>,
        %swap3A_724 = vector.shape_cast %swap3A_723 : vector<1x1x16xf32> to vector<16xf32>
        %swap3A_725 = vector.shape_cast %mul3A_718 : vector<16xf32> to vector<1x1x16xf32>
        tpu.vector_store %arg6[%swap3A_720, %swap3A_721, %swap3A_722], %swap3A_725 {strides = array<i32>} : memref<4x400x64xf32, #tpu.memory_space<vmem>>, vector<1x1x16xf32>,
        %get3A_726 = arith.constant 3 : i32
        %get3A_727 = arith.index_cast %get3A_726 : i32 to index
        %get3A_728 = arith.index_cast %scan3A_709 : i32 to index
        %get3A_729 = arith.constant 16 : index
        %get3A_730 = tpu.vector_load %arg6[%get3A_727, %get3A_728, %get3A_729] {strides = array<i32>} : memref<4x400x64xf32, #tpu.memory_space<vmem>>, vector<1x1x16xf32>,
        %get3A_731 = vector.shape_cast %get3A_730 : vector<1x1x16xf32> to vector<16xf32>
        %mul3A_732 = arith.constant 8.000000e+00 : f32
        %mul3A_733 = vector.broadcast %mul3A_732 : f32 to vector<16xf32>
        %mul3A_734 = arith.mulf %get3A_731, %mul3A_733 : vector<16xf32>
        %swap3A_735 = arith.constant 3 : i32
        %swap3A_736 = arith.index_cast %swap3A_735 : i32 to index
        %swap3A_737 = arith.index_cast %scan3A_709 : i32 to index
        %swap3A_738 = arith.constant 16 : index
        %swap3A_739 = tpu.vector_load %arg6[%swap3A_736, %swap3A_737, %swap3A_738] {strides = array<i32>} : memref<4x400x64xf32, #tpu.memory_space<vmem>>, vector<1x1x16xf32>,
        %swap3A_740 = vector.shape_cast %swap3A_739 : vector<1x1x16xf32> to vector<16xf32>
        %swap3A_741 = vector.shape_cast %mul3A_734 : vector<16xf32> to vector<1x1x16xf32>
        tpu.vector_store %arg6[%swap3A_736, %swap3A_737, %swap3A_738], %swap3A_741 {strides = array<i32>} : memref<4x400x64xf32, #tpu.memory_space<vmem>>, vector<1x1x16xf32>,
        %get3A_742 = arith.constant 3 : i32
        %get3A_743 = arith.index_cast %get3A_742 : i32 to index
        %get3A_744 = arith.index_cast %scan3A_709 : i32 to index
        %get3A_745 = arith.constant 32 : index
        %get3A_746 = tpu.vector_load %arg6[%get3A_743, %get3A_744, %get3A_745] {strides = array<i32>} : memref<4x400x64xf32, #tpu.memory_space<vmem>>, vector<1x1x16xf32>,
        %get3A_747 = vector.shape_cast %get3A_746 : vector<1x1x16xf32> to vector<16xf32>
        %mul3A_748 = arith.constant 8.000000e+00 : f32
        %mul3A_749 = vector.broadcast %mul3A_748 : f32 to vector<16xf32>
        %mul3A_750 = arith.mulf %get3A_747, %mul3A_749 : vector<16xf32>
        %swap3A_751 = arith.constant 3 : i32
        %swap3A_752 = arith.index_cast %swap3A_751 : i32 to index
        %swap3A_753 = arith.index_cast %scan3A_709 : i32 to index
        %swap3A_754 = arith.constant 32 : index
        %swap3A_755 = tpu.vector_load %arg6[%swap3A_752, %swap3A_753, %swap3A_754] {strides = array<i32>} : memref<4x400x64xf32, #tpu.memory_space<vmem>>, vector<1x1x16xf32>,
        %swap3A_756 = vector.shape_cast %swap3A_755 : vector<1x1x16xf32> to vector<16xf32>
        %swap3A_757 = vector.shape_cast %mul3A_750 : vector<16xf32> to vector<1x1x16xf32>
        tpu.vector_store %arg6[%swap3A_752, %swap3A_753, %swap3A_754], %swap3A_757 {strides = array<i32>} : memref<4x400x64xf32, #tpu.memory_space<vmem>>, vector<1x1x16xf32>,
        %get3A_758 = arith.constant 3 : i32
        %get3A_759 = arith.index_cast %get3A_758 : i32 to index
        %get3A_760 = arith.index_cast %scan3A_709 : i32 to index
        %get3A_761 = arith.constant 48 : index
        %get3A_762 = tpu.vector_load %arg6[%get3A_759, %get3A_760, %get3A_761] {strides = array<i32>} : memref<4x400x64xf32, #tpu.memory_space<vmem>>, vector<1x1x16xf32>,
        %get3A_763 = vector.shape_cast %get3A_762 : vector<1x1x16xf32> to vector<16xf32>
        %mul3A_764 = arith.constant 8.000000e+00 : f32
        %mul3A_765 = vector.broadcast %mul3A_764 : f32 to vector<16xf32>
        %mul3A_766 = arith.mulf %get3A_763, %mul3A_765 : vector<16xf32>
        %swap3A_767 = arith.constant 3 : i32
        %swap3A_768 = arith.index_cast %swap3A_767 : i32 to index
        %swap3A_769 = arith.index_cast %scan3A_709 : i32 to index
        %swap3A_770 = arith.constant 48 : index
        %swap3A_771 = tpu.vector_load %arg6[%swap3A_768, %swap3A_769, %swap3A_770] {strides = array<i32>} : memref<4x400x64xf32, #tpu.memory_space<vmem>>, vector<1x1x16xf32>,
        %swap3A_772 = vector.shape_cast %swap3A_771 : vector<1x1x16xf32> to vector<16xf32>
        %swap3A_773 = vector.shape_cast %mul3A_766 : vector<16xf32> to vector<1x1x16xf32>
        tpu.vector_store %arg6[%swap3A_768, %swap3A_769, %swap3A_770], %swap3A_773 {strides = array<i32>} : memref<4x400x64xf32, #tpu.memory_space<vmem>>, vector<1x1x16xf32>,
      }
      %scan3A_638 = arith.constant 400 : i32
      %scan3A_639 = arith.constant 0 : i32
      %scan3A_640 = arith.constant 0 : i32
      %scan3A_641 = arith.constant 50 : i32
      %scan3A_642 = arith.addi %scan3A_640, %scan3A_641 : i32
      %scan3A_643 = arith.constant 1 : i32
      scf.for %scan3A_645 = %scan3A_640 to %scan3A_642 step %scan3A_643  : i32 {
        %mul3A_646 = arith.constant 8 : i32
        %mul3A_647 = arith.muli %scan3A_645, %mul3A_646 : i32
        %mul3A_648 = arith.constant 8 : i32
        %mul3A_649 = arith.muli %add3A_589, %mul3A_648 : i32
        %add3A_650 = arith.addi %multiple_of3A, %mul3A_649 : i32
        %dma_start3A = arith.constant 3 : i32
        %dma_start3A_651 = arith.constant 0 : i32
        %dma_start3A_652 = tpu.memref_slice %arg6[%dma_start3A, %mul3A_647, %dma_start3A_651] : memref<4x400x64xf32, #tpu.memory_space<vmem>> -> memref<1x8x64xf32, #tpu.memory_space<vmem>>
        %dma_start3A_653 = tpu.memref_squeeze %dma_start3A_652 : memref<1x8x64xf32, #tpu.memory_space<vmem>> -> memref<8x64xf32, #tpu.memory_space<vmem>>
        %dma_start3A_654 = arith.constant 0 : i32
        %dma_start3A_655 = tpu.memref_slice %arg4[%scan3A_645, %add3A_650, %dma_start3A_654] : memref<50x16384x64xf32, #tpu.memory_space<hbm>> -> memref<1x8x64xf32, #tpu.memory_space<hbm>>
        %dma_start3A_656 = tpu.memref_squeeze %dma_start3A_655 : memref<1x8x64xf32, #tpu.memory_space<hbm>> -> memref<8x64xf32, #tpu.memory_space<hbm>>
        %dma_start3A_657 = arith.constant 0 : i32
        %dma_start3A_658 = tpu.memref_slice %arg4[%scan3A_645, %add3A_650, %dma_start3A_657] : memref<50x16384x64xf32, #tpu.memory_space<hbm>> -> memref<1x8x64xf32, #tpu.memory_space<hbm>>
        %dma_start3A_659 = tpu.memref_squeeze %dma_start3A_658 : memref<1x8x64xf32, #tpu.memory_space<hbm>> -> memref<8x64xf32, #tpu.memory_space<hbm>>
        %dma_start3A_660 = arith.constant 0 : i32
        %dma_start3A_661 = tpu.memref_slice %arg6[%dma_start3A, %mul3A_647, %dma_start3A_660] : memref<4x400x64xf32, #tpu.memory_space<vmem>> -> memref<1x8x64xf32, #tpu.memory_space<vmem>>
        %dma_start3A_662 = tpu.memref_squeeze %dma_start3A_661 : memref<1x8x64xf32, #tpu.memory_space<vmem>> -> memref<8x64xf32, #tpu.memory_space<vmem>>
        tpu.enqueue_dma source(%dma_start3A_662 : memref<8x64xf32, #tpu.memory_space<vmem>>) target(%dma_start3A_659 : memref<8x64xf32, #tpu.memory_space<hbm>>) target_semaphore(%arg14 : memref<!tpu.dma_semaphore, #tpu.memory_space<semaphore_mem>>)
      }
      %scan3A_644 = arith.constant 50 : i32
    }
    %scan3A_210 = arith.constant 14 : i32
    %dma_wait3A_211 = arith.constant 3 : i32
    %dma_wait3A_212 = arith.constant 0 : i32
    %dma_wait3A_213 = arith.constant 0 : i32
    %dma_wait3A_214 = arith.constant 0 : i32
    %dma_wait3A_215 = tpu.memref_slice %arg6[%dma_wait3A_211, %dma_wait3A_213, %dma_wait3A_214] : memref<4x400x64xf32, #tpu.memory_space<vmem>> -> memref<1x400x64xf32, #tpu.memory_space<vmem>>
    %dma_wait3A_216 = tpu.memref_squeeze %dma_wait3A_215 : memref<1x400x64xf32, #tpu.memory_space<vmem>> -> memref<400x64xf32, #tpu.memory_space<vmem>>
    %dma_wait3A_217 = arith.constant 0 : i32
    %dma_wait3A_218 = arith.constant 0 : i32
    %dma_wait3A_219 = tpu.memref_slice %arg4[%dma_wait3A_212, %dma_wait3A_217, %dma_wait3A_218] : memref<50x16384x64xf32, #tpu.memory_space<hbm>> -> memref<1x400x64xf32, #tpu.memory_space<hbm>>
    %dma_wait3A_220 = tpu.memref_squeeze %dma_wait3A_219 : memref<1x400x64xf32, #tpu.memory_space<hbm>> -> memref<400x64xf32, #tpu.memory_space<hbm>>
    %dma_wait3A_221 = arith.constant 0 : i32
    %dma_wait3A_222 = arith.constant 0 : i32
    %dma_wait3A_223 = tpu.memref_slice %arg4[%dma_wait3A_212, %dma_wait3A_221, %dma_wait3A_222] : memref<50x16384x64xf32, #tpu.memory_space<hbm>> -> memref<1x400x64xf32, #tpu.memory_space<hbm>>
    %dma_wait3A_224 = tpu.memref_squeeze %dma_wait3A_223 : memref<1x400x64xf32, #tpu.memory_space<hbm>> -> memref<400x64xf32, #tpu.memory_space<hbm>>
    %dma_wait3A_225 = arith.constant 0 : i32
    %dma_wait3A_226 = arith.constant 0 : i32
    %dma_wait3A_227 = tpu.memref_slice %arg6[%dma_wait3A_211, %dma_wait3A_225, %dma_wait3A_226] : memref<4x400x64xf32, #tpu.memory_space<vmem>> -> memref<1x400x64xf32, #tpu.memory_space<vmem>>
    %dma_wait3A_228 = tpu.memref_squeeze %dma_wait3A_227 : memref<1x400x64xf32, #tpu.memory_space<vmem>> -> memref<400x64xf32, #tpu.memory_space<vmem>>
    tpu.wait_dma2 semaphore(%arg14 : memref<!tpu.dma_semaphore, #tpu.memory_space<semaphore_mem>>) src(%dma_wait3A_228 : memref<400x64xf32, #tpu.memory_space<vmem>>) dst(%dma_wait3A_224 : memref<400x64xf32, #tpu.memory_space<hbm>>)
    %scan3A_229 = arith.constant 0 : i32
    %scan3A_230 = arith.constant 0 : i32
    %scan3A_231 = arith.constant 50 : i32
    %scan3A_232 = arith.addi %scan3A_230, %scan3A_231 : i32
    %scan3A_233 = arith.constant 1 : i32
    scf.for %scan3A_415 = %scan3A_230 to %scan3A_232 step %scan3A_233  : i32 {
      %mul3A_416 = arith.constant 8 : i32
      %mul3A_417 = arith.muli %scan3A_415, %mul3A_416 : i32
      %dma_start3A = arith.constant 3 : i32
      %dma_start3A_418 = arith.constant 0 : i32
      %dma_start3A_419 = tpu.memref_slice %arg6[%dma_start3A, %mul3A_417, %dma_start3A_418] : memref<4x400x64xf32, #tpu.memory_space<vmem>> -> memref<1x8x64xf32, #tpu.memory_space<vmem>>
      %dma_start3A_420 = tpu.memref_squeeze %dma_start3A_419 : memref<1x8x64xf32, #tpu.memory_space<vmem>> -> memref<8x64xf32, #tpu.memory_space<vmem>>
      %dma_start3A_421 = arith.constant 504 : i32
      %dma_start3A_422 = tpu.memref_slice %arg5[%scan3A_415, %dma_start3A_421] : memref<50x512xi32, #tpu.memory_space<vmem>> -> memref<1x8xi32, #tpu.memory_space<vmem>>
      %dma_start3A_423 = tpu.memref_squeeze %dma_start3A_422 : memref<1x8xi32, #tpu.memory_space<vmem>> -> memref<8xi32, #tpu.memory_space<vmem>>
      %dma_start3A_424 = arith.constant 0 : i32
      %dma_start3A_425 = arith.constant 0 : i32
      %dma_start3A_426 = tpu.memref_slice %arg2[%dma_start3A_424, %dma_start3A_425] : memref<1000000x64xf32, #tpu.memory_space<hbm>> -> memref<1000000x64xf32, #tpu.memory_space<hbm>>
      tpu.enqueue_indirect_dma source(%dma_start3A_426 : memref<1000000x64xf32, #tpu.memory_space<hbm>>) target(%dma_start3A_420 : memref<8x64xf32, #tpu.memory_space<vmem>>) offsets(%dma_start3A_423 : memref<8xi32, #tpu.memory_space<vmem>>) semaphore(%arg10 : memref<!tpu.dma_semaphore, #tpu.memory_space<semaphore_mem>>)
    }
    %scan3A_234 = arith.constant 50 : i32
    %dma_wait3A_235 = arith.constant 0 : i32
    %dma_wait3A_236 = arith.constant 0 : i32
    %dma_wait3A_237 = arith.constant 0 : i32
    %dma_wait3A_238 = tpu.memref_slice %arg6[%dma_wait3A_235, %dma_wait3A_236, %dma_wait3A_237] : memref<4x400x64xf32, #tpu.memory_space<vmem>> -> memref<1x400x64xf32, #tpu.memory_space<vmem>>
    %dma_wait3A_239 = tpu.memref_squeeze %dma_wait3A_238 : memref<1x400x64xf32, #tpu.memory_space<vmem>> -> memref<400x64xf32, #tpu.memory_space<vmem>>
    %dma_wait3A_240 = arith.constant 0 : i32
    %dma_wait3A_241 = arith.constant 0 : i32
    %dma_wait3A_242 = tpu.memref_slice %arg2[%dma_wait3A_240, %dma_wait3A_241] : memref<1000000x64xf32, #tpu.memory_space<hbm>> -> memref<400x64xf32, #tpu.memory_space<hbm>>
    %dma_wait3A_243 = arith.constant 0 : i32
    %dma_wait3A_244 = arith.constant 0 : i32
    %dma_wait3A_245 = tpu.memref_slice %arg6[%dma_wait3A_235, %dma_wait3A_243, %dma_wait3A_244] : memref<4x400x64xf32, #tpu.memory_space<vmem>> -> memref<1x400x64xf32, #tpu.memory_space<vmem>>
    %dma_wait3A_246 = tpu.memref_squeeze %dma_wait3A_245 : memref<1x400x64xf32, #tpu.memory_space<vmem>> -> memref<400x64xf32, #tpu.memory_space<vmem>>
    %dma_wait3A_247 = arith.constant 0 : i32
    %dma_wait3A_248 = arith.constant 0 : i32
    %dma_wait3A_249 = tpu.memref_slice %arg2[%dma_wait3A_247, %dma_wait3A_248] : memref<1000000x64xf32, #tpu.memory_space<hbm>> -> memref<400x64xf32, #tpu.memory_space<hbm>>
    tpu.wait_dma2 semaphore(%arg7 : memref<!tpu.dma_semaphore, #tpu.memory_space<semaphore_mem>>) src(%dma_wait3A_249 : memref<400x64xf32, #tpu.memory_space<hbm>>) dst(%dma_wait3A_246 : memref<400x64xf32, #tpu.memory_space<vmem>>)
    %scan3A_250 = arith.constant 0 : i32
    %scan3A_251 = arith.constant 0 : i32
    %scan3A_252 = arith.constant 400 : i32
    %scan3A_253 = arith.addi %scan3A_251, %scan3A_252 : i32
    %scan3A_254 = arith.constant 2 : i32
    scf.for %scan3A_415 = %scan3A_251 to %scan3A_253 step %scan3A_254  : i32 {
      %get3A = arith.constant 0 : i32
      %get3A_416 = arith.index_cast %get3A : i32 to index
      %get3A_417 = arith.index_cast %scan3A_415 : i32 to index
      %get3A_418 = arith.constant 0 : index
      %get3A_419 = tpu.vector_load %arg6[%get3A_416, %get3A_417, %get3A_418] {strides = array<i32>} : memref<4x400x64xf32, #tpu.memory_space<vmem>>, vector<1x1x16xf32>,
      %get3A_420 = vector.shape_cast %get3A_419 : vector<1x1x16xf32> to vector<16xf32>
      %mul3A_421 = arith.constant 8.000000e+00 : f32
      %mul3A_422 = vector.broadcast %mul3A_421 : f32 to vector<16xf32>
      %mul3A_423 = arith.mulf %get3A_420, %mul3A_422 : vector<16xf32>
      %swap3A = arith.constant 0 : i32
      %swap3A_424 = arith.index_cast %swap3A : i32 to index
      %swap3A_425 = arith.index_cast %scan3A_415 : i32 to index
      %swap3A_426 = arith.constant 0 : index
      %swap3A_427 = tpu.vector_load %arg6[%swap3A_424, %swap3A_425, %swap3A_426] {strides = array<i32>} : memref<4x400x64xf32, #tpu.memory_space<vmem>>, vector<1x1x16xf32>,
      %swap3A_428 = vector.shape_cast %swap3A_427 : vector<1x1x16xf32> to vector<16xf32>
      %swap3A_429 = vector.shape_cast %mul3A_423 : vector<16xf32> to vector<1x1x16xf32>
      tpu.vector_store %arg6[%swap3A_424, %swap3A_425, %swap3A_426], %swap3A_429 {strides = array<i32>} : memref<4x400x64xf32, #tpu.memory_space<vmem>>, vector<1x1x16xf32>,
      %get3A_430 = arith.constant 0 : i32
      %get3A_431 = arith.index_cast %get3A_430 : i32 to index
      %get3A_432 = arith.index_cast %scan3A_415 : i32 to index
      %get3A_433 = arith.constant 16 : index
      %get3A_434 = tpu.vector_load %arg6[%get3A_431, %get3A_432, %get3A_433] {strides = array<i32>} : memref<4x400x64xf32, #tpu.memory_space<vmem>>, vector<1x1x16xf32>,
      %get3A_435 = vector.shape_cast %get3A_434 : vector<1x1x16xf32> to vector<16xf32>
      %mul3A_436 = arith.constant 8.000000e+00 : f32
      %mul3A_437 = vector.broadcast %mul3A_436 : f32 to vector<16xf32>
      %mul3A_438 = arith.mulf %get3A_435, %mul3A_437 : vector<16xf32>
      %swap3A_439 = arith.constant 0 : i32
      %swap3A_440 = arith.index_cast %swap3A_439 : i32 to index
      %swap3A_441 = arith.index_cast %scan3A_415 : i32 to index
      %swap3A_442 = arith.constant 16 : index
      %swap3A_443 = tpu.vector_load %arg6[%swap3A_440, %swap3A_441, %swap3A_442] {strides = array<i32>} : memref<4x400x64xf32, #tpu.memory_space<vmem>>, vector<1x1x16xf32>,
      %swap3A_444 = vector.shape_cast %swap3A_443 : vector<1x1x16xf32> to vector<16xf32>
      %swap3A_445 = vector.shape_cast %mul3A_438 : vector<16xf32> to vector<1x1x16xf32>
      tpu.vector_store %arg6[%swap3A_440, %swap3A_441, %swap3A_442], %swap3A_445 {strides = array<i32>} : memref<4x400x64xf32, #tpu.memory_space<vmem>>, vector<1x1x16xf32>,
      %get3A_446 = arith.constant 0 : i32
      %get3A_447 = arith.index_cast %get3A_446 : i32 to index
      %get3A_448 = arith.index_cast %scan3A_415 : i32 to index
      %get3A_449 = arith.constant 32 : index
      %get3A_450 = tpu.vector_load %arg6[%get3A_447, %get3A_448, %get3A_449] {strides = array<i32>} : memref<4x400x64xf32, #tpu.memory_space<vmem>>, vector<1x1x16xf32>,
      %get3A_451 = vector.shape_cast %get3A_450 : vector<1x1x16xf32> to vector<16xf32>
      %mul3A_452 = arith.constant 8.000000e+00 : f32
      %mul3A_453 = vector.broadcast %mul3A_452 : f32 to vector<16xf32>
      %mul3A_454 = arith.mulf %get3A_451, %mul3A_453 : vector<16xf32>
      %swap3A_455 = arith.constant 0 : i32
      %swap3A_456 = arith.index_cast %swap3A_455 : i32 to index
      %swap3A_457 = arith.index_cast %scan3A_415 : i32 to index
      %swap3A_458 = arith.constant 32 : index
      %swap3A_459 = tpu.vector_load %arg6[%swap3A_456, %swap3A_457, %swap3A_458] {strides = array<i32>} : memref<4x400x64xf32, #tpu.memory_space<vmem>>, vector<1x1x16xf32>,
      %swap3A_460 = vector.shape_cast %swap3A_459 : vector<1x1x16xf32> to vector<16xf32>
      %swap3A_461 = vector.shape_cast %mul3A_454 : vector<16xf32> to vector<1x1x16xf32>
      tpu.vector_store %arg6[%swap3A_456, %swap3A_457, %swap3A_458], %swap3A_461 {strides = array<i32>} : memref<4x400x64xf32, #tpu.memory_space<vmem>>, vector<1x1x16xf32>,
      %get3A_462 = arith.constant 0 : i32
      %get3A_463 = arith.index_cast %get3A_462 : i32 to index
      %get3A_464 = arith.index_cast %scan3A_415 : i32 to index
      %get3A_465 = arith.constant 48 : index
      %get3A_466 = tpu.vector_load %arg6[%get3A_463, %get3A_464, %get3A_465] {strides = array<i32>} : memref<4x400x64xf32, #tpu.memory_space<vmem>>, vector<1x1x16xf32>,
      %get3A_467 = vector.shape_cast %get3A_466 : vector<1x1x16xf32> to vector<16xf32>
      %mul3A_468 = arith.constant 8.000000e+00 : f32
      %mul3A_469 = vector.broadcast %mul3A_468 : f32 to vector<16xf32>
      %mul3A_470 = arith.mulf %get3A_467, %mul3A_469 : vector<16xf32>
      %swap3A_471 = arith.constant 0 : i32
      %swap3A_472 = arith.index_cast %swap3A_471 : i32 to index
      %swap3A_473 = arith.index_cast %scan3A_415 : i32 to index
      %swap3A_474 = arith.constant 48 : index
      %swap3A_475 = tpu.vector_load %arg6[%swap3A_472, %swap3A_473, %swap3A_474] {strides = array<i32>} : memref<4x400x64xf32, #tpu.memory_space<vmem>>, vector<1x1x16xf32>,
      %swap3A_476 = vector.shape_cast %swap3A_475 : vector<1x1x16xf32> to vector<16xf32>
      %swap3A_477 = vector.shape_cast %mul3A_470 : vector<16xf32> to vector<1x1x16xf32>
      tpu.vector_store %arg6[%swap3A_472, %swap3A_473, %swap3A_474], %swap3A_477 {strides = array<i32>} : memref<4x400x64xf32, #tpu.memory_space<vmem>>, vector<1x1x16xf32>,
      %scan3A_478 = arith.constant 1 : i32
      %scan3A_479 = arith.addi %scan3A_415, %scan3A_478 : i32
      %get3A_480 = arith.constant 0 : i32
      %get3A_481 = arith.index_cast %get3A_480 : i32 to index
      %get3A_482 = arith.index_cast %scan3A_479 : i32 to index
      %get3A_483 = arith.constant 0 : index
      %get3A_484 = tpu.vector_load %arg6[%get3A_481, %get3A_482, %get3A_483] {strides = array<i32>} : memref<4x400x64xf32, #tpu.memory_space<vmem>>, vector<1x1x16xf32>,
      %get3A_485 = vector.shape_cast %get3A_484 : vector<1x1x16xf32> to vector<16xf32>
      %mul3A_486 = arith.constant 8.000000e+00 : f32
      %mul3A_487 = vector.broadcast %mul3A_486 : f32 to vector<16xf32>
      %mul3A_488 = arith.mulf %get3A_485, %mul3A_487 : vector<16xf32>
      %swap3A_489 = arith.constant 0 : i32
      %swap3A_490 = arith.index_cast %swap3A_489 : i32 to index
      %swap3A_491 = arith.index_cast %scan3A_479 : i32 to index
      %swap3A_492 = arith.constant 0 : index
      %swap3A_493 = tpu.vector_load %arg6[%swap3A_490, %swap3A_491, %swap3A_492] {strides = array<i32>} : memref<4x400x64xf32, #tpu.memory_space<vmem>>, vector<1x1x16xf32>,
      %swap3A_494 = vector.shape_cast %swap3A_493 : vector<1x1x16xf32> to vector<16xf32>
      %swap3A_495 = vector.shape_cast %mul3A_488 : vector<16xf32> to vector<1x1x16xf32>
      tpu.vector_store %arg6[%swap3A_490, %swap3A_491, %swap3A_492], %swap3A_495 {strides = array<i32>} : memref<4x400x64xf32, #tpu.memory_space<vmem>>, vector<1x1x16xf32>,
      %get3A_496 = arith.constant 0 : i32
      %get3A_497 = arith.index_cast %get3A_496 : i32 to index
      %get3A_498 = arith.index_cast %scan3A_479 : i32 to index
      %get3A_499 = arith.constant 16 : index
      %get3A_500 = tpu.vector_load %arg6[%get3A_497, %get3A_498, %get3A_499] {strides = array<i32>} : memref<4x400x64xf32, #tpu.memory_space<vmem>>, vector<1x1x16xf32>,
      %get3A_501 = vector.shape_cast %get3A_500 : vector<1x1x16xf32> to vector<16xf32>
      %mul3A_502 = arith.constant 8.000000e+00 : f32
      %mul3A_503 = vector.broadcast %mul3A_502 : f32 to vector<16xf32>
      %mul3A_504 = arith.mulf %get3A_501, %mul3A_503 : vector<16xf32>
      %swap3A_505 = arith.constant 0 : i32
      %swap3A_506 = arith.index_cast %swap3A_505 : i32 to index
      %swap3A_507 = arith.index_cast %scan3A_479 : i32 to index
      %swap3A_508 = arith.constant 16 : index
      %swap3A_509 = tpu.vector_load %arg6[%swap3A_506, %swap3A_507, %swap3A_508] {strides = array<i32>} : memref<4x400x64xf32, #tpu.memory_space<vmem>>, vector<1x1x16xf32>,
      %swap3A_510 = vector.shape_cast %swap3A_509 : vector<1x1x16xf32> to vector<16xf32>
      %swap3A_511 = vector.shape_cast %mul3A_504 : vector<16xf32> to vector<1x1x16xf32>
      tpu.vector_store %arg6[%swap3A_506, %swap3A_507, %swap3A_508], %swap3A_511 {strides = array<i32>} : memref<4x400x64xf32, #tpu.memory_space<vmem>>, vector<1x1x16xf32>,
      %get3A_512 = arith.constant 0 : i32
      %get3A_513 = arith.index_cast %get3A_512 : i32 to index
      %get3A_514 = arith.index_cast %scan3A_479 : i32 to index
      %get3A_515 = arith.constant 32 : index
      %get3A_516 = tpu.vector_load %arg6[%get3A_513, %get3A_514, %get3A_515] {strides = array<i32>} : memref<4x400x64xf32, #tpu.memory_space<vmem>>, vector<1x1x16xf32>,
      %get3A_517 = vector.shape_cast %get3A_516 : vector<1x1x16xf32> to vector<16xf32>
      %mul3A_518 = arith.constant 8.000000e+00 : f32
      %mul3A_519 = vector.broadcast %mul3A_518 : f32 to vector<16xf32>
      %mul3A_520 = arith.mulf %get3A_517, %mul3A_519 : vector<16xf32>
      %swap3A_521 = arith.constant 0 : i32
      %swap3A_522 = arith.index_cast %swap3A_521 : i32 to index
      %swap3A_523 = arith.index_cast %scan3A_479 : i32 to index
      %swap3A_524 = arith.constant 32 : index
      %swap3A_525 = tpu.vector_load %arg6[%swap3A_522, %swap3A_523, %swap3A_524] {strides = array<i32>} : memref<4x400x64xf32, #tpu.memory_space<vmem>>, vector<1x1x16xf32>,
      %swap3A_526 = vector.shape_cast %swap3A_525 : vector<1x1x16xf32> to vector<16xf32>
      %swap3A_527 = vector.shape_cast %mul3A_520 : vector<16xf32> to vector<1x1x16xf32>
      tpu.vector_store %arg6[%swap3A_522, %swap3A_523, %swap3A_524], %swap3A_527 {strides = array<i32>} : memref<4x400x64xf32, #tpu.memory_space<vmem>>, vector<1x1x16xf32>,
      %get3A_528 = arith.constant 0 : i32
      %get3A_529 = arith.index_cast %get3A_528 : i32 to index
      %get3A_530 = arith.index_cast %scan3A_479 : i32 to index
      %get3A_531 = arith.constant 48 : index
      %get3A_532 = tpu.vector_load %arg6[%get3A_529, %get3A_530, %get3A_531] {strides = array<i32>} : memref<4x400x64xf32, #tpu.memory_space<vmem>>, vector<1x1x16xf32>,
      %get3A_533 = vector.shape_cast %get3A_532 : vector<1x1x16xf32> to vector<16xf32>
      %mul3A_534 = arith.constant 8.000000e+00 : f32
      %mul3A_535 = vector.broadcast %mul3A_534 : f32 to vector<16xf32>
      %mul3A_536 = arith.mulf %get3A_533, %mul3A_535 : vector<16xf32>
      %swap3A_537 = arith.constant 0 : i32
      %swap3A_538 = arith.index_cast %swap3A_537 : i32 to index
      %swap3A_539 = arith.index_cast %scan3A_479 : i32 to index
      %swap3A_540 = arith.constant 48 : index
      %swap3A_541 = tpu.vector_load %arg6[%swap3A_538, %swap3A_539, %swap3A_540] {strides = array<i32>} : memref<4x400x64xf32, #tpu.memory_space<vmem>>, vector<1x1x16xf32>,
      %swap3A_542 = vector.shape_cast %swap3A_541 : vector<1x1x16xf32> to vector<16xf32>
      %swap3A_543 = vector.shape_cast %mul3A_536 : vector<16xf32> to vector<1x1x16xf32>
      tpu.vector_store %arg6[%swap3A_538, %swap3A_539, %swap3A_540], %swap3A_543 {strides = array<i32>} : memref<4x400x64xf32, #tpu.memory_space<vmem>>, vector<1x1x16xf32>,
    }
    %scan3A_255 = arith.constant 400 : i32
    %scan3A_256 = arith.constant 0 : i32
    %scan3A_257 = arith.constant 0 : i32
    %scan3A_258 = arith.constant 50 : i32
    %scan3A_259 = arith.addi %scan3A_257, %scan3A_258 : i32
    %scan3A_260 = arith.constant 1 : i32
    scf.for %scan3A_415 = %scan3A_257 to %scan3A_259 step %scan3A_260  : i32 {
      %mul3A_416 = arith.constant 8 : i32
      %mul3A_417 = arith.muli %scan3A_415, %mul3A_416 : i32
      %add3A_418 = arith.constant 480 : i32
      %add3A_419 = arith.addi %multiple_of3A, %add3A_418 : i32
      %dma_start3A = arith.constant 0 : i32
      %dma_start3A_420 = arith.constant 0 : i32
      %dma_start3A_421 = tpu.memref_slice %arg6[%dma_start3A, %mul3A_417, %dma_start3A_420] : memref<4x400x64xf32, #tpu.memory_space<vmem>> -> memref<1x8x64xf32, #tpu.memory_space<vmem>>
      %dma_start3A_422 = tpu.memref_squeeze %dma_start3A_421 : memref<1x8x64xf32, #tpu.memory_space<vmem>> -> memref<8x64xf32, #tpu.memory_space<vmem>>
      %dma_start3A_423 = arith.constant 0 : i32
      %dma_start3A_424 = tpu.memref_slice %arg4[%scan3A_415, %add3A_419, %dma_start3A_423] : memref<50x16384x64xf32, #tpu.memory_space<hbm>> -> memref<1x8x64xf32, #tpu.memory_space<hbm>>
      %dma_start3A_425 = tpu.memref_squeeze %dma_start3A_424 : memref<1x8x64xf32, #tpu.memory_space<hbm>> -> memref<8x64xf32, #tpu.memory_space<hbm>>
      %dma_start3A_426 = arith.constant 0 : i32
      %dma_start3A_427 = tpu.memref_slice %arg4[%scan3A_415, %add3A_419, %dma_start3A_426] : memref<50x16384x64xf32, #tpu.memory_space<hbm>> -> memref<1x8x64xf32, #tpu.memory_space<hbm>>
      %dma_start3A_428 = tpu.memref_squeeze %dma_start3A_427 : memref<1x8x64xf32, #tpu.memory_space<hbm>> -> memref<8x64xf32, #tpu.memory_space<hbm>>
      %dma_start3A_429 = arith.constant 0 : i32
      %dma_start3A_430 = tpu.memref_slice %arg6[%dma_start3A, %mul3A_417, %dma_start3A_429] : memref<4x400x64xf32, #tpu.memory_space<vmem>> -> memref<1x8x64xf32, #tpu.memory_space<vmem>>
      %dma_start3A_431 = tpu.memref_squeeze %dma_start3A_430 : memref<1x8x64xf32, #tpu.memory_space<vmem>> -> memref<8x64xf32, #tpu.memory_space<vmem>>
      tpu.enqueue_dma source(%dma_start3A_431 : memref<8x64xf32, #tpu.memory_space<vmem>>) target(%dma_start3A_428 : memref<8x64xf32, #tpu.memory_space<hbm>>) target_semaphore(%arg11 : memref<!tpu.dma_semaphore, #tpu.memory_space<semaphore_mem>>)
    }
    %scan3A_261 = arith.constant 50 : i32
    %dma_wait3A_262 = arith.constant 1 : i32
    %dma_wait3A_263 = arith.constant 0 : i32
    %dma_wait3A_264 = arith.constant 0 : i32
    %dma_wait3A_265 = tpu.memref_slice %arg6[%dma_wait3A_262, %dma_wait3A_263, %dma_wait3A_264] : memref<4x400x64xf32, #tpu.memory_space<vmem>> -> memref<1x400x64xf32, #tpu.memory_space<vmem>>
    %dma_wait3A_266 = tpu.memref_squeeze %dma_wait3A_265 : memref<1x400x64xf32, #tpu.memory_space<vmem>> -> memref<400x64xf32, #tpu.memory_space<vmem>>
    %dma_wait3A_267 = arith.constant 0 : i32
    %dma_wait3A_268 = arith.constant 0 : i32
    %dma_wait3A_269 = tpu.memref_slice %arg2[%dma_wait3A_267, %dma_wait3A_268] : memref<1000000x64xf32, #tpu.memory_space<hbm>> -> memref<400x64xf32, #tpu.memory_space<hbm>>
    %dma_wait3A_270 = arith.constant 0 : i32
    %dma_wait3A_271 = arith.constant 0 : i32
    %dma_wait3A_272 = tpu.memref_slice %arg6[%dma_wait3A_262, %dma_wait3A_270, %dma_wait3A_271] : memref<4x400x64xf32, #tpu.memory_space<vmem>> -> memref<1x400x64xf32, #tpu.memory_space<vmem>>
    %dma_wait3A_273 = tpu.memref_squeeze %dma_wait3A_272 : memref<1x400x64xf32, #tpu.memory_space<vmem>> -> memref<400x64xf32, #tpu.memory_space<vmem>>
    %dma_wait3A_274 = arith.constant 0 : i32
    %dma_wait3A_275 = arith.constant 0 : i32
    %dma_wait3A_276 = tpu.memref_slice %arg2[%dma_wait3A_274, %dma_wait3A_275] : memref<1000000x64xf32, #tpu.memory_space<hbm>> -> memref<400x64xf32, #tpu.memory_space<hbm>>
    tpu.wait_dma2 semaphore(%arg8 : memref<!tpu.dma_semaphore, #tpu.memory_space<semaphore_mem>>) src(%dma_wait3A_276 : memref<400x64xf32, #tpu.memory_space<hbm>>) dst(%dma_wait3A_273 : memref<400x64xf32, #tpu.memory_space<vmem>>)
    %scan3A_277 = arith.constant 0 : i32
    %scan3A_278 = arith.constant 0 : i32
    %scan3A_279 = arith.constant 400 : i32
    %scan3A_280 = arith.addi %scan3A_278, %scan3A_279 : i32
    %scan3A_281 = arith.constant 2 : i32
    scf.for %scan3A_415 = %scan3A_278 to %scan3A_280 step %scan3A_281  : i32 {
      %get3A = arith.constant 1 : i32
      %get3A_416 = arith.index_cast %get3A : i32 to index
      %get3A_417 = arith.index_cast %scan3A_415 : i32 to index
      %get3A_418 = arith.constant 0 : index
      %get3A_419 = tpu.vector_load %arg6[%get3A_416, %get3A_417, %get3A_418] {strides = array<i32>} : memref<4x400x64xf32, #tpu.memory_space<vmem>>, vector<1x1x16xf32>,
      %get3A_420 = vector.shape_cast %get3A_419 : vector<1x1x16xf32> to vector<16xf32>
      %mul3A_421 = arith.constant 8.000000e+00 : f32
      %mul3A_422 = vector.broadcast %mul3A_421 : f32 to vector<16xf32>
      %mul3A_423 = arith.mulf %get3A_420, %mul3A_422 : vector<16xf32>
      %swap3A = arith.constant 1 : i32
      %swap3A_424 = arith.index_cast %swap3A : i32 to index
      %swap3A_425 = arith.index_cast %scan3A_415 : i32 to index
      %swap3A_426 = arith.constant 0 : index
      %swap3A_427 = tpu.vector_load %arg6[%swap3A_424, %swap3A_425, %swap3A_426] {strides = array<i32>} : memref<4x400x64xf32, #tpu.memory_space<vmem>>, vector<1x1x16xf32>,
      %swap3A_428 = vector.shape_cast %swap3A_427 : vector<1x1x16xf32> to vector<16xf32>
      %swap3A_429 = vector.shape_cast %mul3A_423 : vector<16xf32> to vector<1x1x16xf32>
      tpu.vector_store %arg6[%swap3A_424, %swap3A_425, %swap3A_426], %swap3A_429 {strides = array<i32>} : memref<4x400x64xf32, #tpu.memory_space<vmem>>, vector<1x1x16xf32>,
      %get3A_430 = arith.constant 1 : i32
      %get3A_431 = arith.index_cast %get3A_430 : i32 to index
      %get3A_432 = arith.index_cast %scan3A_415 : i32 to index
      %get3A_433 = arith.constant 16 : index
      %get3A_434 = tpu.vector_load %arg6[%get3A_431, %get3A_432, %get3A_433] {strides = array<i32>} : memref<4x400x64xf32, #tpu.memory_space<vmem>>, vector<1x1x16xf32>,
      %get3A_435 = vector.shape_cast %get3A_434 : vector<1x1x16xf32> to vector<16xf32>
      %mul3A_436 = arith.constant 8.000000e+00 : f32
      %mul3A_437 = vector.broadcast %mul3A_436 : f32 to vector<16xf32>
      %mul3A_438 = arith.mulf %get3A_435, %mul3A_437 : vector<16xf32>
      %swap3A_439 = arith.constant 1 : i32
      %swap3A_440 = arith.index_cast %swap3A_439 : i32 to index
      %swap3A_441 = arith.index_cast %scan3A_415 : i32 to index
      %swap3A_442 = arith.constant 16 : index
      %swap3A_443 = tpu.vector_load %arg6[%swap3A_440, %swap3A_441, %swap3A_442] {strides = array<i32>} : memref<4x400x64xf32, #tpu.memory_space<vmem>>, vector<1x1x16xf32>,
      %swap3A_444 = vector.shape_cast %swap3A_443 : vector<1x1x16xf32> to vector<16xf32>
      %swap3A_445 = vector.shape_cast %mul3A_438 : vector<16xf32> to vector<1x1x16xf32>
      tpu.vector_store %arg6[%swap3A_440, %swap3A_441, %swap3A_442], %swap3A_445 {strides = array<i32>} : memref<4x400x64xf32, #tpu.memory_space<vmem>>, vector<1x1x16xf32>,
      %get3A_446 = arith.constant 1 : i32
      %get3A_447 = arith.index_cast %get3A_446 : i32 to index
      %get3A_448 = arith.index_cast %scan3A_415 : i32 to index
      %get3A_449 = arith.constant 32 : index
      %get3A_450 = tpu.vector_load %arg6[%get3A_447, %get3A_448, %get3A_449] {strides = array<i32>} : memref<4x400x64xf32, #tpu.memory_space<vmem>>, vector<1x1x16xf32>,
      %get3A_451 = vector.shape_cast %get3A_450 : vector<1x1x16xf32> to vector<16xf32>
      %mul3A_452 = arith.constant 8.000000e+00 : f32
      %mul3A_453 = vector.broadcast %mul3A_452 : f32 to vector<16xf32>
      %mul3A_454 = arith.mulf %get3A_451, %mul3A_453 : vector<16xf32>
      %swap3A_455 = arith.constant 1 : i32
      %swap3A_456 = arith.index_cast %swap3A_455 : i32 to index
      %swap3A_457 = arith.index_cast %scan3A_415 : i32 to index
      %swap3A_458 = arith.constant 32 : index
      %swap3A_459 = tpu.vector_load %arg6[%swap3A_456, %swap3A_457, %swap3A_458] {strides = array<i32>} : memref<4x400x64xf32, #tpu.memory_space<vmem>>, vector<1x1x16xf32>,
      %swap3A_460 = vector.shape_cast %swap3A_459 : vector<1x1x16xf32> to vector<16xf32>
      %swap3A_461 = vector.shape_cast %mul3A_454 : vector<16xf32> to vector<1x1x16xf32>
      tpu.vector_store %arg6[%swap3A_456, %swap3A_457, %swap3A_458], %swap3A_461 {strides = array<i32>} : memref<4x400x64xf32, #tpu.memory_space<vmem>>, vector<1x1x16xf32>,
      %get3A_462 = arith.constant 1 : i32
      %get3A_463 = arith.index_cast %get3A_462 : i32 to index
      %get3A_464 = arith.index_cast %scan3A_415 : i32 to index
      %get3A_465 = arith.constant 48 : index
      %get3A_466 = tpu.vector_load %arg6[%get3A_463, %get3A_464, %get3A_465] {strides = array<i32>} : memref<4x400x64xf32, #tpu.memory_space<vmem>>, vector<1x1x16xf32>,
      %get3A_467 = vector.shape_cast %get3A_466 : vector<1x1x16xf32> to vector<16xf32>
      %mul3A_468 = arith.constant 8.000000e+00 : f32
      %mul3A_469 = vector.broadcast %mul3A_468 : f32 to vector<16xf32>
      %mul3A_470 = arith.mulf %get3A_467, %mul3A_469 : vector<16xf32>
      %swap3A_471 = arith.constant 1 : i32
      %swap3A_472 = arith.index_cast %swap3A_471 : i32 to index
      %swap3A_473 = arith.index_cast %scan3A_415 : i32 to index
      %swap3A_474 = arith.constant 48 : index
      %swap3A_475 = tpu.vector_load %arg6[%swap3A_472, %swap3A_473, %swap3A_474] {strides = array<i32>} : memref<4x400x64xf32, #tpu.memory_space<vmem>>, vector<1x1x16xf32>,
      %swap3A_476 = vector.shape_cast %swap3A_475 : vector<1x1x16xf32> to vector<16xf32>
      %swap3A_477 = vector.shape_cast %mul3A_470 : vector<16xf32> to vector<1x1x16xf32>
      tpu.vector_store %arg6[%swap3A_472, %swap3A_473, %swap3A_474], %swap3A_477 {strides = array<i32>} : memref<4x400x64xf32, #tpu.memory_space<vmem>>, vector<1x1x16xf32>,
      %scan3A_478 = arith.constant 1 : i32
      %scan3A_479 = arith.addi %scan3A_415, %scan3A_478 : i32
      %get3A_480 = arith.constant 1 : i32
      %get3A_481 = arith.index_cast %get3A_480 : i32 to index
      %get3A_482 = arith.index_cast %scan3A_479 : i32 to index
      %get3A_483 = arith.constant 0 : index
      %get3A_484 = tpu.vector_load %arg6[%get3A_481, %get3A_482, %get3A_483] {strides = array<i32>} : memref<4x400x64xf32, #tpu.memory_space<vmem>>, vector<1x1x16xf32>,
      %get3A_485 = vector.shape_cast %get3A_484 : vector<1x1x16xf32> to vector<16xf32>
      %mul3A_486 = arith.constant 8.000000e+00 : f32
      %mul3A_487 = vector.broadcast %mul3A_486 : f32 to vector<16xf32>
      %mul3A_488 = arith.mulf %get3A_485, %mul3A_487 : vector<16xf32>
      %swap3A_489 = arith.constant 1 : i32
      %swap3A_490 = arith.index_cast %swap3A_489 : i32 to index
      %swap3A_491 = arith.index_cast %scan3A_479 : i32 to index
      %swap3A_492 = arith.constant 0 : index
      %swap3A_493 = tpu.vector_load %arg6[%swap3A_490, %swap3A_491, %swap3A_492] {strides = array<i32>} : memref<4x400x64xf32, #tpu.memory_space<vmem>>, vector<1x1x16xf32>,
      %swap3A_494 = vector.shape_cast %swap3A_493 : vector<1x1x16xf32> to vector<16xf32>
      %swap3A_495 = vector.shape_cast %mul3A_488 : vector<16xf32> to vector<1x1x16xf32>
      tpu.vector_store %arg6[%swap3A_490, %swap3A_491, %swap3A_492], %swap3A_495 {strides = array<i32>} : memref<4x400x64xf32, #tpu.memory_space<vmem>>, vector<1x1x16xf32>,
      %get3A_496 = arith.constant 1 : i32
      %get3A_497 = arith.index_cast %get3A_496 : i32 to index
      %get3A_498 = arith.index_cast %scan3A_479 : i32 to index
      %get3A_499 = arith.constant 16 : index
      %get3A_500 = tpu.vector_load %arg6[%get3A_497, %get3A_498, %get3A_499] {strides = array<i32>} : memref<4x400x64xf32, #tpu.memory_space<vmem>>, vector<1x1x16xf32>,
      %get3A_501 = vector.shape_cast %get3A_500 : vector<1x1x16xf32> to vector<16xf32>
      %mul3A_502 = arith.constant 8.000000e+00 : f32
      %mul3A_503 = vector.broadcast %mul3A_502 : f32 to vector<16xf32>
      %mul3A_504 = arith.mulf %get3A_501, %mul3A_503 : vector<16xf32>
      %swap3A_505 = arith.constant 1 : i32
      %swap3A_506 = arith.index_cast %swap3A_505 : i32 to index
      %swap3A_507 = arith.index_cast %scan3A_479 : i32 to index
      %swap3A_508 = arith.constant 16 : index
      %swap3A_509 = tpu.vector_load %arg6[%swap3A_506, %swap3A_507, %swap3A_508] {strides = array<i32>} : memref<4x400x64xf32, #tpu.memory_space<vmem>>, vector<1x1x16xf32>,
      %swap3A_510 = vector.shape_cast %swap3A_509 : vector<1x1x16xf32> to vector<16xf32>
      %swap3A_511 = vector.shape_cast %mul3A_504 : vector<16xf32> to vector<1x1x16xf32>
      tpu.vector_store %arg6[%swap3A_506, %swap3A_507, %swap3A_508], %swap3A_511 {strides = array<i32>} : memref<4x400x64xf32, #tpu.memory_space<vmem>>, vector<1x1x16xf32>,
      %get3A_512 = arith.constant 1 : i32
      %get3A_513 = arith.index_cast %get3A_512 : i32 to index
      %get3A_514 = arith.index_cast %scan3A_479 : i32 to index
      %get3A_515 = arith.constant 32 : index
      %get3A_516 = tpu.vector_load %arg6[%get3A_513, %get3A_514, %get3A_515] {strides = array<i32>} : memref<4x400x64xf32, #tpu.memory_space<vmem>>, vector<1x1x16xf32>,
      %get3A_517 = vector.shape_cast %get3A_516 : vector<1x1x16xf32> to vector<16xf32>
      %mul3A_518 = arith.constant 8.000000e+00 : f32
      %mul3A_519 = vector.broadcast %mul3A_518 : f32 to vector<16xf32>
      %mul3A_520 = arith.mulf %get3A_517, %mul3A_519 : vector<16xf32>
      %swap3A_521 = arith.constant 1 : i32
      %swap3A_522 = arith.index_cast %swap3A_521 : i32 to index
      %swap3A_523 = arith.index_cast %scan3A_479 : i32 to index
      %swap3A_524 = arith.constant 32 : index
      %swap3A_525 = tpu.vector_load %arg6[%swap3A_522, %swap3A_523, %swap3A_524] {strides = array<i32>} : memref<4x400x64xf32, #tpu.memory_space<vmem>>, vector<1x1x16xf32>,
      %swap3A_526 = vector.shape_cast %swap3A_525 : vector<1x1x16xf32> to vector<16xf32>
      %swap3A_527 = vector.shape_cast %mul3A_520 : vector<16xf32> to vector<1x1x16xf32>
      tpu.vector_store %arg6[%swap3A_522, %swap3A_523, %swap3A_524], %swap3A_527 {strides = array<i32>} : memref<4x400x64xf32, #tpu.memory_space<vmem>>, vector<1x1x16xf32>,
      %get3A_528 = arith.constant 1 : i32
      %get3A_529 = arith.index_cast %get3A_528 : i32 to index
      %get3A_530 = arith.index_cast %scan3A_479 : i32 to index
      %get3A_531 = arith.constant 48 : index
      %get3A_532 = tpu.vector_load %arg6[%get3A_529, %get3A_530, %get3A_531] {strides = array<i32>} : memref<4x400x64xf32, #tpu.memory_space<vmem>>, vector<1x1x16xf32>,
      %get3A_533 = vector.shape_cast %get3A_532 : vector<1x1x16xf32> to vector<16xf32>
      %mul3A_534 = arith.constant 8.000000e+00 : f32
      %mul3A_535 = vector.broadcast %mul3A_534 : f32 to vector<16xf32>
      %mul3A_536 = arith.mulf %get3A_533, %mul3A_535 : vector<16xf32>
      %swap3A_537 = arith.constant 1 : i32
      %swap3A_538 = arith.index_cast %swap3A_537 : i32 to index
      %swap3A_539 = arith.index_cast %scan3A_479 : i32 to index
      %swap3A_540 = arith.constant 48 : index
      %swap3A_541 = tpu.vector_load %arg6[%swap3A_538, %swap3A_539, %swap3A_540] {strides = array<i32>} : memref<4x400x64xf32, #tpu.memory_space<vmem>>, vector<1x1x16xf32>,
      %swap3A_542 = vector.shape_cast %swap3A_541 : vector<1x1x16xf32> to vector<16xf32>
      %swap3A_543 = vector.shape_cast %mul3A_536 : vector<16xf32> to vector<1x1x16xf32>
      tpu.vector_store %arg6[%swap3A_538, %swap3A_539, %swap3A_540], %swap3A_543 {strides = array<i32>} : memref<4x400x64xf32, #tpu.memory_space<vmem>>, vector<1x1x16xf32>,
    }
    %scan3A_282 = arith.constant 400 : i32
    %scan3A_283 = arith.constant 0 : i32
    %scan3A_284 = arith.constant 0 : i32
    %scan3A_285 = arith.constant 50 : i32
    %scan3A_286 = arith.addi %scan3A_284, %scan3A_285 : i32
    %scan3A_287 = arith.constant 1 : i32
    scf.for %scan3A_415 = %scan3A_284 to %scan3A_286 step %scan3A_287  : i32 {
      %mul3A_416 = arith.constant 8 : i32
      %mul3A_417 = arith.muli %scan3A_415, %mul3A_416 : i32
      %add3A_418 = arith.constant 488 : i32
      %add3A_419 = arith.addi %multiple_of3A, %add3A_418 : i32
      %dma_start3A = arith.constant 1 : i32
      %dma_start3A_420 = arith.constant 0 : i32
      %dma_start3A_421 = tpu.memref_slice %arg6[%dma_start3A, %mul3A_417, %dma_start3A_420] : memref<4x400x64xf32, #tpu.memory_space<vmem>> -> memref<1x8x64xf32, #tpu.memory_space<vmem>>
      %dma_start3A_422 = tpu.memref_squeeze %dma_start3A_421 : memref<1x8x64xf32, #tpu.memory_space<vmem>> -> memref<8x64xf32, #tpu.memory_space<vmem>>
      %dma_start3A_423 = arith.constant 0 : i32
      %dma_start3A_424 = tpu.memref_slice %arg4[%scan3A_415, %add3A_419, %dma_start3A_423] : memref<50x16384x64xf32, #tpu.memory_space<hbm>> -> memref<1x8x64xf32, #tpu.memory_space<hbm>>
      %dma_start3A_425 = tpu.memref_squeeze %dma_start3A_424 : memref<1x8x64xf32, #tpu.memory_space<hbm>> -> memref<8x64xf32, #tpu.memory_space<hbm>>
      %dma_start3A_426 = arith.constant 0 : i32
      %dma_start3A_427 = tpu.memref_slice %arg4[%scan3A_415, %add3A_419, %dma_start3A_426] : memref<50x16384x64xf32, #tpu.memory_space<hbm>> -> memref<1x8x64xf32, #tpu.memory_space<hbm>>
      %dma_start3A_428 = tpu.memref_squeeze %dma_start3A_427 : memref<1x8x64xf32, #tpu.memory_space<hbm>> -> memref<8x64xf32, #tpu.memory_space<hbm>>
      %dma_start3A_429 = arith.constant 0 : i32
      %dma_start3A_430 = tpu.memref_slice %arg6[%dma_start3A, %mul3A_417, %dma_start3A_429] : memref<4x400x64xf32, #tpu.memory_space<vmem>> -> memref<1x8x64xf32, #tpu.memory_space<vmem>>
      %dma_start3A_431 = tpu.memref_squeeze %dma_start3A_430 : memref<1x8x64xf32, #tpu.memory_space<vmem>> -> memref<8x64xf32, #tpu.memory_space<vmem>>
      tpu.enqueue_dma source(%dma_start3A_431 : memref<8x64xf32, #tpu.memory_space<vmem>>) target(%dma_start3A_428 : memref<8x64xf32, #tpu.memory_space<hbm>>) target_semaphore(%arg12 : memref<!tpu.dma_semaphore, #tpu.memory_space<semaphore_mem>>)
    }
    %scan3A_288 = arith.constant 50 : i32
    %dma_wait3A_289 = arith.constant 2 : i32
    %dma_wait3A_290 = arith.constant 0 : i32
    %dma_wait3A_291 = arith.constant 0 : i32
    %dma_wait3A_292 = tpu.memref_slice %arg6[%dma_wait3A_289, %dma_wait3A_290, %dma_wait3A_291] : memref<4x400x64xf32, #tpu.memory_space<vmem>> -> memref<1x400x64xf32, #tpu.memory_space<vmem>>
    %dma_wait3A_293 = tpu.memref_squeeze %dma_wait3A_292 : memref<1x400x64xf32, #tpu.memory_space<vmem>> -> memref<400x64xf32, #tpu.memory_space<vmem>>
    %dma_wait3A_294 = arith.constant 0 : i32
    %dma_wait3A_295 = arith.constant 0 : i32
    %dma_wait3A_296 = tpu.memref_slice %arg2[%dma_wait3A_294, %dma_wait3A_295] : memref<1000000x64xf32, #tpu.memory_space<hbm>> -> memref<400x64xf32, #tpu.memory_space<hbm>>
    %dma_wait3A_297 = arith.constant 0 : i32
    %dma_wait3A_298 = arith.constant 0 : i32
    %dma_wait3A_299 = tpu.memref_slice %arg6[%dma_wait3A_289, %dma_wait3A_297, %dma_wait3A_298] : memref<4x400x64xf32, #tpu.memory_space<vmem>> -> memref<1x400x64xf32, #tpu.memory_space<vmem>>
    %dma_wait3A_300 = tpu.memref_squeeze %dma_wait3A_299 : memref<1x400x64xf32, #tpu.memory_space<vmem>> -> memref<400x64xf32, #tpu.memory_space<vmem>>
    %dma_wait3A_301 = arith.constant 0 : i32
    %dma_wait3A_302 = arith.constant 0 : i32
    %dma_wait3A_303 = tpu.memref_slice %arg2[%dma_wait3A_301, %dma_wait3A_302] : memref<1000000x64xf32, #tpu.memory_space<hbm>> -> memref<400x64xf32, #tpu.memory_space<hbm>>
    tpu.wait_dma2 semaphore(%arg9 : memref<!tpu.dma_semaphore, #tpu.memory_space<semaphore_mem>>) src(%dma_wait3A_303 : memref<400x64xf32, #tpu.memory_space<hbm>>) dst(%dma_wait3A_300 : memref<400x64xf32, #tpu.memory_space<vmem>>)
    %scan3A_304 = arith.constant 0 : i32
    %scan3A_305 = arith.constant 0 : i32
    %scan3A_306 = arith.constant 400 : i32
    %scan3A_307 = arith.addi %scan3A_305, %scan3A_306 : i32
    %scan3A_308 = arith.constant 2 : i32
    scf.for %scan3A_415 = %scan3A_305 to %scan3A_307 step %scan3A_308  : i32 {
      %get3A = arith.constant 2 : i32
      %get3A_416 = arith.index_cast %get3A : i32 to index
      %get3A_417 = arith.index_cast %scan3A_415 : i32 to index
      %get3A_418 = arith.constant 0 : index
      %get3A_419 = tpu.vector_load %arg6[%get3A_416, %get3A_417, %get3A_418] {strides = array<i32>} : memref<4x400x64xf32, #tpu.memory_space<vmem>>, vector<1x1x16xf32>,
      %get3A_420 = vector.shape_cast %get3A_419 : vector<1x1x16xf32> to vector<16xf32>
      %mul3A_421 = arith.constant 8.000000e+00 : f32
      %mul3A_422 = vector.broadcast %mul3A_421 : f32 to vector<16xf32>
      %mul3A_423 = arith.mulf %get3A_420, %mul3A_422 : vector<16xf32>
      %swap3A = arith.constant 2 : i32
      %swap3A_424 = arith.index_cast %swap3A : i32 to index
      %swap3A_425 = arith.index_cast %scan3A_415 : i32 to index
      %swap3A_426 = arith.constant 0 : index
      %swap3A_427 = tpu.vector_load %arg6[%swap3A_424, %swap3A_425, %swap3A_426] {strides = array<i32>} : memref<4x400x64xf32, #tpu.memory_space<vmem>>, vector<1x1x16xf32>,
      %swap3A_428 = vector.shape_cast %swap3A_427 : vector<1x1x16xf32> to vector<16xf32>
      %swap3A_429 = vector.shape_cast %mul3A_423 : vector<16xf32> to vector<1x1x16xf32>
      tpu.vector_store %arg6[%swap3A_424, %swap3A_425, %swap3A_426], %swap3A_429 {strides = array<i32>} : memref<4x400x64xf32, #tpu.memory_space<vmem>>, vector<1x1x16xf32>,
      %get3A_430 = arith.constant 2 : i32
      %get3A_431 = arith.index_cast %get3A_430 : i32 to index
      %get3A_432 = arith.index_cast %scan3A_415 : i32 to index
      %get3A_433 = arith.constant 16 : index
      %get3A_434 = tpu.vector_load %arg6[%get3A_431, %get3A_432, %get3A_433] {strides = array<i32>} : memref<4x400x64xf32, #tpu.memory_space<vmem>>, vector<1x1x16xf32>,
      %get3A_435 = vector.shape_cast %get3A_434 : vector<1x1x16xf32> to vector<16xf32>
      %mul3A_436 = arith.constant 8.000000e+00 : f32
      %mul3A_437 = vector.broadcast %mul3A_436 : f32 to vector<16xf32>
      %mul3A_438 = arith.mulf %get3A_435, %mul3A_437 : vector<16xf32>
      %swap3A_439 = arith.constant 2 : i32
      %swap3A_440 = arith.index_cast %swap3A_439 : i32 to index
      %swap3A_441 = arith.index_cast %scan3A_415 : i32 to index
      %swap3A_442 = arith.constant 16 : index
      %swap3A_443 = tpu.vector_load %arg6[%swap3A_440, %swap3A_441, %swap3A_442] {strides = array<i32>} : memref<4x400x64xf32, #tpu.memory_space<vmem>>, vector<1x1x16xf32>,
      %swap3A_444 = vector.shape_cast %swap3A_443 : vector<1x1x16xf32> to vector<16xf32>
      %swap3A_445 = vector.shape_cast %mul3A_438 : vector<16xf32> to vector<1x1x16xf32>
      tpu.vector_store %arg6[%swap3A_440, %swap3A_441, %swap3A_442], %swap3A_445 {strides = array<i32>} : memref<4x400x64xf32, #tpu.memory_space<vmem>>, vector<1x1x16xf32>,
      %get3A_446 = arith.constant 2 : i32
      %get3A_447 = arith.index_cast %get3A_446 : i32 to index
      %get3A_448 = arith.index_cast %scan3A_415 : i32 to index
      %get3A_449 = arith.constant 32 : index
      %get3A_450 = tpu.vector_load %arg6[%get3A_447, %get3A_448, %get3A_449] {strides = array<i32>} : memref<4x400x64xf32, #tpu.memory_space<vmem>>, vector<1x1x16xf32>,
      %get3A_451 = vector.shape_cast %get3A_450 : vector<1x1x16xf32> to vector<16xf32>
      %mul3A_452 = arith.constant 8.000000e+00 : f32
      %mul3A_453 = vector.broadcast %mul3A_452 : f32 to vector<16xf32>
      %mul3A_454 = arith.mulf %get3A_451, %mul3A_453 : vector<16xf32>
      %swap3A_455 = arith.constant 2 : i32
      %swap3A_456 = arith.index_cast %swap3A_455 : i32 to index
      %swap3A_457 = arith.index_cast %scan3A_415 : i32 to index
      %swap3A_458 = arith.constant 32 : index
      %swap3A_459 = tpu.vector_load %arg6[%swap3A_456, %swap3A_457, %swap3A_458] {strides = array<i32>} : memref<4x400x64xf32, #tpu.memory_space<vmem>>, vector<1x1x16xf32>,
      %swap3A_460 = vector.shape_cast %swap3A_459 : vector<1x1x16xf32> to vector<16xf32>
      %swap3A_461 = vector.shape_cast %mul3A_454 : vector<16xf32> to vector<1x1x16xf32>
      tpu.vector_store %arg6[%swap3A_456, %swap3A_457, %swap3A_458], %swap3A_461 {strides = array<i32>} : memref<4x400x64xf32, #tpu.memory_space<vmem>>, vector<1x1x16xf32>,
      %get3A_462 = arith.constant 2 : i32
      %get3A_463 = arith.index_cast %get3A_462 : i32 to index
      %get3A_464 = arith.index_cast %scan3A_415 : i32 to index
      %get3A_465 = arith.constant 48 : index
      %get3A_466 = tpu.vector_load %arg6[%get3A_463, %get3A_464, %get3A_465] {strides = array<i32>} : memref<4x400x64xf32, #tpu.memory_space<vmem>>, vector<1x1x16xf32>,
      %get3A_467 = vector.shape_cast %get3A_466 : vector<1x1x16xf32> to vector<16xf32>
      %mul3A_468 = arith.constant 8.000000e+00 : f32
      %mul3A_469 = vector.broadcast %mul3A_468 : f32 to vector<16xf32>
      %mul3A_470 = arith.mulf %get3A_467, %mul3A_469 : vector<16xf32>
      %swap3A_471 = arith.constant 2 : i32
      %swap3A_472 = arith.index_cast %swap3A_471 : i32 to index
      %swap3A_473 = arith.index_cast %scan3A_415 : i32 to index
      %swap3A_474 = arith.constant 48 : index
      %swap3A_475 = tpu.vector_load %arg6[%swap3A_472, %swap3A_473, %swap3A_474] {strides = array<i32>} : memref<4x400x64xf32, #tpu.memory_space<vmem>>, vector<1x1x16xf32>,
      %swap3A_476 = vector.shape_cast %swap3A_475 : vector<1x1x16xf32> to vector<16xf32>
      %swap3A_477 = vector.shape_cast %mul3A_470 : vector<16xf32> to vector<1x1x16xf32>
      tpu.vector_store %arg6[%swap3A_472, %swap3A_473, %swap3A_474], %swap3A_477 {strides = array<i32>} : memref<4x400x64xf32, #tpu.memory_space<vmem>>, vector<1x1x16xf32>,
      %scan3A_478 = arith.constant 1 : i32
      %scan3A_479 = arith.addi %scan3A_415, %scan3A_478 : i32
      %get3A_480 = arith.constant 2 : i32
      %get3A_481 = arith.index_cast %get3A_480 : i32 to index
      %get3A_482 = arith.index_cast %scan3A_479 : i32 to index
      %get3A_483 = arith.constant 0 : index
      %get3A_484 = tpu.vector_load %arg6[%get3A_481, %get3A_482, %get3A_483] {strides = array<i32>} : memref<4x400x64xf32, #tpu.memory_space<vmem>>, vector<1x1x16xf32>,
      %get3A_485 = vector.shape_cast %get3A_484 : vector<1x1x16xf32> to vector<16xf32>
      %mul3A_486 = arith.constant 8.000000e+00 : f32
      %mul3A_487 = vector.broadcast %mul3A_486 : f32 to vector<16xf32>
      %mul3A_488 = arith.mulf %get3A_485, %mul3A_487 : vector<16xf32>
      %swap3A_489 = arith.constant 2 : i32
      %swap3A_490 = arith.index_cast %swap3A_489 : i32 to index
      %swap3A_491 = arith.index_cast %scan3A_479 : i32 to index
      %swap3A_492 = arith.constant 0 : index
      %swap3A_493 = tpu.vector_load %arg6[%swap3A_490, %swap3A_491, %swap3A_492] {strides = array<i32>} : memref<4x400x64xf32, #tpu.memory_space<vmem>>, vector<1x1x16xf32>,
      %swap3A_494 = vector.shape_cast %swap3A_493 : vector<1x1x16xf32> to vector<16xf32>
      %swap3A_495 = vector.shape_cast %mul3A_488 : vector<16xf32> to vector<1x1x16xf32>
      tpu.vector_store %arg6[%swap3A_490, %swap3A_491, %swap3A_492], %swap3A_495 {strides = array<i32>} : memref<4x400x64xf32, #tpu.memory_space<vmem>>, vector<1x1x16xf32>,
      %get3A_496 = arith.constant 2 : i32
      %get3A_497 = arith.index_cast %get3A_496 : i32 to index
      %get3A_498 = arith.index_cast %scan3A_479 : i32 to index
      %get3A_499 = arith.constant 16 : index
      %get3A_500 = tpu.vector_load %arg6[%get3A_497, %get3A_498, %get3A_499] {strides = array<i32>} : memref<4x400x64xf32, #tpu.memory_space<vmem>>, vector<1x1x16xf32>,
      %get3A_501 = vector.shape_cast %get3A_500 : vector<1x1x16xf32> to vector<16xf32>
      %mul3A_502 = arith.constant 8.000000e+00 : f32
      %mul3A_503 = vector.broadcast %mul3A_502 : f32 to vector<16xf32>
      %mul3A_504 = arith.mulf %get3A_501, %mul3A_503 : vector<16xf32>
      %swap3A_505 = arith.constant 2 : i32
      %swap3A_506 = arith.index_cast %swap3A_505 : i32 to index
      %swap3A_507 = arith.index_cast %scan3A_479 : i32 to index
      %swap3A_508 = arith.constant 16 : index
      %swap3A_509 = tpu.vector_load %arg6[%swap3A_506, %swap3A_507, %swap3A_508] {strides = array<i32>} : memref<4x400x64xf32, #tpu.memory_space<vmem>>, vector<1x1x16xf32>,
      %swap3A_510 = vector.shape_cast %swap3A_509 : vector<1x1x16xf32> to vector<16xf32>
      %swap3A_511 = vector.shape_cast %mul3A_504 : vector<16xf32> to vector<1x1x16xf32>
      tpu.vector_store %arg6[%swap3A_506, %swap3A_507, %swap3A_508], %swap3A_511 {strides = array<i32>} : memref<4x400x64xf32, #tpu.memory_space<vmem>>, vector<1x1x16xf32>,
      %get3A_512 = arith.constant 2 : i32
      %get3A_513 = arith.index_cast %get3A_512 : i32 to index
      %get3A_514 = arith.index_cast %scan3A_479 : i32 to index
      %get3A_515 = arith.constant 32 : index
      %get3A_516 = tpu.vector_load %arg6[%get3A_513, %get3A_514, %get3A_515] {strides = array<i32>} : memref<4x400x64xf32, #tpu.memory_space<vmem>>, vector<1x1x16xf32>,
      %get3A_517 = vector.shape_cast %get3A_516 : vector<1x1x16xf32> to vector<16xf32>
      %mul3A_518 = arith.constant 8.000000e+00 : f32
      %mul3A_519 = vector.broadcast %mul3A_518 : f32 to vector<16xf32>
      %mul3A_520 = arith.mulf %get3A_517, %mul3A_519 : vector<16xf32>
      %swap3A_521 = arith.constant 2 : i32
      %swap3A_522 = arith.index_cast %swap3A_521 : i32 to index
      %swap3A_523 = arith.index_cast %scan3A_479 : i32 to index
      %swap3A_524 = arith.constant 32 : index
      %swap3A_525 = tpu.vector_load %arg6[%swap3A_522, %swap3A_523, %swap3A_524] {strides = array<i32>} : memref<4x400x64xf32, #tpu.memory_space<vmem>>, vector<1x1x16xf32>,
      %swap3A_526 = vector.shape_cast %swap3A_525 : vector<1x1x16xf32> to vector<16xf32>
      %swap3A_527 = vector.shape_cast %mul3A_520 : vector<16xf32> to vector<1x1x16xf32>
      tpu.vector_store %arg6[%swap3A_522, %swap3A_523, %swap3A_524], %swap3A_527 {strides = array<i32>} : memref<4x400x64xf32, #tpu.memory_space<vmem>>, vector<1x1x16xf32>,
      %get3A_528 = arith.constant 2 : i32
      %get3A_529 = arith.index_cast %get3A_528 : i32 to index
      %get3A_530 = arith.index_cast %scan3A_479 : i32 to index
      %get3A_531 = arith.constant 48 : index
      %get3A_532 = tpu.vector_load %arg6[%get3A_529, %get3A_530, %get3A_531] {strides = array<i32>} : memref<4x400x64xf32, #tpu.memory_space<vmem>>, vector<1x1x16xf32>,
      %get3A_533 = vector.shape_cast %get3A_532 : vector<1x1x16xf32> to vector<16xf32>
      %mul3A_534 = arith.constant 8.000000e+00 : f32
      %mul3A_535 = vector.broadcast %mul3A_534 : f32 to vector<16xf32>
      %mul3A_536 = arith.mulf %get3A_533, %mul3A_535 : vector<16xf32>
      %swap3A_537 = arith.constant 2 : i32
      %swap3A_538 = arith.index_cast %swap3A_537 : i32 to index
      %swap3A_539 = arith.index_cast %scan3A_479 : i32 to index
      %swap3A_540 = arith.constant 48 : index
      %swap3A_541 = tpu.vector_load %arg6[%swap3A_538, %swap3A_539, %swap3A_540] {strides = array<i32>} : memref<4x400x64xf32, #tpu.memory_space<vmem>>, vector<1x1x16xf32>,
      %swap3A_542 = vector.shape_cast %swap3A_541 : vector<1x1x16xf32> to vector<16xf32>
      %swap3A_543 = vector.shape_cast %mul3A_536 : vector<16xf32> to vector<1x1x16xf32>
      tpu.vector_store %arg6[%swap3A_538, %swap3A_539, %swap3A_540], %swap3A_543 {strides = array<i32>} : memref<4x400x64xf32, #tpu.memory_space<vmem>>, vector<1x1x16xf32>,
    }
    %scan3A_309 = arith.constant 400 : i32
    %scan3A_310 = arith.constant 0 : i32
    %scan3A_311 = arith.constant 0 : i32
    %scan3A_312 = arith.constant 50 : i32
    %scan3A_313 = arith.addi %scan3A_311, %scan3A_312 : i32
    %scan3A_314 = arith.constant 1 : i32
    scf.for %scan3A_415 = %scan3A_311 to %scan3A_313 step %scan3A_314  : i32 {
      %mul3A_416 = arith.constant 8 : i32
      %mul3A_417 = arith.muli %scan3A_415, %mul3A_416 : i32
      %add3A_418 = arith.constant 496 : i32
      %add3A_419 = arith.addi %multiple_of3A, %add3A_418 : i32
      %dma_start3A = arith.constant 2 : i32
      %dma_start3A_420 = arith.constant 0 : i32
      %dma_start3A_421 = tpu.memref_slice %arg6[%dma_start3A, %mul3A_417, %dma_start3A_420] : memref<4x400x64xf32, #tpu.memory_space<vmem>> -> memref<1x8x64xf32, #tpu.memory_space<vmem>>
      %dma_start3A_422 = tpu.memref_squeeze %dma_start3A_421 : memref<1x8x64xf32, #tpu.memory_space<vmem>> -> memref<8x64xf32, #tpu.memory_space<vmem>>
      %dma_start3A_423 = arith.constant 0 : i32
      %dma_start3A_424 = tpu.memref_slice %arg4[%scan3A_415, %add3A_419, %dma_start3A_423] : memref<50x16384x64xf32, #tpu.memory_space<hbm>> -> memref<1x8x64xf32, #tpu.memory_space<hbm>>
      %dma_start3A_425 = tpu.memref_squeeze %dma_start3A_424 : memref<1x8x64xf32, #tpu.memory_space<hbm>> -> memref<8x64xf32, #tpu.memory_space<hbm>>
      %dma_start3A_426 = arith.constant 0 : i32
      %dma_start3A_427 = tpu.memref_slice %arg4[%scan3A_415, %add3A_419, %dma_start3A_426] : memref<50x16384x64xf32, #tpu.memory_space<hbm>> -> memref<1x8x64xf32, #tpu.memory_space<hbm>>
      %dma_start3A_428 = tpu.memref_squeeze %dma_start3A_427 : memref<1x8x64xf32, #tpu.memory_space<hbm>> -> memref<8x64xf32, #tpu.memory_space<hbm>>
      %dma_start3A_429 = arith.constant 0 : i32
      %dma_start3A_430 = tpu.memref_slice %arg6[%dma_start3A, %mul3A_417, %dma_start3A_429] : memref<4x400x64xf32, #tpu.memory_space<vmem>> -> memref<1x8x64xf32, #tpu.memory_space<vmem>>
      %dma_start3A_431 = tpu.memref_squeeze %dma_start3A_430 : memref<1x8x64xf32, #tpu.memory_space<vmem>> -> memref<8x64xf32, #tpu.memory_space<vmem>>
      tpu.enqueue_dma source(%dma_start3A_431 : memref<8x64xf32, #tpu.memory_space<vmem>>) target(%dma_start3A_428 : memref<8x64xf32, #tpu.memory_space<hbm>>) target_semaphore(%arg13 : memref<!tpu.dma_semaphore, #tpu.memory_space<semaphore_mem>>)
    }
    %scan3A_315 = arith.constant 50 : i32
    %dma_wait3A_316 = arith.constant 3 : i32
    %dma_wait3A_317 = arith.constant 0 : i32
    %dma_wait3A_318 = arith.constant 0 : i32
    %dma_wait3A_319 = tpu.memref_slice %arg6[%dma_wait3A_316, %dma_wait3A_317, %dma_wait3A_318] : memref<4x400x64xf32, #tpu.memory_space<vmem>> -> memref<1x400x64xf32, #tpu.memory_space<vmem>>
    %dma_wait3A_320 = tpu.memref_squeeze %dma_wait3A_319 : memref<1x400x64xf32, #tpu.memory_space<vmem>> -> memref<400x64xf32, #tpu.memory_space<vmem>>
    %dma_wait3A_321 = arith.constant 0 : i32
    %dma_wait3A_322 = arith.constant 0 : i32
    %dma_wait3A_323 = tpu.memref_slice %arg2[%dma_wait3A_321, %dma_wait3A_322] : memref<1000000x64xf32, #tpu.memory_space<hbm>> -> memref<400x64xf32, #tpu.memory_space<hbm>>
    %dma_wait3A_324 = arith.constant 0 : i32
    %dma_wait3A_325 = arith.constant 0 : i32
    %dma_wait3A_326 = tpu.memref_slice %arg6[%dma_wait3A_316, %dma_wait3A_324, %dma_wait3A_325] : memref<4x400x64xf32, #tpu.memory_space<vmem>> -> memref<1x400x64xf32, #tpu.memory_space<vmem>>
    %dma_wait3A_327 = tpu.memref_squeeze %dma_wait3A_326 : memref<1x400x64xf32, #tpu.memory_space<vmem>> -> memref<400x64xf32, #tpu.memory_space<vmem>>
    %dma_wait3A_328 = arith.constant 0 : i32
    %dma_wait3A_329 = arith.constant 0 : i32
    %dma_wait3A_330 = tpu.memref_slice %arg2[%dma_wait3A_328, %dma_wait3A_329] : memref<1000000x64xf32, #tpu.memory_space<hbm>> -> memref<400x64xf32, #tpu.memory_space<hbm>>
    tpu.wait_dma2 semaphore(%arg10 : memref<!tpu.dma_semaphore, #tpu.memory_space<semaphore_mem>>) src(%dma_wait3A_330 : memref<400x64xf32, #tpu.memory_space<hbm>>) dst(%dma_wait3A_327 : memref<400x64xf32, #tpu.memory_space<vmem>>)
    %scan3A_331 = arith.constant 0 : i32
    %scan3A_332 = arith.constant 0 : i32
    %scan3A_333 = arith.constant 400 : i32
    %scan3A_334 = arith.addi %scan3A_332, %scan3A_333 : i32
    %scan3A_335 = arith.constant 2 : i32
    scf.for %scan3A_415 = %scan3A_332 to %scan3A_334 step %scan3A_335  : i32 {
      %get3A = arith.constant 3 : i32
      %get3A_416 = arith.index_cast %get3A : i32 to index
      %get3A_417 = arith.index_cast %scan3A_415 : i32 to index
      %get3A_418 = arith.constant 0 : index
      %get3A_419 = tpu.vector_load %arg6[%get3A_416, %get3A_417, %get3A_418] {strides = array<i32>} : memref<4x400x64xf32, #tpu.memory_space<vmem>>, vector<1x1x16xf32>,
      %get3A_420 = vector.shape_cast %get3A_419 : vector<1x1x16xf32> to vector<16xf32>
      %mul3A_421 = arith.constant 8.000000e+00 : f32
      %mul3A_422 = vector.broadcast %mul3A_421 : f32 to vector<16xf32>
      %mul3A_423 = arith.mulf %get3A_420, %mul3A_422 : vector<16xf32>
      %swap3A = arith.constant 3 : i32
      %swap3A_424 = arith.index_cast %swap3A : i32 to index
      %swap3A_425 = arith.index_cast %scan3A_415 : i32 to index
      %swap3A_426 = arith.constant 0 : index
      %swap3A_427 = tpu.vector_load %arg6[%swap3A_424, %swap3A_425, %swap3A_426] {strides = array<i32>} : memref<4x400x64xf32, #tpu.memory_space<vmem>>, vector<1x1x16xf32>,
      %swap3A_428 = vector.shape_cast %swap3A_427 : vector<1x1x16xf32> to vector<16xf32>
      %swap3A_429 = vector.shape_cast %mul3A_423 : vector<16xf32> to vector<1x1x16xf32>
      tpu.vector_store %arg6[%swap3A_424, %swap3A_425, %swap3A_426], %swap3A_429 {strides = array<i32>} : memref<4x400x64xf32, #tpu.memory_space<vmem>>, vector<1x1x16xf32>,
      %get3A_430 = arith.constant 3 : i32
      %get3A_431 = arith.index_cast %get3A_430 : i32 to index
      %get3A_432 = arith.index_cast %scan3A_415 : i32 to index
      %get3A_433 = arith.constant 16 : index
      %get3A_434 = tpu.vector_load %arg6[%get3A_431, %get3A_432, %get3A_433] {strides = array<i32>} : memref<4x400x64xf32, #tpu.memory_space<vmem>>, vector<1x1x16xf32>,
      %get3A_435 = vector.shape_cast %get3A_434 : vector<1x1x16xf32> to vector<16xf32>
      %mul3A_436 = arith.constant 8.000000e+00 : f32
      %mul3A_437 = vector.broadcast %mul3A_436 : f32 to vector<16xf32>
      %mul3A_438 = arith.mulf %get3A_435, %mul3A_437 : vector<16xf32>
      %swap3A_439 = arith.constant 3 : i32
      %swap3A_440 = arith.index_cast %swap3A_439 : i32 to index
      %swap3A_441 = arith.index_cast %scan3A_415 : i32 to index
      %swap3A_442 = arith.constant 16 : index
      %swap3A_443 = tpu.vector_load %arg6[%swap3A_440, %swap3A_441, %swap3A_442] {strides = array<i32>} : memref<4x400x64xf32, #tpu.memory_space<vmem>>, vector<1x1x16xf32>,
      %swap3A_444 = vector.shape_cast %swap3A_443 : vector<1x1x16xf32> to vector<16xf32>
      %swap3A_445 = vector.shape_cast %mul3A_438 : vector<16xf32> to vector<1x1x16xf32>
      tpu.vector_store %arg6[%swap3A_440, %swap3A_441, %swap3A_442], %swap3A_445 {strides = array<i32>} : memref<4x400x64xf32, #tpu.memory_space<vmem>>, vector<1x1x16xf32>,
      %get3A_446 = arith.constant 3 : i32
      %get3A_447 = arith.index_cast %get3A_446 : i32 to index
      %get3A_448 = arith.index_cast %scan3A_415 : i32 to index
      %get3A_449 = arith.constant 32 : index
      %get3A_450 = tpu.vector_load %arg6[%get3A_447, %get3A_448, %get3A_449] {strides = array<i32>} : memref<4x400x64xf32, #tpu.memory_space<vmem>>, vector<1x1x16xf32>,
      %get3A_451 = vector.shape_cast %get3A_450 : vector<1x1x16xf32> to vector<16xf32>
      %mul3A_452 = arith.constant 8.000000e+00 : f32
      %mul3A_453 = vector.broadcast %mul3A_452 : f32 to vector<16xf32>
      %mul3A_454 = arith.mulf %get3A_451, %mul3A_453 : vector<16xf32>
      %swap3A_455 = arith.constant 3 : i32
      %swap3A_456 = arith.index_cast %swap3A_455 : i32 to index
      %swap3A_457 = arith.index_cast %scan3A_415 : i32 to index
      %swap3A_458 = arith.constant 32 : index
      %swap3A_459 = tpu.vector_load %arg6[%swap3A_456, %swap3A_457, %swap3A_458] {strides = array<i32>} : memref<4x400x64xf32, #tpu.memory_space<vmem>>, vector<1x1x16xf32>,
      %swap3A_460 = vector.shape_cast %swap3A_459 : vector<1x1x16xf32> to vector<16xf32>
      %swap3A_461 = vector.shape_cast %mul3A_454 : vector<16xf32> to vector<1x1x16xf32>
      tpu.vector_store %arg6[%swap3A_456, %swap3A_457, %swap3A_458], %swap3A_461 {strides = array<i32>} : memref<4x400x64xf32, #tpu.memory_space<vmem>>, vector<1x1x16xf32>,
      %get3A_462 = arith.constant 3 : i32
      %get3A_463 = arith.index_cast %get3A_462 : i32 to index
      %get3A_464 = arith.index_cast %scan3A_415 : i32 to index
      %get3A_465 = arith.constant 48 : index
      %get3A_466 = tpu.vector_load %arg6[%get3A_463, %get3A_464, %get3A_465] {strides = array<i32>} : memref<4x400x64xf32, #tpu.memory_space<vmem>>, vector<1x1x16xf32>,
      %get3A_467 = vector.shape_cast %get3A_466 : vector<1x1x16xf32> to vector<16xf32>
      %mul3A_468 = arith.constant 8.000000e+00 : f32
      %mul3A_469 = vector.broadcast %mul3A_468 : f32 to vector<16xf32>
      %mul3A_470 = arith.mulf %get3A_467, %mul3A_469 : vector<16xf32>
      %swap3A_471 = arith.constant 3 : i32
      %swap3A_472 = arith.index_cast %swap3A_471 : i32 to index
      %swap3A_473 = arith.index_cast %scan3A_415 : i32 to index
      %swap3A_474 = arith.constant 48 : index
      %swap3A_475 = tpu.vector_load %arg6[%swap3A_472, %swap3A_473, %swap3A_474] {strides = array<i32>} : memref<4x400x64xf32, #tpu.memory_space<vmem>>, vector<1x1x16xf32>,
      %swap3A_476 = vector.shape_cast %swap3A_475 : vector<1x1x16xf32> to vector<16xf32>
      %swap3A_477 = vector.shape_cast %mul3A_470 : vector<16xf32> to vector<1x1x16xf32>
      tpu.vector_store %arg6[%swap3A_472, %swap3A_473, %swap3A_474], %swap3A_477 {strides = array<i32>} : memref<4x400x64xf32, #tpu.memory_space<vmem>>, vector<1x1x16xf32>,
      %scan3A_478 = arith.constant 1 : i32
      %scan3A_479 = arith.addi %scan3A_415, %scan3A_478 : i32
      %get3A_480 = arith.constant 3 : i32
      %get3A_481 = arith.index_cast %get3A_480 : i32 to index
      %get3A_482 = arith.index_cast %scan3A_479 : i32 to index
      %get3A_483 = arith.constant 0 : index
      %get3A_484 = tpu.vector_load %arg6[%get3A_481, %get3A_482, %get3A_483] {strides = array<i32>} : memref<4x400x64xf32, #tpu.memory_space<vmem>>, vector<1x1x16xf32>,
      %get3A_485 = vector.shape_cast %get3A_484 : vector<1x1x16xf32> to vector<16xf32>
      %mul3A_486 = arith.constant 8.000000e+00 : f32
      %mul3A_487 = vector.broadcast %mul3A_486 : f32 to vector<16xf32>
      %mul3A_488 = arith.mulf %get3A_485, %mul3A_487 : vector<16xf32>
      %swap3A_489 = arith.constant 3 : i32
      %swap3A_490 = arith.index_cast %swap3A_489 : i32 to index
      %swap3A_491 = arith.index_cast %scan3A_479 : i32 to index
      %swap3A_492 = arith.constant 0 : index
      %swap3A_493 = tpu.vector_load %arg6[%swap3A_490, %swap3A_491, %swap3A_492] {strides = array<i32>} : memref<4x400x64xf32, #tpu.memory_space<vmem>>, vector<1x1x16xf32>,
      %swap3A_494 = vector.shape_cast %swap3A_493 : vector<1x1x16xf32> to vector<16xf32>
      %swap3A_495 = vector.shape_cast %mul3A_488 : vector<16xf32> to vector<1x1x16xf32>
      tpu.vector_store %arg6[%swap3A_490, %swap3A_491, %swap3A_492], %swap3A_495 {strides = array<i32>} : memref<4x400x64xf32, #tpu.memory_space<vmem>>, vector<1x1x16xf32>,
      %get3A_496 = arith.constant 3 : i32
      %get3A_497 = arith.index_cast %get3A_496 : i32 to index
      %get3A_498 = arith.index_cast %scan3A_479 : i32 to index
      %get3A_499 = arith.constant 16 : index
      %get3A_500 = tpu.vector_load %arg6[%get3A_497, %get3A_498, %get3A_499] {strides = array<i32>} : memref<4x400x64xf32, #tpu.memory_space<vmem>>, vector<1x1x16xf32>,
      %get3A_501 = vector.shape_cast %get3A_500 : vector<1x1x16xf32> to vector<16xf32>
      %mul3A_502 = arith.constant 8.000000e+00 : f32
      %mul3A_503 = vector.broadcast %mul3A_502 : f32 to vector<16xf32>
      %mul3A_504 = arith.mulf %get3A_501, %mul3A_503 : vector<16xf32>
      %swap3A_505 = arith.constant 3 : i32
      %swap3A_506 = arith.index_cast %swap3A_505 : i32 to index
      %swap3A_507 = arith.index_cast %scan3A_479 : i32 to index
      %swap3A_508 = arith.constant 16 : index
      %swap3A_509 = tpu.vector_load %arg6[%swap3A_506, %swap3A_507, %swap3A_508] {strides = array<i32>} : memref<4x400x64xf32, #tpu.memory_space<vmem>>, vector<1x1x16xf32>,
      %swap3A_510 = vector.shape_cast %swap3A_509 : vector<1x1x16xf32> to vector<16xf32>
      %swap3A_511 = vector.shape_cast %mul3A_504 : vector<16xf32> to vector<1x1x16xf32>
      tpu.vector_store %arg6[%swap3A_506, %swap3A_507, %swap3A_508], %swap3A_511 {strides = array<i32>} : memref<4x400x64xf32, #tpu.memory_space<vmem>>, vector<1x1x16xf32>,
      %get3A_512 = arith.constant 3 : i32
      %get3A_513 = arith.index_cast %get3A_512 : i32 to index
      %get3A_514 = arith.index_cast %scan3A_479 : i32 to index
      %get3A_515 = arith.constant 32 : index
      %get3A_516 = tpu.vector_load %arg6[%get3A_513, %get3A_514, %get3A_515] {strides = array<i32>} : memref<4x400x64xf32, #tpu.memory_space<vmem>>, vector<1x1x16xf32>,
      %get3A_517 = vector.shape_cast %get3A_516 : vector<1x1x16xf32> to vector<16xf32>
      %mul3A_518 = arith.constant 8.000000e+00 : f32
      %mul3A_519 = vector.broadcast %mul3A_518 : f32 to vector<16xf32>
      %mul3A_520 = arith.mulf %get3A_517, %mul3A_519 : vector<16xf32>
      %swap3A_521 = arith.constant 3 : i32
      %swap3A_522 = arith.index_cast %swap3A_521 : i32 to index
      %swap3A_523 = arith.index_cast %scan3A_479 : i32 to index
      %swap3A_524 = arith.constant 32 : index
      %swap3A_525 = tpu.vector_load %arg6[%swap3A_522, %swap3A_523, %swap3A_524] {strides = array<i32>} : memref<4x400x64xf32, #tpu.memory_space<vmem>>, vector<1x1x16xf32>,
      %swap3A_526 = vector.shape_cast %swap3A_525 : vector<1x1x16xf32> to vector<16xf32>
      %swap3A_527 = vector.shape_cast %mul3A_520 : vector<16xf32> to vector<1x1x16xf32>
      tpu.vector_store %arg6[%swap3A_522, %swap3A_523, %swap3A_524], %swap3A_527 {strides = array<i32>} : memref<4x400x64xf32, #tpu.memory_space<vmem>>, vector<1x1x16xf32>,
      %get3A_528 = arith.constant 3 : i32
      %get3A_529 = arith.index_cast %get3A_528 : i32 to index
      %get3A_530 = arith.index_cast %scan3A_479 : i32 to index
      %get3A_531 = arith.constant 48 : index
      %get3A_532 = tpu.vector_load %arg6[%get3A_529, %get3A_530, %get3A_531] {strides = array<i32>} : memref<4x400x64xf32, #tpu.memory_space<vmem>>, vector<1x1x16xf32>,
      %get3A_533 = vector.shape_cast %get3A_532 : vector<1x1x16xf32> to vector<16xf32>
      %mul3A_534 = arith.constant 8.000000e+00 : f32
      %mul3A_535 = vector.broadcast %mul3A_534 : f32 to vector<16xf32>
      %mul3A_536 = arith.mulf %get3A_533, %mul3A_535 : vector<16xf32>
      %swap3A_537 = arith.constant 3 : i32
      %swap3A_538 = arith.index_cast %swap3A_537 : i32 to index
      %swap3A_539 = arith.index_cast %scan3A_479 : i32 to index
      %swap3A_540 = arith.constant 48 : index
      %swap3A_541 = tpu.vector_load %arg6[%swap3A_538, %swap3A_539, %swap3A_540] {strides = array<i32>} : memref<4x400x64xf32, #tpu.memory_space<vmem>>, vector<1x1x16xf32>,
      %swap3A_542 = vector.shape_cast %swap3A_541 : vector<1x1x16xf32> to vector<16xf32>
      %swap3A_543 = vector.shape_cast %mul3A_536 : vector<16xf32> to vector<1x1x16xf32>
      tpu.vector_store %arg6[%swap3A_538, %swap3A_539, %swap3A_540], %swap3A_543 {strides = array<i32>} : memref<4x400x64xf32, #tpu.memory_space<vmem>>, vector<1x1x16xf32>,
    }
    %scan3A_336 = arith.constant 400 : i32
    %scan3A_337 = arith.constant 0 : i32
    %scan3A_338 = arith.constant 0 : i32
    %scan3A_339 = arith.constant 50 : i32
    %scan3A_340 = arith.addi %scan3A_338, %scan3A_339 : i32
    %scan3A_341 = arith.constant 1 : i32
    scf.for %scan3A_415 = %scan3A_338 to %scan3A_340 step %scan3A_341  : i32 {
      %mul3A_416 = arith.constant 8 : i32
      %mul3A_417 = arith.muli %scan3A_415, %mul3A_416 : i32
      %add3A_418 = arith.constant 504 : i32
      %add3A_419 = arith.addi %multiple_of3A, %add3A_418 : i32
      %dma_start3A = arith.constant 3 : i32
      %dma_start3A_420 = arith.constant 0 : i32
      %dma_start3A_421 = tpu.memref_slice %arg6[%dma_start3A, %mul3A_417, %dma_start3A_420] : memref<4x400x64xf32, #tpu.memory_space<vmem>> -> memref<1x8x64xf32, #tpu.memory_space<vmem>>
      %dma_start3A_422 = tpu.memref_squeeze %dma_start3A_421 : memref<1x8x64xf32, #tpu.memory_space<vmem>> -> memref<8x64xf32, #tpu.memory_space<vmem>>
      %dma_start3A_423 = arith.constant 0 : i32
      %dma_start3A_424 = tpu.memref_slice %arg4[%scan3A_415, %add3A_419, %dma_start3A_423] : memref<50x16384x64xf32, #tpu.memory_space<hbm>> -> memref<1x8x64xf32, #tpu.memory_space<hbm>>
      %dma_start3A_425 = tpu.memref_squeeze %dma_start3A_424 : memref<1x8x64xf32, #tpu.memory_space<hbm>> -> memref<8x64xf32, #tpu.memory_space<hbm>>
      %dma_start3A_426 = arith.constant 0 : i32
      %dma_start3A_427 = tpu.memref_slice %arg4[%scan3A_415, %add3A_419, %dma_start3A_426] : memref<50x16384x64xf32, #tpu.memory_space<hbm>> -> memref<1x8x64xf32, #tpu.memory_space<hbm>>
      %dma_start3A_428 = tpu.memref_squeeze %dma_start3A_427 : memref<1x8x64xf32, #tpu.memory_space<hbm>> -> memref<8x64xf32, #tpu.memory_space<hbm>>
      %dma_start3A_429 = arith.constant 0 : i32
      %dma_start3A_430 = tpu.memref_slice %arg6[%dma_start3A, %mul3A_417, %dma_start3A_429] : memref<4x400x64xf32, #tpu.memory_space<vmem>> -> memref<1x8x64xf32, #tpu.memory_space<vmem>>
      %dma_start3A_431 = tpu.memref_squeeze %dma_start3A_430 : memref<1x8x64xf32, #tpu.memory_space<vmem>> -> memref<8x64xf32, #tpu.memory_space<vmem>>
      tpu.enqueue_dma source(%dma_start3A_431 : memref<8x64xf32, #tpu.memory_space<vmem>>) target(%dma_start3A_428 : memref<8x64xf32, #tpu.memory_space<hbm>>) target_semaphore(%arg14 : memref<!tpu.dma_semaphore, #tpu.memory_space<semaphore_mem>>)
    }
    %scan3A_342 = arith.constant 50 : i32
    %dma_wait3A_343 = arith.constant 0 : i32
    %dma_wait3A_344 = arith.constant 0 : i32
    %dma_wait3A_345 = arith.constant 0 : i32
    %dma_wait3A_346 = arith.constant 0 : i32
    %dma_wait3A_347 = tpu.memref_slice %arg6[%dma_wait3A_343, %dma_wait3A_345, %dma_wait3A_346] : memref<4x400x64xf32, #tpu.memory_space<vmem>> -> memref<1x400x64xf32, #tpu.memory_space<vmem>>
    %dma_wait3A_348 = tpu.memref_squeeze %dma_wait3A_347 : memref<1x400x64xf32, #tpu.memory_space<vmem>> -> memref<400x64xf32, #tpu.memory_space<vmem>>
    %dma_wait3A_349 = arith.constant 0 : i32
    %dma_wait3A_350 = arith.constant 0 : i32
    %dma_wait3A_351 = tpu.memref_slice %arg4[%dma_wait3A_344, %dma_wait3A_349, %dma_wait3A_350] : memref<50x16384x64xf32, #tpu.memory_space<hbm>> -> memref<1x400x64xf32, #tpu.memory_space<hbm>>
    %dma_wait3A_352 = tpu.memref_squeeze %dma_wait3A_351 : memref<1x400x64xf32, #tpu.memory_space<hbm>> -> memref<400x64xf32, #tpu.memory_space<hbm>>
    %dma_wait3A_353 = arith.constant 0 : i32
    %dma_wait3A_354 = arith.constant 0 : i32
    %dma_wait3A_355 = tpu.memref_slice %arg4[%dma_wait3A_344, %dma_wait3A_353, %dma_wait3A_354] : memref<50x16384x64xf32, #tpu.memory_space<hbm>> -> memref<1x400x64xf32, #tpu.memory_space<hbm>>
    %dma_wait3A_356 = tpu.memref_squeeze %dma_wait3A_355 : memref<1x400x64xf32, #tpu.memory_space<hbm>> -> memref<400x64xf32, #tpu.memory_space<hbm>>
    %dma_wait3A_357 = arith.constant 0 : i32
    %dma_wait3A_358 = arith.constant 0 : i32
    %dma_wait3A_359 = tpu.memref_slice %arg6[%dma_wait3A_343, %dma_wait3A_357, %dma_wait3A_358] : memref<4x400x64xf32, #tpu.memory_space<vmem>> -> memref<1x400x64xf32, #tpu.memory_space<vmem>>
    %dma_wait3A_360 = tpu.memref_squeeze %dma_wait3A_359 : memref<1x400x64xf32, #tpu.memory_space<vmem>> -> memref<400x64xf32, #tpu.memory_space<vmem>>
    tpu.wait_dma2 semaphore(%arg11 : memref<!tpu.dma_semaphore, #tpu.memory_space<semaphore_mem>>) src(%dma_wait3A_360 : memref<400x64xf32, #tpu.memory_space<vmem>>) dst(%dma_wait3A_356 : memref<400x64xf32, #tpu.memory_space<hbm>>)
    %dma_wait3A_361 = arith.constant 1 : i32
    %dma_wait3A_362 = arith.constant 0 : i32
    %dma_wait3A_363 = arith.constant 0 : i32
    %dma_wait3A_364 = arith.constant 0 : i32
    %dma_wait3A_365 = tpu.memref_slice %arg6[%dma_wait3A_361, %dma_wait3A_363, %dma_wait3A_364] : memref<4x400x64xf32, #tpu.memory_space<vmem>> -> memref<1x400x64xf32, #tpu.memory_space<vmem>>
    %dma_wait3A_366 = tpu.memref_squeeze %dma_wait3A_365 : memref<1x400x64xf32, #tpu.memory_space<vmem>> -> memref<400x64xf32, #tpu.memory_space<vmem>>
    %dma_wait3A_367 = arith.constant 0 : i32
    %dma_wait3A_368 = arith.constant 0 : i32
    %dma_wait3A_369 = tpu.memref_slice %arg4[%dma_wait3A_362, %dma_wait3A_367, %dma_wait3A_368] : memref<50x16384x64xf32, #tpu.memory_space<hbm>> -> memref<1x400x64xf32, #tpu.memory_space<hbm>>
    %dma_wait3A_370 = tpu.memref_squeeze %dma_wait3A_369 : memref<1x400x64xf32, #tpu.memory_space<hbm>> -> memref<400x64xf32, #tpu.memory_space<hbm>>
    %dma_wait3A_371 = arith.constant 0 : i32
    %dma_wait3A_372 = arith.constant 0 : i32
    %dma_wait3A_373 = tpu.memref_slice %arg4[%dma_wait3A_362, %dma_wait3A_371, %dma_wait3A_372] : memref<50x16384x64xf32, #tpu.memory_space<hbm>> -> memref<1x400x64xf32, #tpu.memory_space<hbm>>
    %dma_wait3A_374 = tpu.memref_squeeze %dma_wait3A_373 : memref<1x400x64xf32, #tpu.memory_space<hbm>> -> memref<400x64xf32, #tpu.memory_space<hbm>>
    %dma_wait3A_375 = arith.constant 0 : i32
    %dma_wait3A_376 = arith.constant 0 : i32
    %dma_wait3A_377 = tpu.memref_slice %arg6[%dma_wait3A_361, %dma_wait3A_375, %dma_wait3A_376] : memref<4x400x64xf32, #tpu.memory_space<vmem>> -> memref<1x400x64xf32, #tpu.memory_space<vmem>>
    %dma_wait3A_378 = tpu.memref_squeeze %dma_wait3A_377 : memref<1x400x64xf32, #tpu.memory_space<vmem>> -> memref<400x64xf32, #tpu.memory_space<vmem>>
    tpu.wait_dma2 semaphore(%arg12 : memref<!tpu.dma_semaphore, #tpu.memory_space<semaphore_mem>>) src(%dma_wait3A_378 : memref<400x64xf32, #tpu.memory_space<vmem>>) dst(%dma_wait3A_374 : memref<400x64xf32, #tpu.memory_space<hbm>>)
    %dma_wait3A_379 = arith.constant 2 : i32
    %dma_wait3A_380 = arith.constant 0 : i32
    %dma_wait3A_381 = arith.constant 0 : i32
    %dma_wait3A_382 = arith.constant 0 : i32
    %dma_wait3A_383 = tpu.memref_slice %arg6[%dma_wait3A_379, %dma_wait3A_381, %dma_wait3A_382] : memref<4x400x64xf32, #tpu.memory_space<vmem>> -> memref<1x400x64xf32, #tpu.memory_space<vmem>>
    %dma_wait3A_384 = tpu.memref_squeeze %dma_wait3A_383 : memref<1x400x64xf32, #tpu.memory_space<vmem>> -> memref<400x64xf32, #tpu.memory_space<vmem>>
    %dma_wait3A_385 = arith.constant 0 : i32
    %dma_wait3A_386 = arith.constant 0 : i32
    %dma_wait3A_387 = tpu.memref_slice %arg4[%dma_wait3A_380, %dma_wait3A_385, %dma_wait3A_386] : memref<50x16384x64xf32, #tpu.memory_space<hbm>> -> memref<1x400x64xf32, #tpu.memory_space<hbm>>
    %dma_wait3A_388 = tpu.memref_squeeze %dma_wait3A_387 : memref<1x400x64xf32, #tpu.memory_space<hbm>> -> memref<400x64xf32, #tpu.memory_space<hbm>>
    %dma_wait3A_389 = arith.constant 0 : i32
    %dma_wait3A_390 = arith.constant 0 : i32
    %dma_wait3A_391 = tpu.memref_slice %arg4[%dma_wait3A_380, %dma_wait3A_389, %dma_wait3A_390] : memref<50x16384x64xf32, #tpu.memory_space<hbm>> -> memref<1x400x64xf32, #tpu.memory_space<hbm>>
    %dma_wait3A_392 = tpu.memref_squeeze %dma_wait3A_391 : memref<1x400x64xf32, #tpu.memory_space<hbm>> -> memref<400x64xf32, #tpu.memory_space<hbm>>
    %dma_wait3A_393 = arith.constant 0 : i32
    %dma_wait3A_394 = arith.constant 0 : i32
    %dma_wait3A_395 = tpu.memref_slice %arg6[%dma_wait3A_379, %dma_wait3A_393, %dma_wait3A_394] : memref<4x400x64xf32, #tpu.memory_space<vmem>> -> memref<1x400x64xf32, #tpu.memory_space<vmem>>
    %dma_wait3A_396 = tpu.memref_squeeze %dma_wait3A_395 : memref<1x400x64xf32, #tpu.memory_space<vmem>> -> memref<400x64xf32, #tpu.memory_space<vmem>>
    tpu.wait_dma2 semaphore(%arg13 : memref<!tpu.dma_semaphore, #tpu.memory_space<semaphore_mem>>) src(%dma_wait3A_396 : memref<400x64xf32, #tpu.memory_space<vmem>>) dst(%dma_wait3A_392 : memref<400x64xf32, #tpu.memory_space<hbm>>)
    %dma_wait3A_397 = arith.constant 3 : i32
    %dma_wait3A_398 = arith.constant 0 : i32
    %dma_wait3A_399 = arith.constant 0 : i32
    %dma_wait3A_400 = arith.constant 0 : i32
    %dma_wait3A_401 = tpu.memref_slice %arg6[%dma_wait3A_397, %dma_wait3A_399, %dma_wait3A_400] : memref<4x400x64xf32, #tpu.memory_space<vmem>> -> memref<1x400x64xf32, #tpu.memory_space<vmem>>
    %dma_wait3A_402 = tpu.memref_squeeze %dma_wait3A_401 : memref<1x400x64xf32, #tpu.memory_space<vmem>> -> memref<400x64xf32, #tpu.memory_space<vmem>>
    %dma_wait3A_403 = arith.constant 0 : i32
    %dma_wait3A_404 = arith.constant 0 : i32
    %dma_wait3A_405 = tpu.memref_slice %arg4[%dma_wait3A_398, %dma_wait3A_403, %dma_wait3A_404] : memref<50x16384x64xf32, #tpu.memory_space<hbm>> -> memref<1x400x64xf32, #tpu.memory_space<hbm>>
    %dma_wait3A_406 = tpu.memref_squeeze %dma_wait3A_405 : memref<1x400x64xf32, #tpu.memory_space<hbm>> -> memref<400x64xf32, #tpu.memory_space<hbm>>
    %dma_wait3A_407 = arith.constant 0 : i32
    %dma_wait3A_408 = arith.constant 0 : i32
    %dma_wait3A_409 = tpu.memref_slice %arg4[%dma_wait3A_398, %dma_wait3A_407, %dma_wait3A_408] : memref<50x16384x64xf32, #tpu.memory_space<hbm>> -> memref<1x400x64xf32, #tpu.memory_space<hbm>>
    %dma_wait3A_410 = tpu.memref_squeeze %dma_wait3A_409 : memref<1x400x64xf32, #tpu.memory_space<hbm>> -> memref<400x64xf32, #tpu.memory_space<hbm>>
    %dma_wait3A_411 = arith.constant 0 : i32
    %dma_wait3A_412 = arith.constant 0 : i32
    %dma_wait3A_413 = tpu.memref_slice %arg6[%dma_wait3A_397, %dma_wait3A_411, %dma_wait3A_412] : memref<4x400x64xf32, #tpu.memory_space<vmem>> -> memref<1x400x64xf32, #tpu.memory_space<vmem>>
    %dma_wait3A_414 = tpu.memref_squeeze %dma_wait3A_413 : memref<1x400x64xf32, #tpu.memory_space<vmem>> -> memref<400x64xf32, #tpu.memory_space<vmem>>
    tpu.wait_dma2 semaphore(%arg14 : memref<!tpu.dma_semaphore, #tpu.memory_space<semaphore_mem>>) src(%dma_wait3A_414 : memref<400x64xf32, #tpu.memory_space<vmem>>) dst(%dma_wait3A_410 : memref<400x64xf32, #tpu.memory_space<hbm>>)
    return
  }
}

</mosaic_0001>

<sc_bundles>
// kernel: kernel.3.cloned.1.call-start
scs
__scs_entry_jumppad:
0x0: {  	(pc) =	sbr.rel $0x88, $3  }
0x1: {  	(tag) =	ssettag $0x0;
	lr =	simm.s32 $0x1  }
0x2: {  	[smem:$0x3F9F] =	sst lr;
	_ =	strace $0xD0000000  }
0x3: {  	_ = 	snop  }
0x4: {  	_ = 	snop  }
0x5: {  	_ = 	snop  }
0x6: {  	_ = 	snop  }
0x7: {  	_ = 	snop  }
__scs_overlays_trampoline_lowered:
0x8: {  	[smem:$0x3FAE] =	sst s0  }
0x9: {  	[smem:$0x3FAF] =	sst s1  }
0xa: {  	[smem:$0x3FB0] =	sst s2  }
0xb: {  	[smem:$0x3FB1] =	sst s3  }
0xc: {  	[smem:$0x3FB2] =	sst s4  }
0xd: {  	[smem:$0x3FB3] =	sst s5  }
0xe: {  	[smem:$0x3FB4] =	sst s6  }
0xf: {  	[smem:$0x3FB5] =	sst s7  }
0x10: {  	[smem:$0x3FB6] =	sst s8  }
0x11: {  	[smem:$0x3FB7] =	sst s9;
	s0 =	simm.s32 @!p0 $0x0  }
0x12: {  	s1 =	sld [smem:$0x3F9D];
	s0 =	simm.s32 @p0 $0x1  }
0x13: {  	[smem:$0x3FB8] =	sst s0;
	s0 =	simm.s32 @!p1 $0x0  }
0x14: {  	s2 =	sld [smem:$0x3F9C];
	s0 =	simm.s32 @p1 $0x1  }
0x15: {  	[smem:$0x3FB9] =	sst s0;
	s0 =	simm.s32 @!p2 $0x0  }
0x16: {  	s3 =	sld [smem:$0x3FDB];
	s0 =	simm.s32 @p2 $0x1  }
0x17: {  	s4 =	simm.s32 $0x1BF5;
	[smem:$0x3FBB] =	sst s0  }
0x18: {  	s0 =	sld [smem:$0x3F9E];
	_ =	swait.ge [sflag:s4], $0x0  }
0x19: {  	s7 =	sld [smem:$0x3F9F]  }
0x1a: {  	s8 =	sadd.s32 $0xFFFFE003, lr  }
0x1b: {  	s9 =	sadd.s32 $0xFFFFFEF7, lr;
	s5 =	simm.s32 $0xFFFFFFFF;
	p2 =	slt.u32 s8, $0xFFFFF086  }
0x1c: {  	p1 =	slt.u32 s9, $0xF7A;
	s5 =	simm.s32 @!p2 $0x0  }
0x1d: {  	s5 =	simm.s32 @p1 $0x1;
	p0 =	seq.s32 s7, s2  }
0x1e: {  	s7 =	smul.u32 @!p0 $0xF7A, s2;
	p2 =	seq.s32 @!p0 s5, $0x0  }
0x1f: {  	s9 =	smul.u32 $0xF7A, s1;
	s8 =	simm.s32 @!p0 $0x1BF5;
	p2 =	por !p2, p0  }
0x20: {  	[sflag:s8] =	ssyncset.s32 @!p0 $0xFFFFF086;
	s6 =	sadd.s32 @!p0 s3, s7;
	s7 =	simm.s32 @!p0 $0x108  }
0x21: {  	s3 =	sadd.s32 s3, s9;
	s6 =	sadd.s32 @!p0 $0x88, s6;
	s7 =	simm.s32 @p2 $0x1082  }
0x22: {  	[simem:s7], [sflag:s8] =	dma.local @!p0 [hbm:s6], $0xF7A  }
0x23: {  	s9 =	sor.u32 $0xD0000000, s2;
	s6 =	simm.s32 $0x108;
	_ =	swait.ge @!p0 [sflag:s8], $0x0  }
0x24: {  	s3 =	sadd.s32 $0x88, s3;
	s6 =	simm.s32 @!p1 $0x1082;
	[sflag:s4] =	ssyncset.s32 $0xFFFFF086  }
0x25: {  	[simem:s6], [sflag:s4] =	dma.local [hbm:s3], $0xF7A  }
0x26: {  	[smem:$0x3F9F] =	sst s1;
	(tag) =	ssettag s2;
	_ =	strace s9  }
0x27: {  	s1 =	sld [smem:$0x3FAF]  }
0x28: {  	s2 =	sld [smem:$0x3FB0]  }
0x29: {  	s4 =	sld [smem:$0x3FB2]  }
0x2a: {  	p0 =	seq.s32 s5, $0x0;
	s5 =	sld [smem:$0x3FB3]  }
0x2b: {  	s6 =	sld [smem:$0x3FB4]  }
0x2c: {  	s7 =	sld [smem:$0x3FB5]  }
0x2d: {  	s3 =	simm.s32 $0x108;
	s8 =	sld [smem:$0x3FB6]  }
0x2e: {  	s3 =	simm.s32 @!p0 $0x1082;
	s9 =	sld [smem:$0x3FB7]  }
0x2f: {  	lr =	sadd.s32 s0, s3;
	s0 =	sld [smem:$0x3FAE]  }
0x30: {  	s3 =	sld [smem:$0x3FB1]  }
0x31: {  	[smem:$0x3FBA] =	sst s10  }
0x32: {  	s10 =	sld [smem:$0x3FB8];
	_ =	sdelay $0x3  }
0x33: {  	p0 =	seq.s32 s10, $0x1;
	s10 =	sld [smem:$0x3FBA];
	_ =	sdelay $0x3  }
0x34: {  	[smem:$0x3FBA] =	sst s10  }
0x35: {  	s10 =	sld [smem:$0x3FB9];
	_ =	sdelay $0x3  }
0x36: {  	p1 =	seq.s32 s10, $0x1;
	s10 =	sld [smem:$0x3FBA];
	_ =	sdelay $0x3  }
0x37: {  	[smem:$0x3FBA] =	sst s10  }
0x38: {  	s10 =	sld [smem:$0x3FBB]  }
0x39: {  	_ = 	snop;
	(pc) =	sbr.ind lr, $3  }
0x3a: {  	_ = 	snop  }
0x3b: {  	_ = 	snop  }
0x3c: {  	p2 =	seq.s32 s10, $0x1;
	s10 =	sld [smem:$0x3FBA]  }
0x3d: {  	_ =	shalt  }
0x3e: {  	_ =	shalt  }
0x3f: {  	_ =	shalt  }
0x40: {  	_ =	shalt  }
0x41: {  	_ =	shalt  }
0x42: {  	_ =	shalt  }
0x43: {  	_ =	shalt  }
0x44: {  	_ =	shalt  }
0x45: {  	_ =	shalt  }
0x46: {  	_ =	shalt  }
0x47: {  	_ =	shalt  }
0x48: {  	_ =	shalt  }
0x49: {  	_ =	shalt  }
0x4a: {  	_ =	shalt  }
0x4b: {  	_ =	shalt  }
0x4c: {  	_ =	shalt  }
0x4d: {  	_ =	shalt  }
0x4e: {  	_ =	shalt  }
0x4f: {  	_ =	shalt  }
0x50: {  	_ =	shalt  }
0x51: {  	_ =	shalt  }
0x52: {  	_ =	shalt  }
0x53: {  	_ =	shalt  }
0x54: {  	_ =	shalt  }
0x55: {  	_ =	shalt  }
0x56: {  	_ =	shalt  }
0x57: {  	_ =	shalt  }
0x58: {  	_ =	shalt  }
0x59: {  	_ =	shalt  }
0x5a: {  	_ =	shalt  }
0x5b: {  	_ =	shalt  }
0x5c: {  	_ =	shalt  }
0x5d: {  	_ =	shalt  }
0x5e: {  	_ =	shalt  }
0x5f: {  	_ =	shalt  }
0x60: {  	_ =	shalt  }
0x61: {  	_ =	shalt  }
0x62: {  	_ =	shalt  }
0x63: {  	_ =	shalt  }
0x64: {  	_ =	shalt  }
0x65: {  	_ =	shalt  }
0x66: {  	_ =	shalt  }
0x67: {  	_ =	shalt  }
0x68: {  	_ =	shalt  }
0x69: {  	_ =	shalt  }
0x6a: {  	_ =	shalt  }
0x6b: {  	_ =	shalt  }
0x6c: {  	_ =	shalt  }
0x6d: {  	_ =	shalt  }
0x6e: {  	_ =	shalt  }
0x6f: {  	_ =	shalt  }
0x70: {  	_ =	shalt  }
0x71: {  	_ =	shalt  }
0x72: {  	_ =	shalt  }
0x73: {  	_ =	shalt  }
0x74: {  	_ =	shalt  }
0x75: {  	_ =	shalt  }
0x76: {  	_ =	shalt  }
0x77: {  	_ =	shalt  }
0x78: {  	_ =	shalt  }
0x79: {  	_ =	shalt  }
0x7a: {  	_ =	shalt  }
0x7b: {  	_ =	shalt  }
0x7c: {  	_ =	shalt  }
0x7d: {  	_ =	shalt  }
0x7e: {  	_ =	shalt  }
0x7f: {  	_ =	shalt  }
0x80: {  	_ =	shalt  }
0x81: {  	_ =	shalt  }
0x82: {  	_ =	shalt  }
0x83: {  	_ =	shalt  }
0x84: {  	_ =	shalt  }
0x85: {  	_ =	shalt  }
0x86: {  	_ =	shalt  }
0x87: {  	_ =	shalt  }
.Lfunc_end0:
.L_simem_size_0:
called_computation.1_lowered:
.L_overlay_start_0:
0x88: {  	s2 =	sld [smem:$0x3FD9]  }
0x89: {  	s3 =	sld [smem:$0x3FFE];
	_ =	sdelay $0x1  }
0x8a: {  	s1 =	srdreg.scid  }
0x8b: {  	s0 =	sand.u32 $0x1, s1  }
0x8c: {  	s17 =	sshll.u32 s0, $0xA;
	s2 =	sadd.s32 s3, s2  }
0x8d: {  	s2 =	sadd.s32 s2, s17  }
0x8e: {  	[smem:$0x3FC6] =	sst s2  }
0x8f: {  	_ = 	snop  }
0x90: {  	s2 =	sld [smem:$0x3FD0];
	(tm) =	ssettm $0x1  }
0x91: {  	s18 =	sld [smem:$0x3FFB];
	_ =	sdelay $0x3  }
0x92: {  	_ =	strace s18  }
0x93: {  	s3 =	sld [smem:$0x3FFC];
	_ =	sdelay $0x3  }
0x94: {  	_ =	strace s3  }
0x95: {  	s3 =	sld [smem:$0x3FFD];
	_ =	sdelay $0x3  }
0x96: {  	_ =	strace s3  }
0x97: {  	_ =	strace $0x8FFFFFFF  }
0x98: {  	s19 =	sld [smem:$0x3FDB];
	_ =	sdelay $0x1  }
0x99: {  	s4 =	simm.s32 $_scs_section_size  }
0x9a: {  	s5 =	simm.s32 $_size__tile_overlayer_lowered;
	s6 =	simm.s32 $_tile_overlayer_lowered  }
0x9b: {  	s22 =	simm.s32 $0x1BFF;
	s21 =	sshll.u32 s6, $0x1;
	s3 =	sadd.s32 s4, s19  }
0x9c: {  	s7 =	simm.s32 $0x0;
	s20 =	sshll.u32 s5, $0x1;
	s5 =	sadd.s32 s21, s3  }
0x9d: {  	[timem:s7], [sflag:s22] =	dma.local [hbm:s5], s20  }
0x9e: {  	_ =	swait.ge [sflag:s22], s20  }
0x9f: {  	s4 =	ssub.s32 $0x0, s20;
	[sflag:s22] =	ssyncset.done $0x0  }
0xa0: {  	[sflag:s22] =	ssyncadd.s32 s4;
	_ =	sdelay $0x1  }
0xa1: {  	s23 =	simm.s32 $0x1B8B  }
0xa2: {  	_ =	swait.ge [sflag:s23], $0x1  }
0xa3: {  	[sflag:s23] =	ssyncset.done $0x0  }
0xa4: {  	s25 =	simm.s32 $0x1B8E;
	s24 =	sld [smem:$0x3FFE];
	[sflag:s23] =	ssyncadd.s32 $0xFFFFFFFF  }
0xa5: {  	s26 =	simm.s32 $execute0_lowered;
	[smem:$0x3FD2] =	sst s25  }
0xa6: {  	s5 =	sshll.u32 s26, $0x1;
	_ =	strace $0x80000046;
	[dreg:$0x1] =	wrdreg $0xFFFFFFFF  }
0xa7: {  	s28 =	simm.s32 $_size_execute0_lowered;
	s3 =	sadd.s32 s3, s5;
	[dreg:$0x0] =	wrdreg $0x0  }
0xa8: {  	s5 =	sshll.u32 s28, $0x1;
	[dreg:$0x2] =	wrdreg s3  }
0xa9: {  	[dreg:$0x3] =	wrdreg s5  }
0xaa: {  	[dreg:$0x4] =	wrdreg $0xC0  }
0xab: {  	_ =	task [dreg:s7], $0x5FFFF  }
0xac: {  	[dreg:$0x1] =	wrdreg $0xFFFFFFFF  }
0xad: {  	[dreg:$0x0] =	wrdreg $0x60  }
0xae: {  	[dreg:$0x2] =	wrdreg s24  }
0xaf: {  	[dreg:$0x3] =	wrdreg s2  }
0xb0: {  	[dreg:$0x4] =	wrdreg $0x9  }
0xb1: {  	_ =	task.clear_ibuf [dreg:s7], $0x5FFFF;
	_ =	strace $0x90000046  }
0xb2: {  	s29 =	simm.s32 $0x9;
	_ =	strace $0x80000048  }
0xb3: {  	_ =	swait.ge [sflag:s29], $0x1  }
0xb4: {  	[sflag:s29] =	ssyncadd.s32 $0xFFFFFFFF  }
0xb5: {  	_ =	strace $0x90000048  }
0xb6: {  	_ =	sfence  }
0xb7: {  	s30 =	sld [smem:$0x0];
	_ =	sdelay $0x2  }
0xb8: {  	s31 =	sshll.u32 s1, $0xD;
	s1 =	sshrl.u32 s1, $0x2  }
0xb9: {  	s3 =	sand.u32 $0x4000, s31;
	s1 =	sadd.s32 s1, s30  }
0xba: {  	s0 =	sor.u32 s3, s0;
	s1 =	sshll.u32 s1, $0x11  }
0xbb: {  	s0 =	sor.u32 s1, s0  }
0xbc: {  	s0 =	sadd.s32 $0x8F2B, s0  }
0xbd: {  	[sflag:s0] =	ssyncadd.remote.s32 $0x1  }
0xbe: {  	_ =	sfence.sel $0xFFFF  }
0xbf: {  	[dreg:$0x0] =	wrdreg $0xFFFFFFFF;
	(pc) =	sbr.abs _section_cstart, $3  }
0xc0: {  	[dreg:$0x1] =	wrdreg $0xFFFFFFFF  }
0xc1: {  	_ =	task.clear_ibuf [dreg:s7], $0x2FFFF;
	_ =	strace $0x9FFFFFFF  }
0xc2: {  	(tm) =	ssettm $0x7FFFFFFF  }
0xc3: {  	_ =	shalt  }
tec
execute0_lowered:
.L_overlay_start_1:
0x0: {  	(tag) =	ssettag $0x1  }
0x1: {  	s0 =	rddreg [dreg:$0x0]  }
0x2: {  	s1 =	rddreg [dreg:$0x1];
	s2 =	srdreg.scid  }
0x3: {  	s6 =	stileid.u32;
	s28 =	simm.s32 $0x7;
	s29 =	simm.s32 $0x4  }
0x4: {  	s30 =	simm.s32 $0x0;
	s4 =	sand.u32 $0x1, s2;
	s2 =	simm.s32 $0x0  }
0x5: {  	s3 =	sshll.u32 s6, $0xA;
	s6 =	sshll.u32 s6, $0xD;
	s5 =	sshll.u32 s4, $0x9  }
0x6: {  	[smem:$0x7FF] =	sst s2;
	s20 =	ssub.s32 $0x2, s4;
	s1 =	sadd.s32 s6, s1  }
0x7: {  	s4 =	sshll.u32 s4, $0xC;
	s5 =	sor.u32 s5, s3;
	_ =	strace $0x80000047  }
0x8: {  	s3 =	sadd.s32 $0xF42E00, s0;
	s7 =	sshrl.u32 s20, $0x1;
	s5 =	sshrl.u32 s5, $0x3  }
0x9: {  	s21 =	ssub.s32 s20, s7;
	s20 =	simm.s32 $0x9;
	s0 =	sadd.s32 s5, s0  }
0xa: {  	s5 =	sadd.s32 s4, s1;
	s22 =	smax.u32 s21, $0x1;
	s21 =	simm.s32 $0x8  }
0xb: {  	s0 =	sadd.s32 $0xA00, s0;
	[dreg:$0x4] =	wrdreg s22;
	s7 =	sadd.s32 $0x40, s5  }
0xc: {  	s8 =	sadd.s32 $0x80, s5;
	s23 =	sadd.s32 $0xC0, s5;
	[dreg:$0x3] =	wrdreg s0  }
0xd: {  	s24 =	sadd.s32 $0x100, s5;
	s25 =	sadd.s32 $0x140, s5;
	[dreg:$0x5] =	wrdreg s23  }
0xe: {  	s26 =	sadd.s32 $0x180, s5;
	s31 =	sadd.s32 $0x1C0, s5;
	[dreg:$0x6] =	wrdreg s24  }
0xf: {  	s14 =	sadd.s32 $0xF00, s5;
	s15 =	sadd.s32 $0xF40, s5;
	[dreg:$0x7] =	wrdreg s25  }
0x10: {  	s16 =	sadd.s32 $0xF80, s5;
	s17 =	sadd.s32 $0xFC0, s5;
	[dreg:$0x8] =	wrdreg s26  }
0x11: {  	s22 =	simm.s32 $0x1;
	[dreg:$0x9] =	wrdreg s31;
	s23 =	simm.s32 $0x5  }
0x12: {  	s24 =	simm.s32 $0x2;
	s25 =	simm.s32 $0x6;
	s26 =	simm.s32 $0x3  }
.LBB2_1:
0x13: {  	s0 =	rddreg [dreg:$0x3];
	s1 =	simm.s32 $0x200;
	s4 =	simm.s32 $0x4000  }
0x14: {  	[tilespmem:s2], [sflag:$0x9] =	stream.strided.gather [hbm4b:s0+s1], $0x6400, s4, s1, $0x38;
	[tilespmem:$0x1F400] =	vst v63  }
0x15: {  	_ =	swait.ge [sflag:s20], $0x6400  }
0x16: {  	s6 =	simm.s32 $0x6400;
	[sflag:s20] =	ssyncset.done $0x0  }
0x17: {  	s1 =	simm.s32 $0x800;
	s4 =	simm.s32 $0x0;
	[sflag:s20] =	ssyncadd.s32 $0xFFFF9C00  }
.LBB2_2:
0x18: {  	[tilespmem:s6], [sflag:$0x1] =	stream.indirect.gather [hbm4b:s3+s21], $0x40, s4, s21, $0xb8;
	[tilespmem:$0x1F400] =	vst v63  }
0x19: {  	s0 =	smov.u32 s1;
	p0 =	sne.s32 s1, $0x18800  }
.Ltmp0:
0x1a: {  	s1 =	sadd.s32 $0x800, s1;
	(pc) =	sbr.rel @p0 .LBB2_2-.Ltmp0, $3  }
0x1b: {  	_ =	sdelay $0x1  }
0x1c: {  	s4 =	sshra.s32 s0, $0x2  }
0x1d: {  	s0 =	simm.s32 $0x0;
	s6 =	sadd.s32 $0x6400, s4  }
0x1e: {  	[tilespmem:s6], [sflag:$0x1] =	stream.indirect.gather [hbm4b:s3+s21], $0x40, s4, s21, $0xb8;
	[tilespmem:$0x1F400] =	vst v63  }
0x1f: {  	s1 =	simm.s32 $0x800;
	s4 =	simm.s32 $0xC800;
	s6 =	simm.s32 $0x8  }
.LBB2_4:
0x20: {  	[tilespmem:s4], [sflag:$0x2] =	stream.indirect.gather [hbm4b:s3+s21], $0x40, s6, s21, $0xb8;
	[tilespmem:$0x1F400] =	vst v63  }
0x21: {  	s4 =	smov.u32 s1;
	p0 =	sne.s32 s1, $0x18800  }
.Ltmp1:
0x22: {  	s1 =	sadd.s32 $0x800, s1;
	(pc) =	sbr.rel @p0 .LBB2_4-.Ltmp1, $3  }
0x23: {  	_ =	sdelay $0x1  }
0x24: {  	s6 =	sshra.s32 s4, $0x2  }
0x25: {  	s4 =	sadd.s32 $0xC800, s6;
	s6 =	sadd.s32 $0x8, s6  }
0x26: {  	[tilespmem:s4], [sflag:$0x2] =	stream.indirect.gather [hbm4b:s3+s21], $0x40, s6, s21, $0xb8;
	[tilespmem:$0x1F400] =	vst v63  }
.LBB2_6:
0x27: {  	p0 =	sne.s32 s0, $0x18800  }
.Ltmp2:
0x28: {  	_ = 	snop;
	(pc) =	sbr.rel @p0 .LBB2_6-.Ltmp2, $4  }
0x29: {  	_ = 	snop  }
0x2a: {  	s1 =	sshra.s32 s0, $0x2  }
0x2b: {  	s0 =	sadd.s32 $0x800, s0;
	s4 =	sadd.s32 $0x12C00, s1;
	s1 =	sadd.s32 $0x10, s1  }
0x2c: {  	[tilespmem:s4], [sflag:$0x3] =	stream.indirect.gather [hbm4b:s3+s21], $0x40, s1, s21, $0xb8;
	[tilespmem:$0x1F400] =	vst v63  }
0x2d: {  	s0 =	simm.s32 $0x800;
	s1 =	simm.s32 $0x19000;
	s4 =	simm.s32 $0x18  }
.LBB2_8:
0x2e: {  	[tilespmem:s1], [sflag:$0x4] =	stream.indirect.gather [hbm4b:s3+s21], $0x40, s4, s21, $0xb8;
	[tilespmem:$0x1F400] =	vst v63  }
0x2f: {  	s1 =	smov.u32 s0;
	p0 =	sne.s32 s0, $0x18800  }
.Ltmp3:
0x30: {  	s0 =	sadd.s32 $0x800, s0;
	(pc) =	sbr.rel @p0 .LBB2_8-.Ltmp3, $3  }
0x31: {  	_ =	sdelay $0x1  }
0x32: {  	s4 =	sshra.s32 s1, $0x2  }
0x33: {  	s1 =	sadd.s32 $0x19000, s4;
	s4 =	sadd.s32 $0x18, s4  }
0x34: {  	[tilespmem:s1], [sflag:$0x4] =	stream.indirect.gather [hbm4b:s3+s21], $0x40, s4, s21, $0xb8;
	[tilespmem:$0x1F400] =	vst v63  }
0x35: {  	_ =	swait.ge [sflag:s22], $0x6400  }
0x36: {  	[sflag:s22] =	ssyncset.done $0x0  }
0x37: {  	s0 =	simm.s32 $0x6440;
	[sflag:s22] =	ssyncadd.s32 $0xFFFF9C00  }
0x38: {  	v1 =	vld [tilespmem:s0+$0xFFFFFFC0];
	_ =	sdelay $0x1  }
0x39: {  	v4 =	vld [tilespmem:s0+$0xFFFFFFD0]  }
0x3a: {  	v6 =	vld [tilespmem:s0+$0xFFFFFFE0]  }
0x3b: {  	v2 =	vld [tilespmem:s0+$0x0]  }
0x3c: {  	v0 =	vld [tilespmem:s0+$0x10];
	v5 =	vmul.f32 $8.000000000e+00, v1  }
0x3d: {  	v3 =	vld [tilespmem:s0+$0x20]  }
0x3e: {  	v1 =	vld [tilespmem:s0+$0x30];
	[tilespmem:s0+$0xFFFFFFC0] =	vst v5;
	v5 =	vmul.f32 $8.000000000e+00, v4  }
0x3f: {  	s1 =	simm.s32 $0x0;
	s6 =	simm.s32 $0x64C0;
	v6 =	vmul.f32 $8.000000000e+00, v6;
	v4 =	vld [tilespmem:s0+$0xFFFFFFF0]  }
.LBB2_10:
0x40: {  	v7 =	vld [tilespmem:s6+$0xFFFFFFC0];
	[tilespmem:s0+$0xFFFFFFD0] =	vst v5;
	v2 =	vmul.f32 $8.000000000e+00, v2  }
0x41: {  	s1 =	sadd.s32 $0x2, s1;
	v5 =	vld [tilespmem:s6+$0xFFFFFFD0];
	[tilespmem:s0+$0xFFFFFFE0] =	vst v6;
	v0 =	vmul.f32 $8.000000000e+00, v0  }
0x42: {  	p0 =	slt.u32 s1, $0x18E;
	v6 =	vld [tilespmem:s6+$0xFFFFFFE0];
	[tilespmem:s0+$0x0] =	vst v2;
	v3 =	vmul.f32 $8.000000000e+00, v3  }
.Ltmp4:
0x43: {  	v2 =	vld [tilespmem:s6+$0x0];
	[tilespmem:s0+$0x10] =	vst v0;
	v1 =	vmul.f32 $8.000000000e+00, v1;
	(pc) =	sbr.rel @p0 .LBB2_10-.Ltmp4, $4  }
0x44: {  	v0 =	vld [tilespmem:s6+$0x10];
	v4 =	vmul.f32 $8.000000000e+00, v4;
	[tilespmem:s0+$0x20] =	vst v3  }
0x45: {  	v7 =	vmul.f32 $8.000000000e+00, v7;
	v3 =	vld [tilespmem:s6+$0x20];
	[tilespmem:s0+$0x30] =	vst v1  }
0x46: {  	v5 =	vmul.f32 $8.000000000e+00, v5;
	v1 =	vld [tilespmem:s6+$0x30];
	[tilespmem:s0+$0xFFFFFFF0] =	vst v4;
	s0 =	smov.u32 s6  }
0x47: {  	s6 =	sadd.s32 $0x80, s6;
	[tilespmem:s0+$0xFFFFFFC0] =	vst v7;
	v6 =	vmul.f32 $8.000000000e+00, v6;
	v4 =	vld [tilespmem:s0+$0xFFFFFFF0]  }
0x48: {  	[tilespmem:s0+$0xFFFFFFD0] =	vst v5;
	v2 =	vmul.f32 $8.000000000e+00, v2  }
0x49: {  	[tilespmem:s0+$0xFFFFFFE0] =	vst v6;
	v0 =	vmul.f32 $8.000000000e+00, v0  }
0x4a: {  	[tilespmem:s0+$0x0] =	vst v2;
	v61 =	vmul.f32 $8.000000000e+00, v3  }
0x4b: {  	[tilespmem:s0+$0x10] =	vst v0;
	v62 =	vmul.f32 $8.000000000e+00, v1  }
0x4c: {  	v63 =	vmul.f32 $8.000000000e+00, v4;
	[tilespmem:s0+$0x20] =	vst v61  }
0x4d: {  	[tilespmem:s0+$0x30] =	vst v62  }
0x4e: {  	s31 =	simm.s32 $0x6400;
	s1 =	smov.u32 s5;
	[tilespmem:s0+$0xFFFFFFF0] =	vst v63;
	s0 =	simm.s32 $0x800  }
0x4f: {  	[hbm4b:s5+s2] =	stream.linear.scatter [tilespmem:s31], [sflag:$0x5], $0x200, $0x38;
	[tilespmem:$0x1F400] =	vst v63  }
.LBB2_12:
0x50: {  	p0 =	sne.s32 s0, $0x18800  }
.Ltmp5:
0x51: {  	_ = 	snop;
	(pc) =	sbr.rel @p0 .LBB2_12-.Ltmp5, $4  }
0x52: {  	_ = 	snop  }
0x53: {  	s4 =	sshra.s32 s0, $0x2;
	s0 =	sadd.s32 $0x800, s0  }
0x54: {  	s1 =	sadd.s32 $0x20000, s1;
	s4 =	sadd.s32 $0x6400, s4  }
0x55: {  	[hbm4b:s1+s2] =	stream.linear.scatter [tilespmem:s4], [sflag:$0x5], $0x200, $0x38;
	[tilespmem:$0x1F400] =	vst v63  }
0x56: {  	_ =	swait.ge [sflag:s23], $0x6400  }
0x57: {  	s0 =	simm.s32 $0x800;
	[sflag:s23] =	ssyncset.done $0x0  }
0x58: {  	s1 =	simm.s32 $0x6400;
	s4 =	simm.s32 $0x20;
	[sflag:s23] =	ssyncadd.s32 $0xFFFF9C00  }
.LBB2_14:
0x59: {  	[tilespmem:s1], [sflag:$0x1] =	stream.indirect.gather [hbm4b:s3+s21], $0x40, s4, s21, $0xb8;
	[tilespmem:$0x1F400] =	vst v63  }
0x5a: {  	s1 =	smov.u32 s0;
	p0 =	sne.s32 s0, $0x18800  }
.Ltmp6:
0x5b: {  	s0 =	sadd.s32 $0x800, s0;
	(pc) =	sbr.rel @p0 .LBB2_14-.Ltmp6, $3  }
0x5c: {  	_ =	sdelay $0x1  }
0x5d: {  	s4 =	sshra.s32 s1, $0x2  }
0x5e: {  	s1 =	sadd.s32 $0x6400, s4;
	s4 =	sadd.s32 $0x20, s4  }
0x5f: {  	[tilespmem:s1], [sflag:$0x1] =	stream.indirect.gather [hbm4b:s3+s21], $0x40, s4, s21, $0xb8;
	[tilespmem:$0x1F400] =	vst v63  }
0x60: {  	_ =	swait.ge [sflag:s24], $0x6400  }
0x61: {  	[sflag:s24] =	ssyncset.done $0x0  }
0x62: {  	s0 =	simm.s32 $0xC800;
	[sflag:s24] =	ssyncadd.s32 $0xFFFF9C00  }
0x63: {  	v0 =	vld [tilespmem:s0+$0x20]  }
0x64: {  	v5 =	vld [tilespmem:s0+$0x0]  }
0x65: {  	v6 =	vld [tilespmem:s0+$0x70]  }
0x66: {  	v4 =	vld [tilespmem:s0+$0x60]  }
0x67: {  	v1 =	vld [tilespmem:s0+$0x50]  }
0x68: {  	v2 =	vld [tilespmem:s0+$0x40];
	v7 =	vmul.f32 $8.000000000e+00, v0  }
0x69: {  	v3 =	vld [tilespmem:s0+$0x30];
	v5 =	vmul.f32 $8.000000000e+00, v5  }
0x6a: {  	s1 =	simm.s32 $0x0;
	s6 =	simm.s32 $0xC880;
	v0 =	vld [tilespmem:s0+$0x10];
	v6 =	vmul.f32 $8.000000000e+00, v6;
	[tilespmem:s0+$0x20] =	vst v7  }
.LBB2_16:
0x6b: {  	v7 =	vld [tilespmem:s6+$0x20];
	s1 =	sadd.s32 $0x2, s1;
	[tilespmem:s0+$0x0] =	vst v5;
	v4 =	vmul.f32 $8.000000000e+00, v4  }
0x6c: {  	v5 =	vld [tilespmem:s6+$0x0];
	p0 =	slt.u32 s1, $0x18E;
	v1 =	vmul.f32 $8.000000000e+00, v1;
	[tilespmem:s0+$0x70] =	vst v6  }
0x6d: {  	v6 =	vld [tilespmem:s6+$0x70];
	v2 =	vmul.f32 $8.000000000e+00, v2;
	[tilespmem:s0+$0x60] =	vst v4  }
.Ltmp7:
0x6e: {  	v4 =	vld [tilespmem:s6+$0x60];
	v3 =	vmul.f32 $8.000000000e+00, v3;
	[tilespmem:s0+$0x50] =	vst v1;
	(pc) =	sbr.rel @p0 .LBB2_16-.Ltmp7, $4  }
0x6f: {  	v1 =	vld [tilespmem:s6+$0x50];
	v0 =	vmul.f32 $8.000000000e+00, v0;
	[tilespmem:s0+$0x40] =	vst v2  }
0x70: {  	v7 =	vmul.f32 $8.000000000e+00, v7;
	v2 =	vld [tilespmem:s6+$0x40];
	[tilespmem:s0+$0x30] =	vst v3  }
0x71: {  	v5 =	vmul.f32 $8.000000000e+00, v5;
	v3 =	vld [tilespmem:s6+$0x30];
	[tilespmem:s0+$0x10] =	vst v0;
	s0 =	smov.u32 s6  }
0x72: {  	s6 =	sadd.s32 $0x80, s6;
	v0 =	vld [tilespmem:s0+$0x10];
	[tilespmem:s0+$0x20] =	vst v7;
	v6 =	vmul.f32 $8.000000000e+00, v6  }
0x73: {  	[tilespmem:s0+$0x0] =	vst v5;
	v4 =	vmul.f32 $8.000000000e+00, v4  }
0x74: {  	v1 =	vmul.f32 $8.000000000e+00, v1;
	[tilespmem:s0+$0x70] =	vst v6  }
0x75: {  	v2 =	vmul.f32 $8.000000000e+00, v2;
	[tilespmem:s0+$0x60] =	vst v4  }
0x76: {  	v3 =	vmul.f32 $8.000000000e+00, v3;
	[tilespmem:s0+$0x50] =	vst v1  }
0x77: {  	v0 =	vmul.f32 $8.000000000e+00, v0;
	[tilespmem:s0+$0x40] =	vst v2  }
0x78: {  	[tilespmem:s0+$0x30] =	vst v3  }
0x79: {  	s31 =	simm.s32 $0xC800;
	s1 =	smov.u32 s7;
	[tilespmem:s0+$0x10] =	vst v0;
	s0 =	simm.s32 $0x800  }
0x7a: {  	[hbm4b:s7+s2] =	stream.linear.scatter [tilespmem:s31], [sflag:$0x6], $0x200, $0x38;
	[tilespmem:$0x1F400] =	vst v63  }
.LBB2_18:
0x7b: {  	p0 =	sne.s32 s0, $0x18800  }
.Ltmp8:
0x7c: {  	_ = 	snop;
	(pc) =	sbr.rel @p0 .LBB2_18-.Ltmp8, $4  }
0x7d: {  	_ = 	snop  }
0x7e: {  	s4 =	sshra.s32 s0, $0x2;
	s0 =	sadd.s32 $0x800, s0  }
0x7f: {  	s1 =	sadd.s32 $0x20000, s1;
	s4 =	sadd.s32 $0xC800, s4  }
0x80: {  	[hbm4b:s1+s2] =	stream.linear.scatter [tilespmem:s4], [sflag:$0x6], $0x200, $0x38;
	[tilespmem:$0x1F400] =	vst v63  }
0x81: {  	_ =	swait.ge [sflag:s25], $0x6400  }
0x82: {  	s0 =	simm.s32 $0x800;
	[sflag:s25] =	ssyncset.done $0x0  }
0x83: {  	s1 =	simm.s32 $0xC800;
	s4 =	simm.s32 $0x28;
	[sflag:s25] =	ssyncadd.s32 $0xFFFF9C00  }
.LBB2_20:
0x84: {  	[tilespmem:s1], [sflag:$0x2] =	stream.indirect.gather [hbm4b:s3+s21], $0x40, s4, s21, $0xb8;
	[tilespmem:$0x1F400] =	vst v63  }
0x85: {  	s1 =	smov.u32 s0;
	p0 =	sne.s32 s0, $0x18800  }
.Ltmp9:
0x86: {  	s0 =	sadd.s32 $0x800, s0;
	(pc) =	sbr.rel @p0 .LBB2_20-.Ltmp9, $3  }
0x87: {  	_ =	sdelay $0x1  }
0x88: {  	s4 =	sshra.s32 s1, $0x2  }
0x89: {  	s1 =	sadd.s32 $0xC800, s4;
	s4 =	sadd.s32 $0x28, s4  }
0x8a: {  	[tilespmem:s1], [sflag:$0x2] =	stream.indirect.gather [hbm4b:s3+s21], $0x40, s4, s21, $0xb8;
	[tilespmem:$0x1F400] =	vst v63  }
0x8b: {  	_ =	swait.ge [sflag:s26], $0x6400  }
0x8c: {  	[sflag:s26] =	ssyncset.done $0x0  }
0x8d: {  	s0 =	simm.s32 $0x12C00;
	[sflag:s26] =	ssyncadd.s32 $0xFFFF9C00  }
0x8e: {  	v0 =	vld [tilespmem:s0+$0x20]  }
0x8f: {  	v5 =	vld [tilespmem:s0+$0x0]  }
0x90: {  	v6 =	vld [tilespmem:s0+$0x70]  }
0x91: {  	v4 =	vld [tilespmem:s0+$0x60]  }
0x92: {  	v1 =	vld [tilespmem:s0+$0x50]  }
0x93: {  	v2 =	vld [tilespmem:s0+$0x40];
	v7 =	vmul.f32 $8.000000000e+00, v0  }
0x94: {  	v3 =	vld [tilespmem:s0+$0x30];
	v5 =	vmul.f32 $8.000000000e+00, v5  }
0x95: {  	s1 =	simm.s32 $0x0;
	s6 =	simm.s32 $0x12C80;
	v0 =	vld [tilespmem:s0+$0x10];
	v6 =	vmul.f32 $8.000000000e+00, v6;
	[tilespmem:s0+$0x20] =	vst v7  }
.LBB2_22:
0x96: {  	v7 =	vld [tilespmem:s6+$0x20];
	s1 =	sadd.s32 $0x2, s1;
	[tilespmem:s0+$0x0] =	vst v5;
	v4 =	vmul.f32 $8.000000000e+00, v4  }
0x97: {  	v5 =	vld [tilespmem:s6+$0x0];
	p0 =	slt.u32 s1, $0x18E;
	v1 =	vmul.f32 $8.000000000e+00, v1;
	[tilespmem:s0+$0x70] =	vst v6  }
0x98: {  	v6 =	vld [tilespmem:s6+$0x70];
	v2 =	vmul.f32 $8.000000000e+00, v2;
	[tilespmem:s0+$0x60] =	vst v4  }
.Ltmp10:
0x99: {  	v4 =	vld [tilespmem:s6+$0x60];
	v3 =	vmul.f32 $8.000000000e+00, v3;
	[tilespmem:s0+$0x50] =	vst v1;
	(pc) =	sbr.rel @p0 .LBB2_22-.Ltmp10, $4  }
0x9a: {  	v1 =	vld [tilespmem:s6+$0x50];
	v0 =	vmul.f32 $8.000000000e+00, v0;
	[tilespmem:s0+$0x40] =	vst v2  }
0x9b: {  	v7 =	vmul.f32 $8.000000000e+00, v7;
	v2 =	vld [tilespmem:s6+$0x40];
	[tilespmem:s0+$0x30] =	vst v3  }
0x9c: {  	v5 =	vmul.f32 $8.000000000e+00, v5;
	v3 =	vld [tilespmem:s6+$0x30];
	[tilespmem:s0+$0x10] =	vst v0;
	s0 =	smov.u32 s6  }
0x9d: {  	s6 =	sadd.s32 $0x80, s6;
	v0 =	vld [tilespmem:s0+$0x10];
	[tilespmem:s0+$0x20] =	vst v7;
	v6 =	vmul.f32 $8.000000000e+00, v6  }
0x9e: {  	[tilespmem:s0+$0x0] =	vst v5;
	v4 =	vmul.f32 $8.000000000e+00, v4  }
0x9f: {  	v1 =	vmul.f32 $8.000000000e+00, v1;
	[tilespmem:s0+$0x70] =	vst v6  }
0xa0: {  	v2 =	vmul.f32 $8.000000000e+00, v2;
	[tilespmem:s0+$0x60] =	vst v4  }
0xa1: {  	v3 =	vmul.f32 $8.000000000e+00, v3;
	[tilespmem:s0+$0x50] =	vst v1  }
0xa2: {  	v0 =	vmul.f32 $8.000000000e+00, v0;
	[tilespmem:s0+$0x40] =	vst v2  }
0xa3: {  	[tilespmem:s0+$0x30] =	vst v3  }
0xa4: {  	s31 =	simm.s32 $0x12C00;
	s1 =	smov.u32 s8;
	[tilespmem:s0+$0x10] =	vst v0;
	s0 =	simm.s32 $0x800  }
0xa5: {  	[hbm4b:s8+s2] =	stream.linear.scatter [tilespmem:s31], [sflag:$0x7], $0x200, $0x38;
	[tilespmem:$0x1F400] =	vst v63  }
.LBB2_24:
0xa6: {  	p0 =	sne.s32 s0, $0x18800  }
.Ltmp11:
0xa7: {  	_ = 	snop;
	(pc) =	sbr.rel @p0 .LBB2_24-.Ltmp11, $4  }
0xa8: {  	_ = 	snop  }
0xa9: {  	s4 =	sshra.s32 s0, $0x2;
	s0 =	sadd.s32 $0x800, s0  }
0xaa: {  	s1 =	sadd.s32 $0x20000, s1;
	s4 =	sadd.s32 $0x12C00, s4  }
0xab: {  	[hbm4b:s1+s2] =	stream.linear.scatter [tilespmem:s4], [sflag:$0x7], $0x200, $0x38;
	[tilespmem:$0x1F400] =	vst v63  }
0xac: {  	_ =	swait.ge [sflag:s28], $0x6400  }
0xad: {  	s0 =	simm.s32 $0x800;
	[sflag:s28] =	ssyncset.done $0x0  }
0xae: {  	s1 =	simm.s32 $0x12C00;
	s4 =	simm.s32 $0x30;
	[sflag:s28] =	ssyncadd.s32 $0xFFFF9C00  }
.LBB2_26:
0xaf: {  	[tilespmem:s1], [sflag:$0x3] =	stream.indirect.gather [hbm4b:s3+s21], $0x40, s4, s21, $0xb8;
	[tilespmem:$0x1F400] =	vst v63  }
0xb0: {  	s1 =	smov.u32 s0;
	p0 =	sne.s32 s0, $0x18800  }
.Ltmp12:
0xb1: {  	s0 =	sadd.s32 $0x800, s0;
	(pc) =	sbr.rel @p0 .LBB2_26-.Ltmp12, $3  }
0xb2: {  	_ =	sdelay $0x1  }
0xb3: {  	s4 =	sshra.s32 s1, $0x2  }
0xb4: {  	s1 =	sadd.s32 $0x12C00, s4;
	s4 =	sadd.s32 $0x30, s4  }
0xb5: {  	[tilespmem:s1], [sflag:$0x3] =	stream.indirect.gather [hbm4b:s3+s21], $0x40, s4, s21, $0xb8;
	[tilespmem:$0x1F400] =	vst v63  }
0xb6: {  	_ =	swait.ge [sflag:s29], $0x6400  }
0xb7: {  	[sflag:s29] =	ssyncset.done $0x0  }
0xb8: {  	s0 =	simm.s32 $0x19000;
	[sflag:s29] =	ssyncadd.s32 $0xFFFF9C00  }
0xb9: {  	v0 =	vld [tilespmem:s0+$0x20]  }
0xba: {  	v5 =	vld [tilespmem:s0+$0x0]  }
0xbb: {  	v6 =	vld [tilespmem:s0+$0x70]  }
0xbc: {  	v4 =	vld [tilespmem:s0+$0x60]  }
0xbd: {  	v1 =	vld [tilespmem:s0+$0x50]  }
0xbe: {  	v2 =	vld [tilespmem:s0+$0x40];
	v7 =	vmul.f32 $8.000000000e+00, v0  }
0xbf: {  	v3 =	vld [tilespmem:s0+$0x30];
	v5 =	vmul.f32 $8.000000000e+00, v5  }
0xc0: {  	s1 =	simm.s32 $0x0;
	s6 =	simm.s32 $0x19080;
	v0 =	vld [tilespmem:s0+$0x10];
	v6 =	vmul.f32 $8.000000000e+00, v6;
	[tilespmem:s0+$0x20] =	vst v7  }
.LBB2_28:
0xc1: {  	v7 =	vld [tilespmem:s6+$0x20];
	s1 =	sadd.s32 $0x2, s1;
	[tilespmem:s0+$0x0] =	vst v5;
	v4 =	vmul.f32 $8.000000000e+00, v4  }
0xc2: {  	v5 =	vld [tilespmem:s6+$0x0];
	p0 =	slt.u32 s1, $0x18E;
	v1 =	vmul.f32 $8.000000000e+00, v1;
	[tilespmem:s0+$0x70] =	vst v6  }
0xc3: {  	v6 =	vld [tilespmem:s6+$0x70];
	v2 =	vmul.f32 $8.000000000e+00, v2;
	[tilespmem:s0+$0x60] =	vst v4  }
.Ltmp13:
0xc4: {  	v4 =	vld [tilespmem:s6+$0x60];
	v3 =	vmul.f32 $8.000000000e+00, v3;
	[tilespmem:s0+$0x50] =	vst v1;
	(pc) =	sbr.rel @p0 .LBB2_28-.Ltmp13, $4  }
0xc5: {  	v1 =	vld [tilespmem:s6+$0x50];
	v0 =	vmul.f32 $8.000000000e+00, v0;
	[tilespmem:s0+$0x40] =	vst v2  }
0xc6: {  	v7 =	vmul.f32 $8.000000000e+00, v7;
	v2 =	vld [tilespmem:s6+$0x40];
	[tilespmem:s0+$0x30] =	vst v3  }
0xc7: {  	v5 =	vmul.f32 $8.000000000e+00, v5;
	v3 =	vld [tilespmem:s6+$0x30];
	[tilespmem:s0+$0x10] =	vst v0;
	s0 =	smov.u32 s6  }
0xc8: {  	s6 =	sadd.s32 $0x80, s6;
	v0 =	vld [tilespmem:s0+$0x10];
	[tilespmem:s0+$0x20] =	vst v7;
	v6 =	vmul.f32 $8.000000000e+00, v6  }
0xc9: {  	[tilespmem:s0+$0x0] =	vst v5;
	v4 =	vmul.f32 $8.000000000e+00, v4  }
0xca: {  	v1 =	vmul.f32 $8.000000000e+00, v1;
	[tilespmem:s0+$0x70] =	vst v6  }
0xcb: {  	v2 =	vmul.f32 $8.000000000e+00, v2;
	[tilespmem:s0+$0x60] =	vst v4  }
0xcc: {  	v3 =	vmul.f32 $8.000000000e+00, v3;
	[tilespmem:s0+$0x50] =	vst v1  }
0xcd: {  	v0 =	vmul.f32 $8.000000000e+00, v0;
	[tilespmem:s0+$0x40] =	vst v2  }
0xce: {  	[tilespmem:s0+$0x30] =	vst v3  }
0xcf: {  	s1 =	simm.s32 $0x0;
	[tilespmem:s0+$0x10] =	vst v0;
	s0 =	rddreg [dreg:$0x5]  }
.LBB2_30:
0xd0: {  	p0 =	sne.s32 s1, $0x18800  }
.Ltmp14:
0xd1: {  	_ = 	snop;
	(pc) =	sbr.rel @p0 .LBB2_30-.Ltmp14, $4  }
0xd2: {  	s4 =	sshra.s32 s1, $0x2  }
0xd3: {  	s4 =	sadd.s32 $0x19000, s4  }
0xd4: {  	[hbm4b:s0+s2] =	stream.linear.scatter [tilespmem:s4], [sflag:$0x8], $0x200, $0x38;
	[tilespmem:$0x1F400] =	vst v63  }
0xd5: {  	s1 =	sadd.s32 $0x800, s1;
	s0 =	sadd.s32 $0x20000, s0  }
0xd6: {  	s13 =	rddreg [dreg:$0x9]  }
0xd7: {  	s31 =	simm.s32 $0x1;
	s12 =	rddreg [dreg:$0x8]  }
0xd8: {  	s0 =	simm.s32 $0x38;
	s1 =	simm.s32 $0x40;
	s11 =	rddreg [dreg:$0x7]  }
0xd9: {  	s18 =	simm.s32 $0x48;
	s19 =	simm.s32 $0x50;
	s10 =	rddreg [dreg:$0x6]  }
.LBB2_32:
0xda: {  	_ =	swait.ge [sflag:s21], $0x6400  }
0xdb: {  	s4 =	simm.s32 $0x800;
	[sflag:s21] =	ssyncset.done $0x0  }
0xdc: {  	s6 =	simm.s32 $0x19000;
	s9 =	sadd.s32 $0x0, s0;
	[sflag:s21] =	ssyncadd.s32 $0xFFFF9C00  }
.LBB2_33:
0xdd: {  	[tilespmem:s6], [sflag:$0x4] =	stream.indirect.gather [hbm4b:s3+s21], $0x40, s9, s21, $0xb8;
	[tilespmem:$0x1F400] =	vst v63  }
0xde: {  	s6 =	smov.u32 s4;
	p0 =	sne.s32 s4, $0x18800  }
.Ltmp15:
0xdf: {  	s4 =	sadd.s32 $0x800, s4;
	(pc) =	sbr.rel @p0 .LBB2_33-.Ltmp15, $3  }
0xe0: {  	_ =	sdelay $0x1  }
0xe1: {  	s9 =	sshra.s32 s6, $0x2  }
0xe2: {  	s6 =	sadd.s32 $0x19000, s9;
	s9 =	sadd.s32 s9, s0  }
0xe3: {  	[tilespmem:s6], [sflag:$0x4] =	stream.indirect.gather [hbm4b:s3+s21], $0x40, s9, s21, $0xb8;
	[tilespmem:$0x1F400] =	vst v63  }
0xe4: {  	_ =	swait.ge [sflag:s22], $0x6400  }
0xe5: {  	[sflag:s22] =	ssyncset.done $0x0  }
0xe6: {  	s9 =	simm.s32 $0x6440;
	[sflag:s22] =	ssyncadd.s32 $0xFFFF9C00  }
0xe7: {  	v1 =	vld [tilespmem:s9+$0xFFFFFFC0];
	_ =	sdelay $0x1  }
0xe8: {  	v4 =	vld [tilespmem:s9+$0xFFFFFFD0]  }
0xe9: {  	v6 =	vld [tilespmem:s9+$0xFFFFFFE0]  }
0xea: {  	v2 =	vld [tilespmem:s9+$0x0]  }
0xeb: {  	v0 =	vld [tilespmem:s9+$0x10];
	v5 =	vmul.f32 $8.000000000e+00, v1  }
0xec: {  	v3 =	vld [tilespmem:s9+$0x20]  }
0xed: {  	v1 =	vld [tilespmem:s9+$0x30];
	[tilespmem:s9+$0xFFFFFFC0] =	vst v5;
	v5 =	vmul.f32 $8.000000000e+00, v4  }
0xee: {  	s6 =	simm.s32 $0x0;
	s4 =	simm.s32 $0x64C0;
	v6 =	vmul.f32 $8.000000000e+00, v6;
	v4 =	vld [tilespmem:s9+$0xFFFFFFF0]  }
.LBB2_35:
0xef: {  	v7 =	vld [tilespmem:s4+$0xFFFFFFC0];
	[tilespmem:s9+$0xFFFFFFD0] =	vst v5;
	v2 =	vmul.f32 $8.000000000e+00, v2  }
0xf0: {  	s6 =	sadd.s32 $0x2, s6;
	v5 =	vld [tilespmem:s4+$0xFFFFFFD0];
	[tilespmem:s9+$0xFFFFFFE0] =	vst v6;
	v0 =	vmul.f32 $8.000000000e+00, v0  }
0xf1: {  	p0 =	slt.u32 s6, $0x18E;
	v6 =	vld [tilespmem:s4+$0xFFFFFFE0];
	[tilespmem:s9+$0x0] =	vst v2;
	v3 =	vmul.f32 $8.000000000e+00, v3  }
.Ltmp16:
0xf2: {  	v2 =	vld [tilespmem:s4+$0x0];
	[tilespmem:s9+$0x10] =	vst v0;
	v1 =	vmul.f32 $8.000000000e+00, v1;
	(pc) =	sbr.rel @p0 .LBB2_35-.Ltmp16, $4  }
0xf3: {  	v0 =	vld [tilespmem:s4+$0x10];
	v4 =	vmul.f32 $8.000000000e+00, v4;
	[tilespmem:s9+$0x20] =	vst v3  }
0xf4: {  	v7 =	vmul.f32 $8.000000000e+00, v7;
	v3 =	vld [tilespmem:s4+$0x20];
	[tilespmem:s9+$0x30] =	vst v1  }
0xf5: {  	v5 =	vmul.f32 $8.000000000e+00, v5;
	v1 =	vld [tilespmem:s4+$0x30];
	[tilespmem:s9+$0xFFFFFFF0] =	vst v4;
	s9 =	smov.u32 s4  }
0xf6: {  	s4 =	sadd.s32 $0x80, s4;
	[tilespmem:s9+$0xFFFFFFC0] =	vst v7;
	v6 =	vmul.f32 $8.000000000e+00, v6;
	v4 =	vld [tilespmem:s9+$0xFFFFFFF0]  }
0xf7: {  	[tilespmem:s9+$0xFFFFFFD0] =	vst v5;
	v2 =	vmul.f32 $8.000000000e+00, v2  }
0xf8: {  	[tilespmem:s9+$0xFFFFFFE0] =	vst v6;
	v0 =	vmul.f32 $8.000000000e+00, v0  }
0xf9: {  	[tilespmem:s9+$0x0] =	vst v2;
	v61 =	vmul.f32 $8.000000000e+00, v3  }
0xfa: {  	[tilespmem:s9+$0x10] =	vst v0;
	v62 =	vmul.f32 $8.000000000e+00, v1  }
0xfb: {  	v63 =	vmul.f32 $8.000000000e+00, v4;
	[tilespmem:s9+$0x20] =	vst v61  }
0xfc: {  	[tilespmem:s9+$0x30] =	vst v62  }
0xfd: {  	s4 =	simm.s32 $0x6400;
	[tilespmem:s9+$0xFFFFFFF0] =	vst v63  }
0xfe: {  	[hbm4b:s10+s2] =	stream.linear.scatter [tilespmem:s4], [sflag:$0x5], $0x200, $0x38;
	[tilespmem:$0x1F400] =	vst v63  }
0xff: {  	s6 =	smov.u32 s10;
	s4 =	simm.s32 $0x800  }
.LBB2_37:
0x100: {  	p0 =	sne.s32 s4, $0x18800  }
.Ltmp17:
0x101: {  	_ = 	snop;
	(pc) =	sbr.rel @p0 .LBB2_37-.Ltmp17, $4  }
0x102: {  	_ = 	snop  }
0x103: {  	s9 =	sshra.s32 s4, $0x2;
	s4 =	sadd.s32 $0x800, s4  }
0x104: {  	s6 =	sadd.s32 $0x20000, s6;
	s9 =	sadd.s32 $0x6400, s9  }
0x105: {  	[hbm4b:s6+s2] =	stream.linear.scatter [tilespmem:s9], [sflag:$0x5], $0x200, $0x38;
	[tilespmem:$0x1F400] =	vst v63  }
0x106: {  	_ =	swait.ge [sflag:s23], $0x6400  }
0x107: {  	s4 =	simm.s32 $0x800;
	[sflag:s23] =	ssyncset.done $0x0  }
0x108: {  	s6 =	simm.s32 $0x6400;
	s9 =	sadd.s32 $0x0, s1;
	[sflag:s23] =	ssyncadd.s32 $0xFFFF9C00  }
.LBB2_39:
0x109: {  	[tilespmem:s6], [sflag:$0x1] =	stream.indirect.gather [hbm4b:s3+s21], $0x40, s9, s21, $0xb8;
	[tilespmem:$0x1F400] =	vst v63  }
0x10a: {  	s6 =	smov.u32 s4;
	p0 =	sne.s32 s4, $0x18800  }
.Ltmp18:
0x10b: {  	s4 =	sadd.s32 $0x800, s4;
	(pc) =	sbr.rel @p0 .LBB2_39-.Ltmp18, $3  }
0x10c: {  	_ =	sdelay $0x1  }
0x10d: {  	s9 =	sshra.s32 s6, $0x2  }
0x10e: {  	s6 =	sadd.s32 $0x6400, s9;
	s9 =	sadd.s32 s9, s1  }
0x10f: {  	[tilespmem:s6], [sflag:$0x1] =	stream.indirect.gather [hbm4b:s3+s21], $0x40, s9, s21, $0xb8;
	[tilespmem:$0x1F400] =	vst v63  }
0x110: {  	_ =	swait.ge [sflag:s24], $0x6400  }
0x111: {  	[sflag:s24] =	ssyncset.done $0x0  }
0x112: {  	s9 =	simm.s32 $0xC800;
	[sflag:s24] =	ssyncadd.s32 $0xFFFF9C00  }
0x113: {  	v0 =	vld [tilespmem:s9+$0x20]  }
0x114: {  	v5 =	vld [tilespmem:s9+$0x0]  }
0x115: {  	v6 =	vld [tilespmem:s9+$0x70]  }
0x116: {  	v4 =	vld [tilespmem:s9+$0x60]  }
0x117: {  	v1 =	vld [tilespmem:s9+$0x50]  }
0x118: {  	v2 =	vld [tilespmem:s9+$0x40];
	v7 =	vmul.f32 $8.000000000e+00, v0  }
0x119: {  	v3 =	vld [tilespmem:s9+$0x30];
	v5 =	vmul.f32 $8.000000000e+00, v5  }
0x11a: {  	s6 =	simm.s32 $0x0;
	s4 =	simm.s32 $0xC880;
	v0 =	vld [tilespmem:s9+$0x10];
	v6 =	vmul.f32 $8.000000000e+00, v6;
	[tilespmem:s9+$0x20] =	vst v7  }
.LBB2_41:
0x11b: {  	v7 =	vld [tilespmem:s4+$0x20];
	s6 =	sadd.s32 $0x2, s6;
	[tilespmem:s9+$0x0] =	vst v5;
	v4 =	vmul.f32 $8.000000000e+00, v4  }
0x11c: {  	v5 =	vld [tilespmem:s4+$0x0];
	p0 =	slt.u32 s6, $0x18E;
	v1 =	vmul.f32 $8.000000000e+00, v1;
	[tilespmem:s9+$0x70] =	vst v6  }
0x11d: {  	v6 =	vld [tilespmem:s4+$0x70];
	v2 =	vmul.f32 $8.000000000e+00, v2;
	[tilespmem:s9+$0x60] =	vst v4  }
.Ltmp19:
0x11e: {  	v4 =	vld [tilespmem:s4+$0x60];
	v3 =	vmul.f32 $8.000000000e+00, v3;
	[tilespmem:s9+$0x50] =	vst v1;
	(pc) =	sbr.rel @p0 .LBB2_41-.Ltmp19, $4  }
0x11f: {  	v1 =	vld [tilespmem:s4+$0x50];
	v0 =	vmul.f32 $8.000000000e+00, v0;
	[tilespmem:s9+$0x40] =	vst v2  }
0x120: {  	v7 =	vmul.f32 $8.000000000e+00, v7;
	v2 =	vld [tilespmem:s4+$0x40];
	[tilespmem:s9+$0x30] =	vst v3  }
0x121: {  	v5 =	vmul.f32 $8.000000000e+00, v5;
	v3 =	vld [tilespmem:s4+$0x30];
	[tilespmem:s9+$0x10] =	vst v0;
	s9 =	smov.u32 s4  }
0x122: {  	s4 =	sadd.s32 $0x80, s4;
	v0 =	vld [tilespmem:s9+$0x10];
	[tilespmem:s9+$0x20] =	vst v7;
	v6 =	vmul.f32 $8.000000000e+00, v6  }
0x123: {  	[tilespmem:s9+$0x0] =	vst v5;
	v4 =	vmul.f32 $8.000000000e+00, v4  }
0x124: {  	v1 =	vmul.f32 $8.000000000e+00, v1;
	[tilespmem:s9+$0x70] =	vst v6  }
0x125: {  	v2 =	vmul.f32 $8.000000000e+00, v2;
	[tilespmem:s9+$0x60] =	vst v4  }
0x126: {  	v3 =	vmul.f32 $8.000000000e+00, v3;
	[tilespmem:s9+$0x50] =	vst v1  }
0x127: {  	v0 =	vmul.f32 $8.000000000e+00, v0;
	[tilespmem:s9+$0x40] =	vst v2  }
0x128: {  	[tilespmem:s9+$0x30] =	vst v3  }
0x129: {  	s4 =	simm.s32 $0xC800;
	[tilespmem:s9+$0x10] =	vst v0  }
0x12a: {  	[hbm4b:s11+s2] =	stream.linear.scatter [tilespmem:s4], [sflag:$0x6], $0x200, $0x38;
	[tilespmem:$0x1F400] =	vst v63  }
0x12b: {  	s6 =	smov.u32 s11;
	s4 =	simm.s32 $0x800  }
.LBB2_43:
0x12c: {  	p0 =	sne.s32 s4, $0x18800  }
.Ltmp20:
0x12d: {  	_ = 	snop;
	(pc) =	sbr.rel @p0 .LBB2_43-.Ltmp20, $4  }
0x12e: {  	_ = 	snop  }
0x12f: {  	s9 =	sshra.s32 s4, $0x2;
	s4 =	sadd.s32 $0x800, s4  }
0x130: {  	s6 =	sadd.s32 $0x20000, s6;
	s9 =	sadd.s32 $0xC800, s9  }
0x131: {  	[hbm4b:s6+s2] =	stream.linear.scatter [tilespmem:s9], [sflag:$0x6], $0x200, $0x38;
	[tilespmem:$0x1F400] =	vst v63  }
0x132: {  	_ =	swait.ge [sflag:s25], $0x6400  }
0x133: {  	s4 =	simm.s32 $0x800;
	[sflag:s25] =	ssyncset.done $0x0  }
0x134: {  	s6 =	simm.s32 $0xC800;
	s9 =	sadd.s32 $0x0, s18;
	[sflag:s25] =	ssyncadd.s32 $0xFFFF9C00  }
.LBB2_45:
0x135: {  	[tilespmem:s6], [sflag:$0x2] =	stream.indirect.gather [hbm4b:s3+s21], $0x40, s9, s21, $0xb8;
	[tilespmem:$0x1F400] =	vst v63  }
0x136: {  	s6 =	smov.u32 s4;
	p0 =	sne.s32 s4, $0x18800  }
.Ltmp21:
0x137: {  	s4 =	sadd.s32 $0x800, s4;
	(pc) =	sbr.rel @p0 .LBB2_45-.Ltmp21, $3  }
0x138: {  	_ =	sdelay $0x1  }
0x139: {  	s9 =	sshra.s32 s6, $0x2  }
0x13a: {  	s6 =	sadd.s32 $0xC800, s9;
	s9 =	sadd.s32 s9, s18  }
0x13b: {  	[tilespmem:s6], [sflag:$0x2] =	stream.indirect.gather [hbm4b:s3+s21], $0x40, s9, s21, $0xb8;
	[tilespmem:$0x1F400] =	vst v63  }
0x13c: {  	_ =	swait.ge [sflag:s26], $0x6400  }
0x13d: {  	[sflag:s26] =	ssyncset.done $0x0  }
0x13e: {  	s9 =	simm.s32 $0x12C00;
	[sflag:s26] =	ssyncadd.s32 $0xFFFF9C00  }
0x13f: {  	v0 =	vld [tilespmem:s9+$0x20]  }
0x140: {  	v5 =	vld [tilespmem:s9+$0x0]  }
0x141: {  	v6 =	vld [tilespmem:s9+$0x70]  }
0x142: {  	v4 =	vld [tilespmem:s9+$0x60]  }
0x143: {  	v1 =	vld [tilespmem:s9+$0x50]  }
0x144: {  	v2 =	vld [tilespmem:s9+$0x40];
	v7 =	vmul.f32 $8.000000000e+00, v0  }
0x145: {  	v3 =	vld [tilespmem:s9+$0x30];
	v5 =	vmul.f32 $8.000000000e+00, v5  }
0x146: {  	s6 =	simm.s32 $0x0;
	s4 =	simm.s32 $0x12C80;
	v0 =	vld [tilespmem:s9+$0x10];
	v6 =	vmul.f32 $8.000000000e+00, v6;
	[tilespmem:s9+$0x20] =	vst v7  }
.LBB2_47:
0x147: {  	v7 =	vld [tilespmem:s4+$0x20];
	s6 =	sadd.s32 $0x2, s6;
	[tilespmem:s9+$0x0] =	vst v5;
	v4 =	vmul.f32 $8.000000000e+00, v4  }
0x148: {  	v5 =	vld [tilespmem:s4+$0x0];
	p0 =	slt.u32 s6, $0x18E;
	v1 =	vmul.f32 $8.000000000e+00, v1;
	[tilespmem:s9+$0x70] =	vst v6  }
0x149: {  	v6 =	vld [tilespmem:s4+$0x70];
	v2 =	vmul.f32 $8.000000000e+00, v2;
	[tilespmem:s9+$0x60] =	vst v4  }
.Ltmp22:
0x14a: {  	v4 =	vld [tilespmem:s4+$0x60];
	v3 =	vmul.f32 $8.000000000e+00, v3;
	[tilespmem:s9+$0x50] =	vst v1;
	(pc) =	sbr.rel @p0 .LBB2_47-.Ltmp22, $4  }
0x14b: {  	v1 =	vld [tilespmem:s4+$0x50];
	v0 =	vmul.f32 $8.000000000e+00, v0;
	[tilespmem:s9+$0x40] =	vst v2  }
0x14c: {  	v7 =	vmul.f32 $8.000000000e+00, v7;
	v2 =	vld [tilespmem:s4+$0x40];
	[tilespmem:s9+$0x30] =	vst v3  }
0x14d: {  	v5 =	vmul.f32 $8.000000000e+00, v5;
	v3 =	vld [tilespmem:s4+$0x30];
	[tilespmem:s9+$0x10] =	vst v0;
	s9 =	smov.u32 s4  }
0x14e: {  	s4 =	sadd.s32 $0x80, s4;
	v0 =	vld [tilespmem:s9+$0x10];
	[tilespmem:s9+$0x20] =	vst v7;
	v6 =	vmul.f32 $8.000000000e+00, v6  }
0x14f: {  	[tilespmem:s9+$0x0] =	vst v5;
	v4 =	vmul.f32 $8.000000000e+00, v4  }
0x150: {  	v1 =	vmul.f32 $8.000000000e+00, v1;
	[tilespmem:s9+$0x70] =	vst v6  }
0x151: {  	v2 =	vmul.f32 $8.000000000e+00, v2;
	[tilespmem:s9+$0x60] =	vst v4  }
0x152: {  	v3 =	vmul.f32 $8.000000000e+00, v3;
	[tilespmem:s9+$0x50] =	vst v1  }
0x153: {  	v0 =	vmul.f32 $8.000000000e+00, v0;
	[tilespmem:s9+$0x40] =	vst v2  }
0x154: {  	[tilespmem:s9+$0x30] =	vst v3  }
0x155: {  	s4 =	simm.s32 $0x12C00;
	[tilespmem:s9+$0x10] =	vst v0  }
0x156: {  	[hbm4b:s12+s2] =	stream.linear.scatter [tilespmem:s4], [sflag:$0x7], $0x200, $0x38;
	[tilespmem:$0x1F400] =	vst v63  }
0x157: {  	s6 =	smov.u32 s12;
	s4 =	simm.s32 $0x800  }
.LBB2_49:
0x158: {  	p0 =	sne.s32 s4, $0x18800  }
.Ltmp23:
0x159: {  	_ = 	snop;
	(pc) =	sbr.rel @p0 .LBB2_49-.Ltmp23, $4  }
0x15a: {  	_ = 	snop  }
0x15b: {  	s9 =	sshra.s32 s4, $0x2;
	s4 =	sadd.s32 $0x800, s4  }
0x15c: {  	s6 =	sadd.s32 $0x20000, s6;
	s9 =	sadd.s32 $0x12C00, s9  }
0x15d: {  	[hbm4b:s6+s2] =	stream.linear.scatter [tilespmem:s9], [sflag:$0x7], $0x200, $0x38;
	[tilespmem:$0x1F400] =	vst v63  }
0x15e: {  	_ =	swait.ge [sflag:s28], $0x6400  }
0x15f: {  	s4 =	simm.s32 $0x800;
	[sflag:s28] =	ssyncset.done $0x0  }
0x160: {  	s6 =	simm.s32 $0x12C00;
	s9 =	sadd.s32 $0x0, s19;
	[sflag:s28] =	ssyncadd.s32 $0xFFFF9C00  }
.LBB2_51:
0x161: {  	[tilespmem:s6], [sflag:$0x3] =	stream.indirect.gather [hbm4b:s3+s21], $0x40, s9, s21, $0xb8;
	[tilespmem:$0x1F400] =	vst v63  }
0x162: {  	s6 =	smov.u32 s4;
	p0 =	sne.s32 s4, $0x18800  }
.Ltmp24:
0x163: {  	s4 =	sadd.s32 $0x800, s4;
	(pc) =	sbr.rel @p0 .LBB2_51-.Ltmp24, $3  }
0x164: {  	_ =	sdelay $0x1  }
0x165: {  	s9 =	sshra.s32 s6, $0x2  }
0x166: {  	s6 =	sadd.s32 $0x12C00, s9;
	s9 =	sadd.s32 s9, s19  }
0x167: {  	[tilespmem:s6], [sflag:$0x3] =	stream.indirect.gather [hbm4b:s3+s21], $0x40, s9, s21, $0xb8;
	[tilespmem:$0x1F400] =	vst v63  }
0x168: {  	_ =	swait.ge [sflag:s29], $0x6400  }
0x169: {  	[sflag:s29] =	ssyncset.done $0x0  }
0x16a: {  	s9 =	simm.s32 $0x19000;
	[sflag:s29] =	ssyncadd.s32 $0xFFFF9C00  }
0x16b: {  	v0 =	vld [tilespmem:s9+$0x20]  }
0x16c: {  	v5 =	vld [tilespmem:s9+$0x0]  }
0x16d: {  	v6 =	vld [tilespmem:s9+$0x70]  }
0x16e: {  	v4 =	vld [tilespmem:s9+$0x60]  }
0x16f: {  	v1 =	vld [tilespmem:s9+$0x50]  }
0x170: {  	v2 =	vld [tilespmem:s9+$0x40];
	v7 =	vmul.f32 $8.000000000e+00, v0  }
0x171: {  	v3 =	vld [tilespmem:s9+$0x30];
	v5 =	vmul.f32 $8.000000000e+00, v5  }
0x172: {  	s6 =	simm.s32 $0x0;
	s4 =	simm.s32 $0x19080;
	v0 =	vld [tilespmem:s9+$0x10];
	v6 =	vmul.f32 $8.000000000e+00, v6;
	[tilespmem:s9+$0x20] =	vst v7  }
.LBB2_53:
0x173: {  	v7 =	vld [tilespmem:s4+$0x20];
	s6 =	sadd.s32 $0x2, s6;
	[tilespmem:s9+$0x0] =	vst v5;
	v4 =	vmul.f32 $8.000000000e+00, v4  }
0x174: {  	v5 =	vld [tilespmem:s4+$0x0];
	p0 =	slt.u32 s6, $0x18E;
	v1 =	vmul.f32 $8.000000000e+00, v1;
	[tilespmem:s9+$0x70] =	vst v6  }
0x175: {  	v6 =	vld [tilespmem:s4+$0x70];
	v2 =	vmul.f32 $8.000000000e+00, v2;
	[tilespmem:s9+$0x60] =	vst v4  }
.Ltmp25:
0x176: {  	v4 =	vld [tilespmem:s4+$0x60];
	v3 =	vmul.f32 $8.000000000e+00, v3;
	[tilespmem:s9+$0x50] =	vst v1;
	(pc) =	sbr.rel @p0 .LBB2_53-.Ltmp25, $4  }
0x177: {  	v1 =	vld [tilespmem:s4+$0x50];
	v0 =	vmul.f32 $8.000000000e+00, v0;
	[tilespmem:s9+$0x40] =	vst v2  }
0x178: {  	v7 =	vmul.f32 $8.000000000e+00, v7;
	v2 =	vld [tilespmem:s4+$0x40];
	[tilespmem:s9+$0x30] =	vst v3  }
0x179: {  	v5 =	vmul.f32 $8.000000000e+00, v5;
	v3 =	vld [tilespmem:s4+$0x30];
	[tilespmem:s9+$0x10] =	vst v0;
	s9 =	smov.u32 s4  }
0x17a: {  	s4 =	sadd.s32 $0x80, s4;
	v0 =	vld [tilespmem:s9+$0x10];
	[tilespmem:s9+$0x20] =	vst v7;
	v6 =	vmul.f32 $8.000000000e+00, v6  }
0x17b: {  	[tilespmem:s9+$0x0] =	vst v5;
	v4 =	vmul.f32 $8.000000000e+00, v4  }
0x17c: {  	v1 =	vmul.f32 $8.000000000e+00, v1;
	[tilespmem:s9+$0x70] =	vst v6  }
0x17d: {  	v2 =	vmul.f32 $8.000000000e+00, v2;
	[tilespmem:s9+$0x60] =	vst v4  }
0x17e: {  	v3 =	vmul.f32 $8.000000000e+00, v3;
	[tilespmem:s9+$0x50] =	vst v1  }
0x17f: {  	v0 =	vmul.f32 $8.000000000e+00, v0;
	[tilespmem:s9+$0x40] =	vst v2  }
0x180: {  	[tilespmem:s9+$0x30] =	vst v3  }
0x181: {  	s4 =	simm.s32 $0x19000;
	[tilespmem:s9+$0x10] =	vst v0  }
0x182: {  	[hbm4b:s13+s2] =	stream.linear.scatter [tilespmem:s4], [sflag:$0x8], $0x200, $0x38;
	[tilespmem:$0x1F400] =	vst v63  }
0x183: {  	s6 =	smov.u32 s13;
	s4 =	simm.s32 $0x800  }
.LBB2_55:
0x184: {  	p0 =	sne.s32 s4, $0x18800  }
.Ltmp26:
0x185: {  	_ = 	snop;
	(pc) =	sbr.rel @p0 .LBB2_55-.Ltmp26, $4  }
0x186: {  	_ = 	snop  }
0x187: {  	s9 =	sshra.s32 s4, $0x2;
	s4 =	sadd.s32 $0x800, s4  }
0x188: {  	s6 =	sadd.s32 $0x20000, s6;
	s9 =	sadd.s32 $0x19000, s9  }
0x189: {  	[hbm4b:s6+s2] =	stream.linear.scatter [tilespmem:s9], [sflag:$0x8], $0x200, $0x38;
	[tilespmem:$0x1F400] =	vst v63  }
0x18a: {  	s31 =	sadd.s32 $0x1, s31  }
0x18b: {  	p0 =	sne.s32 s31, $0xF  }
.Ltmp27:
0x18c: {  	_ = 	snop;
	(pc) =	sbr.rel @p0 .LBB2_32-.Ltmp27, $4  }
0x18d: {  	_ = 	snop  }
0x18e: {  	s0 =	sadd.s32 $0x20, s0;
	s10 =	sadd.s32 $0x100, s10  }
0x18f: {  	s1 =	sadd.s32 $0x20, s1;
	s11 =	sadd.s32 $0x100, s11;
	s18 =	sadd.s32 $0x20, s18  }
0x190: {  	s12 =	sadd.s32 $0x100, s12;
	s19 =	sadd.s32 $0x20, s19;
	s13 =	sadd.s32 $0x100, s13  }
0x191: {  	_ =	swait.ge [sflag:s21], $0x6400  }
0x192: {  	s0 =	simm.s32 $0x800;
	[sflag:s21] =	ssyncset.done $0x0  }
0x193: {  	s1 =	simm.s32 $0x19000;
	s4 =	simm.s32 $0x1F8;
	[sflag:s21] =	ssyncadd.s32 $0xFFFF9C00  }
.LBB2_58:
0x194: {  	[tilespmem:s1], [sflag:$0x4] =	stream.indirect.gather [hbm4b:s3+s21], $0x40, s4, s21, $0xb8;
	[tilespmem:$0x1F400] =	vst v63  }
0x195: {  	s1 =	smov.u32 s0;
	p0 =	sne.s32 s0, $0x18800  }
.Ltmp28:
0x196: {  	s0 =	sadd.s32 $0x800, s0;
	(pc) =	sbr.rel @p0 .LBB2_58-.Ltmp28, $3  }
0x197: {  	_ =	sdelay $0x1  }
0x198: {  	s4 =	sshra.s32 s1, $0x2  }
0x199: {  	s1 =	sadd.s32 $0x19000, s4;
	s4 =	sadd.s32 $0x1F8, s4  }
0x19a: {  	[tilespmem:s1], [sflag:$0x4] =	stream.indirect.gather [hbm4b:s3+s21], $0x40, s4, s21, $0xb8;
	[tilespmem:$0x1F400] =	vst v63  }
0x19b: {  	_ =	swait.ge [sflag:s22], $0x6400  }
0x19c: {  	[sflag:s22] =	ssyncset.done $0x0  }
0x19d: {  	s0 =	simm.s32 $0x6440;
	[sflag:s22] =	ssyncadd.s32 $0xFFFF9C00  }
0x19e: {  	v1 =	vld [tilespmem:s0+$0xFFFFFFC0];
	_ =	sdelay $0x1  }
0x19f: {  	v4 =	vld [tilespmem:s0+$0xFFFFFFD0]  }
0x1a0: {  	v6 =	vld [tilespmem:s0+$0xFFFFFFE0]  }
0x1a1: {  	v2 =	vld [tilespmem:s0+$0x0]  }
0x1a2: {  	v0 =	vld [tilespmem:s0+$0x10];
	v5 =	vmul.f32 $8.000000000e+00, v1  }
0x1a3: {  	v3 =	vld [tilespmem:s0+$0x20]  }
0x1a4: {  	v1 =	vld [tilespmem:s0+$0x30];
	[tilespmem:s0+$0xFFFFFFC0] =	vst v5;
	v5 =	vmul.f32 $8.000000000e+00, v4  }
0x1a5: {  	s1 =	simm.s32 $0x0;
	s4 =	simm.s32 $0x64C0;
	v6 =	vmul.f32 $8.000000000e+00, v6;
	v4 =	vld [tilespmem:s0+$0xFFFFFFF0]  }
.LBB2_60:
0x1a6: {  	v7 =	vld [tilespmem:s4+$0xFFFFFFC0];
	[tilespmem:s0+$0xFFFFFFD0] =	vst v5;
	v2 =	vmul.f32 $8.000000000e+00, v2  }
0x1a7: {  	s1 =	sadd.s32 $0x2, s1;
	v5 =	vld [tilespmem:s4+$0xFFFFFFD0];
	[tilespmem:s0+$0xFFFFFFE0] =	vst v6;
	v0 =	vmul.f32 $8.000000000e+00, v0  }
0x1a8: {  	p0 =	slt.u32 s1, $0x18E;
	v6 =	vld [tilespmem:s4+$0xFFFFFFE0];
	[tilespmem:s0+$0x0] =	vst v2;
	v3 =	vmul.f32 $8.000000000e+00, v3  }
.Ltmp29:
0x1a9: {  	v2 =	vld [tilespmem:s4+$0x0];
	[tilespmem:s0+$0x10] =	vst v0;
	v1 =	vmul.f32 $8.000000000e+00, v1;
	(pc) =	sbr.rel @p0 .LBB2_60-.Ltmp29, $4  }
0x1aa: {  	v0 =	vld [tilespmem:s4+$0x10];
	v4 =	vmul.f32 $8.000000000e+00, v4;
	[tilespmem:s0+$0x20] =	vst v3  }
0x1ab: {  	v7 =	vmul.f32 $8.000000000e+00, v7;
	v3 =	vld [tilespmem:s4+$0x20];
	[tilespmem:s0+$0x30] =	vst v1  }
0x1ac: {  	v5 =	vmul.f32 $8.000000000e+00, v5;
	v1 =	vld [tilespmem:s4+$0x30];
	[tilespmem:s0+$0xFFFFFFF0] =	vst v4;
	s0 =	smov.u32 s4  }
0x1ad: {  	s4 =	sadd.s32 $0x80, s4;
	[tilespmem:s0+$0xFFFFFFC0] =	vst v7;
	v6 =	vmul.f32 $8.000000000e+00, v6;
	v4 =	vld [tilespmem:s0+$0xFFFFFFF0]  }
0x1ae: {  	[tilespmem:s0+$0xFFFFFFD0] =	vst v5;
	v2 =	vmul.f32 $8.000000000e+00, v2  }
0x1af: {  	[tilespmem:s0+$0xFFFFFFE0] =	vst v6;
	v0 =	vmul.f32 $8.000000000e+00, v0  }
0x1b0: {  	[tilespmem:s0+$0x0] =	vst v2;
	v61 =	vmul.f32 $8.000000000e+00, v3  }
0x1b1: {  	[tilespmem:s0+$0x10] =	vst v0;
	v62 =	vmul.f32 $8.000000000e+00, v1  }
0x1b2: {  	v63 =	vmul.f32 $8.000000000e+00, v4;
	[tilespmem:s0+$0x20] =	vst v61  }
0x1b3: {  	[tilespmem:s0+$0x30] =	vst v62  }
0x1b4: {  	s31 =	simm.s32 $0x6400;
	s1 =	smov.u32 s14;
	[tilespmem:s0+$0xFFFFFFF0] =	vst v63;
	s0 =	simm.s32 $0x800  }
0x1b5: {  	[hbm4b:s14+s2] =	stream.linear.scatter [tilespmem:s31], [sflag:$0x5], $0x200, $0x38;
	[tilespmem:$0x1F400] =	vst v63  }
.LBB2_62:
0x1b6: {  	p0 =	sne.s32 s0, $0x18800  }
.Ltmp30:
0x1b7: {  	_ = 	snop;
	(pc) =	sbr.rel @p0 .LBB2_62-.Ltmp30, $4  }
0x1b8: {  	_ = 	snop  }
0x1b9: {  	s4 =	sshra.s32 s0, $0x2;
	s0 =	sadd.s32 $0x800, s0  }
0x1ba: {  	s1 =	sadd.s32 $0x20000, s1;
	s4 =	sadd.s32 $0x6400, s4  }
0x1bb: {  	[hbm4b:s1+s2] =	stream.linear.scatter [tilespmem:s4], [sflag:$0x5], $0x200, $0x38;
	[tilespmem:$0x1F400] =	vst v63  }
0x1bc: {  	_ =	swait.ge [sflag:s24], $0x6400  }
0x1bd: {  	[sflag:s24] =	ssyncset.done $0x0  }
0x1be: {  	s0 =	simm.s32 $0xC800;
	[sflag:s24] =	ssyncadd.s32 $0xFFFF9C00  }
0x1bf: {  	v0 =	vld [tilespmem:s0+$0x20]  }
0x1c0: {  	v5 =	vld [tilespmem:s0+$0x0]  }
0x1c1: {  	v6 =	vld [tilespmem:s0+$0x70]  }
0x1c2: {  	v4 =	vld [tilespmem:s0+$0x60]  }
0x1c3: {  	v1 =	vld [tilespmem:s0+$0x50]  }
0x1c4: {  	v2 =	vld [tilespmem:s0+$0x40];
	v7 =	vmul.f32 $8.000000000e+00, v0  }
0x1c5: {  	v3 =	vld [tilespmem:s0+$0x30];
	v5 =	vmul.f32 $8.000000000e+00, v5  }
0x1c6: {  	s1 =	simm.s32 $0x0;
	s4 =	simm.s32 $0xC880;
	v0 =	vld [tilespmem:s0+$0x10];
	v6 =	vmul.f32 $8.000000000e+00, v6;
	[tilespmem:s0+$0x20] =	vst v7  }
.LBB2_64:
0x1c7: {  	v7 =	vld [tilespmem:s4+$0x20];
	s1 =	sadd.s32 $0x2, s1;
	[tilespmem:s0+$0x0] =	vst v5;
	v4 =	vmul.f32 $8.000000000e+00, v4  }
0x1c8: {  	v5 =	vld [tilespmem:s4+$0x0];
	p0 =	slt.u32 s1, $0x18E;
	v1 =	vmul.f32 $8.000000000e+00, v1;
	[tilespmem:s0+$0x70] =	vst v6  }
0x1c9: {  	v6 =	vld [tilespmem:s4+$0x70];
	v2 =	vmul.f32 $8.000000000e+00, v2;
	[tilespmem:s0+$0x60] =	vst v4  }
.Ltmp31:
0x1ca: {  	v4 =	vld [tilespmem:s4+$0x60];
	v3 =	vmul.f32 $8.000000000e+00, v3;
	[tilespmem:s0+$0x50] =	vst v1;
	(pc) =	sbr.rel @p0 .LBB2_64-.Ltmp31, $4  }
0x1cb: {  	v1 =	vld [tilespmem:s4+$0x50];
	v0 =	vmul.f32 $8.000000000e+00, v0;
	[tilespmem:s0+$0x40] =	vst v2  }
0x1cc: {  	v7 =	vmul.f32 $8.000000000e+00, v7;
	v2 =	vld [tilespmem:s4+$0x40];
	[tilespmem:s0+$0x30] =	vst v3  }
0x1cd: {  	v5 =	vmul.f32 $8.000000000e+00, v5;
	v3 =	vld [tilespmem:s4+$0x30];
	[tilespmem:s0+$0x10] =	vst v0;
	s0 =	smov.u32 s4  }
0x1ce: {  	s4 =	sadd.s32 $0x80, s4;
	v0 =	vld [tilespmem:s0+$0x10];
	[tilespmem:s0+$0x20] =	vst v7;
	v6 =	vmul.f32 $8.000000000e+00, v6  }
0x1cf: {  	[tilespmem:s0+$0x0] =	vst v5;
	v4 =	vmul.f32 $8.000000000e+00, v4  }
0x1d0: {  	v1 =	vmul.f32 $8.000000000e+00, v1;
	[tilespmem:s0+$0x70] =	vst v6  }
0x1d1: {  	v2 =	vmul.f32 $8.000000000e+00, v2;
	[tilespmem:s0+$0x60] =	vst v4  }
0x1d2: {  	v3 =	vmul.f32 $8.000000000e+00, v3;
	[tilespmem:s0+$0x50] =	vst v1  }
0x1d3: {  	v0 =	vmul.f32 $8.000000000e+00, v0;
	[tilespmem:s0+$0x40] =	vst v2  }
0x1d4: {  	[tilespmem:s0+$0x30] =	vst v3  }
0x1d5: {  	s31 =	simm.s32 $0xC800;
	s1 =	smov.u32 s15;
	[tilespmem:s0+$0x10] =	vst v0;
	s0 =	simm.s32 $0x800  }
0x1d6: {  	[hbm4b:s15+s2] =	stream.linear.scatter [tilespmem:s31], [sflag:$0x6], $0x200, $0x38;
	[tilespmem:$0x1F400] =	vst v63  }
.LBB2_66:
0x1d7: {  	p0 =	sne.s32 s0, $0x18800  }
.Ltmp32:
0x1d8: {  	_ = 	snop;
	(pc) =	sbr.rel @p0 .LBB2_66-.Ltmp32, $4  }
0x1d9: {  	_ = 	snop  }
0x1da: {  	s4 =	sshra.s32 s0, $0x2;
	s0 =	sadd.s32 $0x800, s0  }
0x1db: {  	s1 =	sadd.s32 $0x20000, s1;
	s4 =	sadd.s32 $0xC800, s4  }
0x1dc: {  	[hbm4b:s1+s2] =	stream.linear.scatter [tilespmem:s4], [sflag:$0x6], $0x200, $0x38;
	[tilespmem:$0x1F400] =	vst v63  }
0x1dd: {  	_ =	swait.ge [sflag:s26], $0x6400  }
0x1de: {  	[sflag:s26] =	ssyncset.done $0x0  }
0x1df: {  	s0 =	simm.s32 $0x12C00;
	[sflag:s26] =	ssyncadd.s32 $0xFFFF9C00  }
0x1e0: {  	v0 =	vld [tilespmem:s0+$0x20]  }
0x1e1: {  	v5 =	vld [tilespmem:s0+$0x0]  }
0x1e2: {  	v6 =	vld [tilespmem:s0+$0x70]  }
0x1e3: {  	v4 =	vld [tilespmem:s0+$0x60]  }
0x1e4: {  	v1 =	vld [tilespmem:s0+$0x50]  }
0x1e5: {  	v2 =	vld [tilespmem:s0+$0x40];
	v7 =	vmul.f32 $8.000000000e+00, v0  }
0x1e6: {  	v3 =	vld [tilespmem:s0+$0x30];
	v5 =	vmul.f32 $8.000000000e+00, v5  }
0x1e7: {  	s1 =	simm.s32 $0x0;
	s4 =	simm.s32 $0x12C80;
	v0 =	vld [tilespmem:s0+$0x10];
	v6 =	vmul.f32 $8.000000000e+00, v6;
	[tilespmem:s0+$0x20] =	vst v7  }
.LBB2_68:
0x1e8: {  	v7 =	vld [tilespmem:s4+$0x20];
	s1 =	sadd.s32 $0x2, s1;
	[tilespmem:s0+$0x0] =	vst v5;
	v4 =	vmul.f32 $8.000000000e+00, v4  }
0x1e9: {  	v5 =	vld [tilespmem:s4+$0x0];
	p0 =	slt.u32 s1, $0x18E;
	v1 =	vmul.f32 $8.000000000e+00, v1;
	[tilespmem:s0+$0x70] =	vst v6  }
0x1ea: {  	v6 =	vld [tilespmem:s4+$0x70];
	v2 =	vmul.f32 $8.000000000e+00, v2;
	[tilespmem:s0+$0x60] =	vst v4  }
.Ltmp33:
0x1eb: {  	v4 =	vld [tilespmem:s4+$0x60];
	v3 =	vmul.f32 $8.000000000e+00, v3;
	[tilespmem:s0+$0x50] =	vst v1;
	(pc) =	sbr.rel @p0 .LBB2_68-.Ltmp33, $4  }
0x1ec: {  	v1 =	vld [tilespmem:s4+$0x50];
	v0 =	vmul.f32 $8.000000000e+00, v0;
	[tilespmem:s0+$0x40] =	vst v2  }
0x1ed: {  	v7 =	vmul.f32 $8.000000000e+00, v7;
	v2 =	vld [tilespmem:s4+$0x40];
	[tilespmem:s0+$0x30] =	vst v3  }
0x1ee: {  	v5 =	vmul.f32 $8.000000000e+00, v5;
	v3 =	vld [tilespmem:s4+$0x30];
	[tilespmem:s0+$0x10] =	vst v0;
	s0 =	smov.u32 s4  }
0x1ef: {  	s4 =	sadd.s32 $0x80, s4;
	v0 =	vld [tilespmem:s0+$0x10];
	[tilespmem:s0+$0x20] =	vst v7;
	v6 =	vmul.f32 $8.000000000e+00, v6  }
0x1f0: {  	[tilespmem:s0+$0x0] =	vst v5;
	v4 =	vmul.f32 $8.000000000e+00, v4  }
0x1f1: {  	v1 =	vmul.f32 $8.000000000e+00, v1;
	[tilespmem:s0+$0x70] =	vst v6  }
0x1f2: {  	v2 =	vmul.f32 $8.000000000e+00, v2;
	[tilespmem:s0+$0x60] =	vst v4  }
0x1f3: {  	v3 =	vmul.f32 $8.000000000e+00, v3;
	[tilespmem:s0+$0x50] =	vst v1  }
0x1f4: {  	v0 =	vmul.f32 $8.000000000e+00, v0;
	[tilespmem:s0+$0x40] =	vst v2  }
0x1f5: {  	[tilespmem:s0+$0x30] =	vst v3  }
0x1f6: {  	s31 =	simm.s32 $0x12C00;
	s1 =	smov.u32 s16;
	[tilespmem:s0+$0x10] =	vst v0;
	s0 =	simm.s32 $0x800  }
0x1f7: {  	[hbm4b:s16+s2] =	stream.linear.scatter [tilespmem:s31], [sflag:$0x7], $0x200, $0x38;
	[tilespmem:$0x1F400] =	vst v63  }
.LBB2_70:
0x1f8: {  	p0 =	sne.s32 s0, $0x18800  }
.Ltmp34:
0x1f9: {  	_ = 	snop;
	(pc) =	sbr.rel @p0 .LBB2_70-.Ltmp34, $4  }
0x1fa: {  	_ = 	snop  }
0x1fb: {  	s4 =	sshra.s32 s0, $0x2;
	s0 =	sadd.s32 $0x800, s0  }
0x1fc: {  	s1 =	sadd.s32 $0x20000, s1;
	s4 =	sadd.s32 $0x12C00, s4  }
0x1fd: {  	[hbm4b:s1+s2] =	stream.linear.scatter [tilespmem:s4], [sflag:$0x7], $0x200, $0x38;
	[tilespmem:$0x1F400] =	vst v63  }
0x1fe: {  	_ =	swait.ge [sflag:s29], $0x6400  }
0x1ff: {  	[sflag:s29] =	ssyncset.done $0x0  }
0x200: {  	s0 =	simm.s32 $0x19000;
	[sflag:s29] =	ssyncadd.s32 $0xFFFF9C00  }
0x201: {  	v0 =	vld [tilespmem:s0+$0x20]  }
0x202: {  	v5 =	vld [tilespmem:s0+$0x0]  }
0x203: {  	v6 =	vld [tilespmem:s0+$0x70]  }
0x204: {  	v4 =	vld [tilespmem:s0+$0x60]  }
0x205: {  	v1 =	vld [tilespmem:s0+$0x50]  }
0x206: {  	v2 =	vld [tilespmem:s0+$0x40];
	v7 =	vmul.f32 $8.000000000e+00, v0  }
0x207: {  	v3 =	vld [tilespmem:s0+$0x30];
	v5 =	vmul.f32 $8.000000000e+00, v5  }
0x208: {  	s1 =	simm.s32 $0x0;
	s4 =	simm.s32 $0x19080;
	v0 =	vld [tilespmem:s0+$0x10];
	v6 =	vmul.f32 $8.000000000e+00, v6;
	[tilespmem:s0+$0x20] =	vst v7  }
.LBB2_72:
0x209: {  	v7 =	vld [tilespmem:s4+$0x20];
	s1 =	sadd.s32 $0x2, s1;
	[tilespmem:s0+$0x0] =	vst v5;
	v4 =	vmul.f32 $8.000000000e+00, v4  }
0x20a: {  	v5 =	vld [tilespmem:s4+$0x0];
	p0 =	slt.u32 s1, $0x18E;
	v1 =	vmul.f32 $8.000000000e+00, v1;
	[tilespmem:s0+$0x70] =	vst v6  }
0x20b: {  	v6 =	vld [tilespmem:s4+$0x70];
	v2 =	vmul.f32 $8.000000000e+00, v2;
	[tilespmem:s0+$0x60] =	vst v4  }
.Ltmp35:
0x20c: {  	v4 =	vld [tilespmem:s4+$0x60];
	v3 =	vmul.f32 $8.000000000e+00, v3;
	[tilespmem:s0+$0x50] =	vst v1;
	(pc) =	sbr.rel @p0 .LBB2_72-.Ltmp35, $4  }
0x20d: {  	v1 =	vld [tilespmem:s4+$0x50];
	v0 =	vmul.f32 $8.000000000e+00, v0;
	[tilespmem:s0+$0x40] =	vst v2  }
0x20e: {  	v7 =	vmul.f32 $8.000000000e+00, v7;
	v2 =	vld [tilespmem:s4+$0x40];
	[tilespmem:s0+$0x30] =	vst v3  }
0x20f: {  	v5 =	vmul.f32 $8.000000000e+00, v5;
	v3 =	vld [tilespmem:s4+$0x30];
	[tilespmem:s0+$0x10] =	vst v0;
	s0 =	smov.u32 s4  }
0x210: {  	s4 =	sadd.s32 $0x80, s4;
	v0 =	vld [tilespmem:s0+$0x10];
	[tilespmem:s0+$0x20] =	vst v7;
	v6 =	vmul.f32 $8.000000000e+00, v6  }
0x211: {  	[tilespmem:s0+$0x0] =	vst v5;
	v4 =	vmul.f32 $8.000000000e+00, v4  }
0x212: {  	v1 =	vmul.f32 $8.000000000e+00, v1;
	[tilespmem:s0+$0x70] =	vst v6  }
0x213: {  	v2 =	vmul.f32 $8.000000000e+00, v2;
	[tilespmem:s0+$0x60] =	vst v4  }
0x214: {  	v3 =	vmul.f32 $8.000000000e+00, v3;
	[tilespmem:s0+$0x50] =	vst v1  }
0x215: {  	v0 =	vmul.f32 $8.000000000e+00, v0;
	[tilespmem:s0+$0x40] =	vst v2  }
0x216: {  	[tilespmem:s0+$0x30] =	vst v3  }
0x217: {  	s31 =	simm.s32 $0x19000;
	s1 =	smov.u32 s17;
	[tilespmem:s0+$0x10] =	vst v0;
	s0 =	simm.s32 $0x800  }
0x218: {  	[hbm4b:s17+s2] =	stream.linear.scatter [tilespmem:s31], [sflag:$0x8], $0x200, $0x38;
	[tilespmem:$0x1F400] =	vst v63  }
.LBB2_74:
0x219: {  	p0 =	sne.s32 s0, $0x18800  }
.Ltmp36:
0x21a: {  	_ = 	snop;
	(pc) =	sbr.rel @p0 .LBB2_74-.Ltmp36, $4  }
0x21b: {  	_ = 	snop  }
0x21c: {  	s4 =	sshra.s32 s0, $0x2;
	s0 =	sadd.s32 $0x800, s0  }
0x21d: {  	s1 =	sadd.s32 $0x20000, s1;
	s4 =	sadd.s32 $0x19000, s4  }
0x21e: {  	[hbm4b:s1+s2] =	stream.linear.scatter [tilespmem:s4], [sflag:$0x8], $0x200, $0x38;
	[tilespmem:$0x1F400] =	vst v63  }
0x21f: {  	_ =	swait.ge [sflag:s23], $0x6400  }
0x220: {  	[sflag:s23] =	ssyncset.done $0x0  }
0x221: {  	[sflag:s23] =	ssyncadd.s32 $0xFFFF9C00  }
0x222: {  	_ =	swait.ge [sflag:s25], $0x6400  }
0x223: {  	[sflag:s25] =	ssyncset.done $0x0  }
0x224: {  	[sflag:s25] =	ssyncadd.s32 $0xFFFF9C00  }
0x225: {  	_ =	swait.ge [sflag:s28], $0x6400  }
0x226: {  	[sflag:s28] =	ssyncset.done $0x0  }
0x227: {  	[sflag:s28] =	ssyncadd.s32 $0xFFFF9C00  }
0x228: {  	_ =	swait.ge [sflag:s21], $0x6400  }
0x229: {  	s30 =	sadd.s32 $0x1, s30;
	s0 =	rddreg [dreg:$0x4]  }
0x22a: {  	p0 =	sne.s32 s30, s0  }
.Ltmp37:
0x22b: {  	_ = 	snop;
	(pc) =	sbr.rel @p0 .LBB2_1-.Ltmp37, $3  }
0x22c: {  	_ =	sdelay $0x1  }
0x22d: {  	[sflag:s21] =	ssyncset.done $0x0  }
0x22e: {  	[sflag:s21] =	ssyncadd.s32 $0xFFFF9C00  }
0x22f: {  	_ =	sfence.sel $0x180000  }
0x230: {  	[bflag:$0x0] =	sbarrier.arrive $0xFFFF  }
0x231: {  	_ =	strace $0x90000047  }
0x232: {  	s0 =	stileid.u32;
	[bflag:$0x2] =	sbarrier.arrive $0xFFFF  }
0x233: {  	p0 =	sne.s32 s0, $0x0;
	s0 =	rddreg [dreg:$0x2]  }
0x234: {  	s0 =	sadd.s32 @!p0 $0x100000, s0  }
0x235: {  	[sflag:s0] =	ssyncadd.tile.s32 @!p0 $0x1;
	_ =	shalt  }
.Lfunc_end2:
_tile_overlayer_lowered:
.L_overlay_start_2:
0x236: {  	(tag) =	ssettag $0x2  }
0x237: {  	s0 =	rddreg [dreg:$0x0];
	s2 =	stileid.u32  }
0x238: {  	s1 =	rddreg [dreg:$0x1];
	p0 =	sne.s32 s2, $0x0  }
0x239: {  	s3 =	rddreg [dreg:$0x2];
	[bflag:$0x3] =	sbarrier.arrive $0xFFFF;
	s2 =	simm.s32 @!p0 $0x1C09  }
0x23a: {  	[timem:s3], [sflag:s2] =	dma.local @!p0 [hbm:s0], s1  }
0x23b: {  	s0 =	simm.s32 @!p0 $0x9  }
0x23c: {  	_ =	swait.ge @!p0 [sflag:s0], s1  }
0x23d: {  	s1 =	ssub.s32 @!p0 $0x0, s1;
	[sflag:s0] =	ssyncset.done @!p0 $0x0  }
0x23e: {  	[sflag:s0] =	ssyncadd.s32 @!p0 s1  }
0x23f: {  	[bflag:$0x3] =	sbarrier.arrive $0xFFFF  }
0x240: {  	_ =	shalt  }

// kernel: sparse-core-data-format-call.cloned.1.call-start
scs
called_computation_lowered:
.L_overlay_start_0:
0x0: {  	s2 =	sld [smem:$0x3FD9]  }
0x1: {  	s3 =	sld [smem:$0x3FFE];
	_ =	sdelay $0x1  }
0x2: {  	s1 =	srdreg.scid  }
0x3: {  	s0 =	sand.u32 $0x1, s1  }
0x4: {  	s18 =	sshll.u32 s0, $0xA;
	s2 =	sadd.s32 s3, s2  }
0x5: {  	s2 =	sadd.s32 s2, s18  }
0x6: {  	[smem:$0x3FC6] =	sst s2  }
0x7: {  	_ = 	snop  }
0x8: {  	s2 =	sld [smem:$0x3FD0];
	(tm) =	ssettm $0x1  }
0x9: {  	s19 =	sld [smem:$0x3FFB];
	_ =	sdelay $0x3  }
0xa: {  	_ =	strace s19  }
0xb: {  	s3 =	sld [smem:$0x3FFC];
	_ =	sdelay $0x3  }
0xc: {  	_ =	strace s3  }
0xd: {  	s3 =	sld [smem:$0x3FFD];
	_ =	sdelay $0x3  }
0xe: {  	_ =	strace s3  }
0xf: {  	_ =	strace $0x8FFFFFFF  }
0x10: {  	s20 =	sld [smem:$0x3FDB];
	_ =	sdelay $0x1  }
0x11: {  	s4 =	simm.s32 $_scs_section_size  }
0x12: {  	s5 =	simm.s32 $_size__tile_overlayer_lowered;
	s6 =	simm.s32 $_tile_overlayer_lowered  }
0x13: {  	s23 =	simm.s32 $0x1BFF;
	s22 =	sshll.u32 s6, $0x1;
	s3 =	sadd.s32 s4, s20  }
0x14: {  	s7 =	simm.s32 $0x0;
	s21 =	sshll.u32 s5, $0x1;
	s5 =	sadd.s32 s22, s3  }
0x15: {  	[timem:s7], [sflag:s23] =	dma.local [hbm:s5], s21  }
0x16: {  	_ =	swait.ge [sflag:s23], s21  }
0x17: {  	s4 =	ssub.s32 $0x0, s21;
	[sflag:s23] =	ssyncset.done $0x0  }
0x18: {  	[sflag:s23] =	ssyncadd.s32 s4;
	_ =	sdelay $0x1  }
0x19: {  	s24 =	simm.s32 $0x1B8B  }
0x1a: {  	_ =	swait.ge [sflag:s24], $0x1  }
0x1b: {  	[sflag:s24] =	ssyncset.done $0x0  }
0x1c: {  	s26 =	simm.s32 $0x1B8E;
	s25 =	sld [smem:$0x3FFE];
	[sflag:s24] =	ssyncadd.s32 $0xFFFFFFFF  }
0x1d: {  	s27 =	simm.s32 $execute0_lowered;
	[smem:$0x3FD2] =	sst s26  }
0x1e: {  	s5 =	sshll.u32 s27, $0x1;
	_ =	strace $0x80000049;
	[dreg:$0x1] =	wrdreg $0xFFFFFFFF  }
0x1f: {  	s28 =	simm.s32 $_size_execute0_lowered;
	s3 =	sadd.s32 s3, s5;
	[dreg:$0x0] =	wrdreg $0x0  }
0x20: {  	s5 =	sshll.u32 s28, $0x1;
	[dreg:$0x2] =	wrdreg s3  }
0x21: {  	[dreg:$0x3] =	wrdreg s5  }
0x22: {  	[dreg:$0x4] =	wrdreg $0xC0  }
0x23: {  	_ =	task [dreg:s7], $0x5FFFF  }
0x24: {  	[dreg:$0x1] =	wrdreg $0xFFFFFFFF  }
0x25: {  	[dreg:$0x0] =	wrdreg $0x60  }
0x26: {  	[dreg:$0x2] =	wrdreg s25  }
0x27: {  	[dreg:$0x3] =	wrdreg s2  }
0x28: {  	[dreg:$0x4] =	wrdreg $0x9  }
0x29: {  	_ =	task.clear_ibuf [dreg:s7], $0x5FFFF;
	_ =	strace $0x90000049  }
0x2a: {  	s29 =	simm.s32 $0x9;
	_ =	strace $0x8000004B  }
0x2b: {  	_ =	swait.ge [sflag:s29], $0x1  }
0x2c: {  	[sflag:s29] =	ssyncadd.s32 $0xFFFFFFFF  }
0x2d: {  	_ =	strace $0x9000004B  }
0x2e: {  	_ =	sfence  }
0x2f: {  	s30 =	sld [smem:$0x0];
	_ =	sdelay $0x2  }
0x30: {  	s31 =	sshll.u32 s1, $0xD;
	s1 =	sshrl.u32 s1, $0x2  }
0x31: {  	s3 =	sand.u32 $0x4000, s31;
	s1 =	sadd.s32 s1, s30  }
0x32: {  	s0 =	sor.u32 s3, s0;
	s1 =	sshll.u32 s1, $0x11  }
0x33: {  	s0 =	sor.u32 s1, s0  }
0x34: {  	s0 =	sadd.s32 $0x8F2B, s0  }
0x35: {  	[sflag:s0] =	ssyncadd.remote.s32 $0x1  }
0x36: {  	_ =	sfence.sel $0xFFFF  }
0x37: {  	[dreg:$0x0] =	wrdreg $0xFFFFFFFF;
	(pc) =	sbr.abs _section_cstart, $3  }
0x38: {  	[dreg:$0x1] =	wrdreg $0xFFFFFFFF  }
0x39: {  	_ =	task.clear_ibuf [dreg:s7], $0x2FFFF;
	_ =	strace $0x9FFFFFFF  }
0x3a: {  	(tm) =	ssettm $0x7FFFFFFF  }
0x3b: {  	_ =	shalt  }
tec
execute0_lowered:
.L_overlay_start_1:
0x0: {  	(tag) =	ssettag $0x1  }
0x1: {  	s0 =	srdreg.scid  }
0x2: {  	s1 =	sshll.u32 s0, $0x4  }
0x3: {  	s0 =	stileid.u32;
	s1 =	sand.u32 $0x10, s1  }
0x4: {  	s7 =	rddreg [dreg:$0x0];
	s1 =	sor.u32 s0, s1  }
0x5: {  	s4 =	simm.s32 $0x1;
	s8 =	simm.s32 $0x2;
	s2 =	sshll.u32 s1, $0x7  }
0x6: {  	s13 =	simm.s32 $0x0;
	s9 =	simm.s32 $0x20000;
	s1 =	ssub.s32 $0x4000, s2  }
0x7: {  	s14 =	simm.s32 $0x0;
	s11 =	simm.s32 $0x0;
	s3 =	sand.u32 $0xF80, s1  }
0x8: {  	s12 =	simm.s32 $0x0;
	s5 =	sshrl.u32 s1, $0xC;
	p0 =	sne.s32 s3, $0x0  }
.Ltmp0:
0x9: {  	s1 =	rddreg [dreg:$0x2];
	s4 =	simm.s32 @!p0 $0x0;
	(pc) =	sbr.rel .LBB1_1-.Ltmp0, $4  }
0xa: {  	s6 =	sadd.s32 $0xA00, s7;
	s3 =	rddreg [dreg:$0x1];
	s5 =	sadd.s32 s4, s5  }
0xb: {  	_ =	strace $0x8000004A;
	s4 =	simm.s32 $0x1;
	s5 =	smul.u32 $0x19, s5  }
0xc: {  	s7 =	sadd.s32 $0x40A00, s7;
	s10 =	smov.u32 s2;
	[sflag:s4] =	ssyncpa.u1 $0x0  }
0xd: {  	p0 =	por $0x0, $0x0;
	[sflag:s8] =	ssyncpa.u1 $0x0;
	s8 =	sadd.s32 $0x1, s5  }
.LBB1_7:
0xe: {  	s15 =	sadd.s32 $0x1000, s10  }
0xf: {  	s13 =	sadd.s32 $0x2, s11;
	s17 =	smov.u32 s11;
	p2 =	sgt.s32 s15, $0x3FFF  }
0x10: {  	s17 =	smov.u32 @p2 s13  }
0x11: {  	s15 =	smov.u32 @p2 s2;
	p2 =	sgt.s32 s17, $0x31  }
0x12: {  	s17 =	simm.s32 @p2 $0x0;
	p2 =	sne.s32 s12, s8  }
.Ltmp1:
0x13: {  	p1 =	slt.u32 s12, $0x2;
	(pc) =	sbr.rel @!p2 .LBB1_8-.Ltmp1, $4  }
0x14: {  	s16 =	simm.s32 @!p1 $0x2  }
0x15: {  	s14 =	smov.u32 s11;
	p0 =	por !p0, !p0;
	_ =	swait.ge @!p1 [sflag:s16], $0x4000  }
0x16: {  	s13 =	smov.u32 s10;
	[sflag:s16] =	ssyncset.done @!p1 $0x0;
	s10 =	smov.u32 s15  }
0x17: {  	s12 =	sadd.s32 $0x1, s12;
	[sflag:s16] =	ssyncadd.s32 @!p1 $0xFFFFC000;
	s11 =	smov.u32 s17  }
.LBB1_1:
0x18: {  	p1 =	sge.u32 s12, s5  }
0x19: {  	s15 =	sxor.u32 @!p1 $0xFFFFFFFF, s12;
	s16 =	sshll.u32 @!p1 s11, $0x12  }
0x1a: {  	s17 =	sshll.u32 @!p1 s10, $0x4;
	s19 =	simm.s32 @!p1 $0x40;
	s20 =	simm.s32 @!p1 $0x80  }
0x1b: {  	s15 =	sshll.u32 @!p1 s15, $0xE;
	s17 =	sand.u32 @!p1 $0x3FFF0, s17;
	s18 =	sadd.s32 @!p1 s6, s16  }
0x1c: {  	s16 =	sadd.s32 @!p1 s16, s7;
	s15 =	sand.u32 @!p1 $0x4000, s15;
	s18 =	sadd.s32 @!p1 s17, s18  }
0x1d: {  	[tilespmem:s15], [sflag:$0x1] =	stream.strided.gather @!p1 [hbm4b:s18+s19], $0x2000, s20, s19, $0x38;
	[tilespmem:$0x10100] =	vst v63  }
0x1e: {  	s31 =	sadd.s32 $0xFFFFFFFF, s12;
	s16 =	sadd.s32 @!p1 s17, s16;
	s15 =	sor.u32 @!p1 $0x2000, s15  }
0x1f: {  	[tilespmem:s15], [sflag:$0x1] =	stream.strided.gather @!p1 [hbm4b:s16+s19], $0x2000, s20, s19, $0x38;
	[tilespmem:$0x10100] =	vst v63  }
0x20: {  	p1 =	sge.u32 s31, s5  }
.Ltmp2:
0x21: {  	_ = 	snop;
	(pc) =	sbr.rel @p1 .LBB1_7-.Ltmp2, $1  }
0x22: {  	_ =	sdelay $0x3  }
0x23: {  	s15 =	simm.s32 $0x1;
	s17 =	sand.u32 $0x1, s12  }
0x24: {  	_ =	swait.ge [sflag:s4], $0x4000;
	s15 =	simm.s32 @!p0 $0x0;
	s17 =	smul.u32 $0x10200, s17  }
0x25: {  	p2 =	por $0x1, $0x1;
	[sflag:s4] =	ssyncset.done $0x0;
	s16 =	smul.u32 $0x10200, s15  }
0x26: {  	s18 =	sshll.u32 s15, $0x10;
	[sflag:s4] =	ssyncadd.s32 $0xFFFFC000;
	s30 =	sshrl.u32 s17, $0x2  }
0x27: {  	s31 =	sshrl.u32 s18, $0x2;
	s18 =	simm.s32 $0x0;
	s16 =	sshrl.u32 s16, $0x2  }
0x28: {  	s15 =	sor.u32 $0x8000, s30;
	s17 =	sadd.s32 $0x20, s31;
	s16 =	sor.u32 $0x8000, s16  }
.LBB1_3:
0x29: {  	s19 =	sshll.u32 s18, $0xD  }
0x2a: {  	s19 =	sand.u32 $0x3FFFE000, s19  }
0x2b: {  	s21 =	sadd.s32 s19, s17  }
0x2c: {  	s31 =	smul.u32 $0x8100, s18;
	v3 =	vld [tilespmem:s21+$0x10]  }
0x2d: {  	v1 =	vld [tilespmem:s21+$0xFFFFFFF0]  }
0x2e: {  	s18 =	sshra.s32 s31, $0x2;
	v0 =	vld [tilespmem:s21+$0x0]  }
0x2f: {  	s18 =	sadd.s32 s18, s16;
	v2 =	vld [tilespmem:s21+$0xFFFFFFE0]  }
0x30: {  	s19 =	sadd.s32 $0x0, s18  }
0x31: {  	p1 =	por p2, p2;
	s20 =	simm.s32 $0x4;
	s21 =	sadd.s32 $0x40, s21;
	[tilespmem:s19+$0x1830 ss:$0x81] =	vst.msk $0xffff, v3  }
.LBB1_4:
0x32: {  	v3 =	vld [tilespmem:s21+$0x10];
	p2 =	sne.s32 s20, $0x1FC;
	[tilespmem:s19+$0x810 ss:$0x81] =	vst.msk $0xffff, v1;
	s22 =	smov.u32 s20;
	s20 =	sadd.s32 $0x4, s20  }
.Ltmp3:
0x33: {  	v1 =	vld [tilespmem:s21+$0xFFFFFFF0];
	[tilespmem:s19+$0x1020 ss:$0x81] =	vst.msk $0xffff, v0;
	(pc) =	sbr.rel @p2 .LBB1_4-.Ltmp3, $4  }
0x34: {  	v0 =	vld [tilespmem:s21+$0x0];
	[tilespmem:s19+$0x0 ss:$0x81] =	vst.msk $0xffff, v2  }
0x35: {  	s19 =	sshra.s32 s22, $0x2;
	v2 =	vld [tilespmem:s21+$0xFFFFFFE0]  }
0x36: {  	s19 =	sadd.s32 s19, s18  }
0x37: {  	s21 =	sadd.s32 $0x40, s21;
	[tilespmem:s19+$0x1830 ss:$0x81] =	vst.msk $0xffff, v3  }
.Ltmp4:
0x38: {  	(pc) =	sbr.rel @p1 .LBB1_3-.Ltmp4, $4  }
0x39: {  	_ = 	snop  }
0x3a: {  	[tilespmem:s19+$0x810 ss:$0x81] =	vst.msk $0xffff, v1  }
0x3b: {  	[tilespmem:s19+$0x1020 ss:$0x81] =	vst.msk $0xffff, v0  }
0x3c: {  	s18 =	simm.s32 $0x1;
	p2 =	por $0x0, $0x0;
	[tilespmem:s19+$0x0 ss:$0x81] =	vst.msk $0xffff, v2  }
0x3d: {  	s16 =	sshll.u32 s13, $0x3;
	s17 =	sand.u32 $0x78, s13;
	s14 =	sshll.u32 s14, $0x11  }
.Ltmp5:
0x3e: {  	s30 =	sand.u32 $0x1F800, s13;
	s16 =	sand.u32 $0x3C00, s16;
	(pc) =	sbr.rel .LBB1_7-.Ltmp5, $4  }
0x3f: {  	s31 =	sand.u32 $0x7, s13;
	s14 =	sadd.s32 s3, s14;
	s16 =	sor.u32 s17, s16  }
0x40: {  	s13 =	sshll.u32 s31, $0x12;
	s14 =	sadd.s32 s30, s14;
	s16 =	sshrl.u32 s16, $0x3  }
0x41: {  	s13 =	sor.u32 $0x400, s13;
	s14 =	sadd.s32 s16, s14  }
0x42: {  	[hbm4b:s14+s13] =	stream.strided.scatter [tilespmem:s15], [sflag:$0x2], $0x4000, s9, s13, $0x20;
	[tilespmem:$0x10100] =	vst v63  }
.LBB1_8:
0x43: {  	_ =	sfence.sel $0x180000  }
0x44: {  	s2 =	simm.s32 $0x1;
	[bflag:$0x0] =	sbarrier.arrive $0xFFFF  }
0x45: {  	s31 =	simm.s32 $0x2;
	[sflag:s2] =	ssyncpa.u1 $0x1  }
0x46: {  	[sflag:s31] =	ssyncpa.u1 $0x1  }
0x47: {  	p0 =	sne.s32 s0, $0x0;
	_ =	strace $0x9000004A  }
0x48: {  	s0 =	sadd.s32 @!p0 $0x100000, s1;
	[bflag:$0x2] =	sbarrier.arrive $0xFFFF  }
0x49: {  	[sflag:s0] =	ssyncadd.tile.s32 @!p0 $0x1;
	_ =	shalt  }
.Lfunc_end1:
_tile_overlayer_lowered:
.L_overlay_start_2:
0x4a: {  	(tag) =	ssettag $0x2  }
0x4b: {  	s0 =	rddreg [dreg:$0x0];
	s2 =	stileid.u32  }
0x4c: {  	s1 =	rddreg [dreg:$0x1];
	p0 =	sne.s32 s2, $0x0  }
0x4d: {  	s3 =	rddreg [dreg:$0x2];
	[bflag:$0x3] =	sbarrier.arrive $0xFFFF;
	s2 =	simm.s32 @!p0 $0x1C01  }
0x4e: {  	[timem:s3], [sflag:s2] =	dma.local @!p0 [hbm:s0], s1  }
0x4f: {  	s0 =	simm.s32 @!p0 $0x1  }
0x50: {  	_ =	swait.ge @!p0 [sflag:s0], s1  }
0x51: {  	s1 =	ssub.s32 @!p0 $0x0, s1;
	[sflag:s0] =	ssyncset.done @!p0 $0x0  }
0x52: {  	[sflag:s0] =	ssyncadd.s32 @!p0 s1  }
0x53: {  	[bflag:$0x3] =	sbarrier.arrive $0xFFFF  }
0x54: {  	_ =	shalt  }

</sc_bundles>
